<compile_context>
chip_gen: v7x
topology: tpu7x:2x2x1
jax: 0.10.2.dev20260603
libtpu: 0.0.44.dev20260713+nightly
codegen_flags: <defaults>
</compile_context>

<pallas_src>
import functools

import jax
import jax.numpy as jnp
from jax import lax
from jax.experimental import pallas as pl
from jax.experimental.pallas import tpu as pltpu
from jax.experimental.pallas import tpu_sc as plsc

N = 10000
D = 128
E = 320000
NC = 2
NS = 16
NW = NC * NS
EPT = E // NW
CH = 64
C = -(-EPT // CH)
PADE = C * CH
DP = 6
NPAD = 10008
RPT = 632
RPT_LAST = NPAD - 15 * RPT
DUMMY = N
BM = 1000

_mesh = plsc.VectorSubcoreMesh(core_axis_name="c", subcore_axis_name="s")


def _seg_sum_partials(h, ei3, zpad):

  @functools.partial(
      pl.kernel,
      out_type=jax.ShapeDtypeStruct((NC, NPAD, D), jnp.float32),
      mesh=_mesh,
      scratch_types=[
          pltpu.VMEM((DP, 2, CH), jnp.int32),
          pltpu.VMEM((DP, CH, D), jnp.float32),
          pltpu.VMEM_SHARED((NPAD, D), jnp.float32),
          pltpu.SemaphoreType.DMA((DP,)),
          pltpu.SemaphoreType.DMA((DP,)),
          pltpu.SemaphoreType.DMA((DP,)),
      ],
  )
  def k(h_hbm, ei_hbm, z_hbm, out_hbm, idxb, rows, acc, sem_i, sem_g, sem_s):
    cid = lax.axis_index("c")
    sid = lax.axis_index("s")
    wid = cid * NS + sid

    for b in range(DP):
      pltpu.async_copy(ei_hbm.at[wid, b], idxb.at[b], sem_i.at[b])
    for b in range(DP - 1):
      pltpu.make_async_copy(ei_hbm.at[wid, b], idxb.at[b], sem_i.at[b]).wait()
      pltpu.async_copy(h_hbm.at[idxb.at[b, 0]], rows.at[b], sem_g.at[b])

    @pl.when(sid < NS - 1)
    def _():
      pltpu.sync_copy(z_hbm.at[pl.ds(sid * RPT, RPT)],
                      acc.at[pl.ds(sid * RPT, RPT)])

    @pl.when(sid == NS - 1)
    def _():
      pltpu.sync_copy(z_hbm.at[pl.ds(sid * RPT, RPT_LAST)],
                      acc.at[pl.ds(sid * RPT, RPT_LAST)])

    plsc.subcore_barrier()

    @pl.loop(0, C)
    def _(j):
      s = j % DP
      sn = (j + DP - 1) % DP

      @pl.when(j + DP - 1 < C)
      def _():
        pltpu.make_async_copy(ei_hbm.at[wid, j + DP - 1], idxb.at[sn],
                              sem_i.at[sn]).wait()

        @pl.when(j >= 1)
        def _():
          pltpu.make_async_copy(rows.at[sn], acc.at[idxb.at[sn, 1]],
                                sem_s.at[sn]).wait()

        pltpu.async_copy(h_hbm.at[idxb.at[sn, 0]], rows.at[sn], sem_g.at[sn])

      pltpu.make_async_copy(h_hbm.at[idxb.at[s, 0]], rows.at[s],
                            sem_g.at[s]).wait()
      pltpu.async_copy(rows.at[s], acc.at[idxb.at[s, 1]], sem_s.at[s],
                       add=True)

      @pl.when(j + DP < C)
      def _():
        pltpu.async_copy(ei_hbm.at[wid, j + DP], idxb.at[s], sem_i.at[s])

    for b in range(DP):
      j = C - DP + b
      s = j % DP
      pltpu.make_async_copy(rows.at[s], acc.at[idxb.at[s, 1]],
                            sem_s.at[s]).wait()

    plsc.subcore_barrier()

    @pl.when(sid < NS - 1)
    def _():
      pltpu.sync_copy(acc.at[pl.ds(sid * RPT, RPT)],
                      out_hbm.at[cid, pl.ds(sid * RPT, RPT)])

    @pl.when(sid == NS - 1)
    def _():
      pltpu.sync_copy(acc.at[pl.ds(sid * RPT, RPT_LAST)],
                      out_hbm.at[cid, pl.ds(sid * RPT, RPT_LAST)])

  return k(h, ei3, zpad)


def _prep_edges(ei):
  src = ei[0].astype(jnp.int32).reshape(NW, EPT)
  dst = ei[1].astype(jnp.int32).reshape(NW, EPT)
  src = jnp.pad(src, ((0, 0), (0, PADE - EPT)))
  dst = jnp.pad(dst, ((0, 0), (0, PADE - EPT)), constant_values=DUMMY)
  return jnp.stack([src.reshape(NW, C, CH), dst.reshape(NW, C, CH)], axis=2)


def _mm_body(x_ref, w_ref, b_ref, o_ref):
  o_ref[...] = (jnp.dot(x_ref[...], w_ref[...],
                        preferred_element_type=jnp.float32) + b_ref[...])


def _mm(x, W, b):
  return pl.pallas_call(
      _mm_body,
      grid=(N // BM,),
      in_specs=[
          pl.BlockSpec((BM, D), lambda i: (i, 0)),
          pl.BlockSpec((D, D), lambda i: (0, 0)),
          pl.BlockSpec((1, D), lambda i: (0, 0)),
      ],
      out_specs=pl.BlockSpec((BM, D), lambda i: (i, 0)),
      out_shape=jax.ShapeDtypeStruct((N, D), jnp.float32),
  )(x, W, b.reshape(1, D))


def _relu_mm_body(p0_ref, p1_ref, w_ref, b_ref, o_ref):
  s = jnp.maximum(p0_ref[0] + p1_ref[0], 0.0)
  o_ref[...] = (jnp.dot(s, w_ref[...],
                        preferred_element_type=jnp.float32) + b_ref[...])


def _relu_mm(p, W, b):
  return pl.pallas_call(
      _relu_mm_body,
      grid=(N // BM,),
      in_specs=[
          pl.BlockSpec((1, BM, D), lambda i: (0, i, 0)),
          pl.BlockSpec((1, BM, D), lambda i: (1, i, 0)),
          pl.BlockSpec((D, D), lambda i: (0, 0)),
          pl.BlockSpec((1, D), lambda i: (0, 0)),
      ],
      out_specs=pl.BlockSpec((BM, D), lambda i: (i, 0)),
      out_shape=jax.ShapeDtypeStruct((N, D), jnp.float32),
  )(p, p, W, b.reshape(1, D))


def _relu_mm2_body(p0_ref, p1_ref, w_ref, b_ref, xn_ref, h_ref):
  s = jnp.maximum(p0_ref[0] + p1_ref[0], 0.0)
  xn_ref[...] = s
  h_ref[...] = (jnp.dot(s, w_ref[...],
                        preferred_element_type=jnp.float32) + b_ref[...])


def _relu_mm2(p, W, b):
  return pl.pallas_call(
      _relu_mm2_body,
      grid=(N // BM,),
      in_specs=[
          pl.BlockSpec((1, BM, D), lambda i: (0, i, 0)),
          pl.BlockSpec((1, BM, D), lambda i: (1, i, 0)),
          pl.BlockSpec((D, D), lambda i: (0, 0)),
          pl.BlockSpec((1, D), lambda i: (0, 0)),
      ],
      out_specs=[
          pl.BlockSpec((BM, D), lambda i: (i, 0)),
          pl.BlockSpec((BM, D), lambda i: (i, 0)),
      ],
      out_shape=[
          jax.ShapeDtypeStruct((N, D), jnp.float32),
          jax.ShapeDtypeStruct((N, D), jnp.float32),
      ],
  )(p, p, W, b.reshape(1, D))


def _blend_mm_body(p0_ref, p1_ref, xp_ref, w_ref, b_ref, a_ref, xn_ref, h_ref):
  a = a_ref[0]
  s = jnp.maximum(p0_ref[0] + p1_ref[0], 0.0)
  xn = a * s + (1.0 - a) * xp_ref[...]
  xn_ref[...] = xn
  h_ref[...] = (jnp.dot(xn, w_ref[...],
                        preferred_element_type=jnp.float32) + b_ref[...])


def _blend_mm(p, x_prev, W, b, alpha):
  return pl.pallas_call(
      _blend_mm_body,
      grid=(N // BM,),
      in_specs=[
          pl.BlockSpec((1, BM, D), lambda i: (0, i, 0)),
          pl.BlockSpec((1, BM, D), lambda i: (1, i, 0)),
          pl.BlockSpec((BM, D), lambda i: (i, 0)),
          pl.BlockSpec((D, D), lambda i: (0, 0)),
          pl.BlockSpec((1, D), lambda i: (0, 0)),
          pl.BlockSpec(memory_space=pltpu.SMEM),
      ],
      out_specs=[
          pl.BlockSpec((BM, D), lambda i: (i, 0)),
          pl.BlockSpec((BM, D), lambda i: (i, 0)),
      ],
      out_shape=[
          jax.ShapeDtypeStruct((N, D), jnp.float32),
          jax.ShapeDtypeStruct((N, D), jnp.float32),
      ],
  )(p, p, x_prev, W, b.reshape(1, D), alpha)


def _final_body(p0_ref, p1_ref, xp_ref, skip_ref, a_ref, o_ref):
  a = a_ref[0]
  s = jnp.maximum(p0_ref[0] + p1_ref[0], 0.0)
  o_ref[:, :D] = a * s + (1.0 - a) * xp_ref[...]
  o_ref[:, D:] = skip_ref[...]


def _final(p, x_prev, skip, alpha):
  return pl.pallas_call(
      _final_body,
      grid=(N // BM,),
      in_specs=[
          pl.BlockSpec((1, BM, D), lambda i: (0, i, 0)),
          pl.BlockSpec((1, BM, D), lambda i: (1, i, 0)),
          pl.BlockSpec((BM, D), lambda i: (i, 0)),
          pl.BlockSpec((BM, D), lambda i: (i, 0)),
          pl.BlockSpec(memory_space=pltpu.SMEM),
      ],
      out_specs=pl.BlockSpec((BM, 2 * D), lambda i: (i, 0)),
      out_shape=jax.ShapeDtypeStruct((N, 2 * D), jnp.float32),
  )(p, p, x_prev, skip, alpha)


def kernel(x, edge_index, distance_graphs_0_edge_index,
           distance_graphs_1_edge_index, W_classic, b_classic, W_dilated,
           b_dilated, alphas):
  eb = _prep_edges(edge_index)
  e0 = _prep_edges(distance_graphs_0_edge_index)
  e1 = _prep_edges(distance_graphs_1_edge_index)
  zpad = jnp.zeros((NPAD, D), jnp.float32)

  h1 = _mm(x, W_classic[0], b_classic[0])
  p1 = _seg_sum_partials(h1, eb, zpad)
  h2 = _relu_mm(p1, W_classic[1], b_classic[1])
  p2 = _seg_sum_partials(h2, eb, zpad)
  x2, h3 = _relu_mm2(p2, W_dilated[0], b_dilated[0])
  p3 = _seg_sum_partials(h3, e0, zpad)
  x3, h4 = _blend_mm(p3, x2, W_dilated[1], b_dilated[1], alphas[0:1])
  p4 = _seg_sum_partials(h4, e1, zpad)
  return _final(p4, x3, x2, alphas[1:2])

# --- scband reference (transcript-rebuilt; emitter-appended) ---
"""Pipeline reference for scband-gnndilated-stage-42142219108648 (READ-ONLY COPY).

The authoritative reference and input builder live on the scoring server;
editing this copy changes nothing except your own understanding.
"""

import jax, jax.numpy as jnp
import numpy as np

N = 10000
E = 320000
D = 128
K1 = 2  # cfg.gnn.layers_k1
K2 = 2  # cfg.gnn.layers_k2


def setup_inputs(seed: int = 0) -> dict:
    key = jax.random.key(seed)
    ks = jax.random.split(key, 12)
    x = jax.random.normal(ks[0], (N, D), dtype=jnp.float32)
    edge_index = jax.random.randint(ks[1], (2, E), 0, N, dtype=jnp.int32)
    dg0 = jax.random.randint(ks[2], (2, E), 0, N, dtype=jnp.int32)
    dg1 = jax.random.randint(ks[3], (2, E), 0, N, dtype=jnp.int32)
    scale = 1.0 / np.sqrt(D)
    W_classic = jax.random.normal(ks[4], (K1, D, D), dtype=jnp.float32) * scale
    b_classic = jnp.zeros((K1, D), dtype=jnp.float32)
    W_dilated = jax.random.normal(ks[5], (K2, D, D), dtype=jnp.float32) * scale
    b_dilated = jnp.zeros((K2, D), dtype=jnp.float32)
    alphas = jnp.full((K2,), 0.5, dtype=jnp.float32)
    return {
        "x": x,
        "edge_index": edge_index,
        "distance_graphs_0_edge_index": dg0,
        "distance_graphs_1_edge_index": dg1,
        "W_classic": W_classic,
        "b_classic": b_classic,
        "W_dilated": W_dilated,
        "b_dilated": b_dilated,
        "alphas": alphas,
    }


def gnn_layer(x, edge_index, W, b):
    # GNNLayer: linear transform, gather messages from src, scatter-add to dst, ReLU
    h = x @ W + b
    src = edge_index[0]
    dst = edge_index[1]
    msgs = jnp.take(h, src, axis=0)
    agg = jax.ops.segment_sum(msgs, dst, num_segments=x.shape[0])
    return jax.nn.relu(agg)


def reference(x, edge_index, distance_graphs_0_edge_index, distance_graphs_1_edge_index,
              W_classic, b_classic, W_dilated, b_dilated, alphas):
    # classic stage (k1 layers on base edge_index)
    for i in range(K1):
        x = gnn_layer(x, edge_index, W_classic[i], b_classic[i])
    x_skip = x
    dgs = [distance_graphs_0_edge_index, distance_graphs_1_edge_index]
    # dilated stage (k2 layers, each on its own distance graph, alpha-gated residual)
    for i in range(K2):
        new_x = gnn_layer(x, dgs[i], W_dilated[i], b_dilated[i])
        x = alphas[i] * new_x + (jnp.float32(1.0) - alphas[i]) * x
    return jnp.concatenate([x, x_skip], axis=1)

if __name__ == "__main__":
    import jax
    _d = setup_inputs()
    print(jax.jit(kernel)(*tuple(_d.values())))

</pallas_src>

<mosaic_0001>
#map = affine_map<(d0, d1) -> (0, 0)>
#map1 = affine_map<(d0, d1) -> (0, 0, 0, 0)>
#map2 = affine_map<(d0, d1) -> (0, 0, 0)>
module attributes {stable_mosaic.version = 14 : i64} {
  func.func @k(%arg0: i32, %arg1: i32, %arg2: memref<10000x128xf32, #tpu.memory_space<hbm>>, %arg3: memref<32x157x2x64xi32, #tpu.memory_space<hbm>>, %arg4: memref<10008x128xf32, #tpu.memory_space<hbm>>, %arg5: memref<2x10008x128xf32, #tpu.memory_space<hbm>>, %arg6: memref<6x2x64xi32, #tpu.memory_space<vmem>>, %arg7: memref<6x64x128xf32, #tpu.memory_space<vmem>>, %arg8: memref<10008x128xf32, #tpu.memory_space<vmem_shared>>, %arg9: memref<6x!tpu.dma_semaphore, #tpu.memory_space<semaphore_mem>>, %arg10: memref<6x!tpu.dma_semaphore, #tpu.memory_space<semaphore_mem>>, %arg11: memref<6x!tpu.dma_semaphore, #tpu.memory_space<semaphore_mem>>) attributes {dimension_semantics = [#tpu.dimension_semantics<core_parallel>, #tpu.dimension_semantics<subcore_parallel>], iteration_bounds = array<i64: 2, 16>, scalar_prefetch = 0 : i64, scratch_operands = 6 : i64, tpu.core_type = #tpu.core_type<sc_vector_subcore>, window_params = [{transform_indices = #map}, {transform_indices = #map1}, {transform_indices = #map}, {transform_indices = #map2}]} {
    %mul3A = arith.constant 16 : i32
    %mul3A_0 = arith.muli %arg0, %mul3A : i32
    %add3A = arith.addi %mul3A_0, %arg1 : i32
    %dma_start3A = arith.constant 0 : i32
    %dma_start3A_1 = arith.constant 0 : i32
    %dma_start3A_2 = arith.constant 0 : i32
    %dma_start3A_3 = arith.constant 0 : i32
    %dma_start3A_4 = arith.constant 0 : i32
    %dma_start3A_5 = tpu.memref_slice %arg6[%dma_start3A_1, %dma_start3A_3, %dma_start3A_4] : memref<6x2x64xi32, #tpu.memory_space<vmem>> -> memref<1x2x64xi32, #tpu.memory_space<vmem>>
    %dma_start3A_6 = tpu.memref_squeeze %dma_start3A_5 : memref<1x2x64xi32, #tpu.memory_space<vmem>> -> memref<2x64xi32, #tpu.memory_space<vmem>>
    %dma_start3A_7 = arith.constant 0 : i32
    %dma_start3A_8 = arith.constant 0 : i32
    %dma_start3A_9 = tpu.memref_slice %arg3[%add3A, %dma_start3A, %dma_start3A_7, %dma_start3A_8] : memref<32x157x2x64xi32, #tpu.memory_space<hbm>> -> memref<1x1x2x64xi32, #tpu.memory_space<hbm>>
    %dma_start3A_10 = tpu.memref_squeeze %dma_start3A_9 : memref<1x1x2x64xi32, #tpu.memory_space<hbm>> -> memref<2x64xi32, #tpu.memory_space<hbm>>
    %dma_start3A_11 = tpu.memref_slice %arg9[%dma_start3A_2] : memref<6x!tpu.dma_semaphore, #tpu.memory_space<semaphore_mem>> -> memref<1x!tpu.dma_semaphore, #tpu.memory_space<semaphore_mem>>
    %dma_start3A_12 = tpu.memref_squeeze %dma_start3A_11 : memref<1x!tpu.dma_semaphore, #tpu.memory_space<semaphore_mem>> -> memref<!tpu.dma_semaphore, #tpu.memory_space<semaphore_mem>>
    %dma_start3A_13 = arith.constant 0 : i32
    %dma_start3A_14 = arith.constant 0 : i32
    %dma_start3A_15 = tpu.memref_slice %arg6[%dma_start3A_1, %dma_start3A_13, %dma_start3A_14] : memref<6x2x64xi32, #tpu.memory_space<vmem>> -> memref<1x2x64xi32, #tpu.memory_space<vmem>>
    %dma_start3A_16 = tpu.memref_squeeze %dma_start3A_15 : memref<1x2x64xi32, #tpu.memory_space<vmem>> -> memref<2x64xi32, #tpu.memory_space<vmem>>
    %dma_start3A_17 = arith.constant 0 : i32
    %dma_start3A_18 = arith.constant 0 : i32
    %dma_start3A_19 = tpu.memref_slice %arg3[%add3A, %dma_start3A, %dma_start3A_17, %dma_start3A_18] : memref<32x157x2x64xi32, #tpu.memory_space<hbm>> -> memref<1x1x2x64xi32, #tpu.memory_space<hbm>>
    %dma_start3A_20 = tpu.memref_squeeze %dma_start3A_19 : memref<1x1x2x64xi32, #tpu.memory_space<hbm>> -> memref<2x64xi32, #tpu.memory_space<hbm>>
    tpu.enqueue_dma source(%dma_start3A_20 : memref<2x64xi32, #tpu.memory_space<hbm>>) target(%dma_start3A_16 : memref<2x64xi32, #tpu.memory_space<vmem>>) target_semaphore(%dma_start3A_12 : memref<!tpu.dma_semaphore, #tpu.memory_space<semaphore_mem>>)
    %dma_start3A_21 = arith.constant 1 : i32
    %dma_start3A_22 = arith.constant 1 : i32
    %dma_start3A_23 = arith.constant 1 : i32
    %dma_start3A_24 = arith.constant 0 : i32
    %dma_start3A_25 = arith.constant 0 : i32
    %dma_start3A_26 = tpu.memref_slice %arg6[%dma_start3A_22, %dma_start3A_24, %dma_start3A_25] : memref<6x2x64xi32, #tpu.memory_space<vmem>> -> memref<1x2x64xi32, #tpu.memory_space<vmem>>
    %dma_start3A_27 = tpu.memref_squeeze %dma_start3A_26 : memref<1x2x64xi32, #tpu.memory_space<vmem>> -> memref<2x64xi32, #tpu.memory_space<vmem>>
    %dma_start3A_28 = arith.constant 0 : i32
    %dma_start3A_29 = arith.constant 0 : i32
    %dma_start3A_30 = tpu.memref_slice %arg3[%add3A, %dma_start3A_21, %dma_start3A_28, %dma_start3A_29] : memref<32x157x2x64xi32, #tpu.memory_space<hbm>> -> memref<1x1x2x64xi32, #tpu.memory_space<hbm>>
    %dma_start3A_31 = tpu.memref_squeeze %dma_start3A_30 : memref<1x1x2x64xi32, #tpu.memory_space<hbm>> -> memref<2x64xi32, #tpu.memory_space<hbm>>
    %dma_start3A_32 = tpu.memref_slice %arg9[%dma_start3A_23] : memref<6x!tpu.dma_semaphore, #tpu.memory_space<semaphore_mem>> -> memref<1x!tpu.dma_semaphore, #tpu.memory_space<semaphore_mem>>
    %dma_start3A_33 = tpu.memref_squeeze %dma_start3A_32 : memref<1x!tpu.dma_semaphore, #tpu.memory_space<semaphore_mem>> -> memref<!tpu.dma_semaphore, #tpu.memory_space<semaphore_mem>>
    %dma_start3A_34 = arith.constant 0 : i32
    %dma_start3A_35 = arith.constant 0 : i32
    %dma_start3A_36 = tpu.memref_slice %arg6[%dma_start3A_22, %dma_start3A_34, %dma_start3A_35] : memref<6x2x64xi32, #tpu.memory_space<vmem>> -> memref<1x2x64xi32, #tpu.memory_space<vmem>>
    %dma_start3A_37 = tpu.memref_squeeze %dma_start3A_36 : memref<1x2x64xi32, #tpu.memory_space<vmem>> -> memref<2x64xi32, #tpu.memory_space<vmem>>
    %dma_start3A_38 = arith.constant 0 : i32
    %dma_start3A_39 = arith.constant 0 : i32
    %dma_start3A_40 = tpu.memref_slice %arg3[%add3A, %dma_start3A_21, %dma_start3A_38, %dma_start3A_39] : memref<32x157x2x64xi32, #tpu.memory_space<hbm>> -> memref<1x1x2x64xi32, #tpu.memory_space<hbm>>
    %dma_start3A_41 = tpu.memref_squeeze %dma_start3A_40 : memref<1x1x2x64xi32, #tpu.memory_space<hbm>> -> memref<2x64xi32, #tpu.memory_space<hbm>>
    tpu.enqueue_dma source(%dma_start3A_41 : memref<2x64xi32, #tpu.memory_space<hbm>>) target(%dma_start3A_37 : memref<2x64xi32, #tpu.memory_space<vmem>>) target_semaphore(%dma_start3A_33 : memref<!tpu.dma_semaphore, #tpu.memory_space<semaphore_mem>>)
    %dma_start3A_42 = arith.constant 2 : i32
    %dma_start3A_43 = arith.constant 2 : i32
    %dma_start3A_44 = arith.constant 2 : i32
    %dma_start3A_45 = arith.constant 0 : i32
    %dma_start3A_46 = arith.constant 0 : i32
    %dma_start3A_47 = tpu.memref_slice %arg6[%dma_start3A_43, %dma_start3A_45, %dma_start3A_46] : memref<6x2x64xi32, #tpu.memory_space<vmem>> -> memref<1x2x64xi32, #tpu.memory_space<vmem>>
    %dma_start3A_48 = tpu.memref_squeeze %dma_start3A_47 : memref<1x2x64xi32, #tpu.memory_space<vmem>> -> memref<2x64xi32, #tpu.memory_space<vmem>>
    %dma_start3A_49 = arith.constant 0 : i32
    %dma_start3A_50 = arith.constant 0 : i32
    %dma_start3A_51 = tpu.memref_slice %arg3[%add3A, %dma_start3A_42, %dma_start3A_49, %dma_start3A_50] : memref<32x157x2x64xi32, #tpu.memory_space<hbm>> -> memref<1x1x2x64xi32, #tpu.memory_space<hbm>>
    %dma_start3A_52 = tpu.memref_squeeze %dma_start3A_51 : memref<1x1x2x64xi32, #tpu.memory_space<hbm>> -> memref<2x64xi32, #tpu.memory_space<hbm>>
    %dma_start3A_53 = tpu.memref_slice %arg9[%dma_start3A_44] : memref<6x!tpu.dma_semaphore, #tpu.memory_space<semaphore_mem>> -> memref<1x!tpu.dma_semaphore, #tpu.memory_space<semaphore_mem>>
    %dma_start3A_54 = tpu.memref_squeeze %dma_start3A_53 : memref<1x!tpu.dma_semaphore, #tpu.memory_space<semaphore_mem>> -> memref<!tpu.dma_semaphore, #tpu.memory_space<semaphore_mem>>
    %dma_start3A_55 = arith.constant 0 : i32
    %dma_start3A_56 = arith.constant 0 : i32
    %dma_start3A_57 = tpu.memref_slice %arg6[%dma_start3A_43, %dma_start3A_55, %dma_start3A_56] : memref<6x2x64xi32, #tpu.memory_space<vmem>> -> memref<1x2x64xi32, #tpu.memory_space<vmem>>
    %dma_start3A_58 = tpu.memref_squeeze %dma_start3A_57 : memref<1x2x64xi32, #tpu.memory_space<vmem>> -> memref<2x64xi32, #tpu.memory_space<vmem>>
    %dma_start3A_59 = arith.constant 0 : i32
    %dma_start3A_60 = arith.constant 0 : i32
    %dma_start3A_61 = tpu.memref_slice %arg3[%add3A, %dma_start3A_42, %dma_start3A_59, %dma_start3A_60] : memref<32x157x2x64xi32, #tpu.memory_space<hbm>> -> memref<1x1x2x64xi32, #tpu.memory_space<hbm>>
    %dma_start3A_62 = tpu.memref_squeeze %dma_start3A_61 : memref<1x1x2x64xi32, #tpu.memory_space<hbm>> -> memref<2x64xi32, #tpu.memory_space<hbm>>
    tpu.enqueue_dma source(%dma_start3A_62 : memref<2x64xi32, #tpu.memory_space<hbm>>) target(%dma_start3A_58 : memref<2x64xi32, #tpu.memory_space<vmem>>) target_semaphore(%dma_start3A_54 : memref<!tpu.dma_semaphore, #tpu.memory_space<semaphore_mem>>)
    %dma_start3A_63 = arith.constant 3 : i32
    %dma_start3A_64 = arith.constant 3 : i32
    %dma_start3A_65 = arith.constant 3 : i32
    %dma_start3A_66 = arith.constant 0 : i32
    %dma_start3A_67 = arith.constant 0 : i32
    %dma_start3A_68 = tpu.memref_slice %arg6[%dma_start3A_64, %dma_start3A_66, %dma_start3A_67] : memref<6x2x64xi32, #tpu.memory_space<vmem>> -> memref<1x2x64xi32, #tpu.memory_space<vmem>>
    %dma_start3A_69 = tpu.memref_squeeze %dma_start3A_68 : memref<1x2x64xi32, #tpu.memory_space<vmem>> -> memref<2x64xi32, #tpu.memory_space<vmem>>
    %dma_start3A_70 = arith.constant 0 : i32
    %dma_start3A_71 = arith.constant 0 : i32
    %dma_start3A_72 = tpu.memref_slice %arg3[%add3A, %dma_start3A_63, %dma_start3A_70, %dma_start3A_71] : memref<32x157x2x64xi32, #tpu.memory_space<hbm>> -> memref<1x1x2x64xi32, #tpu.memory_space<hbm>>
    %dma_start3A_73 = tpu.memref_squeeze %dma_start3A_72 : memref<1x1x2x64xi32, #tpu.memory_space<hbm>> -> memref<2x64xi32, #tpu.memory_space<hbm>>
    %dma_start3A_74 = tpu.memref_slice %arg9[%dma_start3A_65] : memref<6x!tpu.dma_semaphore, #tpu.memory_space<semaphore_mem>> -> memref<1x!tpu.dma_semaphore, #tpu.memory_space<semaphore_mem>>
    %dma_start3A_75 = tpu.memref_squeeze %dma_start3A_74 : memref<1x!tpu.dma_semaphore, #tpu.memory_space<semaphore_mem>> -> memref<!tpu.dma_semaphore, #tpu.memory_space<semaphore_mem>>
    %dma_start3A_76 = arith.constant 0 : i32
    %dma_start3A_77 = arith.constant 0 : i32
    %dma_start3A_78 = tpu.memref_slice %arg6[%dma_start3A_64, %dma_start3A_76, %dma_start3A_77] : memref<6x2x64xi32, #tpu.memory_space<vmem>> -> memref<1x2x64xi32, #tpu.memory_space<vmem>>
    %dma_start3A_79 = tpu.memref_squeeze %dma_start3A_78 : memref<1x2x64xi32, #tpu.memory_space<vmem>> -> memref<2x64xi32, #tpu.memory_space<vmem>>
    %dma_start3A_80 = arith.constant 0 : i32
    %dma_start3A_81 = arith.constant 0 : i32
    %dma_start3A_82 = tpu.memref_slice %arg3[%add3A, %dma_start3A_63, %dma_start3A_80, %dma_start3A_81] : memref<32x157x2x64xi32, #tpu.memory_space<hbm>> -> memref<1x1x2x64xi32, #tpu.memory_space<hbm>>
    %dma_start3A_83 = tpu.memref_squeeze %dma_start3A_82 : memref<1x1x2x64xi32, #tpu.memory_space<hbm>> -> memref<2x64xi32, #tpu.memory_space<hbm>>
    tpu.enqueue_dma source(%dma_start3A_83 : memref<2x64xi32, #tpu.memory_space<hbm>>) target(%dma_start3A_79 : memref<2x64xi32, #tpu.memory_space<vmem>>) target_semaphore(%dma_start3A_75 : memref<!tpu.dma_semaphore, #tpu.memory_space<semaphore_mem>>)
    %dma_start3A_84 = arith.constant 4 : i32
    %dma_start3A_85 = arith.constant 4 : i32
    %dma_start3A_86 = arith.constant 4 : i32
    %dma_start3A_87 = arith.constant 0 : i32
    %dma_start3A_88 = arith.constant 0 : i32
    %dma_start3A_89 = tpu.memref_slice %arg6[%dma_start3A_85, %dma_start3A_87, %dma_start3A_88] : memref<6x2x64xi32, #tpu.memory_space<vmem>> -> memref<1x2x64xi32, #tpu.memory_space<vmem>>
    %dma_start3A_90 = tpu.memref_squeeze %dma_start3A_89 : memref<1x2x64xi32, #tpu.memory_space<vmem>> -> memref<2x64xi32, #tpu.memory_space<vmem>>
    %dma_start3A_91 = arith.constant 0 : i32
    %dma_start3A_92 = arith.constant 0 : i32
    %dma_start3A_93 = tpu.memref_slice %arg3[%add3A, %dma_start3A_84, %dma_start3A_91, %dma_start3A_92] : memref<32x157x2x64xi32, #tpu.memory_space<hbm>> -> memref<1x1x2x64xi32, #tpu.memory_space<hbm>>
    %dma_start3A_94 = tpu.memref_squeeze %dma_start3A_93 : memref<1x1x2x64xi32, #tpu.memory_space<hbm>> -> memref<2x64xi32, #tpu.memory_space<hbm>>
    %dma_start3A_95 = tpu.memref_slice %arg9[%dma_start3A_86] : memref<6x!tpu.dma_semaphore, #tpu.memory_space<semaphore_mem>> -> memref<1x!tpu.dma_semaphore, #tpu.memory_space<semaphore_mem>>
    %dma_start3A_96 = tpu.memref_squeeze %dma_start3A_95 : memref<1x!tpu.dma_semaphore, #tpu.memory_space<semaphore_mem>> -> memref<!tpu.dma_semaphore, #tpu.memory_space<semaphore_mem>>
    %dma_start3A_97 = arith.constant 0 : i32
    %dma_start3A_98 = arith.constant 0 : i32
    %dma_start3A_99 = tpu.memref_slice %arg6[%dma_start3A_85, %dma_start3A_97, %dma_start3A_98] : memref<6x2x64xi32, #tpu.memory_space<vmem>> -> memref<1x2x64xi32, #tpu.memory_space<vmem>>
    %dma_start3A_100 = tpu.memref_squeeze %dma_start3A_99 : memref<1x2x64xi32, #tpu.memory_space<vmem>> -> memref<2x64xi32, #tpu.memory_space<vmem>>
    %dma_start3A_101 = arith.constant 0 : i32
    %dma_start3A_102 = arith.constant 0 : i32
    %dma_start3A_103 = tpu.memref_slice %arg3[%add3A, %dma_start3A_84, %dma_start3A_101, %dma_start3A_102] : memref<32x157x2x64xi32, #tpu.memory_space<hbm>> -> memref<1x1x2x64xi32, #tpu.memory_space<hbm>>
    %dma_start3A_104 = tpu.memref_squeeze %dma_start3A_103 : memref<1x1x2x64xi32, #tpu.memory_space<hbm>> -> memref<2x64xi32, #tpu.memory_space<hbm>>
    tpu.enqueue_dma source(%dma_start3A_104 : memref<2x64xi32, #tpu.memory_space<hbm>>) target(%dma_start3A_100 : memref<2x64xi32, #tpu.memory_space<vmem>>) target_semaphore(%dma_start3A_96 : memref<!tpu.dma_semaphore, #tpu.memory_space<semaphore_mem>>)
    %dma_start3A_105 = arith.constant 5 : i32
    %dma_start3A_106 = arith.constant 5 : i32
    %dma_start3A_107 = arith.constant 5 : i32
    %dma_start3A_108 = arith.constant 0 : i32
    %dma_start3A_109 = arith.constant 0 : i32
    %dma_start3A_110 = tpu.memref_slice %arg6[%dma_start3A_106, %dma_start3A_108, %dma_start3A_109] : memref<6x2x64xi32, #tpu.memory_space<vmem>> -> memref<1x2x64xi32, #tpu.memory_space<vmem>>
    %dma_start3A_111 = tpu.memref_squeeze %dma_start3A_110 : memref<1x2x64xi32, #tpu.memory_space<vmem>> -> memref<2x64xi32, #tpu.memory_space<vmem>>
    %dma_start3A_112 = arith.constant 0 : i32
    %dma_start3A_113 = arith.constant 0 : i32
    %dma_start3A_114 = tpu.memref_slice %arg3[%add3A, %dma_start3A_105, %dma_start3A_112, %dma_start3A_113] : memref<32x157x2x64xi32, #tpu.memory_space<hbm>> -> memref<1x1x2x64xi32, #tpu.memory_space<hbm>>
    %dma_start3A_115 = tpu.memref_squeeze %dma_start3A_114 : memref<1x1x2x64xi32, #tpu.memory_space<hbm>> -> memref<2x64xi32, #tpu.memory_space<hbm>>
    %dma_start3A_116 = tpu.memref_slice %arg9[%dma_start3A_107] : memref<6x!tpu.dma_semaphore, #tpu.memory_space<semaphore_mem>> -> memref<1x!tpu.dma_semaphore, #tpu.memory_space<semaphore_mem>>
    %dma_start3A_117 = tpu.memref_squeeze %dma_start3A_116 : memref<1x!tpu.dma_semaphore, #tpu.memory_space<semaphore_mem>> -> memref<!tpu.dma_semaphore, #tpu.memory_space<semaphore_mem>>
    %dma_start3A_118 = arith.constant 0 : i32
    %dma_start3A_119 = arith.constant 0 : i32
    %dma_start3A_120 = tpu.memref_slice %arg6[%dma_start3A_106, %dma_start3A_118, %dma_start3A_119] : memref<6x2x64xi32, #tpu.memory_space<vmem>> -> memref<1x2x64xi32, #tpu.memory_space<vmem>>
    %dma_start3A_121 = tpu.memref_squeeze %dma_start3A_120 : memref<1x2x64xi32, #tpu.memory_space<vmem>> -> memref<2x64xi32, #tpu.memory_space<vmem>>
    %dma_start3A_122 = arith.constant 0 : i32
    %dma_start3A_123 = arith.constant 0 : i32
    %dma_start3A_124 = tpu.memref_slice %arg3[%add3A, %dma_start3A_105, %dma_start3A_122, %dma_start3A_123] : memref<32x157x2x64xi32, #tpu.memory_space<hbm>> -> memref<1x1x2x64xi32, #tpu.memory_space<hbm>>
    %dma_start3A_125 = tpu.memref_squeeze %dma_start3A_124 : memref<1x1x2x64xi32, #tpu.memory_space<hbm>> -> memref<2x64xi32, #tpu.memory_space<hbm>>
    tpu.enqueue_dma source(%dma_start3A_125 : memref<2x64xi32, #tpu.memory_space<hbm>>) target(%dma_start3A_121 : memref<2x64xi32, #tpu.memory_space<vmem>>) target_semaphore(%dma_start3A_117 : memref<!tpu.dma_semaphore, #tpu.memory_space<semaphore_mem>>)
    %dma_wait3A = arith.constant 0 : i32
    %dma_wait3A_126 = arith.constant 0 : i32
    %dma_wait3A_127 = arith.constant 0 : i32
    %dma_wait3A_128 = arith.constant 0 : i32
    %dma_wait3A_129 = arith.constant 0 : i32
    %dma_wait3A_130 = tpu.memref_slice %arg6[%dma_wait3A_126, %dma_wait3A_128, %dma_wait3A_129] : memref<6x2x64xi32, #tpu.memory_space<vmem>> -> memref<1x2x64xi32, #tpu.memory_space<vmem>>
    %dma_wait3A_131 = tpu.memref_squeeze %dma_wait3A_130 : memref<1x2x64xi32, #tpu.memory_space<vmem>> -> memref<2x64xi32, #tpu.memory_space<vmem>>
    %dma_wait3A_132 = arith.constant 0 : i32
    %dma_wait3A_133 = arith.constant 0 : i32
    %dma_wait3A_134 = tpu.memref_slice %arg3[%add3A, %dma_wait3A, %dma_wait3A_132, %dma_wait3A_133] : memref<32x157x2x64xi32, #tpu.memory_space<hbm>> -> memref<1x1x2x64xi32, #tpu.memory_space<hbm>>
    %dma_wait3A_135 = tpu.memref_squeeze %dma_wait3A_134 : memref<1x1x2x64xi32, #tpu.memory_space<hbm>> -> memref<2x64xi32, #tpu.memory_space<hbm>>
    %dma_wait3A_136 = tpu.memref_slice %arg9[%dma_wait3A_127] : memref<6x!tpu.dma_semaphore, #tpu.memory_space<semaphore_mem>> -> memref<1x!tpu.dma_semaphore, #tpu.memory_space<semaphore_mem>>
    %dma_wait3A_137 = tpu.memref_squeeze %dma_wait3A_136 : memref<1x!tpu.dma_semaphore, #tpu.memory_space<semaphore_mem>> -> memref<!tpu.dma_semaphore, #tpu.memory_space<semaphore_mem>>
    %dma_wait3A_138 = arith.constant 0 : i32
    %dma_wait3A_139 = arith.constant 0 : i32
    %dma_wait3A_140 = tpu.memref_slice %arg6[%dma_wait3A_126, %dma_wait3A_138, %dma_wait3A_139] : memref<6x2x64xi32, #tpu.memory_space<vmem>> -> memref<1x2x64xi32, #tpu.memory_space<vmem>>
    %dma_wait3A_141 = tpu.memref_squeeze %dma_wait3A_140 : memref<1x2x64xi32, #tpu.memory_space<vmem>> -> memref<2x64xi32, #tpu.memory_space<vmem>>
    %dma_wait3A_142 = arith.constant 0 : i32
    %dma_wait3A_143 = arith.constant 0 : i32
    %dma_wait3A_144 = tpu.memref_slice %arg3[%add3A, %dma_wait3A, %dma_wait3A_142, %dma_wait3A_143] : memref<32x157x2x64xi32, #tpu.memory_space<hbm>> -> memref<1x1x2x64xi32, #tpu.memory_space<hbm>>
    %dma_wait3A_145 = tpu.memref_squeeze %dma_wait3A_144 : memref<1x1x2x64xi32, #tpu.memory_space<hbm>> -> memref<2x64xi32, #tpu.memory_space<hbm>>
    tpu.wait_dma2 semaphore(%dma_wait3A_137 : memref<!tpu.dma_semaphore, #tpu.memory_space<semaphore_mem>>) src(%dma_wait3A_145 : memref<2x64xi32, #tpu.memory_space<hbm>>) dst(%dma_wait3A_141 : memref<2x64xi32, #tpu.memory_space<vmem>>)
    %dma_start3A_146 = arith.constant 0 : i32
    %dma_start3A_147 = arith.constant 0 : i32
    %dma_start3A_148 = arith.constant 0 : i32
    %dma_start3A_149 = arith.constant 0 : i32
    %dma_start3A_150 = arith.constant 0 : i32
    %dma_start3A_151 = arith.constant 0 : i32
    %dma_start3A_152 = tpu.memref_slice %arg7[%dma_start3A_148, %dma_start3A_150, %dma_start3A_151] : memref<6x64x128xf32, #tpu.memory_space<vmem>> -> memref<1x64x128xf32, #tpu.memory_space<vmem>>
    %dma_start3A_153 = tpu.memref_squeeze %dma_start3A_152 : memref<1x64x128xf32, #tpu.memory_space<vmem>> -> memref<64x128xf32, #tpu.memory_space<vmem>>
    %dma_start3A_154 = arith.constant 0 : i32
    %dma_start3A_155 = tpu.memref_slice %arg6[%dma_start3A_146, %dma_start3A_147, %dma_start3A_154] : memref<6x2x64xi32, #tpu.memory_space<vmem>> -> memref<1x1x64xi32, #tpu.memory_space<vmem>>
    %dma_start3A_156 = tpu.memref_squeeze %dma_start3A_155 : memref<1x1x64xi32, #tpu.memory_space<vmem>> -> memref<64xi32, #tpu.memory_space<vmem>>
    %dma_start3A_157 = arith.constant 0 : i32
    %dma_start3A_158 = arith.constant 0 : i32
    %dma_start3A_159 = tpu.memref_slice %arg2[%dma_start3A_157, %dma_start3A_158] : memref<10000x128xf32, #tpu.memory_space<hbm>> -> memref<10000x128xf32, #tpu.memory_space<hbm>>
    %dma_start3A_160 = tpu.memref_slice %arg10[%dma_start3A_149] : memref<6x!tpu.dma_semaphore, #tpu.memory_space<semaphore_mem>> -> memref<1x!tpu.dma_semaphore, #tpu.memory_space<semaphore_mem>>
    %dma_start3A_161 = tpu.memref_squeeze %dma_start3A_160 : memref<1x!tpu.dma_semaphore, #tpu.memory_space<semaphore_mem>> -> memref<!tpu.dma_semaphore, #tpu.memory_space<semaphore_mem>>
    tpu.enqueue_indirect_dma source(%dma_start3A_159 : memref<10000x128xf32, #tpu.memory_space<hbm>>) target(%dma_start3A_153 : memref<64x128xf32, #tpu.memory_space<vmem>>) offsets(%dma_start3A_156 : memref<64xi32, #tpu.memory_space<vmem>>) semaphore(%dma_start3A_161 : memref<!tpu.dma_semaphore, #tpu.memory_space<semaphore_mem>>)
    %dma_wait3A_162 = arith.constant 1 : i32
    %dma_wait3A_163 = arith.constant 1 : i32
    %dma_wait3A_164 = arith.constant 1 : i32
    %dma_wait3A_165 = arith.constant 0 : i32
    %dma_wait3A_166 = arith.constant 0 : i32
    %dma_wait3A_167 = tpu.memref_slice %arg6[%dma_wait3A_163, %dma_wait3A_165, %dma_wait3A_166] : memref<6x2x64xi32, #tpu.memory_space<vmem>> -> memref<1x2x64xi32, #tpu.memory_space<vmem>>
    %dma_wait3A_168 = tpu.memref_squeeze %dma_wait3A_167 : memref<1x2x64xi32, #tpu.memory_space<vmem>> -> memref<2x64xi32, #tpu.memory_space<vmem>>
    %dma_wait3A_169 = arith.constant 0 : i32
    %dma_wait3A_170 = arith.constant 0 : i32
    %dma_wait3A_171 = tpu.memref_slice %arg3[%add3A, %dma_wait3A_162, %dma_wait3A_169, %dma_wait3A_170] : memref<32x157x2x64xi32, #tpu.memory_space<hbm>> -> memref<1x1x2x64xi32, #tpu.memory_space<hbm>>
    %dma_wait3A_172 = tpu.memref_squeeze %dma_wait3A_171 : memref<1x1x2x64xi32, #tpu.memory_space<hbm>> -> memref<2x64xi32, #tpu.memory_space<hbm>>
    %dma_wait3A_173 = tpu.memref_slice %arg9[%dma_wait3A_164] : memref<6x!tpu.dma_semaphore, #tpu.memory_space<semaphore_mem>> -> memref<1x!tpu.dma_semaphore, #tpu.memory_space<semaphore_mem>>
    %dma_wait3A_174 = tpu.memref_squeeze %dma_wait3A_173 : memref<1x!tpu.dma_semaphore, #tpu.memory_space<semaphore_mem>> -> memref<!tpu.dma_semaphore, #tpu.memory_space<semaphore_mem>>
    %dma_wait3A_175 = arith.constant 0 : i32
    %dma_wait3A_176 = arith.constant 0 : i32
    %dma_wait3A_177 = tpu.memref_slice %arg6[%dma_wait3A_163, %dma_wait3A_175, %dma_wait3A_176] : memref<6x2x64xi32, #tpu.memory_space<vmem>> -> memref<1x2x64xi32, #tpu.memory_space<vmem>>
    %dma_wait3A_178 = tpu.memref_squeeze %dma_wait3A_177 : memref<1x2x64xi32, #tpu.memory_space<vmem>> -> memref<2x64xi32, #tpu.memory_space<vmem>>
    %dma_wait3A_179 = arith.constant 0 : i32
    %dma_wait3A_180 = arith.constant 0 : i32
    %dma_wait3A_181 = tpu.memref_slice %arg3[%add3A, %dma_wait3A_162, %dma_wait3A_179, %dma_wait3A_180] : memref<32x157x2x64xi32, #tpu.memory_space<hbm>> -> memref<1x1x2x64xi32, #tpu.memory_space<hbm>>
    %dma_wait3A_182 = tpu.memref_squeeze %dma_wait3A_181 : memref<1x1x2x64xi32, #tpu.memory_space<hbm>> -> memref<2x64xi32, #tpu.memory_space<hbm>>
    tpu.wait_dma2 semaphore(%dma_wait3A_174 : memref<!tpu.dma_semaphore, #tpu.memory_space<semaphore_mem>>) src(%dma_wait3A_182 : memref<2x64xi32, #tpu.memory_space<hbm>>) dst(%dma_wait3A_178 : memref<2x64xi32, #tpu.memory_space<vmem>>)
    %dma_start3A_183 = arith.constant 1 : i32
    %dma_start3A_184 = arith.constant 0 : i32
    %dma_start3A_185 = arith.constant 1 : i32
    %dma_start3A_186 = arith.constant 1 : i32
    %dma_start3A_187 = arith.constant 0 : i32
    %dma_start3A_188 = arith.constant 0 : i32
    %dma_start3A_189 = tpu.memref_slice %arg7[%dma_start3A_185, %dma_start3A_187, %dma_start3A_188] : memref<6x64x128xf32, #tpu.memory_space<vmem>> -> memref<1x64x128xf32, #tpu.memory_space<vmem>>
    %dma_start3A_190 = tpu.memref_squeeze %dma_start3A_189 : memref<1x64x128xf32, #tpu.memory_space<vmem>> -> memref<64x128xf32, #tpu.memory_space<vmem>>
    %dma_start3A_191 = arith.constant 0 : i32
    %dma_start3A_192 = tpu.memref_slice %arg6[%dma_start3A_183, %dma_start3A_184, %dma_start3A_191] : memref<6x2x64xi32, #tpu.memory_space<vmem>> -> memref<1x1x64xi32, #tpu.memory_space<vmem>>
    %dma_start3A_193 = tpu.memref_squeeze %dma_start3A_192 : memref<1x1x64xi32, #tpu.memory_space<vmem>> -> memref<64xi32, #tpu.memory_space<vmem>>
    %dma_start3A_194 = arith.constant 0 : i32
    %dma_start3A_195 = arith.constant 0 : i32
    %dma_start3A_196 = tpu.memref_slice %arg2[%dma_start3A_194, %dma_start3A_195] : memref<10000x128xf32, #tpu.memory_space<hbm>> -> memref<10000x128xf32, #tpu.memory_space<hbm>>
    %dma_start3A_197 = tpu.memref_slice %arg10[%dma_start3A_186] : memref<6x!tpu.dma_semaphore, #tpu.memory_space<semaphore_mem>> -> memref<1x!tpu.dma_semaphore, #tpu.memory_space<semaphore_mem>>
    %dma_start3A_198 = tpu.memref_squeeze %dma_start3A_197 : memref<1x!tpu.dma_semaphore, #tpu.memory_space<semaphore_mem>> -> memref<!tpu.dma_semaphore, #tpu.memory_space<semaphore_mem>>
    tpu.enqueue_indirect_dma source(%dma_start3A_196 : memref<10000x128xf32, #tpu.memory_space<hbm>>) target(%dma_start3A_190 : memref<64x128xf32, #tpu.memory_space<vmem>>) offsets(%dma_start3A_193 : memref<64xi32, #tpu.memory_space<vmem>>) semaphore(%dma_start3A_198 : memref<!tpu.dma_semaphore, #tpu.memory_space<semaphore_mem>>)
    %dma_wait3A_199 = arith.constant 2 : i32
    %dma_wait3A_200 = arith.constant 2 : i32
    %dma_wait3A_201 = arith.constant 2 : i32
    %dma_wait3A_202 = arith.constant 0 : i32
    %dma_wait3A_203 = arith.constant 0 : i32
    %dma_wait3A_204 = tpu.memref_slice %arg6[%dma_wait3A_200, %dma_wait3A_202, %dma_wait3A_203] : memref<6x2x64xi32, #tpu.memory_space<vmem>> -> memref<1x2x64xi32, #tpu.memory_space<vmem>>
    %dma_wait3A_205 = tpu.memref_squeeze %dma_wait3A_204 : memref<1x2x64xi32, #tpu.memory_space<vmem>> -> memref<2x64xi32, #tpu.memory_space<vmem>>
    %dma_wait3A_206 = arith.constant 0 : i32
    %dma_wait3A_207 = arith.constant 0 : i32
    %dma_wait3A_208 = tpu.memref_slice %arg3[%add3A, %dma_wait3A_199, %dma_wait3A_206, %dma_wait3A_207] : memref<32x157x2x64xi32, #tpu.memory_space<hbm>> -> memref<1x1x2x64xi32, #tpu.memory_space<hbm>>
    %dma_wait3A_209 = tpu.memref_squeeze %dma_wait3A_208 : memref<1x1x2x64xi32, #tpu.memory_space<hbm>> -> memref<2x64xi32, #tpu.memory_space<hbm>>
    %dma_wait3A_210 = tpu.memref_slice %arg9[%dma_wait3A_201] : memref<6x!tpu.dma_semaphore, #tpu.memory_space<semaphore_mem>> -> memref<1x!tpu.dma_semaphore, #tpu.memory_space<semaphore_mem>>
    %dma_wait3A_211 = tpu.memref_squeeze %dma_wait3A_210 : memref<1x!tpu.dma_semaphore, #tpu.memory_space<semaphore_mem>> -> memref<!tpu.dma_semaphore, #tpu.memory_space<semaphore_mem>>
    %dma_wait3A_212 = arith.constant 0 : i32
    %dma_wait3A_213 = arith.constant 0 : i32
    %dma_wait3A_214 = tpu.memref_slice %arg6[%dma_wait3A_200, %dma_wait3A_212, %dma_wait3A_213] : memref<6x2x64xi32, #tpu.memory_space<vmem>> -> memref<1x2x64xi32, #tpu.memory_space<vmem>>
    %dma_wait3A_215 = tpu.memref_squeeze %dma_wait3A_214 : memref<1x2x64xi32, #tpu.memory_space<vmem>> -> memref<2x64xi32, #tpu.memory_space<vmem>>
    %dma_wait3A_216 = arith.constant 0 : i32
    %dma_wait3A_217 = arith.constant 0 : i32
    %dma_wait3A_218 = tpu.memref_slice %arg3[%add3A, %dma_wait3A_199, %dma_wait3A_216, %dma_wait3A_217] : memref<32x157x2x64xi32, #tpu.memory_space<hbm>> -> memref<1x1x2x64xi32, #tpu.memory_space<hbm>>
    %dma_wait3A_219 = tpu.memref_squeeze %dma_wait3A_218 : memref<1x1x2x64xi32, #tpu.memory_space<hbm>> -> memref<2x64xi32, #tpu.memory_space<hbm>>
    tpu.wait_dma2 semaphore(%dma_wait3A_211 : memref<!tpu.dma_semaphore, #tpu.memory_space<semaphore_mem>>) src(%dma_wait3A_219 : memref<2x64xi32, #tpu.memory_space<hbm>>) dst(%dma_wait3A_215 : memref<2x64xi32, #tpu.memory_space<vmem>>)
    %dma_start3A_220 = arith.constant 2 : i32
    %dma_start3A_221 = arith.constant 0 : i32
    %dma_start3A_222 = arith.constant 2 : i32
    %dma_start3A_223 = arith.constant 2 : i32
    %dma_start3A_224 = arith.constant 0 : i32
    %dma_start3A_225 = arith.constant 0 : i32
    %dma_start3A_226 = tpu.memref_slice %arg7[%dma_start3A_222, %dma_start3A_224, %dma_start3A_225] : memref<6x64x128xf32, #tpu.memory_space<vmem>> -> memref<1x64x128xf32, #tpu.memory_space<vmem>>
    %dma_start3A_227 = tpu.memref_squeeze %dma_start3A_226 : memref<1x64x128xf32, #tpu.memory_space<vmem>> -> memref<64x128xf32, #tpu.memory_space<vmem>>
    %dma_start3A_228 = arith.constant 0 : i32
    %dma_start3A_229 = tpu.memref_slice %arg6[%dma_start3A_220, %dma_start3A_221, %dma_start3A_228] : memref<6x2x64xi32, #tpu.memory_space<vmem>> -> memref<1x1x64xi32, #tpu.memory_space<vmem>>
    %dma_start3A_230 = tpu.memref_squeeze %dma_start3A_229 : memref<1x1x64xi32, #tpu.memory_space<vmem>> -> memref<64xi32, #tpu.memory_space<vmem>>
    %dma_start3A_231 = arith.constant 0 : i32
    %dma_start3A_232 = arith.constant 0 : i32
    %dma_start3A_233 = tpu.memref_slice %arg2[%dma_start3A_231, %dma_start3A_232] : memref<10000x128xf32, #tpu.memory_space<hbm>> -> memref<10000x128xf32, #tpu.memory_space<hbm>>
    %dma_start3A_234 = tpu.memref_slice %arg10[%dma_start3A_223] : memref<6x!tpu.dma_semaphore, #tpu.memory_space<semaphore_mem>> -> memref<1x!tpu.dma_semaphore, #tpu.memory_space<semaphore_mem>>
    %dma_start3A_235 = tpu.memref_squeeze %dma_start3A_234 : memref<1x!tpu.dma_semaphore, #tpu.memory_space<semaphore_mem>> -> memref<!tpu.dma_semaphore, #tpu.memory_space<semaphore_mem>>
    tpu.enqueue_indirect_dma source(%dma_start3A_233 : memref<10000x128xf32, #tpu.memory_space<hbm>>) target(%dma_start3A_227 : memref<64x128xf32, #tpu.memory_space<vmem>>) offsets(%dma_start3A_230 : memref<64xi32, #tpu.memory_space<vmem>>) semaphore(%dma_start3A_235 : memref<!tpu.dma_semaphore, #tpu.memory_space<semaphore_mem>>)
    %dma_wait3A_236 = arith.constant 3 : i32
    %dma_wait3A_237 = arith.constant 3 : i32
    %dma_wait3A_238 = arith.constant 3 : i32
    %dma_wait3A_239 = arith.constant 0 : i32
    %dma_wait3A_240 = arith.constant 0 : i32
    %dma_wait3A_241 = tpu.memref_slice %arg6[%dma_wait3A_237, %dma_wait3A_239, %dma_wait3A_240] : memref<6x2x64xi32, #tpu.memory_space<vmem>> -> memref<1x2x64xi32, #tpu.memory_space<vmem>>
    %dma_wait3A_242 = tpu.memref_squeeze %dma_wait3A_241 : memref<1x2x64xi32, #tpu.memory_space<vmem>> -> memref<2x64xi32, #tpu.memory_space<vmem>>
    %dma_wait3A_243 = arith.constant 0 : i32
    %dma_wait3A_244 = arith.constant 0 : i32
    %dma_wait3A_245 = tpu.memref_slice %arg3[%add3A, %dma_wait3A_236, %dma_wait3A_243, %dma_wait3A_244] : memref<32x157x2x64xi32, #tpu.memory_space<hbm>> -> memref<1x1x2x64xi32, #tpu.memory_space<hbm>>
    %dma_wait3A_246 = tpu.memref_squeeze %dma_wait3A_245 : memref<1x1x2x64xi32, #tpu.memory_space<hbm>> -> memref<2x64xi32, #tpu.memory_space<hbm>>
    %dma_wait3A_247 = tpu.memref_slice %arg9[%dma_wait3A_238] : memref<6x!tpu.dma_semaphore, #tpu.memory_space<semaphore_mem>> -> memref<1x!tpu.dma_semaphore, #tpu.memory_space<semaphore_mem>>
    %dma_wait3A_248 = tpu.memref_squeeze %dma_wait3A_247 : memref<1x!tpu.dma_semaphore, #tpu.memory_space<semaphore_mem>> -> memref<!tpu.dma_semaphore, #tpu.memory_space<semaphore_mem>>
    %dma_wait3A_249 = arith.constant 0 : i32
    %dma_wait3A_250 = arith.constant 0 : i32
    %dma_wait3A_251 = tpu.memref_slice %arg6[%dma_wait3A_237, %dma_wait3A_249, %dma_wait3A_250] : memref<6x2x64xi32, #tpu.memory_space<vmem>> -> memref<1x2x64xi32, #tpu.memory_space<vmem>>
    %dma_wait3A_252 = tpu.memref_squeeze %dma_wait3A_251 : memref<1x2x64xi32, #tpu.memory_space<vmem>> -> memref<2x64xi32, #tpu.memory_space<vmem>>
    %dma_wait3A_253 = arith.constant 0 : i32
    %dma_wait3A_254 = arith.constant 0 : i32
    %dma_wait3A_255 = tpu.memref_slice %arg3[%add3A, %dma_wait3A_236, %dma_wait3A_253, %dma_wait3A_254] : memref<32x157x2x64xi32, #tpu.memory_space<hbm>> -> memref<1x1x2x64xi32, #tpu.memory_space<hbm>>
    %dma_wait3A_256 = tpu.memref_squeeze %dma_wait3A_255 : memref<1x1x2x64xi32, #tpu.memory_space<hbm>> -> memref<2x64xi32, #tpu.memory_space<hbm>>
    tpu.wait_dma2 semaphore(%dma_wait3A_248 : memref<!tpu.dma_semaphore, #tpu.memory_space<semaphore_mem>>) src(%dma_wait3A_256 : memref<2x64xi32, #tpu.memory_space<hbm>>) dst(%dma_wait3A_252 : memref<2x64xi32, #tpu.memory_space<vmem>>)
    %dma_start3A_257 = arith.constant 3 : i32
    %dma_start3A_258 = arith.constant 0 : i32
    %dma_start3A_259 = arith.constant 3 : i32
    %dma_start3A_260 = arith.constant 3 : i32
    %dma_start3A_261 = arith.constant 0 : i32
    %dma_start3A_262 = arith.constant 0 : i32
    %dma_start3A_263 = tpu.memref_slice %arg7[%dma_start3A_259, %dma_start3A_261, %dma_start3A_262] : memref<6x64x128xf32, #tpu.memory_space<vmem>> -> memref<1x64x128xf32, #tpu.memory_space<vmem>>
    %dma_start3A_264 = tpu.memref_squeeze %dma_start3A_263 : memref<1x64x128xf32, #tpu.memory_space<vmem>> -> memref<64x128xf32, #tpu.memory_space<vmem>>
    %dma_start3A_265 = arith.constant 0 : i32
    %dma_start3A_266 = tpu.memref_slice %arg6[%dma_start3A_257, %dma_start3A_258, %dma_start3A_265] : memref<6x2x64xi32, #tpu.memory_space<vmem>> -> memref<1x1x64xi32, #tpu.memory_space<vmem>>
    %dma_start3A_267 = tpu.memref_squeeze %dma_start3A_266 : memref<1x1x64xi32, #tpu.memory_space<vmem>> -> memref<64xi32, #tpu.memory_space<vmem>>
    %dma_start3A_268 = arith.constant 0 : i32
    %dma_start3A_269 = arith.constant 0 : i32
    %dma_start3A_270 = tpu.memref_slice %arg2[%dma_start3A_268, %dma_start3A_269] : memref<10000x128xf32, #tpu.memory_space<hbm>> -> memref<10000x128xf32, #tpu.memory_space<hbm>>
    %dma_start3A_271 = tpu.memref_slice %arg10[%dma_start3A_260] : memref<6x!tpu.dma_semaphore, #tpu.memory_space<semaphore_mem>> -> memref<1x!tpu.dma_semaphore, #tpu.memory_space<semaphore_mem>>
    %dma_start3A_272 = tpu.memref_squeeze %dma_start3A_271 : memref<1x!tpu.dma_semaphore, #tpu.memory_space<semaphore_mem>> -> memref<!tpu.dma_semaphore, #tpu.memory_space<semaphore_mem>>
    tpu.enqueue_indirect_dma source(%dma_start3A_270 : memref<10000x128xf32, #tpu.memory_space<hbm>>) target(%dma_start3A_264 : memref<64x128xf32, #tpu.memory_space<vmem>>) offsets(%dma_start3A_267 : memref<64xi32, #tpu.memory_space<vmem>>) semaphore(%dma_start3A_272 : memref<!tpu.dma_semaphore, #tpu.memory_space<semaphore_mem>>)
    %dma_wait3A_273 = arith.constant 4 : i32
    %dma_wait3A_274 = arith.constant 4 : i32
    %dma_wait3A_275 = arith.constant 4 : i32
    %dma_wait3A_276 = arith.constant 0 : i32
    %dma_wait3A_277 = arith.constant 0 : i32
    %dma_wait3A_278 = tpu.memref_slice %arg6[%dma_wait3A_274, %dma_wait3A_276, %dma_wait3A_277] : memref<6x2x64xi32, #tpu.memory_space<vmem>> -> memref<1x2x64xi32, #tpu.memory_space<vmem>>
    %dma_wait3A_279 = tpu.memref_squeeze %dma_wait3A_278 : memref<1x2x64xi32, #tpu.memory_space<vmem>> -> memref<2x64xi32, #tpu.memory_space<vmem>>
    %dma_wait3A_280 = arith.constant 0 : i32
    %dma_wait3A_281 = arith.constant 0 : i32
    %dma_wait3A_282 = tpu.memref_slice %arg3[%add3A, %dma_wait3A_273, %dma_wait3A_280, %dma_wait3A_281] : memref<32x157x2x64xi32, #tpu.memory_space<hbm>> -> memref<1x1x2x64xi32, #tpu.memory_space<hbm>>
    %dma_wait3A_283 = tpu.memref_squeeze %dma_wait3A_282 : memref<1x1x2x64xi32, #tpu.memory_space<hbm>> -> memref<2x64xi32, #tpu.memory_space<hbm>>
    %dma_wait3A_284 = tpu.memref_slice %arg9[%dma_wait3A_275] : memref<6x!tpu.dma_semaphore, #tpu.memory_space<semaphore_mem>> -> memref<1x!tpu.dma_semaphore, #tpu.memory_space<semaphore_mem>>
    %dma_wait3A_285 = tpu.memref_squeeze %dma_wait3A_284 : memref<1x!tpu.dma_semaphore, #tpu.memory_space<semaphore_mem>> -> memref<!tpu.dma_semaphore, #tpu.memory_space<semaphore_mem>>
    %dma_wait3A_286 = arith.constant 0 : i32
    %dma_wait3A_287 = arith.constant 0 : i32
    %dma_wait3A_288 = tpu.memref_slice %arg6[%dma_wait3A_274, %dma_wait3A_286, %dma_wait3A_287] : memref<6x2x64xi32, #tpu.memory_space<vmem>> -> memref<1x2x64xi32, #tpu.memory_space<vmem>>
    %dma_wait3A_289 = tpu.memref_squeeze %dma_wait3A_288 : memref<1x2x64xi32, #tpu.memory_space<vmem>> -> memref<2x64xi32, #tpu.memory_space<vmem>>
    %dma_wait3A_290 = arith.constant 0 : i32
    %dma_wait3A_291 = arith.constant 0 : i32
    %dma_wait3A_292 = tpu.memref_slice %arg3[%add3A, %dma_wait3A_273, %dma_wait3A_290, %dma_wait3A_291] : memref<32x157x2x64xi32, #tpu.memory_space<hbm>> -> memref<1x1x2x64xi32, #tpu.memory_space<hbm>>
    %dma_wait3A_293 = tpu.memref_squeeze %dma_wait3A_292 : memref<1x1x2x64xi32, #tpu.memory_space<hbm>> -> memref<2x64xi32, #tpu.memory_space<hbm>>
    tpu.wait_dma2 semaphore(%dma_wait3A_285 : memref<!tpu.dma_semaphore, #tpu.memory_space<semaphore_mem>>) src(%dma_wait3A_293 : memref<2x64xi32, #tpu.memory_space<hbm>>) dst(%dma_wait3A_289 : memref<2x64xi32, #tpu.memory_space<vmem>>)
    %dma_start3A_294 = arith.constant 4 : i32
    %dma_start3A_295 = arith.constant 0 : i32
    %dma_start3A_296 = arith.constant 4 : i32
    %dma_start3A_297 = arith.constant 4 : i32
    %dma_start3A_298 = arith.constant 0 : i32
    %dma_start3A_299 = arith.constant 0 : i32
    %dma_start3A_300 = tpu.memref_slice %arg7[%dma_start3A_296, %dma_start3A_298, %dma_start3A_299] : memref<6x64x128xf32, #tpu.memory_space<vmem>> -> memref<1x64x128xf32, #tpu.memory_space<vmem>>
    %dma_start3A_301 = tpu.memref_squeeze %dma_start3A_300 : memref<1x64x128xf32, #tpu.memory_space<vmem>> -> memref<64x128xf32, #tpu.memory_space<vmem>>
    %dma_start3A_302 = arith.constant 0 : i32
    %dma_start3A_303 = tpu.memref_slice %arg6[%dma_start3A_294, %dma_start3A_295, %dma_start3A_302] : memref<6x2x64xi32, #tpu.memory_space<vmem>> -> memref<1x1x64xi32, #tpu.memory_space<vmem>>
    %dma_start3A_304 = tpu.memref_squeeze %dma_start3A_303 : memref<1x1x64xi32, #tpu.memory_space<vmem>> -> memref<64xi32, #tpu.memory_space<vmem>>
    %dma_start3A_305 = arith.constant 0 : i32
    %dma_start3A_306 = arith.constant 0 : i32
    %dma_start3A_307 = tpu.memref_slice %arg2[%dma_start3A_305, %dma_start3A_306] : memref<10000x128xf32, #tpu.memory_space<hbm>> -> memref<10000x128xf32, #tpu.memory_space<hbm>>
    %dma_start3A_308 = tpu.memref_slice %arg10[%dma_start3A_297] : memref<6x!tpu.dma_semaphore, #tpu.memory_space<semaphore_mem>> -> memref<1x!tpu.dma_semaphore, #tpu.memory_space<semaphore_mem>>
    %dma_start3A_309 = tpu.memref_squeeze %dma_start3A_308 : memref<1x!tpu.dma_semaphore, #tpu.memory_space<semaphore_mem>> -> memref<!tpu.dma_semaphore, #tpu.memory_space<semaphore_mem>>
    tpu.enqueue_indirect_dma source(%dma_start3A_307 : memref<10000x128xf32, #tpu.memory_space<hbm>>) target(%dma_start3A_301 : memref<64x128xf32, #tpu.memory_space<vmem>>) offsets(%dma_start3A_304 : memref<64xi32, #tpu.memory_space<vmem>>) semaphore(%dma_start3A_309 : memref<!tpu.dma_semaphore, #tpu.memory_space<semaphore_mem>>)
    %lt3A = arith.constant 15 : i32
    %lt3A_310 = arith.cmpi slt, %arg1, %lt3A : i32
    %convert_element_type3A = arith.extui %lt3A_310 : i1 to i32
    %cond3A = arith.constant 0 : i32
    %cond3A_311 = arith.cmpi ne, %convert_element_type3A, %cond3A : i32
    scf.if %cond3A_311 {
      %mul3A_427 = arith.constant 632 : i32
      %mul3A_428 = arith.muli %arg1, %mul3A_427 : i32
      %mul3A_429 = arith.constant 632 : i32
      %mul3A_430 = arith.muli %arg1, %mul3A_429 : i32
      "tpu.region"() ({
        %run_scoped3A = tpu.sem_alloc : memref<!tpu.dma_semaphore, #tpu.memory_space<semaphore_mem>>
        %dma_start3A_431 = arith.constant 0 : i32
        %dma_start3A_432 = tpu.memref_slice %arg8[%mul3A_430, %dma_start3A_431] : memref<10008x128xf32, #tpu.memory_space<vmem_shared>> -> memref<632x128xf32, #tpu.memory_space<vmem_shared>>
        %dma_start3A_433 = arith.constant 0 : i32
        %dma_start3A_434 = tpu.memref_slice %arg4[%mul3A_428, %dma_start3A_433] : memref<10008x128xf32, #tpu.memory_space<hbm>> -> memref<632x128xf32, #tpu.memory_space<hbm>>
        tpu.enqueue_dma source(%dma_start3A_434 : memref<632x128xf32, #tpu.memory_space<hbm>>) target(%dma_start3A_432 : memref<632x128xf32, #tpu.memory_space<vmem_shared>>) target_semaphore(%run_scoped3A : memref<!tpu.dma_semaphore, #tpu.memory_space<semaphore_mem>>)
        %dma_wait3A_435 = arith.constant 0 : i32
        %dma_wait3A_436 = tpu.memref_slice %arg8[%mul3A_430, %dma_wait3A_435] : memref<10008x128xf32, #tpu.memory_space<vmem_shared>> -> memref<632x128xf32, #tpu.memory_space<vmem_shared>>
        %dma_wait3A_437 = arith.constant 0 : i32
        %dma_wait3A_438 = tpu.memref_slice %arg4[%mul3A_428, %dma_wait3A_437] : memref<10008x128xf32, #tpu.memory_space<hbm>> -> memref<632x128xf32, #tpu.memory_space<hbm>>
        tpu.wait_dma2 semaphore(%run_scoped3A : memref<!tpu.dma_semaphore, #tpu.memory_space<semaphore_mem>>) src(%dma_wait3A_438 : memref<632x128xf32, #tpu.memory_space<hbm>>) dst(%dma_wait3A_436 : memref<632x128xf32, #tpu.memory_space<vmem_shared>>)
        tpu.yield
      }) : () -> ()
    } else {
    }
    %eq3A = arith.constant 15 : i32
    %eq3A_312 = arith.cmpi eq, %arg1, %eq3A : i32
    %convert_element_type3A_313 = arith.extui %eq3A_312 : i1 to i32
    %cond3A_314 = arith.constant 0 : i32
    %cond3A_315 = arith.cmpi ne, %convert_element_type3A_313, %cond3A_314 : i32
    scf.if %cond3A_315 {
      %mul3A_427 = arith.constant 632 : i32
      %mul3A_428 = arith.muli %arg1, %mul3A_427 : i32
      %mul3A_429 = arith.constant 632 : i32
      %mul3A_430 = arith.muli %arg1, %mul3A_429 : i32
      "tpu.region"() ({
        %run_scoped3A = tpu.sem_alloc : memref<!tpu.dma_semaphore, #tpu.memory_space<semaphore_mem>>
        %dma_start3A_431 = arith.constant 0 : i32
        %dma_start3A_432 = tpu.memref_slice %arg8[%mul3A_430, %dma_start3A_431] : memref<10008x128xf32, #tpu.memory_space<vmem_shared>> -> memref<528x128xf32, #tpu.memory_space<vmem_shared>>
        %dma_start3A_433 = arith.constant 0 : i32
        %dma_start3A_434 = tpu.memref_slice %arg4[%mul3A_428, %dma_start3A_433] : memref<10008x128xf32, #tpu.memory_space<hbm>> -> memref<528x128xf32, #tpu.memory_space<hbm>>
        tpu.enqueue_dma source(%dma_start3A_434 : memref<528x128xf32, #tpu.memory_space<hbm>>) target(%dma_start3A_432 : memref<528x128xf32, #tpu.memory_space<vmem_shared>>) target_semaphore(%run_scoped3A : memref<!tpu.dma_semaphore, #tpu.memory_space<semaphore_mem>>)
        %dma_wait3A_435 = arith.constant 0 : i32
        %dma_wait3A_436 = tpu.memref_slice %arg8[%mul3A_430, %dma_wait3A_435] : memref<10008x128xf32, #tpu.memory_space<vmem_shared>> -> memref<528x128xf32, #tpu.memory_space<vmem_shared>>
        %dma_wait3A_437 = arith.constant 0 : i32
        %dma_wait3A_438 = tpu.memref_slice %arg4[%mul3A_428, %dma_wait3A_437] : memref<10008x128xf32, #tpu.memory_space<hbm>> -> memref<528x128xf32, #tpu.memory_space<hbm>>
        tpu.wait_dma2 semaphore(%run_scoped3A : memref<!tpu.dma_semaphore, #tpu.memory_space<semaphore_mem>>) src(%dma_wait3A_438 : memref<528x128xf32, #tpu.memory_space<hbm>>) dst(%dma_wait3A_436 : memref<528x128xf32, #tpu.memory_space<vmem_shared>>)
        tpu.yield
      }) : () -> ()
    } else {
    }
    %barrier3A = arith.constant 0 : index
    tpu.barrier barrier_id(%barrier3A)
    %scan3A = arith.constant 0 : i32
    %scan3A_316 = arith.constant 157 : i32
    %scan3A_317 = arith.addi %scan3A, %scan3A_316 : i32
    %scan3A_318 = arith.constant 1 : i32
    scf.for %scan3A_427 = %scan3A to %scan3A_317 step %scan3A_318  : i32 {
      %mul3A_428 = arith.constant 1 : i32
      %mul3A_429 = arith.muli %scan3A_427, %mul3A_428 : i32
      %add3A_430 = arith.constant 0 : i32
      %add3A_431 = arith.addi %add3A_430, %mul3A_429 : i32
      %jit3A = arith.constant 6 : i32
      %eq3A_432 = arith.constant 0 : i32
      %eq3A_433 = arith.cmpi eq, %jit3A, %eq3A_432 : i32
      %jit3A_434 = arith.constant 1 : i32
      %select_n3A = arith.select %eq3A_433, %jit3A_434, %jit3A : i32
      %rem3A = arith.remsi %add3A_431, %select_n3A : i32
      %ne3A = arith.constant 0 : i32
      %ne3A_435 = arith.cmpi ne, %rem3A, %ne3A : i32
      %lt3A_436 = arith.constant 0 : i32
      %lt3A_437 = arith.cmpi slt, %rem3A, %lt3A_436 : i32
      %lt3A_438 = arith.constant 0 : i32
      %lt3A_439 = arith.cmpi slt, %select_n3A, %lt3A_438 : i32
      %ne3A_440 = arith.xori %lt3A_437, %lt3A_439 : i1
      %and3A = arith.andi %ne3A_440, %ne3A_435 : i1
      %add3A_441 = arith.addi %rem3A, %select_n3A : i32
      %select_n3A_442 = arith.select %and3A, %add3A_441, %rem3A : i32
      %add3A_443 = arith.constant 6 : i32
      %add3A_444 = arith.addi %add3A_431, %add3A_443 : i32
      %sub3A = arith.constant 1 : i32
      %sub3A_445 = arith.subi %add3A_444, %sub3A : i32
      %jit3A_446 = arith.constant 6 : i32
      %eq3A_447 = arith.constant 0 : i32
      %eq3A_448 = arith.cmpi eq, %jit3A_446, %eq3A_447 : i32
      %jit3A_449 = arith.constant 1 : i32
      %select_n3A_450 = arith.select %eq3A_448, %jit3A_449, %jit3A_446 : i32
      %rem3A_451 = arith.remsi %sub3A_445, %select_n3A_450 : i32
      %ne3A_452 = arith.constant 0 : i32
      %ne3A_453 = arith.cmpi ne, %rem3A_451, %ne3A_452 : i32
      %lt3A_454 = arith.constant 0 : i32
      %lt3A_455 = arith.cmpi slt, %rem3A_451, %lt3A_454 : i32
      %lt3A_456 = arith.constant 0 : i32
      %lt3A_457 = arith.cmpi slt, %select_n3A_450, %lt3A_456 : i32
      %ne3A_458 = arith.xori %lt3A_455, %lt3A_457 : i1
      %and3A_459 = arith.andi %ne3A_458, %ne3A_453 : i1
      %add3A_460 = arith.addi %rem3A_451, %select_n3A_450 : i32
      %select_n3A_461 = arith.select %and3A_459, %add3A_460, %rem3A_451 : i32
      %add3A_462 = arith.constant 6 : i32
      %add3A_463 = arith.addi %add3A_431, %add3A_462 : i32
      %sub3A_464 = arith.constant 1 : i32
      %sub3A_465 = arith.subi %add3A_463, %sub3A_464 : i32
      %lt3A_466 = arith.constant 157 : i32
      %lt3A_467 = arith.cmpi slt, %sub3A_465, %lt3A_466 : i32
      %convert_element_type3A_468 = arith.extui %lt3A_467 : i1 to i32
      %cond3A_469 = arith.constant 0 : i32
      %cond3A_470 = arith.cmpi ne, %convert_element_type3A_468, %cond3A_469 : i32
      scf.if %cond3A_470 {
        %add3A_504 = arith.constant 6 : i32
        %add3A_505 = arith.addi %add3A_431, %add3A_504 : i32
        %sub3A_506 = arith.constant 1 : i32
        %sub3A_507 = arith.subi %add3A_505, %sub3A_506 : i32
        %dma_wait3A_508 = arith.constant 0 : i32
        %dma_wait3A_509 = arith.constant 0 : i32
        %dma_wait3A_510 = tpu.memref_slice %arg6[%select_n3A_461, %dma_wait3A_508, %dma_wait3A_509] : memref<6x2x64xi32, #tpu.memory_space<vmem>> -> memref<1x2x64xi32, #tpu.memory_space<vmem>>
        %dma_wait3A_511 = tpu.memref_squeeze %dma_wait3A_510 : memref<1x2x64xi32, #tpu.memory_space<vmem>> -> memref<2x64xi32, #tpu.memory_space<vmem>>
        %dma_wait3A_512 = arith.constant 0 : i32
        %dma_wait3A_513 = arith.constant 0 : i32
        %dma_wait3A_514 = tpu.memref_slice %arg3[%add3A, %sub3A_507, %dma_wait3A_512, %dma_wait3A_513] : memref<32x157x2x64xi32, #tpu.memory_space<hbm>> -> memref<1x1x2x64xi32, #tpu.memory_space<hbm>>
        %dma_wait3A_515 = tpu.memref_squeeze %dma_wait3A_514 : memref<1x1x2x64xi32, #tpu.memory_space<hbm>> -> memref<2x64xi32, #tpu.memory_space<hbm>>
        %dma_wait3A_516 = tpu.memref_slice %arg9[%select_n3A_461] : memref<6x!tpu.dma_semaphore, #tpu.memory_space<semaphore_mem>> -> memref<1x!tpu.dma_semaphore, #tpu.memory_space<semaphore_mem>>
        %dma_wait3A_517 = tpu.memref_squeeze %dma_wait3A_516 : memref<1x!tpu.dma_semaphore, #tpu.memory_space<semaphore_mem>> -> memref<!tpu.dma_semaphore, #tpu.memory_space<semaphore_mem>>
        %dma_wait3A_518 = arith.constant 0 : i32
        %dma_wait3A_519 = arith.constant 0 : i32
        %dma_wait3A_520 = tpu.memref_slice %arg6[%select_n3A_461, %dma_wait3A_518, %dma_wait3A_519] : memref<6x2x64xi32, #tpu.memory_space<vmem>> -> memref<1x2x64xi32, #tpu.memory_space<vmem>>
        %dma_wait3A_521 = tpu.memref_squeeze %dma_wait3A_520 : memref<1x2x64xi32, #tpu.memory_space<vmem>> -> memref<2x64xi32, #tpu.memory_space<vmem>>
        %dma_wait3A_522 = arith.constant 0 : i32
        %dma_wait3A_523 = arith.constant 0 : i32
        %dma_wait3A_524 = tpu.memref_slice %arg3[%add3A, %sub3A_507, %dma_wait3A_522, %dma_wait3A_523] : memref<32x157x2x64xi32, #tpu.memory_space<hbm>> -> memref<1x1x2x64xi32, #tpu.memory_space<hbm>>
        %dma_wait3A_525 = tpu.memref_squeeze %dma_wait3A_524 : memref<1x1x2x64xi32, #tpu.memory_space<hbm>> -> memref<2x64xi32, #tpu.memory_space<hbm>>
        tpu.wait_dma2 semaphore(%dma_wait3A_517 : memref<!tpu.dma_semaphore, #tpu.memory_space<semaphore_mem>>) src(%dma_wait3A_525 : memref<2x64xi32, #tpu.memory_space<hbm>>) dst(%dma_wait3A_521 : memref<2x64xi32, #tpu.memory_space<vmem>>)
        %ge3A = arith.constant 1 : i32
        %ge3A_526 = arith.cmpi sge, %add3A_431, %ge3A : i32
        %convert_element_type3A_527 = arith.extui %ge3A_526 : i1 to i32
        %cond3A_528 = arith.constant 0 : i32
        %cond3A_529 = arith.cmpi ne, %convert_element_type3A_527, %cond3A_528 : i32
        scf.if %cond3A_529 {
          %dma_wait3A_543 = arith.constant 1 : i32
          %dma_wait3A_544 = arith.constant 0 : i32
          %dma_wait3A_545 = arith.constant 0 : i32
          %dma_wait3A_546 = tpu.memref_slice %arg7[%select_n3A_461, %dma_wait3A_544, %dma_wait3A_545] : memref<6x64x128xf32, #tpu.memory_space<vmem>> -> memref<1x64x128xf32, #tpu.memory_space<vmem>>
          %dma_wait3A_547 = tpu.memref_squeeze %dma_wait3A_546 : memref<1x64x128xf32, #tpu.memory_space<vmem>> -> memref<64x128xf32, #tpu.memory_space<vmem>>
          %dma_wait3A_548 = arith.constant 0 : i32
          %dma_wait3A_549 = tpu.memref_slice %arg6[%select_n3A_461, %dma_wait3A_543, %dma_wait3A_548] : memref<6x2x64xi32, #tpu.memory_space<vmem>> -> memref<1x1x64xi32, #tpu.memory_space<vmem>>
          %dma_wait3A_550 = tpu.memref_squeeze %dma_wait3A_549 : memref<1x1x64xi32, #tpu.memory_space<vmem>> -> memref<64xi32, #tpu.memory_space<vmem>>
          %dma_wait3A_551 = arith.constant 0 : i32
          %dma_wait3A_552 = arith.constant 0 : i32
          %dma_wait3A_553 = tpu.memref_slice %arg8[%dma_wait3A_551, %dma_wait3A_552] : memref<10008x128xf32, #tpu.memory_space<vmem_shared>> -> memref<10008x128xf32, #tpu.memory_space<vmem_shared>>
          %dma_wait3A_554 = tpu.memref_slice %arg11[%select_n3A_461] : memref<6x!tpu.dma_semaphore, #tpu.memory_space<semaphore_mem>> -> memref<1x!tpu.dma_semaphore, #tpu.memory_space<semaphore_mem>>
          %dma_wait3A_555 = tpu.memref_squeeze %dma_wait3A_554 : memref<1x!tpu.dma_semaphore, #tpu.memory_space<semaphore_mem>> -> memref<!tpu.dma_semaphore, #tpu.memory_space<semaphore_mem>>
          tpu.wait_indirect_dma semaphore(%dma_wait3A_555 : memref<!tpu.dma_semaphore, #tpu.memory_space<semaphore_mem>>) src(%dma_wait3A_547 : memref<64x128xf32, #tpu.memory_space<vmem>>) dst(%dma_wait3A_553 : memref<10008x128xf32, #tpu.memory_space<vmem_shared>>)
        } else {
        }
        %dma_start3A_530 = arith.constant 0 : i32
        %dma_start3A_531 = arith.constant 0 : i32
        %dma_start3A_532 = arith.constant 0 : i32
        %dma_start3A_533 = tpu.memref_slice %arg7[%select_n3A_461, %dma_start3A_531, %dma_start3A_532] : memref<6x64x128xf32, #tpu.memory_space<vmem>> -> memref<1x64x128xf32, #tpu.memory_space<vmem>>
        %dma_start3A_534 = tpu.memref_squeeze %dma_start3A_533 : memref<1x64x128xf32, #tpu.memory_space<vmem>> -> memref<64x128xf32, #tpu.memory_space<vmem>>
        %dma_start3A_535 = arith.constant 0 : i32
        %dma_start3A_536 = tpu.memref_slice %arg6[%select_n3A_461, %dma_start3A_530, %dma_start3A_535] : memref<6x2x64xi32, #tpu.memory_space<vmem>> -> memref<1x1x64xi32, #tpu.memory_space<vmem>>
        %dma_start3A_537 = tpu.memref_squeeze %dma_start3A_536 : memref<1x1x64xi32, #tpu.memory_space<vmem>> -> memref<64xi32, #tpu.memory_space<vmem>>
        %dma_start3A_538 = arith.constant 0 : i32
        %dma_start3A_539 = arith.constant 0 : i32
        %dma_start3A_540 = tpu.memref_slice %arg2[%dma_start3A_538, %dma_start3A_539] : memref<10000x128xf32, #tpu.memory_space<hbm>> -> memref<10000x128xf32, #tpu.memory_space<hbm>>
        %dma_start3A_541 = tpu.memref_slice %arg10[%select_n3A_461] : memref<6x!tpu.dma_semaphore, #tpu.memory_space<semaphore_mem>> -> memref<1x!tpu.dma_semaphore, #tpu.memory_space<semaphore_mem>>
        %dma_start3A_542 = tpu.memref_squeeze %dma_start3A_541 : memref<1x!tpu.dma_semaphore, #tpu.memory_space<semaphore_mem>> -> memref<!tpu.dma_semaphore, #tpu.memory_space<semaphore_mem>>
        tpu.enqueue_indirect_dma source(%dma_start3A_540 : memref<10000x128xf32, #tpu.memory_space<hbm>>) target(%dma_start3A_534 : memref<64x128xf32, #tpu.memory_space<vmem>>) offsets(%dma_start3A_537 : memref<64xi32, #tpu.memory_space<vmem>>) semaphore(%dma_start3A_542 : memref<!tpu.dma_semaphore, #tpu.memory_space<semaphore_mem>>)
      } else {
      }
      %dma_wait3A_471 = arith.constant 0 : i32
      %dma_wait3A_472 = arith.constant 0 : i32
      %dma_wait3A_473 = arith.constant 0 : i32
      %dma_wait3A_474 = tpu.memref_slice %arg7[%select_n3A_442, %dma_wait3A_472, %dma_wait3A_473] : memref<6x64x128xf32, #tpu.memory_space<vmem>> -> memref<1x64x128xf32, #tpu.memory_space<vmem>>
      %dma_wait3A_475 = tpu.memref_squeeze %dma_wait3A_474 : memref<1x64x128xf32, #tpu.memory_space<vmem>> -> memref<64x128xf32, #tpu.memory_space<vmem>>
      %dma_wait3A_476 = arith.constant 0 : i32
      %dma_wait3A_477 = tpu.memref_slice %arg6[%select_n3A_442, %dma_wait3A_471, %dma_wait3A_476] : memref<6x2x64xi32, #tpu.memory_space<vmem>> -> memref<1x1x64xi32, #tpu.memory_space<vmem>>
      %dma_wait3A_478 = tpu.memref_squeeze %dma_wait3A_477 : memref<1x1x64xi32, #tpu.memory_space<vmem>> -> memref<64xi32, #tpu.memory_space<vmem>>
      %dma_wait3A_479 = arith.constant 0 : i32
      %dma_wait3A_480 = arith.constant 0 : i32
      %dma_wait3A_481 = tpu.memref_slice %arg2[%dma_wait3A_479, %dma_wait3A_480] : memref<10000x128xf32, #tpu.memory_space<hbm>> -> memref<10000x128xf32, #tpu.memory_space<hbm>>
      %dma_wait3A_482 = tpu.memref_slice %arg10[%select_n3A_442] : memref<6x!tpu.dma_semaphore, #tpu.memory_space<semaphore_mem>> -> memref<1x!tpu.dma_semaphore, #tpu.memory_space<semaphore_mem>>
      %dma_wait3A_483 = tpu.memref_squeeze %dma_wait3A_482 : memref<1x!tpu.dma_semaphore, #tpu.memory_space<semaphore_mem>> -> memref<!tpu.dma_semaphore, #tpu.memory_space<semaphore_mem>>
      tpu.wait_indirect_dma semaphore(%dma_wait3A_483 : memref<!tpu.dma_semaphore, #tpu.memory_space<semaphore_mem>>) src(%dma_wait3A_481 : memref<10000x128xf32, #tpu.memory_space<hbm>>) dst(%dma_wait3A_475 : memref<64x128xf32, #tpu.memory_space<vmem>>)
      %dma_start3A_484 = arith.constant 1 : i32
      %dma_start3A_485 = arith.constant 0 : i32
      %dma_start3A_486 = arith.constant 0 : i32
      %dma_start3A_487 = tpu.memref_slice %arg7[%select_n3A_442, %dma_start3A_485, %dma_start3A_486] : memref<6x64x128xf32, #tpu.memory_space<vmem>> -> memref<1x64x128xf32, #tpu.memory_space<vmem>>
      %dma_start3A_488 = tpu.memref_squeeze %dma_start3A_487 : memref<1x64x128xf32, #tpu.memory_space<vmem>> -> memref<64x128xf32, #tpu.memory_space<vmem>>
      %dma_start3A_489 = arith.constant 0 : i32
      %dma_start3A_490 = tpu.memref_slice %arg6[%select_n3A_442, %dma_start3A_484, %dma_start3A_489] : memref<6x2x64xi32, #tpu.memory_space<vmem>> -> memref<1x1x64xi32, #tpu.memory_space<vmem>>
      %dma_start3A_491 = tpu.memref_squeeze %dma_start3A_490 : memref<1x1x64xi32, #tpu.memory_space<vmem>> -> memref<64xi32, #tpu.memory_space<vmem>>
      %dma_start3A_492 = arith.constant 0 : i32
      %dma_start3A_493 = arith.constant 0 : i32
      %dma_start3A_494 = tpu.memref_slice %arg8[%dma_start3A_492, %dma_start3A_493] : memref<10008x128xf32, #tpu.memory_space<vmem_shared>> -> memref<10008x128xf32, #tpu.memory_space<vmem_shared>>
      %dma_start3A_495 = tpu.memref_slice %arg11[%select_n3A_442] : memref<6x!tpu.dma_semaphore, #tpu.memory_space<semaphore_mem>> -> memref<1x!tpu.dma_semaphore, #tpu.memory_space<semaphore_mem>>
      %dma_start3A_496 = tpu.memref_squeeze %dma_start3A_495 : memref<1x!tpu.dma_semaphore, #tpu.memory_space<semaphore_mem>> -> memref<!tpu.dma_semaphore, #tpu.memory_space<semaphore_mem>>
      tpu.enqueue_indirect_dma source(%dma_start3A_488 : memref<64x128xf32, #tpu.memory_space<vmem>>) target(%dma_start3A_494 : memref<10008x128xf32, #tpu.memory_space<vmem_shared>>) offsets(%dma_start3A_491 : memref<64xi32, #tpu.memory_space<vmem>>) semaphore(%dma_start3A_496 : memref<!tpu.dma_semaphore, #tpu.memory_space<semaphore_mem>>) {add = true}
      %add3A_497 = arith.constant 6 : i32
      %add3A_498 = arith.addi %add3A_431, %add3A_497 : i32
      %lt3A_499 = arith.constant 157 : i32
      %lt3A_500 = arith.cmpi slt, %add3A_498, %lt3A_499 : i32
      %convert_element_type3A_501 = arith.extui %lt3A_500 : i1 to i32
      %cond3A_502 = arith.constant 0 : i32
      %cond3A_503 = arith.cmpi ne, %convert_element_type3A_501, %cond3A_502 : i32
      scf.if %cond3A_503 {
        %add3A_504 = arith.constant 6 : i32
        %add3A_505 = arith.addi %add3A_431, %add3A_504 : i32
        %dma_start3A_506 = arith.constant 0 : i32
        %dma_start3A_507 = arith.constant 0 : i32
        %dma_start3A_508 = tpu.memref_slice %arg6[%select_n3A_442, %dma_start3A_506, %dma_start3A_507] : memref<6x2x64xi32, #tpu.memory_space<vmem>> -> memref<1x2x64xi32, #tpu.memory_space<vmem>>
        %dma_start3A_509 = tpu.memref_squeeze %dma_start3A_508 : memref<1x2x64xi32, #tpu.memory_space<vmem>> -> memref<2x64xi32, #tpu.memory_space<vmem>>
        %dma_start3A_510 = arith.constant 0 : i32
        %dma_start3A_511 = arith.constant 0 : i32
        %dma_start3A_512 = tpu.memref_slice %arg3[%add3A, %add3A_505, %dma_start3A_510, %dma_start3A_511] : memref<32x157x2x64xi32, #tpu.memory_space<hbm>> -> memref<1x1x2x64xi32, #tpu.memory_space<hbm>>
        %dma_start3A_513 = tpu.memref_squeeze %dma_start3A_512 : memref<1x1x2x64xi32, #tpu.memory_space<hbm>> -> memref<2x64xi32, #tpu.memory_space<hbm>>
        %dma_start3A_514 = tpu.memref_slice %arg9[%select_n3A_442] : memref<6x!tpu.dma_semaphore, #tpu.memory_space<semaphore_mem>> -> memref<1x!tpu.dma_semaphore, #tpu.memory_space<semaphore_mem>>
        %dma_start3A_515 = tpu.memref_squeeze %dma_start3A_514 : memref<1x!tpu.dma_semaphore, #tpu.memory_space<semaphore_mem>> -> memref<!tpu.dma_semaphore, #tpu.memory_space<semaphore_mem>>
        %dma_start3A_516 = arith.constant 0 : i32
        %dma_start3A_517 = arith.constant 0 : i32
        %dma_start3A_518 = tpu.memref_slice %arg6[%select_n3A_442, %dma_start3A_516, %dma_start3A_517] : memref<6x2x64xi32, #tpu.memory_space<vmem>> -> memref<1x2x64xi32, #tpu.memory_space<vmem>>
        %dma_start3A_519 = tpu.memref_squeeze %dma_start3A_518 : memref<1x2x64xi32, #tpu.memory_space<vmem>> -> memref<2x64xi32, #tpu.memory_space<vmem>>
        %dma_start3A_520 = arith.constant 0 : i32
        %dma_start3A_521 = arith.constant 0 : i32
        %dma_start3A_522 = tpu.memref_slice %arg3[%add3A, %add3A_505, %dma_start3A_520, %dma_start3A_521] : memref<32x157x2x64xi32, #tpu.memory_space<hbm>> -> memref<1x1x2x64xi32, #tpu.memory_space<hbm>>
        %dma_start3A_523 = tpu.memref_squeeze %dma_start3A_522 : memref<1x1x2x64xi32, #tpu.memory_space<hbm>> -> memref<2x64xi32, #tpu.memory_space<hbm>>
        tpu.enqueue_dma source(%dma_start3A_523 : memref<2x64xi32, #tpu.memory_space<hbm>>) target(%dma_start3A_519 : memref<2x64xi32, #tpu.memory_space<vmem>>) target_semaphore(%dma_start3A_515 : memref<!tpu.dma_semaphore, #tpu.memory_space<semaphore_mem>>)
      } else {
      }
    }
    %scan3A_319 = arith.constant 157 : i32
    %dma_wait3A_320 = arith.constant 1 : i32
    %dma_wait3A_321 = arith.constant 1 : i32
    %dma_wait3A_322 = arith.constant 1 : i32
    %dma_wait3A_323 = arith.constant 1 : i32
    %dma_wait3A_324 = arith.constant 0 : i32
    %dma_wait3A_325 = arith.constant 0 : i32
    %dma_wait3A_326 = tpu.memref_slice %arg7[%dma_wait3A_320, %dma_wait3A_324, %dma_wait3A_325] : memref<6x64x128xf32, #tpu.memory_space<vmem>> -> memref<1x64x128xf32, #tpu.memory_space<vmem>>
    %dma_wait3A_327 = tpu.memref_squeeze %dma_wait3A_326 : memref<1x64x128xf32, #tpu.memory_space<vmem>> -> memref<64x128xf32, #tpu.memory_space<vmem>>
    %dma_wait3A_328 = arith.constant 0 : i32
    %dma_wait3A_329 = tpu.memref_slice %arg6[%dma_wait3A_321, %dma_wait3A_322, %dma_wait3A_328] : memref<6x2x64xi32, #tpu.memory_space<vmem>> -> memref<1x1x64xi32, #tpu.memory_space<vmem>>
    %dma_wait3A_330 = tpu.memref_squeeze %dma_wait3A_329 : memref<1x1x64xi32, #tpu.memory_space<vmem>> -> memref<64xi32, #tpu.memory_space<vmem>>
    %dma_wait3A_331 = arith.constant 0 : i32
    %dma_wait3A_332 = arith.constant 0 : i32
    %dma_wait3A_333 = tpu.memref_slice %arg8[%dma_wait3A_331, %dma_wait3A_332] : memref<10008x128xf32, #tpu.memory_space<vmem_shared>> -> memref<10008x128xf32, #tpu.memory_space<vmem_shared>>
    %dma_wait3A_334 = tpu.memref_slice %arg11[%dma_wait3A_323] : memref<6x!tpu.dma_semaphore, #tpu.memory_space<semaphore_mem>> -> memref<1x!tpu.dma_semaphore, #tpu.memory_space<semaphore_mem>>
    %dma_wait3A_335 = tpu.memref_squeeze %dma_wait3A_334 : memref<1x!tpu.dma_semaphore, #tpu.memory_space<semaphore_mem>> -> memref<!tpu.dma_semaphore, #tpu.memory_space<semaphore_mem>>
    tpu.wait_indirect_dma semaphore(%dma_wait3A_335 : memref<!tpu.dma_semaphore, #tpu.memory_space<semaphore_mem>>) src(%dma_wait3A_327 : memref<64x128xf32, #tpu.memory_space<vmem>>) dst(%dma_wait3A_333 : memref<10008x128xf32, #tpu.memory_space<vmem_shared>>)
    %dma_wait3A_336 = arith.constant 2 : i32
    %dma_wait3A_337 = arith.constant 2 : i32
    %dma_wait3A_338 = arith.constant 1 : i32
    %dma_wait3A_339 = arith.constant 2 : i32
    %dma_wait3A_340 = arith.constant 0 : i32
    %dma_wait3A_341 = arith.constant 0 : i32
    %dma_wait3A_342 = tpu.memref_slice %arg7[%dma_wait3A_336, %dma_wait3A_340, %dma_wait3A_341] : memref<6x64x128xf32, #tpu.memory_space<vmem>> -> memref<1x64x128xf32, #tpu.memory_space<vmem>>
    %dma_wait3A_343 = tpu.memref_squeeze %dma_wait3A_342 : memref<1x64x128xf32, #tpu.memory_space<vmem>> -> memref<64x128xf32, #tpu.memory_space<vmem>>
    %dma_wait3A_344 = arith.constant 0 : i32
    %dma_wait3A_345 = tpu.memref_slice %arg6[%dma_wait3A_337, %dma_wait3A_338, %dma_wait3A_344] : memref<6x2x64xi32, #tpu.memory_space<vmem>> -> memref<1x1x64xi32, #tpu.memory_space<vmem>>
    %dma_wait3A_346 = tpu.memref_squeeze %dma_wait3A_345 : memref<1x1x64xi32, #tpu.memory_space<vmem>> -> memref<64xi32, #tpu.memory_space<vmem>>
    %dma_wait3A_347 = arith.constant 0 : i32
    %dma_wait3A_348 = arith.constant 0 : i32
    %dma_wait3A_349 = tpu.memref_slice %arg8[%dma_wait3A_347, %dma_wait3A_348] : memref<10008x128xf32, #tpu.memory_space<vmem_shared>> -> memref<10008x128xf32, #tpu.memory_space<vmem_shared>>
    %dma_wait3A_350 = tpu.memref_slice %arg11[%dma_wait3A_339] : memref<6x!tpu.dma_semaphore, #tpu.memory_space<semaphore_mem>> -> memref<1x!tpu.dma_semaphore, #tpu.memory_space<semaphore_mem>>
    %dma_wait3A_351 = tpu.memref_squeeze %dma_wait3A_350 : memref<1x!tpu.dma_semaphore, #tpu.memory_space<semaphore_mem>> -> memref<!tpu.dma_semaphore, #tpu.memory_space<semaphore_mem>>
    tpu.wait_indirect_dma semaphore(%dma_wait3A_351 : memref<!tpu.dma_semaphore, #tpu.memory_space<semaphore_mem>>) src(%dma_wait3A_343 : memref<64x128xf32, #tpu.memory_space<vmem>>) dst(%dma_wait3A_349 : memref<10008x128xf32, #tpu.memory_space<vmem_shared>>)
    %dma_wait3A_352 = arith.constant 3 : i32
    %dma_wait3A_353 = arith.constant 3 : i32
    %dma_wait3A_354 = arith.constant 1 : i32
    %dma_wait3A_355 = arith.constant 3 : i32
    %dma_wait3A_356 = arith.constant 0 : i32
    %dma_wait3A_357 = arith.constant 0 : i32
    %dma_wait3A_358 = tpu.memref_slice %arg7[%dma_wait3A_352, %dma_wait3A_356, %dma_wait3A_357] : memref<6x64x128xf32, #tpu.memory_space<vmem>> -> memref<1x64x128xf32, #tpu.memory_space<vmem>>
    %dma_wait3A_359 = tpu.memref_squeeze %dma_wait3A_358 : memref<1x64x128xf32, #tpu.memory_space<vmem>> -> memref<64x128xf32, #tpu.memory_space<vmem>>
    %dma_wait3A_360 = arith.constant 0 : i32
    %dma_wait3A_361 = tpu.memref_slice %arg6[%dma_wait3A_353, %dma_wait3A_354, %dma_wait3A_360] : memref<6x2x64xi32, #tpu.memory_space<vmem>> -> memref<1x1x64xi32, #tpu.memory_space<vmem>>
    %dma_wait3A_362 = tpu.memref_squeeze %dma_wait3A_361 : memref<1x1x64xi32, #tpu.memory_space<vmem>> -> memref<64xi32, #tpu.memory_space<vmem>>
    %dma_wait3A_363 = arith.constant 0 : i32
    %dma_wait3A_364 = arith.constant 0 : i32
    %dma_wait3A_365 = tpu.memref_slice %arg8[%dma_wait3A_363, %dma_wait3A_364] : memref<10008x128xf32, #tpu.memory_space<vmem_shared>> -> memref<10008x128xf32, #tpu.memory_space<vmem_shared>>
    %dma_wait3A_366 = tpu.memref_slice %arg11[%dma_wait3A_355] : memref<6x!tpu.dma_semaphore, #tpu.memory_space<semaphore_mem>> -> memref<1x!tpu.dma_semaphore, #tpu.memory_space<semaphore_mem>>
    %dma_wait3A_367 = tpu.memref_squeeze %dma_wait3A_366 : memref<1x!tpu.dma_semaphore, #tpu.memory_space<semaphore_mem>> -> memref<!tpu.dma_semaphore, #tpu.memory_space<semaphore_mem>>
    tpu.wait_indirect_dma semaphore(%dma_wait3A_367 : memref<!tpu.dma_semaphore, #tpu.memory_space<semaphore_mem>>) src(%dma_wait3A_359 : memref<64x128xf32, #tpu.memory_space<vmem>>) dst(%dma_wait3A_365 : memref<10008x128xf32, #tpu.memory_space<vmem_shared>>)
    %dma_wait3A_368 = arith.constant 4 : i32
    %dma_wait3A_369 = arith.constant 4 : i32
    %dma_wait3A_370 = arith.constant 1 : i32
    %dma_wait3A_371 = arith.constant 4 : i32
    %dma_wait3A_372 = arith.constant 0 : i32
    %dma_wait3A_373 = arith.constant 0 : i32
    %dma_wait3A_374 = tpu.memref_slice %arg7[%dma_wait3A_368, %dma_wait3A_372, %dma_wait3A_373] : memref<6x64x128xf32, #tpu.memory_space<vmem>> -> memref<1x64x128xf32, #tpu.memory_space<vmem>>
    %dma_wait3A_375 = tpu.memref_squeeze %dma_wait3A_374 : memref<1x64x128xf32, #tpu.memory_space<vmem>> -> memref<64x128xf32, #tpu.memory_space<vmem>>
    %dma_wait3A_376 = arith.constant 0 : i32
    %dma_wait3A_377 = tpu.memref_slice %arg6[%dma_wait3A_369, %dma_wait3A_370, %dma_wait3A_376] : memref<6x2x64xi32, #tpu.memory_space<vmem>> -> memref<1x1x64xi32, #tpu.memory_space<vmem>>
    %dma_wait3A_378 = tpu.memref_squeeze %dma_wait3A_377 : memref<1x1x64xi32, #tpu.memory_space<vmem>> -> memref<64xi32, #tpu.memory_space<vmem>>
    %dma_wait3A_379 = arith.constant 0 : i32
    %dma_wait3A_380 = arith.constant 0 : i32
    %dma_wait3A_381 = tpu.memref_slice %arg8[%dma_wait3A_379, %dma_wait3A_380] : memref<10008x128xf32, #tpu.memory_space<vmem_shared>> -> memref<10008x128xf32, #tpu.memory_space<vmem_shared>>
    %dma_wait3A_382 = tpu.memref_slice %arg11[%dma_wait3A_371] : memref<6x!tpu.dma_semaphore, #tpu.memory_space<semaphore_mem>> -> memref<1x!tpu.dma_semaphore, #tpu.memory_space<semaphore_mem>>
    %dma_wait3A_383 = tpu.memref_squeeze %dma_wait3A_382 : memref<1x!tpu.dma_semaphore, #tpu.memory_space<semaphore_mem>> -> memref<!tpu.dma_semaphore, #tpu.memory_space<semaphore_mem>>
    tpu.wait_indirect_dma semaphore(%dma_wait3A_383 : memref<!tpu.dma_semaphore, #tpu.memory_space<semaphore_mem>>) src(%dma_wait3A_375 : memref<64x128xf32, #tpu.memory_space<vmem>>) dst(%dma_wait3A_381 : memref<10008x128xf32, #tpu.memory_space<vmem_shared>>)
    %dma_wait3A_384 = arith.constant 5 : i32
    %dma_wait3A_385 = arith.constant 5 : i32
    %dma_wait3A_386 = arith.constant 1 : i32
    %dma_wait3A_387 = arith.constant 5 : i32
    %dma_wait3A_388 = arith.constant 0 : i32
    %dma_wait3A_389 = arith.constant 0 : i32
    %dma_wait3A_390 = tpu.memref_slice %arg7[%dma_wait3A_384, %dma_wait3A_388, %dma_wait3A_389] : memref<6x64x128xf32, #tpu.memory_space<vmem>> -> memref<1x64x128xf32, #tpu.memory_space<vmem>>
    %dma_wait3A_391 = tpu.memref_squeeze %dma_wait3A_390 : memref<1x64x128xf32, #tpu.memory_space<vmem>> -> memref<64x128xf32, #tpu.memory_space<vmem>>
    %dma_wait3A_392 = arith.constant 0 : i32
    %dma_wait3A_393 = tpu.memref_slice %arg6[%dma_wait3A_385, %dma_wait3A_386, %dma_wait3A_392] : memref<6x2x64xi32, #tpu.memory_space<vmem>> -> memref<1x1x64xi32, #tpu.memory_space<vmem>>
    %dma_wait3A_394 = tpu.memref_squeeze %dma_wait3A_393 : memref<1x1x64xi32, #tpu.memory_space<vmem>> -> memref<64xi32, #tpu.memory_space<vmem>>
    %dma_wait3A_395 = arith.constant 0 : i32
    %dma_wait3A_396 = arith.constant 0 : i32
    %dma_wait3A_397 = tpu.memref_slice %arg8[%dma_wait3A_395, %dma_wait3A_396] : memref<10008x128xf32, #tpu.memory_space<vmem_shared>> -> memref<10008x128xf32, #tpu.memory_space<vmem_shared>>
    %dma_wait3A_398 = tpu.memref_slice %arg11[%dma_wait3A_387] : memref<6x!tpu.dma_semaphore, #tpu.memory_space<semaphore_mem>> -> memref<1x!tpu.dma_semaphore, #tpu.memory_space<semaphore_mem>>
    %dma_wait3A_399 = tpu.memref_squeeze %dma_wait3A_398 : memref<1x!tpu.dma_semaphore, #tpu.memory_space<semaphore_mem>> -> memref<!tpu.dma_semaphore, #tpu.memory_space<semaphore_mem>>
    tpu.wait_indirect_dma semaphore(%dma_wait3A_399 : memref<!tpu.dma_semaphore, #tpu.memory_space<semaphore_mem>>) src(%dma_wait3A_391 : memref<64x128xf32, #tpu.memory_space<vmem>>) dst(%dma_wait3A_397 : memref<10008x128xf32, #tpu.memory_space<vmem_shared>>)
    %dma_wait3A_400 = arith.constant 0 : i32
    %dma_wait3A_401 = arith.constant 0 : i32
    %dma_wait3A_402 = arith.constant 1 : i32
    %dma_wait3A_403 = arith.constant 0 : i32
    %dma_wait3A_404 = arith.constant 0 : i32
    %dma_wait3A_405 = arith.constant 0 : i32
    %dma_wait3A_406 = tpu.memref_slice %arg7[%dma_wait3A_400, %dma_wait3A_404, %dma_wait3A_405] : memref<6x64x128xf32, #tpu.memory_space<vmem>> -> memref<1x64x128xf32, #tpu.memory_space<vmem>>
    %dma_wait3A_407 = tpu.memref_squeeze %dma_wait3A_406 : memref<1x64x128xf32, #tpu.memory_space<vmem>> -> memref<64x128xf32, #tpu.memory_space<vmem>>
    %dma_wait3A_408 = arith.constant 0 : i32
    %dma_wait3A_409 = tpu.memref_slice %arg6[%dma_wait3A_401, %dma_wait3A_402, %dma_wait3A_408] : memref<6x2x64xi32, #tpu.memory_space<vmem>> -> memref<1x1x64xi32, #tpu.memory_space<vmem>>
    %dma_wait3A_410 = tpu.memref_squeeze %dma_wait3A_409 : memref<1x1x64xi32, #tpu.memory_space<vmem>> -> memref<64xi32, #tpu.memory_space<vmem>>
    %dma_wait3A_411 = arith.constant 0 : i32
    %dma_wait3A_412 = arith.constant 0 : i32
    %dma_wait3A_413 = tpu.memref_slice %arg8[%dma_wait3A_411, %dma_wait3A_412] : memref<10008x128xf32, #tpu.memory_space<vmem_shared>> -> memref<10008x128xf32, #tpu.memory_space<vmem_shared>>
    %dma_wait3A_414 = tpu.memref_slice %arg11[%dma_wait3A_403] : memref<6x!tpu.dma_semaphore, #tpu.memory_space<semaphore_mem>> -> memref<1x!tpu.dma_semaphore, #tpu.memory_space<semaphore_mem>>
    %dma_wait3A_415 = tpu.memref_squeeze %dma_wait3A_414 : memref<1x!tpu.dma_semaphore, #tpu.memory_space<semaphore_mem>> -> memref<!tpu.dma_semaphore, #tpu.memory_space<semaphore_mem>>
    tpu.wait_indirect_dma semaphore(%dma_wait3A_415 : memref<!tpu.dma_semaphore, #tpu.memory_space<semaphore_mem>>) src(%dma_wait3A_407 : memref<64x128xf32, #tpu.memory_space<vmem>>) dst(%dma_wait3A_413 : memref<10008x128xf32, #tpu.memory_space<vmem_shared>>)
    %barrier3A_416 = arith.constant 0 : index
    tpu.barrier barrier_id(%barrier3A_416)
    %lt3A_417 = arith.constant 15 : i32
    %lt3A_418 = arith.cmpi slt, %arg1, %lt3A_417 : i32
    %convert_element_type3A_419 = arith.extui %lt3A_418 : i1 to i32
    %cond3A_420 = arith.constant 0 : i32
    %cond3A_421 = arith.cmpi ne, %convert_element_type3A_419, %cond3A_420 : i32
    scf.if %cond3A_421 {
      %mul3A_427 = arith.constant 632 : i32
      %mul3A_428 = arith.muli %arg1, %mul3A_427 : i32
      %mul3A_429 = arith.constant 632 : i32
      %mul3A_430 = arith.muli %arg1, %mul3A_429 : i32
      "tpu.region"() ({
        %run_scoped3A = tpu.sem_alloc : memref<!tpu.dma_semaphore, #tpu.memory_space<semaphore_mem>>
        %dma_start3A_431 = arith.constant 0 : i32
        %dma_start3A_432 = tpu.memref_slice %arg5[%arg0, %mul3A_430, %dma_start3A_431] : memref<2x10008x128xf32, #tpu.memory_space<hbm>> -> memref<1x632x128xf32, #tpu.memory_space<hbm>>
        %dma_start3A_433 = tpu.memref_squeeze %dma_start3A_432 : memref<1x632x128xf32, #tpu.memory_space<hbm>> -> memref<632x128xf32, #tpu.memory_space<hbm>>
        %dma_start3A_434 = arith.constant 0 : i32
        %dma_start3A_435 = tpu.memref_slice %arg8[%mul3A_428, %dma_start3A_434] : memref<10008x128xf32, #tpu.memory_space<vmem_shared>> -> memref<632x128xf32, #tpu.memory_space<vmem_shared>>
        tpu.enqueue_dma source(%dma_start3A_435 : memref<632x128xf32, #tpu.memory_space<vmem_shared>>) target(%dma_start3A_433 : memref<632x128xf32, #tpu.memory_space<hbm>>) target_semaphore(%run_scoped3A : memref<!tpu.dma_semaphore, #tpu.memory_space<semaphore_mem>>)
        %dma_wait3A_436 = arith.constant 0 : i32
        %dma_wait3A_437 = tpu.memref_slice %arg5[%arg0, %mul3A_430, %dma_wait3A_436] : memref<2x10008x128xf32, #tpu.memory_space<hbm>> -> memref<1x632x128xf32, #tpu.memory_space<hbm>>
        %dma_wait3A_438 = tpu.memref_squeeze %dma_wait3A_437 : memref<1x632x128xf32, #tpu.memory_space<hbm>> -> memref<632x128xf32, #tpu.memory_space<hbm>>
        %dma_wait3A_439 = arith.constant 0 : i32
        %dma_wait3A_440 = tpu.memref_slice %arg8[%mul3A_428, %dma_wait3A_439] : memref<10008x128xf32, #tpu.memory_space<vmem_shared>> -> memref<632x128xf32, #tpu.memory_space<vmem_shared>>
        tpu.wait_dma2 semaphore(%run_scoped3A : memref<!tpu.dma_semaphore, #tpu.memory_space<semaphore_mem>>) src(%dma_wait3A_440 : memref<632x128xf32, #tpu.memory_space<vmem_shared>>) dst(%dma_wait3A_438 : memref<632x128xf32, #tpu.memory_space<hbm>>)
        tpu.yield
      }) : () -> ()
    } else {
    }
    %eq3A_422 = arith.constant 15 : i32
    %eq3A_423 = arith.cmpi eq, %arg1, %eq3A_422 : i32
    %convert_element_type3A_424 = arith.extui %eq3A_423 : i1 to i32
    %cond3A_425 = arith.constant 0 : i32
    %cond3A_426 = arith.cmpi ne, %convert_element_type3A_424, %cond3A_425 : i32
    scf.if %cond3A_426 {
      %mul3A_427 = arith.constant 632 : i32
      %mul3A_428 = arith.muli %arg1, %mul3A_427 : i32
      %mul3A_429 = arith.constant 632 : i32
      %mul3A_430 = arith.muli %arg1, %mul3A_429 : i32
      "tpu.region"() ({
        %run_scoped3A = tpu.sem_alloc : memref<!tpu.dma_semaphore, #tpu.memory_space<semaphore_mem>>
        %dma_start3A_431 = arith.constant 0 : i32
        %dma_start3A_432 = tpu.memref_slice %arg5[%arg0, %mul3A_430, %dma_start3A_431] : memref<2x10008x128xf32, #tpu.memory_space<hbm>> -> memref<1x528x128xf32, #tpu.memory_space<hbm>>
        %dma_start3A_433 = tpu.memref_squeeze %dma_start3A_432 : memref<1x528x128xf32, #tpu.memory_space<hbm>> -> memref<528x128xf32, #tpu.memory_space<hbm>>
        %dma_start3A_434 = arith.constant 0 : i32
        %dma_start3A_435 = tpu.memref_slice %arg8[%mul3A_428, %dma_start3A_434] : memref<10008x128xf32, #tpu.memory_space<vmem_shared>> -> memref<528x128xf32, #tpu.memory_space<vmem_shared>>
        tpu.enqueue_dma source(%dma_start3A_435 : memref<528x128xf32, #tpu.memory_space<vmem_shared>>) target(%dma_start3A_433 : memref<528x128xf32, #tpu.memory_space<hbm>>) target_semaphore(%run_scoped3A : memref<!tpu.dma_semaphore, #tpu.memory_space<semaphore_mem>>)
        %dma_wait3A_436 = arith.constant 0 : i32
        %dma_wait3A_437 = tpu.memref_slice %arg5[%arg0, %mul3A_430, %dma_wait3A_436] : memref<2x10008x128xf32, #tpu.memory_space<hbm>> -> memref<1x528x128xf32, #tpu.memory_space<hbm>>
        %dma_wait3A_438 = tpu.memref_squeeze %dma_wait3A_437 : memref<1x528x128xf32, #tpu.memory_space<hbm>> -> memref<528x128xf32, #tpu.memory_space<hbm>>
        %dma_wait3A_439 = arith.constant 0 : i32
        %dma_wait3A_440 = tpu.memref_slice %arg8[%mul3A_428, %dma_wait3A_439] : memref<10008x128xf32, #tpu.memory_space<vmem_shared>> -> memref<528x128xf32, #tpu.memory_space<vmem_shared>>
        tpu.wait_dma2 semaphore(%run_scoped3A : memref<!tpu.dma_semaphore, #tpu.memory_space<semaphore_mem>>) src(%dma_wait3A_440 : memref<528x128xf32, #tpu.memory_space<vmem_shared>>) dst(%dma_wait3A_438 : memref<528x128xf32, #tpu.memory_space<hbm>>)
        tpu.yield
      }) : () -> ()
    } else {
    }
    return
  }
}

#map = affine_map<(d0, d1) -> (0, 0)>
#map1 = affine_map<(d0, d1) -> (0, 0, 0, 0)>
#map2 = affine_map<(d0, d1) -> (0, 0, 0)>
module attributes {stable_mosaic.version = 14 : i64} {
  func.func @k(%arg0: i32, %arg1: i32, %arg2: memref<10000x128xf32, #tpu.memory_space<hbm>>, %arg3: memref<32x157x2x64xi32, #tpu.memory_space<hbm>>, %arg4: memref<10008x128xf32, #tpu.memory_space<hbm>>, %arg5: memref<2x10008x128xf32, #tpu.memory_space<hbm>>, %arg6: memref<6x2x64xi32, #tpu.memory_space<vmem>>, %arg7: memref<6x64x128xf32, #tpu.memory_space<vmem>>, %arg8: memref<10008x128xf32, #tpu.memory_space<vmem_shared>>, %arg9: memref<6x!tpu.dma_semaphore, #tpu.memory_space<semaphore_mem>>, %arg10: memref<6x!tpu.dma_semaphore, #tpu.memory_space<semaphore_mem>>, %arg11: memref<6x!tpu.dma_semaphore, #tpu.memory_space<semaphore_mem>>) attributes {dimension_semantics = [#tpu.dimension_semantics<core_parallel>, #tpu.dimension_semantics<subcore_parallel>], iteration_bounds = array<i64: 2, 16>, scalar_prefetch = 0 : i64, scratch_operands = 6 : i64, tpu.core_type = #tpu.core_type<sc_vector_subcore>, window_params = [{transform_indices = #map}, {transform_indices = #map1}, {transform_indices = #map}, {transform_indices = #map2}]} {
    %mul3A = arith.constant 16 : i32
    %mul3A_0 = arith.muli %arg0, %mul3A : i32
    %add3A = arith.addi %mul3A_0, %arg1 : i32
    %dma_start3A = arith.constant 0 : i32
    %dma_start3A_1 = arith.constant 0 : i32
    %dma_start3A_2 = arith.constant 0 : i32
    %dma_start3A_3 = arith.constant 0 : i32
    %dma_start3A_4 = arith.constant 0 : i32
    %dma_start3A_5 = tpu.memref_slice %arg6[%dma_start3A_1, %dma_start3A_3, %dma_start3A_4] : memref<6x2x64xi32, #tpu.memory_space<vmem>> -> memref<1x2x64xi32, #tpu.memory_space<vmem>>
    %dma_start3A_6 = tpu.memref_squeeze %dma_start3A_5 : memref<1x2x64xi32, #tpu.memory_space<vmem>> -> memref<2x64xi32, #tpu.memory_space<vmem>>
    %dma_start3A_7 = arith.constant 0 : i32
    %dma_start3A_8 = arith.constant 0 : i32
    %dma_start3A_9 = tpu.memref_slice %arg3[%add3A, %dma_start3A, %dma_start3A_7, %dma_start3A_8] : memref<32x157x2x64xi32, #tpu.memory_space<hbm>> -> memref<1x1x2x64xi32, #tpu.memory_space<hbm>>
    %dma_start3A_10 = tpu.memref_squeeze %dma_start3A_9 : memref<1x1x2x64xi32, #tpu.memory_space<hbm>> -> memref<2x64xi32, #tpu.memory_space<hbm>>
    %dma_start3A_11 = tpu.memref_slice %arg9[%dma_start3A_2] : memref<6x!tpu.dma_semaphore, #tpu.memory_space<semaphore_mem>> -> memref<1x!tpu.dma_semaphore, #tpu.memory_space<semaphore_mem>>
    %dma_start3A_12 = tpu.memref_squeeze %dma_start3A_11 : memref<1x!tpu.dma_semaphore, #tpu.memory_space<semaphore_mem>> -> memref<!tpu.dma_semaphore, #tpu.memory_space<semaphore_mem>>
    %dma_start3A_13 = arith.constant 0 : i32
    %dma_start3A_14 = arith.constant 0 : i32
    %dma_start3A_15 = tpu.memref_slice %arg6[%dma_start3A_1, %dma_start3A_13, %dma_start3A_14] : memref<6x2x64xi32, #tpu.memory_space<vmem>> -> memref<1x2x64xi32, #tpu.memory_space<vmem>>
    %dma_start3A_16 = tpu.memref_squeeze %dma_start3A_15 : memref<1x2x64xi32, #tpu.memory_space<vmem>> -> memref<2x64xi32, #tpu.memory_space<vmem>>
    %dma_start3A_17 = arith.constant 0 : i32
    %dma_start3A_18 = arith.constant 0 : i32
    %dma_start3A_19 = tpu.memref_slice %arg3[%add3A, %dma_start3A, %dma_start3A_17, %dma_start3A_18] : memref<32x157x2x64xi32, #tpu.memory_space<hbm>> -> memref<1x1x2x64xi32, #tpu.memory_space<hbm>>
    %dma_start3A_20 = tpu.memref_squeeze %dma_start3A_19 : memref<1x1x2x64xi32, #tpu.memory_space<hbm>> -> memref<2x64xi32, #tpu.memory_space<hbm>>
    tpu.enqueue_dma source(%dma_start3A_20 : memref<2x64xi32, #tpu.memory_space<hbm>>) target(%dma_start3A_16 : memref<2x64xi32, #tpu.memory_space<vmem>>) target_semaphore(%dma_start3A_12 : memref<!tpu.dma_semaphore, #tpu.memory_space<semaphore_mem>>)
    %dma_start3A_21 = arith.constant 1 : i32
    %dma_start3A_22 = arith.constant 1 : i32
    %dma_start3A_23 = arith.constant 1 : i32
    %dma_start3A_24 = arith.constant 0 : i32
    %dma_start3A_25 = arith.constant 0 : i32
    %dma_start3A_26 = tpu.memref_slice %arg6[%dma_start3A_22, %dma_start3A_24, %dma_start3A_25] : memref<6x2x64xi32, #tpu.memory_space<vmem>> -> memref<1x2x64xi32, #tpu.memory_space<vmem>>
    %dma_start3A_27 = tpu.memref_squeeze %dma_start3A_26 : memref<1x2x64xi32, #tpu.memory_space<vmem>> -> memref<2x64xi32, #tpu.memory_space<vmem>>
    %dma_start3A_28 = arith.constant 0 : i32
    %dma_start3A_29 = arith.constant 0 : i32
    %dma_start3A_30 = tpu.memref_slice %arg3[%add3A, %dma_start3A_21, %dma_start3A_28, %dma_start3A_29] : memref<32x157x2x64xi32, #tpu.memory_space<hbm>> -> memref<1x1x2x64xi32, #tpu.memory_space<hbm>>
    %dma_start3A_31 = tpu.memref_squeeze %dma_start3A_30 : memref<1x1x2x64xi32, #tpu.memory_space<hbm>> -> memref<2x64xi32, #tpu.memory_space<hbm>>
    %dma_start3A_32 = tpu.memref_slice %arg9[%dma_start3A_23] : memref<6x!tpu.dma_semaphore, #tpu.memory_space<semaphore_mem>> -> memref<1x!tpu.dma_semaphore, #tpu.memory_space<semaphore_mem>>
    %dma_start3A_33 = tpu.memref_squeeze %dma_start3A_32 : memref<1x!tpu.dma_semaphore, #tpu.memory_space<semaphore_mem>> -> memref<!tpu.dma_semaphore, #tpu.memory_space<semaphore_mem>>
    %dma_start3A_34 = arith.constant 0 : i32
    %dma_start3A_35 = arith.constant 0 : i32
    %dma_start3A_36 = tpu.memref_slice %arg6[%dma_start3A_22, %dma_start3A_34, %dma_start3A_35] : memref<6x2x64xi32, #tpu.memory_space<vmem>> -> memref<1x2x64xi32, #tpu.memory_space<vmem>>
    %dma_start3A_37 = tpu.memref_squeeze %dma_start3A_36 : memref<1x2x64xi32, #tpu.memory_space<vmem>> -> memref<2x64xi32, #tpu.memory_space<vmem>>
    %dma_start3A_38 = arith.constant 0 : i32
    %dma_start3A_39 = arith.constant 0 : i32
    %dma_start3A_40 = tpu.memref_slice %arg3[%add3A, %dma_start3A_21, %dma_start3A_38, %dma_start3A_39] : memref<32x157x2x64xi32, #tpu.memory_space<hbm>> -> memref<1x1x2x64xi32, #tpu.memory_space<hbm>>
    %dma_start3A_41 = tpu.memref_squeeze %dma_start3A_40 : memref<1x1x2x64xi32, #tpu.memory_space<hbm>> -> memref<2x64xi32, #tpu.memory_space<hbm>>
    tpu.enqueue_dma source(%dma_start3A_41 : memref<2x64xi32, #tpu.memory_space<hbm>>) target(%dma_start3A_37 : memref<2x64xi32, #tpu.memory_space<vmem>>) target_semaphore(%dma_start3A_33 : memref<!tpu.dma_semaphore, #tpu.memory_space<semaphore_mem>>)
    %dma_start3A_42 = arith.constant 2 : i32
    %dma_start3A_43 = arith.constant 2 : i32
    %dma_start3A_44 = arith.constant 2 : i32
    %dma_start3A_45 = arith.constant 0 : i32
    %dma_start3A_46 = arith.constant 0 : i32
    %dma_start3A_47 = tpu.memref_slice %arg6[%dma_start3A_43, %dma_start3A_45, %dma_start3A_46] : memref<6x2x64xi32, #tpu.memory_space<vmem>> -> memref<1x2x64xi32, #tpu.memory_space<vmem>>
    %dma_start3A_48 = tpu.memref_squeeze %dma_start3A_47 : memref<1x2x64xi32, #tpu.memory_space<vmem>> -> memref<2x64xi32, #tpu.memory_space<vmem>>
    %dma_start3A_49 = arith.constant 0 : i32
    %dma_start3A_50 = arith.constant 0 : i32
    %dma_start3A_51 = tpu.memref_slice %arg3[%add3A, %dma_start3A_42, %dma_start3A_49, %dma_start3A_50] : memref<32x157x2x64xi32, #tpu.memory_space<hbm>> -> memref<1x1x2x64xi32, #tpu.memory_space<hbm>>
    %dma_start3A_52 = tpu.memref_squeeze %dma_start3A_51 : memref<1x1x2x64xi32, #tpu.memory_space<hbm>> -> memref<2x64xi32, #tpu.memory_space<hbm>>
    %dma_start3A_53 = tpu.memref_slice %arg9[%dma_start3A_44] : memref<6x!tpu.dma_semaphore, #tpu.memory_space<semaphore_mem>> -> memref<1x!tpu.dma_semaphore, #tpu.memory_space<semaphore_mem>>
    %dma_start3A_54 = tpu.memref_squeeze %dma_start3A_53 : memref<1x!tpu.dma_semaphore, #tpu.memory_space<semaphore_mem>> -> memref<!tpu.dma_semaphore, #tpu.memory_space<semaphore_mem>>
    %dma_start3A_55 = arith.constant 0 : i32
    %dma_start3A_56 = arith.constant 0 : i32
    %dma_start3A_57 = tpu.memref_slice %arg6[%dma_start3A_43, %dma_start3A_55, %dma_start3A_56] : memref<6x2x64xi32, #tpu.memory_space<vmem>> -> memref<1x2x64xi32, #tpu.memory_space<vmem>>
    %dma_start3A_58 = tpu.memref_squeeze %dma_start3A_57 : memref<1x2x64xi32, #tpu.memory_space<vmem>> -> memref<2x64xi32, #tpu.memory_space<vmem>>
    %dma_start3A_59 = arith.constant 0 : i32
    %dma_start3A_60 = arith.constant 0 : i32
    %dma_start3A_61 = tpu.memref_slice %arg3[%add3A, %dma_start3A_42, %dma_start3A_59, %dma_start3A_60] : memref<32x157x2x64xi32, #tpu.memory_space<hbm>> -> memref<1x1x2x64xi32, #tpu.memory_space<hbm>>
    %dma_start3A_62 = tpu.memref_squeeze %dma_start3A_61 : memref<1x1x2x64xi32, #tpu.memory_space<hbm>> -> memref<2x64xi32, #tpu.memory_space<hbm>>
    tpu.enqueue_dma source(%dma_start3A_62 : memref<2x64xi32, #tpu.memory_space<hbm>>) target(%dma_start3A_58 : memref<2x64xi32, #tpu.memory_space<vmem>>) target_semaphore(%dma_start3A_54 : memref<!tpu.dma_semaphore, #tpu.memory_space<semaphore_mem>>)
    %dma_start3A_63 = arith.constant 3 : i32
    %dma_start3A_64 = arith.constant 3 : i32
    %dma_start3A_65 = arith.constant 3 : i32
    %dma_start3A_66 = arith.constant 0 : i32
    %dma_start3A_67 = arith.constant 0 : i32
    %dma_start3A_68 = tpu.memref_slice %arg6[%dma_start3A_64, %dma_start3A_66, %dma_start3A_67] : memref<6x2x64xi32, #tpu.memory_space<vmem>> -> memref<1x2x64xi32, #tpu.memory_space<vmem>>
    %dma_start3A_69 = tpu.memref_squeeze %dma_start3A_68 : memref<1x2x64xi32, #tpu.memory_space<vmem>> -> memref<2x64xi32, #tpu.memory_space<vmem>>
    %dma_start3A_70 = arith.constant 0 : i32
    %dma_start3A_71 = arith.constant 0 : i32
    %dma_start3A_72 = tpu.memref_slice %arg3[%add3A, %dma_start3A_63, %dma_start3A_70, %dma_start3A_71] : memref<32x157x2x64xi32, #tpu.memory_space<hbm>> -> memref<1x1x2x64xi32, #tpu.memory_space<hbm>>
    %dma_start3A_73 = tpu.memref_squeeze %dma_start3A_72 : memref<1x1x2x64xi32, #tpu.memory_space<hbm>> -> memref<2x64xi32, #tpu.memory_space<hbm>>
    %dma_start3A_74 = tpu.memref_slice %arg9[%dma_start3A_65] : memref<6x!tpu.dma_semaphore, #tpu.memory_space<semaphore_mem>> -> memref<1x!tpu.dma_semaphore, #tpu.memory_space<semaphore_mem>>
    %dma_start3A_75 = tpu.memref_squeeze %dma_start3A_74 : memref<1x!tpu.dma_semaphore, #tpu.memory_space<semaphore_mem>> -> memref<!tpu.dma_semaphore, #tpu.memory_space<semaphore_mem>>
    %dma_start3A_76 = arith.constant 0 : i32
    %dma_start3A_77 = arith.constant 0 : i32
    %dma_start3A_78 = tpu.memref_slice %arg6[%dma_start3A_64, %dma_start3A_76, %dma_start3A_77] : memref<6x2x64xi32, #tpu.memory_space<vmem>> -> memref<1x2x64xi32, #tpu.memory_space<vmem>>
    %dma_start3A_79 = tpu.memref_squeeze %dma_start3A_78 : memref<1x2x64xi32, #tpu.memory_space<vmem>> -> memref<2x64xi32, #tpu.memory_space<vmem>>
    %dma_start3A_80 = arith.constant 0 : i32
    %dma_start3A_81 = arith.constant 0 : i32
    %dma_start3A_82 = tpu.memref_slice %arg3[%add3A, %dma_start3A_63, %dma_start3A_80, %dma_start3A_81] : memref<32x157x2x64xi32, #tpu.memory_space<hbm>> -> memref<1x1x2x64xi32, #tpu.memory_space<hbm>>
    %dma_start3A_83 = tpu.memref_squeeze %dma_start3A_82 : memref<1x1x2x64xi32, #tpu.memory_space<hbm>> -> memref<2x64xi32, #tpu.memory_space<hbm>>
    tpu.enqueue_dma source(%dma_start3A_83 : memref<2x64xi32, #tpu.memory_space<hbm>>) target(%dma_start3A_79 : memref<2x64xi32, #tpu.memory_space<vmem>>) target_semaphore(%dma_start3A_75 : memref<!tpu.dma_semaphore, #tpu.memory_space<semaphore_mem>>)
    %dma_start3A_84 = arith.constant 4 : i32
    %dma_start3A_85 = arith.constant 4 : i32
    %dma_start3A_86 = arith.constant 4 : i32
    %dma_start3A_87 = arith.constant 0 : i32
    %dma_start3A_88 = arith.constant 0 : i32
    %dma_start3A_89 = tpu.memref_slice %arg6[%dma_start3A_85, %dma_start3A_87, %dma_start3A_88] : memref<6x2x64xi32, #tpu.memory_space<vmem>> -> memref<1x2x64xi32, #tpu.memory_space<vmem>>
    %dma_start3A_90 = tpu.memref_squeeze %dma_start3A_89 : memref<1x2x64xi32, #tpu.memory_space<vmem>> -> memref<2x64xi32, #tpu.memory_space<vmem>>
    %dma_start3A_91 = arith.constant 0 : i32
    %dma_start3A_92 = arith.constant 0 : i32
    %dma_start3A_93 = tpu.memref_slice %arg3[%add3A, %dma_start3A_84, %dma_start3A_91, %dma_start3A_92] : memref<32x157x2x64xi32, #tpu.memory_space<hbm>> -> memref<1x1x2x64xi32, #tpu.memory_space<hbm>>
    %dma_start3A_94 = tpu.memref_squeeze %dma_start3A_93 : memref<1x1x2x64xi32, #tpu.memory_space<hbm>> -> memref<2x64xi32, #tpu.memory_space<hbm>>
    %dma_start3A_95 = tpu.memref_slice %arg9[%dma_start3A_86] : memref<6x!tpu.dma_semaphore, #tpu.memory_space<semaphore_mem>> -> memref<1x!tpu.dma_semaphore, #tpu.memory_space<semaphore_mem>>
    %dma_start3A_96 = tpu.memref_squeeze %dma_start3A_95 : memref<1x!tpu.dma_semaphore, #tpu.memory_space<semaphore_mem>> -> memref<!tpu.dma_semaphore, #tpu.memory_space<semaphore_mem>>
    %dma_start3A_97 = arith.constant 0 : i32
    %dma_start3A_98 = arith.constant 0 : i32
    %dma_start3A_99 = tpu.memref_slice %arg6[%dma_start3A_85, %dma_start3A_97, %dma_start3A_98] : memref<6x2x64xi32, #tpu.memory_space<vmem>> -> memref<1x2x64xi32, #tpu.memory_space<vmem>>
    %dma_start3A_100 = tpu.memref_squeeze %dma_start3A_99 : memref<1x2x64xi32, #tpu.memory_space<vmem>> -> memref<2x64xi32, #tpu.memory_space<vmem>>
    %dma_start3A_101 = arith.constant 0 : i32
    %dma_start3A_102 = arith.constant 0 : i32
    %dma_start3A_103 = tpu.memref_slice %arg3[%add3A, %dma_start3A_84, %dma_start3A_101, %dma_start3A_102] : memref<32x157x2x64xi32, #tpu.memory_space<hbm>> -> memref<1x1x2x64xi32, #tpu.memory_space<hbm>>
    %dma_start3A_104 = tpu.memref_squeeze %dma_start3A_103 : memref<1x1x2x64xi32, #tpu.memory_space<hbm>> -> memref<2x64xi32, #tpu.memory_space<hbm>>
    tpu.enqueue_dma source(%dma_start3A_104 : memref<2x64xi32, #tpu.memory_space<hbm>>) target(%dma_start3A_100 : memref<2x64xi32, #tpu.memory_space<vmem>>) target_semaphore(%dma_start3A_96 : memref<!tpu.dma_semaphore, #tpu.memory_space<semaphore_mem>>)
    %dma_start3A_105 = arith.constant 5 : i32
    %dma_start3A_106 = arith.constant 5 : i32
    %dma_start3A_107 = arith.constant 5 : i32
    %dma_start3A_108 = arith.constant 0 : i32
    %dma_start3A_109 = arith.constant 0 : i32
    %dma_start3A_110 = tpu.memref_slice %arg6[%dma_start3A_106, %dma_start3A_108, %dma_start3A_109] : memref<6x2x64xi32, #tpu.memory_space<vmem>> -> memref<1x2x64xi32, #tpu.memory_space<vmem>>
    %dma_start3A_111 = tpu.memref_squeeze %dma_start3A_110 : memref<1x2x64xi32, #tpu.memory_space<vmem>> -> memref<2x64xi32, #tpu.memory_space<vmem>>
    %dma_start3A_112 = arith.constant 0 : i32
    %dma_start3A_113 = arith.constant 0 : i32
    %dma_start3A_114 = tpu.memref_slice %arg3[%add3A, %dma_start3A_105, %dma_start3A_112, %dma_start3A_113] : memref<32x157x2x64xi32, #tpu.memory_space<hbm>> -> memref<1x1x2x64xi32, #tpu.memory_space<hbm>>
    %dma_start3A_115 = tpu.memref_squeeze %dma_start3A_114 : memref<1x1x2x64xi32, #tpu.memory_space<hbm>> -> memref<2x64xi32, #tpu.memory_space<hbm>>
    %dma_start3A_116 = tpu.memref_slice %arg9[%dma_start3A_107] : memref<6x!tpu.dma_semaphore, #tpu.memory_space<semaphore_mem>> -> memref<1x!tpu.dma_semaphore, #tpu.memory_space<semaphore_mem>>
    %dma_start3A_117 = tpu.memref_squeeze %dma_start3A_116 : memref<1x!tpu.dma_semaphore, #tpu.memory_space<semaphore_mem>> -> memref<!tpu.dma_semaphore, #tpu.memory_space<semaphore_mem>>
    %dma_start3A_118 = arith.constant 0 : i32
    %dma_start3A_119 = arith.constant 0 : i32
    %dma_start3A_120 = tpu.memref_slice %arg6[%dma_start3A_106, %dma_start3A_118, %dma_start3A_119] : memref<6x2x64xi32, #tpu.memory_space<vmem>> -> memref<1x2x64xi32, #tpu.memory_space<vmem>>
    %dma_start3A_121 = tpu.memref_squeeze %dma_start3A_120 : memref<1x2x64xi32, #tpu.memory_space<vmem>> -> memref<2x64xi32, #tpu.memory_space<vmem>>
    %dma_start3A_122 = arith.constant 0 : i32
    %dma_start3A_123 = arith.constant 0 : i32
    %dma_start3A_124 = tpu.memref_slice %arg3[%add3A, %dma_start3A_105, %dma_start3A_122, %dma_start3A_123] : memref<32x157x2x64xi32, #tpu.memory_space<hbm>> -> memref<1x1x2x64xi32, #tpu.memory_space<hbm>>
    %dma_start3A_125 = tpu.memref_squeeze %dma_start3A_124 : memref<1x1x2x64xi32, #tpu.memory_space<hbm>> -> memref<2x64xi32, #tpu.memory_space<hbm>>
    tpu.enqueue_dma source(%dma_start3A_125 : memref<2x64xi32, #tpu.memory_space<hbm>>) target(%dma_start3A_121 : memref<2x64xi32, #tpu.memory_space<vmem>>) target_semaphore(%dma_start3A_117 : memref<!tpu.dma_semaphore, #tpu.memory_space<semaphore_mem>>)
    %dma_wait3A = arith.constant 0 : i32
    %dma_wait3A_126 = arith.constant 0 : i32
    %dma_wait3A_127 = arith.constant 0 : i32
    %dma_wait3A_128 = arith.constant 0 : i32
    %dma_wait3A_129 = arith.constant 0 : i32
    %dma_wait3A_130 = tpu.memref_slice %arg6[%dma_wait3A_126, %dma_wait3A_128, %dma_wait3A_129] : memref<6x2x64xi32, #tpu.memory_space<vmem>> -> memref<1x2x64xi32, #tpu.memory_space<vmem>>
    %dma_wait3A_131 = tpu.memref_squeeze %dma_wait3A_130 : memref<1x2x64xi32, #tpu.memory_space<vmem>> -> memref<2x64xi32, #tpu.memory_space<vmem>>
    %dma_wait3A_132 = arith.constant 0 : i32
    %dma_wait3A_133 = arith.constant 0 : i32
    %dma_wait3A_134 = tpu.memref_slice %arg3[%add3A, %dma_wait3A, %dma_wait3A_132, %dma_wait3A_133] : memref<32x157x2x64xi32, #tpu.memory_space<hbm>> -> memref<1x1x2x64xi32, #tpu.memory_space<hbm>>
    %dma_wait3A_135 = tpu.memref_squeeze %dma_wait3A_134 : memref<1x1x2x64xi32, #tpu.memory_space<hbm>> -> memref<2x64xi32, #tpu.memory_space<hbm>>
    %dma_wait3A_136 = tpu.memref_slice %arg9[%dma_wait3A_127] : memref<6x!tpu.dma_semaphore, #tpu.memory_space<semaphore_mem>> -> memref<1x!tpu.dma_semaphore, #tpu.memory_space<semaphore_mem>>
    %dma_wait3A_137 = tpu.memref_squeeze %dma_wait3A_136 : memref<1x!tpu.dma_semaphore, #tpu.memory_space<semaphore_mem>> -> memref<!tpu.dma_semaphore, #tpu.memory_space<semaphore_mem>>
    %dma_wait3A_138 = arith.constant 0 : i32
    %dma_wait3A_139 = arith.constant 0 : i32
    %dma_wait3A_140 = tpu.memref_slice %arg6[%dma_wait3A_126, %dma_wait3A_138, %dma_wait3A_139] : memref<6x2x64xi32, #tpu.memory_space<vmem>> -> memref<1x2x64xi32, #tpu.memory_space<vmem>>
    %dma_wait3A_141 = tpu.memref_squeeze %dma_wait3A_140 : memref<1x2x64xi32, #tpu.memory_space<vmem>> -> memref<2x64xi32, #tpu.memory_space<vmem>>
    %dma_wait3A_142 = arith.constant 0 : i32
    %dma_wait3A_143 = arith.constant 0 : i32
    %dma_wait3A_144 = tpu.memref_slice %arg3[%add3A, %dma_wait3A, %dma_wait3A_142, %dma_wait3A_143] : memref<32x157x2x64xi32, #tpu.memory_space<hbm>> -> memref<1x1x2x64xi32, #tpu.memory_space<hbm>>
    %dma_wait3A_145 = tpu.memref_squeeze %dma_wait3A_144 : memref<1x1x2x64xi32, #tpu.memory_space<hbm>> -> memref<2x64xi32, #tpu.memory_space<hbm>>
    tpu.wait_dma2 semaphore(%dma_wait3A_137 : memref<!tpu.dma_semaphore, #tpu.memory_space<semaphore_mem>>) src(%dma_wait3A_145 : memref<2x64xi32, #tpu.memory_space<hbm>>) dst(%dma_wait3A_141 : memref<2x64xi32, #tpu.memory_space<vmem>>)
    %dma_start3A_146 = arith.constant 0 : i32
    %dma_start3A_147 = arith.constant 0 : i32
    %dma_start3A_148 = arith.constant 0 : i32
    %dma_start3A_149 = arith.constant 0 : i32
    %dma_start3A_150 = arith.constant 0 : i32
    %dma_start3A_151 = arith.constant 0 : i32
    %dma_start3A_152 = tpu.memref_slice %arg7[%dma_start3A_148, %dma_start3A_150, %dma_start3A_151] : memref<6x64x128xf32, #tpu.memory_space<vmem>> -> memref<1x64x128xf32, #tpu.memory_space<vmem>>
    %dma_start3A_153 = tpu.memref_squeeze %dma_start3A_152 : memref<1x64x128xf32, #tpu.memory_space<vmem>> -> memref<64x128xf32, #tpu.memory_space<vmem>>
    %dma_start3A_154 = arith.constant 0 : i32
    %dma_start3A_155 = tpu.memref_slice %arg6[%dma_start3A_146, %dma_start3A_147, %dma_start3A_154] : memref<6x2x64xi32, #tpu.memory_space<vmem>> -> memref<1x1x64xi32, #tpu.memory_space<vmem>>
    %dma_start3A_156 = tpu.memref_squeeze %dma_start3A_155 : memref<1x1x64xi32, #tpu.memory_space<vmem>> -> memref<64xi32, #tpu.memory_space<vmem>>
    %dma_start3A_157 = arith.constant 0 : i32
    %dma_start3A_158 = arith.constant 0 : i32
    %dma_start3A_159 = tpu.memref_slice %arg2[%dma_start3A_157, %dma_start3A_158] : memref<10000x128xf32, #tpu.memory_space<hbm>> -> memref<10000x128xf32, #tpu.memory_space<hbm>>
    %dma_start3A_160 = tpu.memref_slice %arg10[%dma_start3A_149] : memref<6x!tpu.dma_semaphore, #tpu.memory_space<semaphore_mem>> -> memref<1x!tpu.dma_semaphore, #tpu.memory_space<semaphore_mem>>
    %dma_start3A_161 = tpu.memref_squeeze %dma_start3A_160 : memref<1x!tpu.dma_semaphore, #tpu.memory_space<semaphore_mem>> -> memref<!tpu.dma_semaphore, #tpu.memory_space<semaphore_mem>>
    tpu.enqueue_indirect_dma source(%dma_start3A_159 : memref<10000x128xf32, #tpu.memory_space<hbm>>) target(%dma_start3A_153 : memref<64x128xf32, #tpu.memory_space<vmem>>) offsets(%dma_start3A_156 : memref<64xi32, #tpu.memory_space<vmem>>) semaphore(%dma_start3A_161 : memref<!tpu.dma_semaphore, #tpu.memory_space<semaphore_mem>>)
    %dma_wait3A_162 = arith.constant 1 : i32
    %dma_wait3A_163 = arith.constant 1 : i32
    %dma_wait3A_164 = arith.constant 1 : i32
    %dma_wait3A_165 = arith.constant 0 : i32
    %dma_wait3A_166 = arith.constant 0 : i32
    %dma_wait3A_167 = tpu.memref_slice %arg6[%dma_wait3A_163, %dma_wait3A_165, %dma_wait3A_166] : memref<6x2x64xi32, #tpu.memory_space<vmem>> -> memref<1x2x64xi32, #tpu.memory_space<vmem>>
    %dma_wait3A_168 = tpu.memref_squeeze %dma_wait3A_167 : memref<1x2x64xi32, #tpu.memory_space<vmem>> -> memref<2x64xi32, #tpu.memory_space<vmem>>
    %dma_wait3A_169 = arith.constant 0 : i32
    %dma_wait3A_170 = arith.constant 0 : i32
    %dma_wait3A_171 = tpu.memref_slice %arg3[%add3A, %dma_wait3A_162, %dma_wait3A_169, %dma_wait3A_170] : memref<32x157x2x64xi32, #tpu.memory_space<hbm>> -> memref<1x1x2x64xi32, #tpu.memory_space<hbm>>
    %dma_wait3A_172 = tpu.memref_squeeze %dma_wait3A_171 : memref<1x1x2x64xi32, #tpu.memory_space<hbm>> -> memref<2x64xi32, #tpu.memory_space<hbm>>
    %dma_wait3A_173 = tpu.memref_slice %arg9[%dma_wait3A_164] : memref<6x!tpu.dma_semaphore, #tpu.memory_space<semaphore_mem>> -> memref<1x!tpu.dma_semaphore, #tpu.memory_space<semaphore_mem>>
    %dma_wait3A_174 = tpu.memref_squeeze %dma_wait3A_173 : memref<1x!tpu.dma_semaphore, #tpu.memory_space<semaphore_mem>> -> memref<!tpu.dma_semaphore, #tpu.memory_space<semaphore_mem>>
    %dma_wait3A_175 = arith.constant 0 : i32
    %dma_wait3A_176 = arith.constant 0 : i32
    %dma_wait3A_177 = tpu.memref_slice %arg6[%dma_wait3A_163, %dma_wait3A_175, %dma_wait3A_176] : memref<6x2x64xi32, #tpu.memory_space<vmem>> -> memref<1x2x64xi32, #tpu.memory_space<vmem>>
    %dma_wait3A_178 = tpu.memref_squeeze %dma_wait3A_177 : memref<1x2x64xi32, #tpu.memory_space<vmem>> -> memref<2x64xi32, #tpu.memory_space<vmem>>
    %dma_wait3A_179 = arith.constant 0 : i32
    %dma_wait3A_180 = arith.constant 0 : i32
    %dma_wait3A_181 = tpu.memref_slice %arg3[%add3A, %dma_wait3A_162, %dma_wait3A_179, %dma_wait3A_180] : memref<32x157x2x64xi32, #tpu.memory_space<hbm>> -> memref<1x1x2x64xi32, #tpu.memory_space<hbm>>
    %dma_wait3A_182 = tpu.memref_squeeze %dma_wait3A_181 : memref<1x1x2x64xi32, #tpu.memory_space<hbm>> -> memref<2x64xi32, #tpu.memory_space<hbm>>
    tpu.wait_dma2 semaphore(%dma_wait3A_174 : memref<!tpu.dma_semaphore, #tpu.memory_space<semaphore_mem>>) src(%dma_wait3A_182 : memref<2x64xi32, #tpu.memory_space<hbm>>) dst(%dma_wait3A_178 : memref<2x64xi32, #tpu.memory_space<vmem>>)
    %dma_start3A_183 = arith.constant 1 : i32
    %dma_start3A_184 = arith.constant 0 : i32
    %dma_start3A_185 = arith.constant 1 : i32
    %dma_start3A_186 = arith.constant 1 : i32
    %dma_start3A_187 = arith.constant 0 : i32
    %dma_start3A_188 = arith.constant 0 : i32
    %dma_start3A_189 = tpu.memref_slice %arg7[%dma_start3A_185, %dma_start3A_187, %dma_start3A_188] : memref<6x64x128xf32, #tpu.memory_space<vmem>> -> memref<1x64x128xf32, #tpu.memory_space<vmem>>
    %dma_start3A_190 = tpu.memref_squeeze %dma_start3A_189 : memref<1x64x128xf32, #tpu.memory_space<vmem>> -> memref<64x128xf32, #tpu.memory_space<vmem>>
    %dma_start3A_191 = arith.constant 0 : i32
    %dma_start3A_192 = tpu.memref_slice %arg6[%dma_start3A_183, %dma_start3A_184, %dma_start3A_191] : memref<6x2x64xi32, #tpu.memory_space<vmem>> -> memref<1x1x64xi32, #tpu.memory_space<vmem>>
    %dma_start3A_193 = tpu.memref_squeeze %dma_start3A_192 : memref<1x1x64xi32, #tpu.memory_space<vmem>> -> memref<64xi32, #tpu.memory_space<vmem>>
    %dma_start3A_194 = arith.constant 0 : i32
    %dma_start3A_195 = arith.constant 0 : i32
    %dma_start3A_196 = tpu.memref_slice %arg2[%dma_start3A_194, %dma_start3A_195] : memref<10000x128xf32, #tpu.memory_space<hbm>> -> memref<10000x128xf32, #tpu.memory_space<hbm>>
    %dma_start3A_197 = tpu.memref_slice %arg10[%dma_start3A_186] : memref<6x!tpu.dma_semaphore, #tpu.memory_space<semaphore_mem>> -> memref<1x!tpu.dma_semaphore, #tpu.memory_space<semaphore_mem>>
    %dma_start3A_198 = tpu.memref_squeeze %dma_start3A_197 : memref<1x!tpu.dma_semaphore, #tpu.memory_space<semaphore_mem>> -> memref<!tpu.dma_semaphore, #tpu.memory_space<semaphore_mem>>
    tpu.enqueue_indirect_dma source(%dma_start3A_196 : memref<10000x128xf32, #tpu.memory_space<hbm>>) target(%dma_start3A_190 : memref<64x128xf32, #tpu.memory_space<vmem>>) offsets(%dma_start3A_193 : memref<64xi32, #tpu.memory_space<vmem>>) semaphore(%dma_start3A_198 : memref<!tpu.dma_semaphore, #tpu.memory_space<semaphore_mem>>)
    %dma_wait3A_199 = arith.constant 2 : i32
    %dma_wait3A_200 = arith.constant 2 : i32
    %dma_wait3A_201 = arith.constant 2 : i32
    %dma_wait3A_202 = arith.constant 0 : i32
    %dma_wait3A_203 = arith.constant 0 : i32
    %dma_wait3A_204 = tpu.memref_slice %arg6[%dma_wait3A_200, %dma_wait3A_202, %dma_wait3A_203] : memref<6x2x64xi32, #tpu.memory_space<vmem>> -> memref<1x2x64xi32, #tpu.memory_space<vmem>>
    %dma_wait3A_205 = tpu.memref_squeeze %dma_wait3A_204 : memref<1x2x64xi32, #tpu.memory_space<vmem>> -> memref<2x64xi32, #tpu.memory_space<vmem>>
    %dma_wait3A_206 = arith.constant 0 : i32
    %dma_wait3A_207 = arith.constant 0 : i32
    %dma_wait3A_208 = tpu.memref_slice %arg3[%add3A, %dma_wait3A_199, %dma_wait3A_206, %dma_wait3A_207] : memref<32x157x2x64xi32, #tpu.memory_space<hbm>> -> memref<1x1x2x64xi32, #tpu.memory_space<hbm>>
    %dma_wait3A_209 = tpu.memref_squeeze %dma_wait3A_208 : memref<1x1x2x64xi32, #tpu.memory_space<hbm>> -> memref<2x64xi32, #tpu.memory_space<hbm>>
    %dma_wait3A_210 = tpu.memref_slice %arg9[%dma_wait3A_201] : memref<6x!tpu.dma_semaphore, #tpu.memory_space<semaphore_mem>> -> memref<1x!tpu.dma_semaphore, #tpu.memory_space<semaphore_mem>>
    %dma_wait3A_211 = tpu.memref_squeeze %dma_wait3A_210 : memref<1x!tpu.dma_semaphore, #tpu.memory_space<semaphore_mem>> -> memref<!tpu.dma_semaphore, #tpu.memory_space<semaphore_mem>>
    %dma_wait3A_212 = arith.constant 0 : i32
    %dma_wait3A_213 = arith.constant 0 : i32
    %dma_wait3A_214 = tpu.memref_slice %arg6[%dma_wait3A_200, %dma_wait3A_212, %dma_wait3A_213] : memref<6x2x64xi32, #tpu.memory_space<vmem>> -> memref<1x2x64xi32, #tpu.memory_space<vmem>>
    %dma_wait3A_215 = tpu.memref_squeeze %dma_wait3A_214 : memref<1x2x64xi32, #tpu.memory_space<vmem>> -> memref<2x64xi32, #tpu.memory_space<vmem>>
    %dma_wait3A_216 = arith.constant 0 : i32
    %dma_wait3A_217 = arith.constant 0 : i32
    %dma_wait3A_218 = tpu.memref_slice %arg3[%add3A, %dma_wait3A_199, %dma_wait3A_216, %dma_wait3A_217] : memref<32x157x2x64xi32, #tpu.memory_space<hbm>> -> memref<1x1x2x64xi32, #tpu.memory_space<hbm>>
    %dma_wait3A_219 = tpu.memref_squeeze %dma_wait3A_218 : memref<1x1x2x64xi32, #tpu.memory_space<hbm>> -> memref<2x64xi32, #tpu.memory_space<hbm>>
    tpu.wait_dma2 semaphore(%dma_wait3A_211 : memref<!tpu.dma_semaphore, #tpu.memory_space<semaphore_mem>>) src(%dma_wait3A_219 : memref<2x64xi32, #tpu.memory_space<hbm>>) dst(%dma_wait3A_215 : memref<2x64xi32, #tpu.memory_space<vmem>>)
    %dma_start3A_220 = arith.constant 2 : i32
    %dma_start3A_221 = arith.constant 0 : i32
    %dma_start3A_222 = arith.constant 2 : i32
    %dma_start3A_223 = arith.constant 2 : i32
    %dma_start3A_224 = arith.constant 0 : i32
    %dma_start3A_225 = arith.constant 0 : i32
    %dma_start3A_226 = tpu.memref_slice %arg7[%dma_start3A_222, %dma_start3A_224, %dma_start3A_225] : memref<6x64x128xf32, #tpu.memory_space<vmem>> -> memref<1x64x128xf32, #tpu.memory_space<vmem>>
    %dma_start3A_227 = tpu.memref_squeeze %dma_start3A_226 : memref<1x64x128xf32, #tpu.memory_space<vmem>> -> memref<64x128xf32, #tpu.memory_space<vmem>>
    %dma_start3A_228 = arith.constant 0 : i32
    %dma_start3A_229 = tpu.memref_slice %arg6[%dma_start3A_220, %dma_start3A_221, %dma_start3A_228] : memref<6x2x64xi32, #tpu.memory_space<vmem>> -> memref<1x1x64xi32, #tpu.memory_space<vmem>>
    %dma_start3A_230 = tpu.memref_squeeze %dma_start3A_229 : memref<1x1x64xi32, #tpu.memory_space<vmem>> -> memref<64xi32, #tpu.memory_space<vmem>>
    %dma_start3A_231 = arith.constant 0 : i32
    %dma_start3A_232 = arith.constant 0 : i32
    %dma_start3A_233 = tpu.memref_slice %arg2[%dma_start3A_231, %dma_start3A_232] : memref<10000x128xf32, #tpu.memory_space<hbm>> -> memref<10000x128xf32, #tpu.memory_space<hbm>>
    %dma_start3A_234 = tpu.memref_slice %arg10[%dma_start3A_223] : memref<6x!tpu.dma_semaphore, #tpu.memory_space<semaphore_mem>> -> memref<1x!tpu.dma_semaphore, #tpu.memory_space<semaphore_mem>>
    %dma_start3A_235 = tpu.memref_squeeze %dma_start3A_234 : memref<1x!tpu.dma_semaphore, #tpu.memory_space<semaphore_mem>> -> memref<!tpu.dma_semaphore, #tpu.memory_space<semaphore_mem>>
    tpu.enqueue_indirect_dma source(%dma_start3A_233 : memref<10000x128xf32, #tpu.memory_space<hbm>>) target(%dma_start3A_227 : memref<64x128xf32, #tpu.memory_space<vmem>>) offsets(%dma_start3A_230 : memref<64xi32, #tpu.memory_space<vmem>>) semaphore(%dma_start3A_235 : memref<!tpu.dma_semaphore, #tpu.memory_space<semaphore_mem>>)
    %dma_wait3A_236 = arith.constant 3 : i32
    %dma_wait3A_237 = arith.constant 3 : i32
    %dma_wait3A_238 = arith.constant 3 : i32
    %dma_wait3A_239 = arith.constant 0 : i32
    %dma_wait3A_240 = arith.constant 0 : i32
    %dma_wait3A_241 = tpu.memref_slice %arg6[%dma_wait3A_237, %dma_wait3A_239, %dma_wait3A_240] : memref<6x2x64xi32, #tpu.memory_space<vmem>> -> memref<1x2x64xi32, #tpu.memory_space<vmem>>
    %dma_wait3A_242 = tpu.memref_squeeze %dma_wait3A_241 : memref<1x2x64xi32, #tpu.memory_space<vmem>> -> memref<2x64xi32, #tpu.memory_space<vmem>>
    %dma_wait3A_243 = arith.constant 0 : i32
    %dma_wait3A_244 = arith.constant 0 : i32
    %dma_wait3A_245 = tpu.memref_slice %arg3[%add3A, %dma_wait3A_236, %dma_wait3A_243, %dma_wait3A_244] : memref<32x157x2x64xi32, #tpu.memory_space<hbm>> -> memref<1x1x2x64xi32, #tpu.memory_space<hbm>>
    %dma_wait3A_246 = tpu.memref_squeeze %dma_wait3A_245 : memref<1x1x2x64xi32, #tpu.memory_space<hbm>> -> memref<2x64xi32, #tpu.memory_space<hbm>>
    %dma_wait3A_247 = tpu.memref_slice %arg9[%dma_wait3A_238] : memref<6x!tpu.dma_semaphore, #tpu.memory_space<semaphore_mem>> -> memref<1x!tpu.dma_semaphore, #tpu.memory_space<semaphore_mem>>
    %dma_wait3A_248 = tpu.memref_squeeze %dma_wait3A_247 : memref<1x!tpu.dma_semaphore, #tpu.memory_space<semaphore_mem>> -> memref<!tpu.dma_semaphore, #tpu.memory_space<semaphore_mem>>
    %dma_wait3A_249 = arith.constant 0 : i32
    %dma_wait3A_250 = arith.constant 0 : i32
    %dma_wait3A_251 = tpu.memref_slice %arg6[%dma_wait3A_237, %dma_wait3A_249, %dma_wait3A_250] : memref<6x2x64xi32, #tpu.memory_space<vmem>> -> memref<1x2x64xi32, #tpu.memory_space<vmem>>
    %dma_wait3A_252 = tpu.memref_squeeze %dma_wait3A_251 : memref<1x2x64xi32, #tpu.memory_space<vmem>> -> memref<2x64xi32, #tpu.memory_space<vmem>>
    %dma_wait3A_253 = arith.constant 0 : i32
    %dma_wait3A_254 = arith.constant 0 : i32
    %dma_wait3A_255 = tpu.memref_slice %arg3[%add3A, %dma_wait3A_236, %dma_wait3A_253, %dma_wait3A_254] : memref<32x157x2x64xi32, #tpu.memory_space<hbm>> -> memref<1x1x2x64xi32, #tpu.memory_space<hbm>>
    %dma_wait3A_256 = tpu.memref_squeeze %dma_wait3A_255 : memref<1x1x2x64xi32, #tpu.memory_space<hbm>> -> memref<2x64xi32, #tpu.memory_space<hbm>>
    tpu.wait_dma2 semaphore(%dma_wait3A_248 : memref<!tpu.dma_semaphore, #tpu.memory_space<semaphore_mem>>) src(%dma_wait3A_256 : memref<2x64xi32, #tpu.memory_space<hbm>>) dst(%dma_wait3A_252 : memref<2x64xi32, #tpu.memory_space<vmem>>)
    %dma_start3A_257 = arith.constant 3 : i32
    %dma_start3A_258 = arith.constant 0 : i32
    %dma_start3A_259 = arith.constant 3 : i32
    %dma_start3A_260 = arith.constant 3 : i32
    %dma_start3A_261 = arith.constant 0 : i32
    %dma_start3A_262 = arith.constant 0 : i32
    %dma_start3A_263 = tpu.memref_slice %arg7[%dma_start3A_259, %dma_start3A_261, %dma_start3A_262] : memref<6x64x128xf32, #tpu.memory_space<vmem>> -> memref<1x64x128xf32, #tpu.memory_space<vmem>>
    %dma_start3A_264 = tpu.memref_squeeze %dma_start3A_263 : memref<1x64x128xf32, #tpu.memory_space<vmem>> -> memref<64x128xf32, #tpu.memory_space<vmem>>
    %dma_start3A_265 = arith.constant 0 : i32
    %dma_start3A_266 = tpu.memref_slice %arg6[%dma_start3A_257, %dma_start3A_258, %dma_start3A_265] : memref<6x2x64xi32, #tpu.memory_space<vmem>> -> memref<1x1x64xi32, #tpu.memory_space<vmem>>
    %dma_start3A_267 = tpu.memref_squeeze %dma_start3A_266 : memref<1x1x64xi32, #tpu.memory_space<vmem>> -> memref<64xi32, #tpu.memory_space<vmem>>
    %dma_start3A_268 = arith.constant 0 : i32
    %dma_start3A_269 = arith.constant 0 : i32
    %dma_start3A_270 = tpu.memref_slice %arg2[%dma_start3A_268, %dma_start3A_269] : memref<10000x128xf32, #tpu.memory_space<hbm>> -> memref<10000x128xf32, #tpu.memory_space<hbm>>
    %dma_start3A_271 = tpu.memref_slice %arg10[%dma_start3A_260] : memref<6x!tpu.dma_semaphore, #tpu.memory_space<semaphore_mem>> -> memref<1x!tpu.dma_semaphore, #tpu.memory_space<semaphore_mem>>
    %dma_start3A_272 = tpu.memref_squeeze %dma_start3A_271 : memref<1x!tpu.dma_semaphore, #tpu.memory_space<semaphore_mem>> -> memref<!tpu.dma_semaphore, #tpu.memory_space<semaphore_mem>>
    tpu.enqueue_indirect_dma source(%dma_start3A_270 : memref<10000x128xf32, #tpu.memory_space<hbm>>) target(%dma_start3A_264 : memref<64x128xf32, #tpu.memory_space<vmem>>) offsets(%dma_start3A_267 : memref<64xi32, #tpu.memory_space<vmem>>) semaphore(%dma_start3A_272 : memref<!tpu.dma_semaphore, #tpu.memory_space<semaphore_mem>>)
    %dma_wait3A_273 = arith.constant 4 : i32
    %dma_wait3A_274 = arith.constant 4 : i32
    %dma_wait3A_275 = arith.constant 4 : i32
    %dma_wait3A_276 = arith.constant 0 : i32
    %dma_wait3A_277 = arith.constant 0 : i32
    %dma_wait3A_278 = tpu.memref_slice %arg6[%dma_wait3A_274, %dma_wait3A_276, %dma_wait3A_277] : memref<6x2x64xi32, #tpu.memory_space<vmem>> -> memref<1x2x64xi32, #tpu.memory_space<vmem>>
    %dma_wait3A_279 = tpu.memref_squeeze %dma_wait3A_278 : memref<1x2x64xi32, #tpu.memory_space<vmem>> -> memref<2x64xi32, #tpu.memory_space<vmem>>
    %dma_wait3A_280 = arith.constant 0 : i32
    %dma_wait3A_281 = arith.constant 0 : i32
    %dma_wait3A_282 = tpu.memref_slice %arg3[%add3A, %dma_wait3A_273, %dma_wait3A_280, %dma_wait3A_281] : memref<32x157x2x64xi32, #tpu.memory_space<hbm>> -> memref<1x1x2x64xi32, #tpu.memory_space<hbm>>
    %dma_wait3A_283 = tpu.memref_squeeze %dma_wait3A_282 : memref<1x1x2x64xi32, #tpu.memory_space<hbm>> -> memref<2x64xi32, #tpu.memory_space<hbm>>
    %dma_wait3A_284 = tpu.memref_slice %arg9[%dma_wait3A_275] : memref<6x!tpu.dma_semaphore, #tpu.memory_space<semaphore_mem>> -> memref<1x!tpu.dma_semaphore, #tpu.memory_space<semaphore_mem>>
    %dma_wait3A_285 = tpu.memref_squeeze %dma_wait3A_284 : memref<1x!tpu.dma_semaphore, #tpu.memory_space<semaphore_mem>> -> memref<!tpu.dma_semaphore, #tpu.memory_space<semaphore_mem>>
    %dma_wait3A_286 = arith.constant 0 : i32
    %dma_wait3A_287 = arith.constant 0 : i32
    %dma_wait3A_288 = tpu.memref_slice %arg6[%dma_wait3A_274, %dma_wait3A_286, %dma_wait3A_287] : memref<6x2x64xi32, #tpu.memory_space<vmem>> -> memref<1x2x64xi32, #tpu.memory_space<vmem>>
    %dma_wait3A_289 = tpu.memref_squeeze %dma_wait3A_288 : memref<1x2x64xi32, #tpu.memory_space<vmem>> -> memref<2x64xi32, #tpu.memory_space<vmem>>
    %dma_wait3A_290 = arith.constant 0 : i32
    %dma_wait3A_291 = arith.constant 0 : i32
    %dma_wait3A_292 = tpu.memref_slice %arg3[%add3A, %dma_wait3A_273, %dma_wait3A_290, %dma_wait3A_291] : memref<32x157x2x64xi32, #tpu.memory_space<hbm>> -> memref<1x1x2x64xi32, #tpu.memory_space<hbm>>
    %dma_wait3A_293 = tpu.memref_squeeze %dma_wait3A_292 : memref<1x1x2x64xi32, #tpu.memory_space<hbm>> -> memref<2x64xi32, #tpu.memory_space<hbm>>
    tpu.wait_dma2 semaphore(%dma_wait3A_285 : memref<!tpu.dma_semaphore, #tpu.memory_space<semaphore_mem>>) src(%dma_wait3A_293 : memref<2x64xi32, #tpu.memory_space<hbm>>) dst(%dma_wait3A_289 : memref<2x64xi32, #tpu.memory_space<vmem>>)
    %dma_start3A_294 = arith.constant 4 : i32
    %dma_start3A_295 = arith.constant 0 : i32
    %dma_start3A_296 = arith.constant 4 : i32
    %dma_start3A_297 = arith.constant 4 : i32
    %dma_start3A_298 = arith.constant 0 : i32
    %dma_start3A_299 = arith.constant 0 : i32
    %dma_start3A_300 = tpu.memref_slice %arg7[%dma_start3A_296, %dma_start3A_298, %dma_start3A_299] : memref<6x64x128xf32, #tpu.memory_space<vmem>> -> memref<1x64x128xf32, #tpu.memory_space<vmem>>
    %dma_start3A_301 = tpu.memref_squeeze %dma_start3A_300 : memref<1x64x128xf32, #tpu.memory_space<vmem>> -> memref<64x128xf32, #tpu.memory_space<vmem>>
    %dma_start3A_302 = arith.constant 0 : i32
    %dma_start3A_303 = tpu.memref_slice %arg6[%dma_start3A_294, %dma_start3A_295, %dma_start3A_302] : memref<6x2x64xi32, #tpu.memory_space<vmem>> -> memref<1x1x64xi32, #tpu.memory_space<vmem>>
    %dma_start3A_304 = tpu.memref_squeeze %dma_start3A_303 : memref<1x1x64xi32, #tpu.memory_space<vmem>> -> memref<64xi32, #tpu.memory_space<vmem>>
    %dma_start3A_305 = arith.constant 0 : i32
    %dma_start3A_306 = arith.constant 0 : i32
    %dma_start3A_307 = tpu.memref_slice %arg2[%dma_start3A_305, %dma_start3A_306] : memref<10000x128xf32, #tpu.memory_space<hbm>> -> memref<10000x128xf32, #tpu.memory_space<hbm>>
    %dma_start3A_308 = tpu.memref_slice %arg10[%dma_start3A_297] : memref<6x!tpu.dma_semaphore, #tpu.memory_space<semaphore_mem>> -> memref<1x!tpu.dma_semaphore, #tpu.memory_space<semaphore_mem>>
    %dma_start3A_309 = tpu.memref_squeeze %dma_start3A_308 : memref<1x!tpu.dma_semaphore, #tpu.memory_space<semaphore_mem>> -> memref<!tpu.dma_semaphore, #tpu.memory_space<semaphore_mem>>
    tpu.enqueue_indirect_dma source(%dma_start3A_307 : memref<10000x128xf32, #tpu.memory_space<hbm>>) target(%dma_start3A_301 : memref<64x128xf32, #tpu.memory_space<vmem>>) offsets(%dma_start3A_304 : memref<64xi32, #tpu.memory_space<vmem>>) semaphore(%dma_start3A_309 : memref<!tpu.dma_semaphore, #tpu.memory_space<semaphore_mem>>)
    %lt3A = arith.constant 15 : i32
    %lt3A_310 = arith.cmpi slt, %arg1, %lt3A : i32
    %convert_element_type3A = arith.extui %lt3A_310 : i1 to i32
    %cond3A = arith.constant 0 : i32
    %cond3A_311 = arith.cmpi ne, %convert_element_type3A, %cond3A : i32
    scf.if %cond3A_311 {
      %mul3A_427 = arith.constant 632 : i32
      %mul3A_428 = arith.muli %arg1, %mul3A_427 : i32
      %mul3A_429 = arith.constant 632 : i32
      %mul3A_430 = arith.muli %arg1, %mul3A_429 : i32
      "tpu.region"() ({
        %run_scoped3A = tpu.sem_alloc : memref<!tpu.dma_semaphore, #tpu.memory_space<semaphore_mem>>
        %dma_start3A_431 = arith.constant 0 : i32
        %dma_start3A_432 = tpu.memref_slice %arg8[%mul3A_430, %dma_start3A_431] : memref<10008x128xf32, #tpu.memory_space<vmem_shared>> -> memref<632x128xf32, #tpu.memory_space<vmem_shared>>
        %dma_start3A_433 = arith.constant 0 : i32
        %dma_start3A_434 = tpu.memref_slice %arg4[%mul3A_428, %dma_start3A_433] : memref<10008x128xf32, #tpu.memory_space<hbm>> -> memref<632x128xf32, #tpu.memory_space<hbm>>
        tpu.enqueue_dma source(%dma_start3A_434 : memref<632x128xf32, #tpu.memory_space<hbm>>) target(%dma_start3A_432 : memref<632x128xf32, #tpu.memory_space<vmem_shared>>) target_semaphore(%run_scoped3A : memref<!tpu.dma_semaphore, #tpu.memory_space<semaphore_mem>>)
        %dma_wait3A_435 = arith.constant 0 : i32
        %dma_wait3A_436 = tpu.memref_slice %arg8[%mul3A_430, %dma_wait3A_435] : memref<10008x128xf32, #tpu.memory_space<vmem_shared>> -> memref<632x128xf32, #tpu.memory_space<vmem_shared>>
        %dma_wait3A_437 = arith.constant 0 : i32
        %dma_wait3A_438 = tpu.memref_slice %arg4[%mul3A_428, %dma_wait3A_437] : memref<10008x128xf32, #tpu.memory_space<hbm>> -> memref<632x128xf32, #tpu.memory_space<hbm>>
        tpu.wait_dma2 semaphore(%run_scoped3A : memref<!tpu.dma_semaphore, #tpu.memory_space<semaphore_mem>>) src(%dma_wait3A_438 : memref<632x128xf32, #tpu.memory_space<hbm>>) dst(%dma_wait3A_436 : memref<632x128xf32, #tpu.memory_space<vmem_shared>>)
        tpu.yield
      }) : () -> ()
    } else {
    }
    %eq3A = arith.constant 15 : i32
    %eq3A_312 = arith.cmpi eq, %arg1, %eq3A : i32
    %convert_element_type3A_313 = arith.extui %eq3A_312 : i1 to i32
    %cond3A_314 = arith.constant 0 : i32
    %cond3A_315 = arith.cmpi ne, %convert_element_type3A_313, %cond3A_314 : i32
    scf.if %cond3A_315 {
      %mul3A_427 = arith.constant 632 : i32
      %mul3A_428 = arith.muli %arg1, %mul3A_427 : i32
      %mul3A_429 = arith.constant 632 : i32
      %mul3A_430 = arith.muli %arg1, %mul3A_429 : i32
      "tpu.region"() ({
        %run_scoped3A = tpu.sem_alloc : memref<!tpu.dma_semaphore, #tpu.memory_space<semaphore_mem>>
        %dma_start3A_431 = arith.constant 0 : i32
        %dma_start3A_432 = tpu.memref_slice %arg8[%mul3A_430, %dma_start3A_431] : memref<10008x128xf32, #tpu.memory_space<vmem_shared>> -> memref<528x128xf32, #tpu.memory_space<vmem_shared>>
        %dma_start3A_433 = arith.constant 0 : i32
        %dma_start3A_434 = tpu.memref_slice %arg4[%mul3A_428, %dma_start3A_433] : memref<10008x128xf32, #tpu.memory_space<hbm>> -> memref<528x128xf32, #tpu.memory_space<hbm>>
        tpu.enqueue_dma source(%dma_start3A_434 : memref<528x128xf32, #tpu.memory_space<hbm>>) target(%dma_start3A_432 : memref<528x128xf32, #tpu.memory_space<vmem_shared>>) target_semaphore(%run_scoped3A : memref<!tpu.dma_semaphore, #tpu.memory_space<semaphore_mem>>)
        %dma_wait3A_435 = arith.constant 0 : i32
        %dma_wait3A_436 = tpu.memref_slice %arg8[%mul3A_430, %dma_wait3A_435] : memref<10008x128xf32, #tpu.memory_space<vmem_shared>> -> memref<528x128xf32, #tpu.memory_space<vmem_shared>>
        %dma_wait3A_437 = arith.constant 0 : i32
        %dma_wait3A_438 = tpu.memref_slice %arg4[%mul3A_428, %dma_wait3A_437] : memref<10008x128xf32, #tpu.memory_space<hbm>> -> memref<528x128xf32, #tpu.memory_space<hbm>>
        tpu.wait_dma2 semaphore(%run_scoped3A : memref<!tpu.dma_semaphore, #tpu.memory_space<semaphore_mem>>) src(%dma_wait3A_438 : memref<528x128xf32, #tpu.memory_space<hbm>>) dst(%dma_wait3A_436 : memref<528x128xf32, #tpu.memory_space<vmem_shared>>)
        tpu.yield
      }) : () -> ()
    } else {
    }
    %barrier3A = arith.constant 0 : index
    tpu.barrier barrier_id(%barrier3A)
    %scan3A = arith.constant 0 : i32
    %scan3A_316 = arith.constant 157 : i32
    %scan3A_317 = arith.addi %scan3A, %scan3A_316 : i32
    %scan3A_318 = arith.constant 1 : i32
    scf.for %scan3A_427 = %scan3A to %scan3A_317 step %scan3A_318  : i32 {
      %mul3A_428 = arith.constant 1 : i32
      %mul3A_429 = arith.muli %scan3A_427, %mul3A_428 : i32
      %add3A_430 = arith.constant 0 : i32
      %add3A_431 = arith.addi %add3A_430, %mul3A_429 : i32
      %jit3A = arith.constant 6 : i32
      %eq3A_432 = arith.constant 0 : i32
      %eq3A_433 = arith.cmpi eq, %jit3A, %eq3A_432 : i32
      %jit3A_434 = arith.constant 1 : i32
      %select_n3A = arith.select %eq3A_433, %jit3A_434, %jit3A : i32
      %rem3A = arith.remsi %add3A_431, %select_n3A : i32
      %ne3A = arith.constant 0 : i32
      %ne3A_435 = arith.cmpi ne, %rem3A, %ne3A : i32
      %lt3A_436 = arith.constant 0 : i32
      %lt3A_437 = arith.cmpi slt, %rem3A, %lt3A_436 : i32
      %lt3A_438 = arith.constant 0 : i32
      %lt3A_439 = arith.cmpi slt, %select_n3A, %lt3A_438 : i32
      %ne3A_440 = arith.xori %lt3A_437, %lt3A_439 : i1
      %and3A = arith.andi %ne3A_440, %ne3A_435 : i1
      %add3A_441 = arith.addi %rem3A, %select_n3A : i32
      %select_n3A_442 = arith.select %and3A, %add3A_441, %rem3A : i32
      %add3A_443 = arith.constant 6 : i32
      %add3A_444 = arith.addi %add3A_431, %add3A_443 : i32
      %sub3A = arith.constant 1 : i32
      %sub3A_445 = arith.subi %add3A_444, %sub3A : i32
      %jit3A_446 = arith.constant 6 : i32
      %eq3A_447 = arith.constant 0 : i32
      %eq3A_448 = arith.cmpi eq, %jit3A_446, %eq3A_447 : i32
      %jit3A_449 = arith.constant 1 : i32
      %select_n3A_450 = arith.select %eq3A_448, %jit3A_449, %jit3A_446 : i32
      %rem3A_451 = arith.remsi %sub3A_445, %select_n3A_450 : i32
      %ne3A_452 = arith.constant 0 : i32
      %ne3A_453 = arith.cmpi ne, %rem3A_451, %ne3A_452 : i32
      %lt3A_454 = arith.constant 0 : i32
      %lt3A_455 = arith.cmpi slt, %rem3A_451, %lt3A_454 : i32
      %lt3A_456 = arith.constant 0 : i32
      %lt3A_457 = arith.cmpi slt, %select_n3A_450, %lt3A_456 : i32
      %ne3A_458 = arith.xori %lt3A_455, %lt3A_457 : i1
      %and3A_459 = arith.andi %ne3A_458, %ne3A_453 : i1
      %add3A_460 = arith.addi %rem3A_451, %select_n3A_450 : i32
      %select_n3A_461 = arith.select %and3A_459, %add3A_460, %rem3A_451 : i32
      %add3A_462 = arith.constant 6 : i32
      %add3A_463 = arith.addi %add3A_431, %add3A_462 : i32
      %sub3A_464 = arith.constant 1 : i32
      %sub3A_465 = arith.subi %add3A_463, %sub3A_464 : i32
      %lt3A_466 = arith.constant 157 : i32
      %lt3A_467 = arith.cmpi slt, %sub3A_465, %lt3A_466 : i32
      %convert_element_type3A_468 = arith.extui %lt3A_467 : i1 to i32
      %cond3A_469 = arith.constant 0 : i32
      %cond3A_470 = arith.cmpi ne, %convert_element_type3A_468, %cond3A_469 : i32
      scf.if %cond3A_470 {
        %add3A_504 = arith.constant 6 : i32
        %add3A_505 = arith.addi %add3A_431, %add3A_504 : i32
        %sub3A_506 = arith.constant 1 : i32
        %sub3A_507 = arith.subi %add3A_505, %sub3A_506 : i32
        %dma_wait3A_508 = arith.constant 0 : i32
        %dma_wait3A_509 = arith.constant 0 : i32
        %dma_wait3A_510 = tpu.memref_slice %arg6[%select_n3A_461, %dma_wait3A_508, %dma_wait3A_509] : memref<6x2x64xi32, #tpu.memory_space<vmem>> -> memref<1x2x64xi32, #tpu.memory_space<vmem>>
        %dma_wait3A_511 = tpu.memref_squeeze %dma_wait3A_510 : memref<1x2x64xi32, #tpu.memory_space<vmem>> -> memref<2x64xi32, #tpu.memory_space<vmem>>
        %dma_wait3A_512 = arith.constant 0 : i32
        %dma_wait3A_513 = arith.constant 0 : i32
        %dma_wait3A_514 = tpu.memref_slice %arg3[%add3A, %sub3A_507, %dma_wait3A_512, %dma_wait3A_513] : memref<32x157x2x64xi32, #tpu.memory_space<hbm>> -> memref<1x1x2x64xi32, #tpu.memory_space<hbm>>
        %dma_wait3A_515 = tpu.memref_squeeze %dma_wait3A_514 : memref<1x1x2x64xi32, #tpu.memory_space<hbm>> -> memref<2x64xi32, #tpu.memory_space<hbm>>
        %dma_wait3A_516 = tpu.memref_slice %arg9[%select_n3A_461] : memref<6x!tpu.dma_semaphore, #tpu.memory_space<semaphore_mem>> -> memref<1x!tpu.dma_semaphore, #tpu.memory_space<semaphore_mem>>
        %dma_wait3A_517 = tpu.memref_squeeze %dma_wait3A_516 : memref<1x!tpu.dma_semaphore, #tpu.memory_space<semaphore_mem>> -> memref<!tpu.dma_semaphore, #tpu.memory_space<semaphore_mem>>
        %dma_wait3A_518 = arith.constant 0 : i32
        %dma_wait3A_519 = arith.constant 0 : i32
        %dma_wait3A_520 = tpu.memref_slice %arg6[%select_n3A_461, %dma_wait3A_518, %dma_wait3A_519] : memref<6x2x64xi32, #tpu.memory_space<vmem>> -> memref<1x2x64xi32, #tpu.memory_space<vmem>>
        %dma_wait3A_521 = tpu.memref_squeeze %dma_wait3A_520 : memref<1x2x64xi32, #tpu.memory_space<vmem>> -> memref<2x64xi32, #tpu.memory_space<vmem>>
        %dma_wait3A_522 = arith.constant 0 : i32
        %dma_wait3A_523 = arith.constant 0 : i32
        %dma_wait3A_524 = tpu.memref_slice %arg3[%add3A, %sub3A_507, %dma_wait3A_522, %dma_wait3A_523] : memref<32x157x2x64xi32, #tpu.memory_space<hbm>> -> memref<1x1x2x64xi32, #tpu.memory_space<hbm>>
        %dma_wait3A_525 = tpu.memref_squeeze %dma_wait3A_524 : memref<1x1x2x64xi32, #tpu.memory_space<hbm>> -> memref<2x64xi32, #tpu.memory_space<hbm>>
        tpu.wait_dma2 semaphore(%dma_wait3A_517 : memref<!tpu.dma_semaphore, #tpu.memory_space<semaphore_mem>>) src(%dma_wait3A_525 : memref<2x64xi32, #tpu.memory_space<hbm>>) dst(%dma_wait3A_521 : memref<2x64xi32, #tpu.memory_space<vmem>>)
        %ge3A = arith.constant 1 : i32
        %ge3A_526 = arith.cmpi sge, %add3A_431, %ge3A : i32
        %convert_element_type3A_527 = arith.extui %ge3A_526 : i1 to i32
        %cond3A_528 = arith.constant 0 : i32
        %cond3A_529 = arith.cmpi ne, %convert_element_type3A_527, %cond3A_528 : i32
        scf.if %cond3A_529 {
          %dma_wait3A_543 = arith.constant 1 : i32
          %dma_wait3A_544 = arith.constant 0 : i32
          %dma_wait3A_545 = arith.constant 0 : i32
          %dma_wait3A_546 = tpu.memref_slice %arg7[%select_n3A_461, %dma_wait3A_544, %dma_wait3A_545] : memref<6x64x128xf32, #tpu.memory_space<vmem>> -> memref<1x64x128xf32, #tpu.memory_space<vmem>>
          %dma_wait3A_547 = tpu.memref_squeeze %dma_wait3A_546 : memref<1x64x128xf32, #tpu.memory_space<vmem>> -> memref<64x128xf32, #tpu.memory_space<vmem>>
          %dma_wait3A_548 = arith.constant 0 : i32
          %dma_wait3A_549 = tpu.memref_slice %arg6[%select_n3A_461, %dma_wait3A_543, %dma_wait3A_548] : memref<6x2x64xi32, #tpu.memory_space<vmem>> -> memref<1x1x64xi32, #tpu.memory_space<vmem>>
          %dma_wait3A_550 = tpu.memref_squeeze %dma_wait3A_549 : memref<1x1x64xi32, #tpu.memory_space<vmem>> -> memref<64xi32, #tpu.memory_space<vmem>>
          %dma_wait3A_551 = arith.constant 0 : i32
          %dma_wait3A_552 = arith.constant 0 : i32
          %dma_wait3A_553 = tpu.memref_slice %arg8[%dma_wait3A_551, %dma_wait3A_552] : memref<10008x128xf32, #tpu.memory_space<vmem_shared>> -> memref<10008x128xf32, #tpu.memory_space<vmem_shared>>
          %dma_wait3A_554 = tpu.memref_slice %arg11[%select_n3A_461] : memref<6x!tpu.dma_semaphore, #tpu.memory_space<semaphore_mem>> -> memref<1x!tpu.dma_semaphore, #tpu.memory_space<semaphore_mem>>
          %dma_wait3A_555 = tpu.memref_squeeze %dma_wait3A_554 : memref<1x!tpu.dma_semaphore, #tpu.memory_space<semaphore_mem>> -> memref<!tpu.dma_semaphore, #tpu.memory_space<semaphore_mem>>
          tpu.wait_indirect_dma semaphore(%dma_wait3A_555 : memref<!tpu.dma_semaphore, #tpu.memory_space<semaphore_mem>>) src(%dma_wait3A_547 : memref<64x128xf32, #tpu.memory_space<vmem>>) dst(%dma_wait3A_553 : memref<10008x128xf32, #tpu.memory_space<vmem_shared>>)
        } else {
        }
        %dma_start3A_530 = arith.constant 0 : i32
        %dma_start3A_531 = arith.constant 0 : i32
        %dma_start3A_532 = arith.constant 0 : i32
        %dma_start3A_533 = tpu.memref_slice %arg7[%select_n3A_461, %dma_start3A_531, %dma_start3A_532] : memref<6x64x128xf32, #tpu.memory_space<vmem>> -> memref<1x64x128xf32, #tpu.memory_space<vmem>>
        %dma_start3A_534 = tpu.memref_squeeze %dma_start3A_533 : memref<1x64x128xf32, #tpu.memory_space<vmem>> -> memref<64x128xf32, #tpu.memory_space<vmem>>
        %dma_start3A_535 = arith.constant 0 : i32
        %dma_start3A_536 = tpu.memref_slice %arg6[%select_n3A_461, %dma_start3A_530, %dma_start3A_535] : memref<6x2x64xi32, #tpu.memory_space<vmem>> -> memref<1x1x64xi32, #tpu.memory_space<vmem>>
        %dma_start3A_537 = tpu.memref_squeeze %dma_start3A_536 : memref<1x1x64xi32, #tpu.memory_space<vmem>> -> memref<64xi32, #tpu.memory_space<vmem>>
        %dma_start3A_538 = arith.constant 0 : i32
        %dma_start3A_539 = arith.constant 0 : i32
        %dma_start3A_540 = tpu.memref_slice %arg2[%dma_start3A_538, %dma_start3A_539] : memref<10000x128xf32, #tpu.memory_space<hbm>> -> memref<10000x128xf32, #tpu.memory_space<hbm>>
        %dma_start3A_541 = tpu.memref_slice %arg10[%select_n3A_461] : memref<6x!tpu.dma_semaphore, #tpu.memory_space<semaphore_mem>> -> memref<1x!tpu.dma_semaphore, #tpu.memory_space<semaphore_mem>>
        %dma_start3A_542 = tpu.memref_squeeze %dma_start3A_541 : memref<1x!tpu.dma_semaphore, #tpu.memory_space<semaphore_mem>> -> memref<!tpu.dma_semaphore, #tpu.memory_space<semaphore_mem>>
        tpu.enqueue_indirect_dma source(%dma_start3A_540 : memref<10000x128xf32, #tpu.memory_space<hbm>>) target(%dma_start3A_534 : memref<64x128xf32, #tpu.memory_space<vmem>>) offsets(%dma_start3A_537 : memref<64xi32, #tpu.memory_space<vmem>>) semaphore(%dma_start3A_542 : memref<!tpu.dma_semaphore, #tpu.memory_space<semaphore_mem>>)
      } else {
      }
      %dma_wait3A_471 = arith.constant 0 : i32
      %dma_wait3A_472 = arith.constant 0 : i32
      %dma_wait3A_473 = arith.constant 0 : i32
      %dma_wait3A_474 = tpu.memref_slice %arg7[%select_n3A_442, %dma_wait3A_472, %dma_wait3A_473] : memref<6x64x128xf32, #tpu.memory_space<vmem>> -> memref<1x64x128xf32, #tpu.memory_space<vmem>>
      %dma_wait3A_475 = tpu.memref_squeeze %dma_wait3A_474 : memref<1x64x128xf32, #tpu.memory_space<vmem>> -> memref<64x128xf32, #tpu.memory_space<vmem>>
      %dma_wait3A_476 = arith.constant 0 : i32
      %dma_wait3A_477 = tpu.memref_slice %arg6[%select_n3A_442, %dma_wait3A_471, %dma_wait3A_476] : memref<6x2x64xi32, #tpu.memory_space<vmem>> -> memref<1x1x64xi32, #tpu.memory_space<vmem>>
      %dma_wait3A_478 = tpu.memref_squeeze %dma_wait3A_477 : memref<1x1x64xi32, #tpu.memory_space<vmem>> -> memref<64xi32, #tpu.memory_space<vmem>>
      %dma_wait3A_479 = arith.constant 0 : i32
      %dma_wait3A_480 = arith.constant 0 : i32
      %dma_wait3A_481 = tpu.memref_slice %arg2[%dma_wait3A_479, %dma_wait3A_480] : memref<10000x128xf32, #tpu.memory_space<hbm>> -> memref<10000x128xf32, #tpu.memory_space<hbm>>
      %dma_wait3A_482 = tpu.memref_slice %arg10[%select_n3A_442] : memref<6x!tpu.dma_semaphore, #tpu.memory_space<semaphore_mem>> -> memref<1x!tpu.dma_semaphore, #tpu.memory_space<semaphore_mem>>
      %dma_wait3A_483 = tpu.memref_squeeze %dma_wait3A_482 : memref<1x!tpu.dma_semaphore, #tpu.memory_space<semaphore_mem>> -> memref<!tpu.dma_semaphore, #tpu.memory_space<semaphore_mem>>
      tpu.wait_indirect_dma semaphore(%dma_wait3A_483 : memref<!tpu.dma_semaphore, #tpu.memory_space<semaphore_mem>>) src(%dma_wait3A_481 : memref<10000x128xf32, #tpu.memory_space<hbm>>) dst(%dma_wait3A_475 : memref<64x128xf32, #tpu.memory_space<vmem>>)
      %dma_start3A_484 = arith.constant 1 : i32
      %dma_start3A_485 = arith.constant 0 : i32
      %dma_start3A_486 = arith.constant 0 : i32
      %dma_start3A_487 = tpu.memref_slice %arg7[%select_n3A_442, %dma_start3A_485, %dma_start3A_486] : memref<6x64x128xf32, #tpu.memory_space<vmem>> -> memref<1x64x128xf32, #tpu.memory_space<vmem>>
      %dma_start3A_488 = tpu.memref_squeeze %dma_start3A_487 : memref<1x64x128xf32, #tpu.memory_space<vmem>> -> memref<64x128xf32, #tpu.memory_space<vmem>>
      %dma_start3A_489 = arith.constant 0 : i32
      %dma_start3A_490 = tpu.memref_slice %arg6[%select_n3A_442, %dma_start3A_484, %dma_start3A_489] : memref<6x2x64xi32, #tpu.memory_space<vmem>> -> memref<1x1x64xi32, #tpu.memory_space<vmem>>
      %dma_start3A_491 = tpu.memref_squeeze %dma_start3A_490 : memref<1x1x64xi32, #tpu.memory_space<vmem>> -> memref<64xi32, #tpu.memory_space<vmem>>
      %dma_start3A_492 = arith.constant 0 : i32
      %dma_start3A_493 = arith.constant 0 : i32
      %dma_start3A_494 = tpu.memref_slice %arg8[%dma_start3A_492, %dma_start3A_493] : memref<10008x128xf32, #tpu.memory_space<vmem_shared>> -> memref<10008x128xf32, #tpu.memory_space<vmem_shared>>
      %dma_start3A_495 = tpu.memref_slice %arg11[%select_n3A_442] : memref<6x!tpu.dma_semaphore, #tpu.memory_space<semaphore_mem>> -> memref<1x!tpu.dma_semaphore, #tpu.memory_space<semaphore_mem>>
      %dma_start3A_496 = tpu.memref_squeeze %dma_start3A_495 : memref<1x!tpu.dma_semaphore, #tpu.memory_space<semaphore_mem>> -> memref<!tpu.dma_semaphore, #tpu.memory_space<semaphore_mem>>
      tpu.enqueue_indirect_dma source(%dma_start3A_488 : memref<64x128xf32, #tpu.memory_space<vmem>>) target(%dma_start3A_494 : memref<10008x128xf32, #tpu.memory_space<vmem_shared>>) offsets(%dma_start3A_491 : memref<64xi32, #tpu.memory_space<vmem>>) semaphore(%dma_start3A_496 : memref<!tpu.dma_semaphore, #tpu.memory_space<semaphore_mem>>) {add = true}
      %add3A_497 = arith.constant 6 : i32
      %add3A_498 = arith.addi %add3A_431, %add3A_497 : i32
      %lt3A_499 = arith.constant 157 : i32
      %lt3A_500 = arith.cmpi slt, %add3A_498, %lt3A_499 : i32
      %convert_element_type3A_501 = arith.extui %lt3A_500 : i1 to i32
      %cond3A_502 = arith.constant 0 : i32
      %cond3A_503 = arith.cmpi ne, %convert_element_type3A_501, %cond3A_502 : i32
      scf.if %cond3A_503 {
        %add3A_504 = arith.constant 6 : i32
        %add3A_505 = arith.addi %add3A_431, %add3A_504 : i32
        %dma_start3A_506 = arith.constant 0 : i32
        %dma_start3A_507 = arith.constant 0 : i32
        %dma_start3A_508 = tpu.memref_slice %arg6[%select_n3A_442, %dma_start3A_506, %dma_start3A_507] : memref<6x2x64xi32, #tpu.memory_space<vmem>> -> memref<1x2x64xi32, #tpu.memory_space<vmem>>
        %dma_start3A_509 = tpu.memref_squeeze %dma_start3A_508 : memref<1x2x64xi32, #tpu.memory_space<vmem>> -> memref<2x64xi32, #tpu.memory_space<vmem>>
        %dma_start3A_510 = arith.constant 0 : i32
        %dma_start3A_511 = arith.constant 0 : i32
        %dma_start3A_512 = tpu.memref_slice %arg3[%add3A, %add3A_505, %dma_start3A_510, %dma_start3A_511] : memref<32x157x2x64xi32, #tpu.memory_space<hbm>> -> memref<1x1x2x64xi32, #tpu.memory_space<hbm>>
        %dma_start3A_513 = tpu.memref_squeeze %dma_start3A_512 : memref<1x1x2x64xi32, #tpu.memory_space<hbm>> -> memref<2x64xi32, #tpu.memory_space<hbm>>
        %dma_start3A_514 = tpu.memref_slice %arg9[%select_n3A_442] : memref<6x!tpu.dma_semaphore, #tpu.memory_space<semaphore_mem>> -> memref<1x!tpu.dma_semaphore, #tpu.memory_space<semaphore_mem>>
        %dma_start3A_515 = tpu.memref_squeeze %dma_start3A_514 : memref<1x!tpu.dma_semaphore, #tpu.memory_space<semaphore_mem>> -> memref<!tpu.dma_semaphore, #tpu.memory_space<semaphore_mem>>
        %dma_start3A_516 = arith.constant 0 : i32
        %dma_start3A_517 = arith.constant 0 : i32
        %dma_start3A_518 = tpu.memref_slice %arg6[%select_n3A_442, %dma_start3A_516, %dma_start3A_517] : memref<6x2x64xi32, #tpu.memory_space<vmem>> -> memref<1x2x64xi32, #tpu.memory_space<vmem>>
        %dma_start3A_519 = tpu.memref_squeeze %dma_start3A_518 : memref<1x2x64xi32, #tpu.memory_space<vmem>> -> memref<2x64xi32, #tpu.memory_space<vmem>>
        %dma_start3A_520 = arith.constant 0 : i32
        %dma_start3A_521 = arith.constant 0 : i32
        %dma_start3A_522 = tpu.memref_slice %arg3[%add3A, %add3A_505, %dma_start3A_520, %dma_start3A_521] : memref<32x157x2x64xi32, #tpu.memory_space<hbm>> -> memref<1x1x2x64xi32, #tpu.memory_space<hbm>>
        %dma_start3A_523 = tpu.memref_squeeze %dma_start3A_522 : memref<1x1x2x64xi32, #tpu.memory_space<hbm>> -> memref<2x64xi32, #tpu.memory_space<hbm>>
        tpu.enqueue_dma source(%dma_start3A_523 : memref<2x64xi32, #tpu.memory_space<hbm>>) target(%dma_start3A_519 : memref<2x64xi32, #tpu.memory_space<vmem>>) target_semaphore(%dma_start3A_515 : memref<!tpu.dma_semaphore, #tpu.memory_space<semaphore_mem>>)
      } else {
      }
    }
    %scan3A_319 = arith.constant 157 : i32
    %dma_wait3A_320 = arith.constant 1 : i32
    %dma_wait3A_321 = arith.constant 1 : i32
    %dma_wait3A_322 = arith.constant 1 : i32
    %dma_wait3A_323 = arith.constant 1 : i32
    %dma_wait3A_324 = arith.constant 0 : i32
    %dma_wait3A_325 = arith.constant 0 : i32
    %dma_wait3A_326 = tpu.memref_slice %arg7[%dma_wait3A_320, %dma_wait3A_324, %dma_wait3A_325] : memref<6x64x128xf32, #tpu.memory_space<vmem>> -> memref<1x64x128xf32, #tpu.memory_space<vmem>>
    %dma_wait3A_327 = tpu.memref_squeeze %dma_wait3A_326 : memref<1x64x128xf32, #tpu.memory_space<vmem>> -> memref<64x128xf32, #tpu.memory_space<vmem>>
    %dma_wait3A_328 = arith.constant 0 : i32
    %dma_wait3A_329 = tpu.memref_slice %arg6[%dma_wait3A_321, %dma_wait3A_322, %dma_wait3A_328] : memref<6x2x64xi32, #tpu.memory_space<vmem>> -> memref<1x1x64xi32, #tpu.memory_space<vmem>>
    %dma_wait3A_330 = tpu.memref_squeeze %dma_wait3A_329 : memref<1x1x64xi32, #tpu.memory_space<vmem>> -> memref<64xi32, #tpu.memory_space<vmem>>
    %dma_wait3A_331 = arith.constant 0 : i32
    %dma_wait3A_332 = arith.constant 0 : i32
    %dma_wait3A_333 = tpu.memref_slice %arg8[%dma_wait3A_331, %dma_wait3A_332] : memref<10008x128xf32, #tpu.memory_space<vmem_shared>> -> memref<10008x128xf32, #tpu.memory_space<vmem_shared>>
    %dma_wait3A_334 = tpu.memref_slice %arg11[%dma_wait3A_323] : memref<6x!tpu.dma_semaphore, #tpu.memory_space<semaphore_mem>> -> memref<1x!tpu.dma_semaphore, #tpu.memory_space<semaphore_mem>>
    %dma_wait3A_335 = tpu.memref_squeeze %dma_wait3A_334 : memref<1x!tpu.dma_semaphore, #tpu.memory_space<semaphore_mem>> -> memref<!tpu.dma_semaphore, #tpu.memory_space<semaphore_mem>>
    tpu.wait_indirect_dma semaphore(%dma_wait3A_335 : memref<!tpu.dma_semaphore, #tpu.memory_space<semaphore_mem>>) src(%dma_wait3A_327 : memref<64x128xf32, #tpu.memory_space<vmem>>) dst(%dma_wait3A_333 : memref<10008x128xf32, #tpu.memory_space<vmem_shared>>)
    %dma_wait3A_336 = arith.constant 2 : i32
    %dma_wait3A_337 = arith.constant 2 : i32
    %dma_wait3A_338 = arith.constant 1 : i32
    %dma_wait3A_339 = arith.constant 2 : i32
    %dma_wait3A_340 = arith.constant 0 : i32
    %dma_wait3A_341 = arith.constant 0 : i32
    %dma_wait3A_342 = tpu.memref_slice %arg7[%dma_wait3A_336, %dma_wait3A_340, %dma_wait3A_341] : memref<6x64x128xf32, #tpu.memory_space<vmem>> -> memref<1x64x128xf32, #tpu.memory_space<vmem>>
    %dma_wait3A_343 = tpu.memref_squeeze %dma_wait3A_342 : memref<1x64x128xf32, #tpu.memory_space<vmem>> -> memref<64x128xf32, #tpu.memory_space<vmem>>
    %dma_wait3A_344 = arith.constant 0 : i32
    %dma_wait3A_345 = tpu.memref_slice %arg6[%dma_wait3A_337, %dma_wait3A_338, %dma_wait3A_344] : memref<6x2x64xi32, #tpu.memory_space<vmem>> -> memref<1x1x64xi32, #tpu.memory_space<vmem>>
    %dma_wait3A_346 = tpu.memref_squeeze %dma_wait3A_345 : memref<1x1x64xi32, #tpu.memory_space<vmem>> -> memref<64xi32, #tpu.memory_space<vmem>>
    %dma_wait3A_347 = arith.constant 0 : i32
    %dma_wait3A_348 = arith.constant 0 : i32
    %dma_wait3A_349 = tpu.memref_slice %arg8[%dma_wait3A_347, %dma_wait3A_348] : memref<10008x128xf32, #tpu.memory_space<vmem_shared>> -> memref<10008x128xf32, #tpu.memory_space<vmem_shared>>
    %dma_wait3A_350 = tpu.memref_slice %arg11[%dma_wait3A_339] : memref<6x!tpu.dma_semaphore, #tpu.memory_space<semaphore_mem>> -> memref<1x!tpu.dma_semaphore, #tpu.memory_space<semaphore_mem>>
    %dma_wait3A_351 = tpu.memref_squeeze %dma_wait3A_350 : memref<1x!tpu.dma_semaphore, #tpu.memory_space<semaphore_mem>> -> memref<!tpu.dma_semaphore, #tpu.memory_space<semaphore_mem>>
    tpu.wait_indirect_dma semaphore(%dma_wait3A_351 : memref<!tpu.dma_semaphore, #tpu.memory_space<semaphore_mem>>) src(%dma_wait3A_343 : memref<64x128xf32, #tpu.memory_space<vmem>>) dst(%dma_wait3A_349 : memref<10008x128xf32, #tpu.memory_space<vmem_shared>>)
    %dma_wait3A_352 = arith.constant 3 : i32
    %dma_wait3A_353 = arith.constant 3 : i32
    %dma_wait3A_354 = arith.constant 1 : i32
    %dma_wait3A_355 = arith.constant 3 : i32
    %dma_wait3A_356 = arith.constant 0 : i32
    %dma_wait3A_357 = arith.constant 0 : i32
    %dma_wait3A_358 = tpu.memref_slice %arg7[%dma_wait3A_352, %dma_wait3A_356, %dma_wait3A_357] : memref<6x64x128xf32, #tpu.memory_space<vmem>> -> memref<1x64x128xf32, #tpu.memory_space<vmem>>
    %dma_wait3A_359 = tpu.memref_squeeze %dma_wait3A_358 : memref<1x64x128xf32, #tpu.memory_space<vmem>> -> memref<64x128xf32, #tpu.memory_space<vmem>>
    %dma_wait3A_360 = arith.constant 0 : i32
    %dma_wait3A_361 = tpu.memref_slice %arg6[%dma_wait3A_353, %dma_wait3A_354, %dma_wait3A_360] : memref<6x2x64xi32, #tpu.memory_space<vmem>> -> memref<1x1x64xi32, #tpu.memory_space<vmem>>
    %dma_wait3A_362 = tpu.memref_squeeze %dma_wait3A_361 : memref<1x1x64xi32, #tpu.memory_space<vmem>> -> memref<64xi32, #tpu.memory_space<vmem>>
    %dma_wait3A_363 = arith.constant 0 : i32
    %dma_wait3A_364 = arith.constant 0 : i32
    %dma_wait3A_365 = tpu.memref_slice %arg8[%dma_wait3A_363, %dma_wait3A_364] : memref<10008x128xf32, #tpu.memory_space<vmem_shared>> -> memref<10008x128xf32, #tpu.memory_space<vmem_shared>>
    %dma_wait3A_366 = tpu.memref_slice %arg11[%dma_wait3A_355] : memref<6x!tpu.dma_semaphore, #tpu.memory_space<semaphore_mem>> -> memref<1x!tpu.dma_semaphore, #tpu.memory_space<semaphore_mem>>
    %dma_wait3A_367 = tpu.memref_squeeze %dma_wait3A_366 : memref<1x!tpu.dma_semaphore, #tpu.memory_space<semaphore_mem>> -> memref<!tpu.dma_semaphore, #tpu.memory_space<semaphore_mem>>
    tpu.wait_indirect_dma semaphore(%dma_wait3A_367 : memref<!tpu.dma_semaphore, #tpu.memory_space<semaphore_mem>>) src(%dma_wait3A_359 : memref<64x128xf32, #tpu.memory_space<vmem>>) dst(%dma_wait3A_365 : memref<10008x128xf32, #tpu.memory_space<vmem_shared>>)
    %dma_wait3A_368 = arith.constant 4 : i32
    %dma_wait3A_369 = arith.constant 4 : i32
    %dma_wait3A_370 = arith.constant 1 : i32
    %dma_wait3A_371 = arith.constant 4 : i32
    %dma_wait3A_372 = arith.constant 0 : i32
    %dma_wait3A_373 = arith.constant 0 : i32
    %dma_wait3A_374 = tpu.memref_slice %arg7[%dma_wait3A_368, %dma_wait3A_372, %dma_wait3A_373] : memref<6x64x128xf32, #tpu.memory_space<vmem>> -> memref<1x64x128xf32, #tpu.memory_space<vmem>>
    %dma_wait3A_375 = tpu.memref_squeeze %dma_wait3A_374 : memref<1x64x128xf32, #tpu.memory_space<vmem>> -> memref<64x128xf32, #tpu.memory_space<vmem>>
    %dma_wait3A_376 = arith.constant 0 : i32
    %dma_wait3A_377 = tpu.memref_slice %arg6[%dma_wait3A_369, %dma_wait3A_370, %dma_wait3A_376] : memref<6x2x64xi32, #tpu.memory_space<vmem>> -> memref<1x1x64xi32, #tpu.memory_space<vmem>>
    %dma_wait3A_378 = tpu.memref_squeeze %dma_wait3A_377 : memref<1x1x64xi32, #tpu.memory_space<vmem>> -> memref<64xi32, #tpu.memory_space<vmem>>
    %dma_wait3A_379 = arith.constant 0 : i32
    %dma_wait3A_380 = arith.constant 0 : i32
    %dma_wait3A_381 = tpu.memref_slice %arg8[%dma_wait3A_379, %dma_wait3A_380] : memref<10008x128xf32, #tpu.memory_space<vmem_shared>> -> memref<10008x128xf32, #tpu.memory_space<vmem_shared>>
    %dma_wait3A_382 = tpu.memref_slice %arg11[%dma_wait3A_371] : memref<6x!tpu.dma_semaphore, #tpu.memory_space<semaphore_mem>> -> memref<1x!tpu.dma_semaphore, #tpu.memory_space<semaphore_mem>>
    %dma_wait3A_383 = tpu.memref_squeeze %dma_wait3A_382 : memref<1x!tpu.dma_semaphore, #tpu.memory_space<semaphore_mem>> -> memref<!tpu.dma_semaphore, #tpu.memory_space<semaphore_mem>>
    tpu.wait_indirect_dma semaphore(%dma_wait3A_383 : memref<!tpu.dma_semaphore, #tpu.memory_space<semaphore_mem>>) src(%dma_wait3A_375 : memref<64x128xf32, #tpu.memory_space<vmem>>) dst(%dma_wait3A_381 : memref<10008x128xf32, #tpu.memory_space<vmem_shared>>)
    %dma_wait3A_384 = arith.constant 5 : i32
    %dma_wait3A_385 = arith.constant 5 : i32
    %dma_wait3A_386 = arith.constant 1 : i32
    %dma_wait3A_387 = arith.constant 5 : i32
    %dma_wait3A_388 = arith.constant 0 : i32
    %dma_wait3A_389 = arith.constant 0 : i32
    %dma_wait3A_390 = tpu.memref_slice %arg7[%dma_wait3A_384, %dma_wait3A_388, %dma_wait3A_389] : memref<6x64x128xf32, #tpu.memory_space<vmem>> -> memref<1x64x128xf32, #tpu.memory_space<vmem>>
    %dma_wait3A_391 = tpu.memref_squeeze %dma_wait3A_390 : memref<1x64x128xf32, #tpu.memory_space<vmem>> -> memref<64x128xf32, #tpu.memory_space<vmem>>
    %dma_wait3A_392 = arith.constant 0 : i32
    %dma_wait3A_393 = tpu.memref_slice %arg6[%dma_wait3A_385, %dma_wait3A_386, %dma_wait3A_392] : memref<6x2x64xi32, #tpu.memory_space<vmem>> -> memref<1x1x64xi32, #tpu.memory_space<vmem>>
    %dma_wait3A_394 = tpu.memref_squeeze %dma_wait3A_393 : memref<1x1x64xi32, #tpu.memory_space<vmem>> -> memref<64xi32, #tpu.memory_space<vmem>>
    %dma_wait3A_395 = arith.constant 0 : i32
    %dma_wait3A_396 = arith.constant 0 : i32
    %dma_wait3A_397 = tpu.memref_slice %arg8[%dma_wait3A_395, %dma_wait3A_396] : memref<10008x128xf32, #tpu.memory_space<vmem_shared>> -> memref<10008x128xf32, #tpu.memory_space<vmem_shared>>
    %dma_wait3A_398 = tpu.memref_slice %arg11[%dma_wait3A_387] : memref<6x!tpu.dma_semaphore, #tpu.memory_space<semaphore_mem>> -> memref<1x!tpu.dma_semaphore, #tpu.memory_space<semaphore_mem>>
    %dma_wait3A_399 = tpu.memref_squeeze %dma_wait3A_398 : memref<1x!tpu.dma_semaphore, #tpu.memory_space<semaphore_mem>> -> memref<!tpu.dma_semaphore, #tpu.memory_space<semaphore_mem>>
    tpu.wait_indirect_dma semaphore(%dma_wait3A_399 : memref<!tpu.dma_semaphore, #tpu.memory_space<semaphore_mem>>) src(%dma_wait3A_391 : memref<64x128xf32, #tpu.memory_space<vmem>>) dst(%dma_wait3A_397 : memref<10008x128xf32, #tpu.memory_space<vmem_shared>>)
    %dma_wait3A_400 = arith.constant 0 : i32
    %dma_wait3A_401 = arith.constant 0 : i32
    %dma_wait3A_402 = arith.constant 1 : i32
    %dma_wait3A_403 = arith.constant 0 : i32
    %dma_wait3A_404 = arith.constant 0 : i32
    %dma_wait3A_405 = arith.constant 0 : i32
    %dma_wait3A_406 = tpu.memref_slice %arg7[%dma_wait3A_400, %dma_wait3A_404, %dma_wait3A_405] : memref<6x64x128xf32, #tpu.memory_space<vmem>> -> memref<1x64x128xf32, #tpu.memory_space<vmem>>
    %dma_wait3A_407 = tpu.memref_squeeze %dma_wait3A_406 : memref<1x64x128xf32, #tpu.memory_space<vmem>> -> memref<64x128xf32, #tpu.memory_space<vmem>>
    %dma_wait3A_408 = arith.constant 0 : i32
    %dma_wait3A_409 = tpu.memref_slice %arg6[%dma_wait3A_401, %dma_wait3A_402, %dma_wait3A_408] : memref<6x2x64xi32, #tpu.memory_space<vmem>> -> memref<1x1x64xi32, #tpu.memory_space<vmem>>
    %dma_wait3A_410 = tpu.memref_squeeze %dma_wait3A_409 : memref<1x1x64xi32, #tpu.memory_space<vmem>> -> memref<64xi32, #tpu.memory_space<vmem>>
    %dma_wait3A_411 = arith.constant 0 : i32
    %dma_wait3A_412 = arith.constant 0 : i32
    %dma_wait3A_413 = tpu.memref_slice %arg8[%dma_wait3A_411, %dma_wait3A_412] : memref<10008x128xf32, #tpu.memory_space<vmem_shared>> -> memref<10008x128xf32, #tpu.memory_space<vmem_shared>>
    %dma_wait3A_414 = tpu.memref_slice %arg11[%dma_wait3A_403] : memref<6x!tpu.dma_semaphore, #tpu.memory_space<semaphore_mem>> -> memref<1x!tpu.dma_semaphore, #tpu.memory_space<semaphore_mem>>
    %dma_wait3A_415 = tpu.memref_squeeze %dma_wait3A_414 : memref<1x!tpu.dma_semaphore, #tpu.memory_space<semaphore_mem>> -> memref<!tpu.dma_semaphore, #tpu.memory_space<semaphore_mem>>
    tpu.wait_indirect_dma semaphore(%dma_wait3A_415 : memref<!tpu.dma_semaphore, #tpu.memory_space<semaphore_mem>>) src(%dma_wait3A_407 : memref<64x128xf32, #tpu.memory_space<vmem>>) dst(%dma_wait3A_413 : memref<10008x128xf32, #tpu.memory_space<vmem_shared>>)
    %barrier3A_416 = arith.constant 0 : index
    tpu.barrier barrier_id(%barrier3A_416)
    %lt3A_417 = arith.constant 15 : i32
    %lt3A_418 = arith.cmpi slt, %arg1, %lt3A_417 : i32
    %convert_element_type3A_419 = arith.extui %lt3A_418 : i1 to i32
    %cond3A_420 = arith.constant 0 : i32
    %cond3A_421 = arith.cmpi ne, %convert_element_type3A_419, %cond3A_420 : i32
    scf.if %cond3A_421 {
      %mul3A_427 = arith.constant 632 : i32
      %mul3A_428 = arith.muli %arg1, %mul3A_427 : i32
      %mul3A_429 = arith.constant 632 : i32
      %mul3A_430 = arith.muli %arg1, %mul3A_429 : i32
      "tpu.region"() ({
        %run_scoped3A = tpu.sem_alloc : memref<!tpu.dma_semaphore, #tpu.memory_space<semaphore_mem>>
        %dma_start3A_431 = arith.constant 0 : i32
        %dma_start3A_432 = tpu.memref_slice %arg5[%arg0, %mul3A_430, %dma_start3A_431] : memref<2x10008x128xf32, #tpu.memory_space<hbm>> -> memref<1x632x128xf32, #tpu.memory_space<hbm>>
        %dma_start3A_433 = tpu.memref_squeeze %dma_start3A_432 : memref<1x632x128xf32, #tpu.memory_space<hbm>> -> memref<632x128xf32, #tpu.memory_space<hbm>>
        %dma_start3A_434 = arith.constant 0 : i32
        %dma_start3A_435 = tpu.memref_slice %arg8[%mul3A_428, %dma_start3A_434] : memref<10008x128xf32, #tpu.memory_space<vmem_shared>> -> memref<632x128xf32, #tpu.memory_space<vmem_shared>>
        tpu.enqueue_dma source(%dma_start3A_435 : memref<632x128xf32, #tpu.memory_space<vmem_shared>>) target(%dma_start3A_433 : memref<632x128xf32, #tpu.memory_space<hbm>>) target_semaphore(%run_scoped3A : memref<!tpu.dma_semaphore, #tpu.memory_space<semaphore_mem>>)
        %dma_wait3A_436 = arith.constant 0 : i32
        %dma_wait3A_437 = tpu.memref_slice %arg5[%arg0, %mul3A_430, %dma_wait3A_436] : memref<2x10008x128xf32, #tpu.memory_space<hbm>> -> memref<1x632x128xf32, #tpu.memory_space<hbm>>
        %dma_wait3A_438 = tpu.memref_squeeze %dma_wait3A_437 : memref<1x632x128xf32, #tpu.memory_space<hbm>> -> memref<632x128xf32, #tpu.memory_space<hbm>>
        %dma_wait3A_439 = arith.constant 0 : i32
        %dma_wait3A_440 = tpu.memref_slice %arg8[%mul3A_428, %dma_wait3A_439] : memref<10008x128xf32, #tpu.memory_space<vmem_shared>> -> memref<632x128xf32, #tpu.memory_space<vmem_shared>>
        tpu.wait_dma2 semaphore(%run_scoped3A : memref<!tpu.dma_semaphore, #tpu.memory_space<semaphore_mem>>) src(%dma_wait3A_440 : memref<632x128xf32, #tpu.memory_space<vmem_shared>>) dst(%dma_wait3A_438 : memref<632x128xf32, #tpu.memory_space<hbm>>)
        tpu.yield
      }) : () -> ()
    } else {
    }
    %eq3A_422 = arith.constant 15 : i32
    %eq3A_423 = arith.cmpi eq, %arg1, %eq3A_422 : i32
    %convert_element_type3A_424 = arith.extui %eq3A_423 : i1 to i32
    %cond3A_425 = arith.constant 0 : i32
    %cond3A_426 = arith.cmpi ne, %convert_element_type3A_424, %cond3A_425 : i32
    scf.if %cond3A_426 {
      %mul3A_427 = arith.constant 632 : i32
      %mul3A_428 = arith.muli %arg1, %mul3A_427 : i32
      %mul3A_429 = arith.constant 632 : i32
      %mul3A_430 = arith.muli %arg1, %mul3A_429 : i32
      "tpu.region"() ({
        %run_scoped3A = tpu.sem_alloc : memref<!tpu.dma_semaphore, #tpu.memory_space<semaphore_mem>>
        %dma_start3A_431 = arith.constant 0 : i32
        %dma_start3A_432 = tpu.memref_slice %arg5[%arg0, %mul3A_430, %dma_start3A_431] : memref<2x10008x128xf32, #tpu.memory_space<hbm>> -> memref<1x528x128xf32, #tpu.memory_space<hbm>>
        %dma_start3A_433 = tpu.memref_squeeze %dma_start3A_432 : memref<1x528x128xf32, #tpu.memory_space<hbm>> -> memref<528x128xf32, #tpu.memory_space<hbm>>
        %dma_start3A_434 = arith.constant 0 : i32
        %dma_start3A_435 = tpu.memref_slice %arg8[%mul3A_428, %dma_start3A_434] : memref<10008x128xf32, #tpu.memory_space<vmem_shared>> -> memref<528x128xf32, #tpu.memory_space<vmem_shared>>
        tpu.enqueue_dma source(%dma_start3A_435 : memref<528x128xf32, #tpu.memory_space<vmem_shared>>) target(%dma_start3A_433 : memref<528x128xf32, #tpu.memory_space<hbm>>) target_semaphore(%run_scoped3A : memref<!tpu.dma_semaphore, #tpu.memory_space<semaphore_mem>>)
        %dma_wait3A_436 = arith.constant 0 : i32
        %dma_wait3A_437 = tpu.memref_slice %arg5[%arg0, %mul3A_430, %dma_wait3A_436] : memref<2x10008x128xf32, #tpu.memory_space<hbm>> -> memref<1x528x128xf32, #tpu.memory_space<hbm>>
        %dma_wait3A_438 = tpu.memref_squeeze %dma_wait3A_437 : memref<1x528x128xf32, #tpu.memory_space<hbm>> -> memref<528x128xf32, #tpu.memory_space<hbm>>
        %dma_wait3A_439 = arith.constant 0 : i32
        %dma_wait3A_440 = tpu.memref_slice %arg8[%mul3A_428, %dma_wait3A_439] : memref<10008x128xf32, #tpu.memory_space<vmem_shared>> -> memref<528x128xf32, #tpu.memory_space<vmem_shared>>
        tpu.wait_dma2 semaphore(%run_scoped3A : memref<!tpu.dma_semaphore, #tpu.memory_space<semaphore_mem>>) src(%dma_wait3A_440 : memref<528x128xf32, #tpu.memory_space<vmem_shared>>) dst(%dma_wait3A_438 : memref<528x128xf32, #tpu.memory_space<hbm>>)
        tpu.yield
      }) : () -> ()
    } else {
    }
    return
  }
}

#map = affine_map<(d0, d1) -> (0, 0)>
#map1 = affine_map<(d0, d1) -> (0, 0, 0, 0)>
#map2 = affine_map<(d0, d1) -> (0, 0, 0)>
module attributes {stable_mosaic.version = 14 : i64} {
  func.func @k(%arg0: i32, %arg1: i32, %arg2: memref<10000x128xf32, #tpu.memory_space<hbm>>, %arg3: memref<32x157x2x64xi32, #tpu.memory_space<hbm>>, %arg4: memref<10008x128xf32, #tpu.memory_space<hbm>>, %arg5: memref<2x10008x128xf32, #tpu.memory_space<hbm>>, %arg6: memref<6x2x64xi32, #tpu.memory_space<vmem>>, %arg7: memref<6x64x128xf32, #tpu.memory_space<vmem>>, %arg8: memref<10008x128xf32, #tpu.memory_space<vmem_shared>>, %arg9: memref<6x!tpu.dma_semaphore, #tpu.memory_space<semaphore_mem>>, %arg10: memref<6x!tpu.dma_semaphore, #tpu.memory_space<semaphore_mem>>, %arg11: memref<6x!tpu.dma_semaphore, #tpu.memory_space<semaphore_mem>>) attributes {dimension_semantics = [#tpu.dimension_semantics<core_parallel>, #tpu.dimension_semantics<subcore_parallel>], iteration_bounds = array<i64: 2, 16>, scalar_prefetch = 0 : i64, scratch_operands = 6 : i64, tpu.core_type = #tpu.core_type<sc_vector_subcore>, window_params = [{transform_indices = #map}, {transform_indices = #map1}, {transform_indices = #map}, {transform_indices = #map2}]} {
    %mul3A = arith.constant 16 : i32
    %mul3A_0 = arith.muli %arg0, %mul3A : i32
    %add3A = arith.addi %mul3A_0, %arg1 : i32
    %dma_start3A = arith.constant 0 : i32
    %dma_start3A_1 = arith.constant 0 : i32
    %dma_start3A_2 = arith.constant 0 : i32
    %dma_start3A_3 = arith.constant 0 : i32
    %dma_start3A_4 = arith.constant 0 : i32
    %dma_start3A_5 = tpu.memref_slice %arg6[%dma_start3A_1, %dma_start3A_3, %dma_start3A_4] : memref<6x2x64xi32, #tpu.memory_space<vmem>> -> memref<1x2x64xi32, #tpu.memory_space<vmem>>
    %dma_start3A_6 = tpu.memref_squeeze %dma_start3A_5 : memref<1x2x64xi32, #tpu.memory_space<vmem>> -> memref<2x64xi32, #tpu.memory_space<vmem>>
    %dma_start3A_7 = arith.constant 0 : i32
    %dma_start3A_8 = arith.constant 0 : i32
    %dma_start3A_9 = tpu.memref_slice %arg3[%add3A, %dma_start3A, %dma_start3A_7, %dma_start3A_8] : memref<32x157x2x64xi32, #tpu.memory_space<hbm>> -> memref<1x1x2x64xi32, #tpu.memory_space<hbm>>
    %dma_start3A_10 = tpu.memref_squeeze %dma_start3A_9 : memref<1x1x2x64xi32, #tpu.memory_space<hbm>> -> memref<2x64xi32, #tpu.memory_space<hbm>>
    %dma_start3A_11 = tpu.memref_slice %arg9[%dma_start3A_2] : memref<6x!tpu.dma_semaphore, #tpu.memory_space<semaphore_mem>> -> memref<1x!tpu.dma_semaphore, #tpu.memory_space<semaphore_mem>>
    %dma_start3A_12 = tpu.memref_squeeze %dma_start3A_11 : memref<1x!tpu.dma_semaphore, #tpu.memory_space<semaphore_mem>> -> memref<!tpu.dma_semaphore, #tpu.memory_space<semaphore_mem>>
    %dma_start3A_13 = arith.constant 0 : i32
    %dma_start3A_14 = arith.constant 0 : i32
    %dma_start3A_15 = tpu.memref_slice %arg6[%dma_start3A_1, %dma_start3A_13, %dma_start3A_14] : memref<6x2x64xi32, #tpu.memory_space<vmem>> -> memref<1x2x64xi32, #tpu.memory_space<vmem>>
    %dma_start3A_16 = tpu.memref_squeeze %dma_start3A_15 : memref<1x2x64xi32, #tpu.memory_space<vmem>> -> memref<2x64xi32, #tpu.memory_space<vmem>>
    %dma_start3A_17 = arith.constant 0 : i32
    %dma_start3A_18 = arith.constant 0 : i32
    %dma_start3A_19 = tpu.memref_slice %arg3[%add3A, %dma_start3A, %dma_start3A_17, %dma_start3A_18] : memref<32x157x2x64xi32, #tpu.memory_space<hbm>> -> memref<1x1x2x64xi32, #tpu.memory_space<hbm>>
    %dma_start3A_20 = tpu.memref_squeeze %dma_start3A_19 : memref<1x1x2x64xi32, #tpu.memory_space<hbm>> -> memref<2x64xi32, #tpu.memory_space<hbm>>
    tpu.enqueue_dma source(%dma_start3A_20 : memref<2x64xi32, #tpu.memory_space<hbm>>) target(%dma_start3A_16 : memref<2x64xi32, #tpu.memory_space<vmem>>) target_semaphore(%dma_start3A_12 : memref<!tpu.dma_semaphore, #tpu.memory_space<semaphore_mem>>)
    %dma_start3A_21 = arith.constant 1 : i32
    %dma_start3A_22 = arith.constant 1 : i32
    %dma_start3A_23 = arith.constant 1 : i32
    %dma_start3A_24 = arith.constant 0 : i32
    %dma_start3A_25 = arith.constant 0 : i32
    %dma_start3A_26 = tpu.memref_slice %arg6[%dma_start3A_22, %dma_start3A_24, %dma_start3A_25] : memref<6x2x64xi32, #tpu.memory_space<vmem>> -> memref<1x2x64xi32, #tpu.memory_space<vmem>>
    %dma_start3A_27 = tpu.memref_squeeze %dma_start3A_26 : memref<1x2x64xi32, #tpu.memory_space<vmem>> -> memref<2x64xi32, #tpu.memory_space<vmem>>
    %dma_start3A_28 = arith.constant 0 : i32
    %dma_start3A_29 = arith.constant 0 : i32
    %dma_start3A_30 = tpu.memref_slice %arg3[%add3A, %dma_start3A_21, %dma_start3A_28, %dma_start3A_29] : memref<32x157x2x64xi32, #tpu.memory_space<hbm>> -> memref<1x1x2x64xi32, #tpu.memory_space<hbm>>
    %dma_start3A_31 = tpu.memref_squeeze %dma_start3A_30 : memref<1x1x2x64xi32, #tpu.memory_space<hbm>> -> memref<2x64xi32, #tpu.memory_space<hbm>>
    %dma_start3A_32 = tpu.memref_slice %arg9[%dma_start3A_23] : memref<6x!tpu.dma_semaphore, #tpu.memory_space<semaphore_mem>> -> memref<1x!tpu.dma_semaphore, #tpu.memory_space<semaphore_mem>>
    %dma_start3A_33 = tpu.memref_squeeze %dma_start3A_32 : memref<1x!tpu.dma_semaphore, #tpu.memory_space<semaphore_mem>> -> memref<!tpu.dma_semaphore, #tpu.memory_space<semaphore_mem>>
    %dma_start3A_34 = arith.constant 0 : i32
    %dma_start3A_35 = arith.constant 0 : i32
    %dma_start3A_36 = tpu.memref_slice %arg6[%dma_start3A_22, %dma_start3A_34, %dma_start3A_35] : memref<6x2x64xi32, #tpu.memory_space<vmem>> -> memref<1x2x64xi32, #tpu.memory_space<vmem>>
    %dma_start3A_37 = tpu.memref_squeeze %dma_start3A_36 : memref<1x2x64xi32, #tpu.memory_space<vmem>> -> memref<2x64xi32, #tpu.memory_space<vmem>>
    %dma_start3A_38 = arith.constant 0 : i32
    %dma_start3A_39 = arith.constant 0 : i32
    %dma_start3A_40 = tpu.memref_slice %arg3[%add3A, %dma_start3A_21, %dma_start3A_38, %dma_start3A_39] : memref<32x157x2x64xi32, #tpu.memory_space<hbm>> -> memref<1x1x2x64xi32, #tpu.memory_space<hbm>>
    %dma_start3A_41 = tpu.memref_squeeze %dma_start3A_40 : memref<1x1x2x64xi32, #tpu.memory_space<hbm>> -> memref<2x64xi32, #tpu.memory_space<hbm>>
    tpu.enqueue_dma source(%dma_start3A_41 : memref<2x64xi32, #tpu.memory_space<hbm>>) target(%dma_start3A_37 : memref<2x64xi32, #tpu.memory_space<vmem>>) target_semaphore(%dma_start3A_33 : memref<!tpu.dma_semaphore, #tpu.memory_space<semaphore_mem>>)
    %dma_start3A_42 = arith.constant 2 : i32
    %dma_start3A_43 = arith.constant 2 : i32
    %dma_start3A_44 = arith.constant 2 : i32
    %dma_start3A_45 = arith.constant 0 : i32
    %dma_start3A_46 = arith.constant 0 : i32
    %dma_start3A_47 = tpu.memref_slice %arg6[%dma_start3A_43, %dma_start3A_45, %dma_start3A_46] : memref<6x2x64xi32, #tpu.memory_space<vmem>> -> memref<1x2x64xi32, #tpu.memory_space<vmem>>
    %dma_start3A_48 = tpu.memref_squeeze %dma_start3A_47 : memref<1x2x64xi32, #tpu.memory_space<vmem>> -> memref<2x64xi32, #tpu.memory_space<vmem>>
    %dma_start3A_49 = arith.constant 0 : i32
    %dma_start3A_50 = arith.constant 0 : i32
    %dma_start3A_51 = tpu.memref_slice %arg3[%add3A, %dma_start3A_42, %dma_start3A_49, %dma_start3A_50] : memref<32x157x2x64xi32, #tpu.memory_space<hbm>> -> memref<1x1x2x64xi32, #tpu.memory_space<hbm>>
    %dma_start3A_52 = tpu.memref_squeeze %dma_start3A_51 : memref<1x1x2x64xi32, #tpu.memory_space<hbm>> -> memref<2x64xi32, #tpu.memory_space<hbm>>
    %dma_start3A_53 = tpu.memref_slice %arg9[%dma_start3A_44] : memref<6x!tpu.dma_semaphore, #tpu.memory_space<semaphore_mem>> -> memref<1x!tpu.dma_semaphore, #tpu.memory_space<semaphore_mem>>
    %dma_start3A_54 = tpu.memref_squeeze %dma_start3A_53 : memref<1x!tpu.dma_semaphore, #tpu.memory_space<semaphore_mem>> -> memref<!tpu.dma_semaphore, #tpu.memory_space<semaphore_mem>>
    %dma_start3A_55 = arith.constant 0 : i32
    %dma_start3A_56 = arith.constant 0 : i32
    %dma_start3A_57 = tpu.memref_slice %arg6[%dma_start3A_43, %dma_start3A_55, %dma_start3A_56] : memref<6x2x64xi32, #tpu.memory_space<vmem>> -> memref<1x2x64xi32, #tpu.memory_space<vmem>>
    %dma_start3A_58 = tpu.memref_squeeze %dma_start3A_57 : memref<1x2x64xi32, #tpu.memory_space<vmem>> -> memref<2x64xi32, #tpu.memory_space<vmem>>
    %dma_start3A_59 = arith.constant 0 : i32
    %dma_start3A_60 = arith.constant 0 : i32
    %dma_start3A_61 = tpu.memref_slice %arg3[%add3A, %dma_start3A_42, %dma_start3A_59, %dma_start3A_60] : memref<32x157x2x64xi32, #tpu.memory_space<hbm>> -> memref<1x1x2x64xi32, #tpu.memory_space<hbm>>
    %dma_start3A_62 = tpu.memref_squeeze %dma_start3A_61 : memref<1x1x2x64xi32, #tpu.memory_space<hbm>> -> memref<2x64xi32, #tpu.memory_space<hbm>>
    tpu.enqueue_dma source(%dma_start3A_62 : memref<2x64xi32, #tpu.memory_space<hbm>>) target(%dma_start3A_58 : memref<2x64xi32, #tpu.memory_space<vmem>>) target_semaphore(%dma_start3A_54 : memref<!tpu.dma_semaphore, #tpu.memory_space<semaphore_mem>>)
    %dma_start3A_63 = arith.constant 3 : i32
    %dma_start3A_64 = arith.constant 3 : i32
    %dma_start3A_65 = arith.constant 3 : i32
    %dma_start3A_66 = arith.constant 0 : i32
    %dma_start3A_67 = arith.constant 0 : i32
    %dma_start3A_68 = tpu.memref_slice %arg6[%dma_start3A_64, %dma_start3A_66, %dma_start3A_67] : memref<6x2x64xi32, #tpu.memory_space<vmem>> -> memref<1x2x64xi32, #tpu.memory_space<vmem>>
    %dma_start3A_69 = tpu.memref_squeeze %dma_start3A_68 : memref<1x2x64xi32, #tpu.memory_space<vmem>> -> memref<2x64xi32, #tpu.memory_space<vmem>>
    %dma_start3A_70 = arith.constant 0 : i32
    %dma_start3A_71 = arith.constant 0 : i32
    %dma_start3A_72 = tpu.memref_slice %arg3[%add3A, %dma_start3A_63, %dma_start3A_70, %dma_start3A_71] : memref<32x157x2x64xi32, #tpu.memory_space<hbm>> -> memref<1x1x2x64xi32, #tpu.memory_space<hbm>>
    %dma_start3A_73 = tpu.memref_squeeze %dma_start3A_72 : memref<1x1x2x64xi32, #tpu.memory_space<hbm>> -> memref<2x64xi32, #tpu.memory_space<hbm>>
    %dma_start3A_74 = tpu.memref_slice %arg9[%dma_start3A_65] : memref<6x!tpu.dma_semaphore, #tpu.memory_space<semaphore_mem>> -> memref<1x!tpu.dma_semaphore, #tpu.memory_space<semaphore_mem>>
    %dma_start3A_75 = tpu.memref_squeeze %dma_start3A_74 : memref<1x!tpu.dma_semaphore, #tpu.memory_space<semaphore_mem>> -> memref<!tpu.dma_semaphore, #tpu.memory_space<semaphore_mem>>
    %dma_start3A_76 = arith.constant 0 : i32
    %dma_start3A_77 = arith.constant 0 : i32
    %dma_start3A_78 = tpu.memref_slice %arg6[%dma_start3A_64, %dma_start3A_76, %dma_start3A_77] : memref<6x2x64xi32, #tpu.memory_space<vmem>> -> memref<1x2x64xi32, #tpu.memory_space<vmem>>
    %dma_start3A_79 = tpu.memref_squeeze %dma_start3A_78 : memref<1x2x64xi32, #tpu.memory_space<vmem>> -> memref<2x64xi32, #tpu.memory_space<vmem>>
    %dma_start3A_80 = arith.constant 0 : i32
    %dma_start3A_81 = arith.constant 0 : i32
    %dma_start3A_82 = tpu.memref_slice %arg3[%add3A, %dma_start3A_63, %dma_start3A_80, %dma_start3A_81] : memref<32x157x2x64xi32, #tpu.memory_space<hbm>> -> memref<1x1x2x64xi32, #tpu.memory_space<hbm>>
    %dma_start3A_83 = tpu.memref_squeeze %dma_start3A_82 : memref<1x1x2x64xi32, #tpu.memory_space<hbm>> -> memref<2x64xi32, #tpu.memory_space<hbm>>
    tpu.enqueue_dma source(%dma_start3A_83 : memref<2x64xi32, #tpu.memory_space<hbm>>) target(%dma_start3A_79 : memref<2x64xi32, #tpu.memory_space<vmem>>) target_semaphore(%dma_start3A_75 : memref<!tpu.dma_semaphore, #tpu.memory_space<semaphore_mem>>)
    %dma_start3A_84 = arith.constant 4 : i32
    %dma_start3A_85 = arith.constant 4 : i32
    %dma_start3A_86 = arith.constant 4 : i32
    %dma_start3A_87 = arith.constant 0 : i32
    %dma_start3A_88 = arith.constant 0 : i32
    %dma_start3A_89 = tpu.memref_slice %arg6[%dma_start3A_85, %dma_start3A_87, %dma_start3A_88] : memref<6x2x64xi32, #tpu.memory_space<vmem>> -> memref<1x2x64xi32, #tpu.memory_space<vmem>>
    %dma_start3A_90 = tpu.memref_squeeze %dma_start3A_89 : memref<1x2x64xi32, #tpu.memory_space<vmem>> -> memref<2x64xi32, #tpu.memory_space<vmem>>
    %dma_start3A_91 = arith.constant 0 : i32
    %dma_start3A_92 = arith.constant 0 : i32
    %dma_start3A_93 = tpu.memref_slice %arg3[%add3A, %dma_start3A_84, %dma_start3A_91, %dma_start3A_92] : memref<32x157x2x64xi32, #tpu.memory_space<hbm>> -> memref<1x1x2x64xi32, #tpu.memory_space<hbm>>
    %dma_start3A_94 = tpu.memref_squeeze %dma_start3A_93 : memref<1x1x2x64xi32, #tpu.memory_space<hbm>> -> memref<2x64xi32, #tpu.memory_space<hbm>>
    %dma_start3A_95 = tpu.memref_slice %arg9[%dma_start3A_86] : memref<6x!tpu.dma_semaphore, #tpu.memory_space<semaphore_mem>> -> memref<1x!tpu.dma_semaphore, #tpu.memory_space<semaphore_mem>>
    %dma_start3A_96 = tpu.memref_squeeze %dma_start3A_95 : memref<1x!tpu.dma_semaphore, #tpu.memory_space<semaphore_mem>> -> memref<!tpu.dma_semaphore, #tpu.memory_space<semaphore_mem>>
    %dma_start3A_97 = arith.constant 0 : i32
    %dma_start3A_98 = arith.constant 0 : i32
    %dma_start3A_99 = tpu.memref_slice %arg6[%dma_start3A_85, %dma_start3A_97, %dma_start3A_98] : memref<6x2x64xi32, #tpu.memory_space<vmem>> -> memref<1x2x64xi32, #tpu.memory_space<vmem>>
    %dma_start3A_100 = tpu.memref_squeeze %dma_start3A_99 : memref<1x2x64xi32, #tpu.memory_space<vmem>> -> memref<2x64xi32, #tpu.memory_space<vmem>>
    %dma_start3A_101 = arith.constant 0 : i32
    %dma_start3A_102 = arith.constant 0 : i32
    %dma_start3A_103 = tpu.memref_slice %arg3[%add3A, %dma_start3A_84, %dma_start3A_101, %dma_start3A_102] : memref<32x157x2x64xi32, #tpu.memory_space<hbm>> -> memref<1x1x2x64xi32, #tpu.memory_space<hbm>>
    %dma_start3A_104 = tpu.memref_squeeze %dma_start3A_103 : memref<1x1x2x64xi32, #tpu.memory_space<hbm>> -> memref<2x64xi32, #tpu.memory_space<hbm>>
    tpu.enqueue_dma source(%dma_start3A_104 : memref<2x64xi32, #tpu.memory_space<hbm>>) target(%dma_start3A_100 : memref<2x64xi32, #tpu.memory_space<vmem>>) target_semaphore(%dma_start3A_96 : memref<!tpu.dma_semaphore, #tpu.memory_space<semaphore_mem>>)
    %dma_start3A_105 = arith.constant 5 : i32
    %dma_start3A_106 = arith.constant 5 : i32
    %dma_start3A_107 = arith.constant 5 : i32
    %dma_start3A_108 = arith.constant 0 : i32
    %dma_start3A_109 = arith.constant 0 : i32
    %dma_start3A_110 = tpu.memref_slice %arg6[%dma_start3A_106, %dma_start3A_108, %dma_start3A_109] : memref<6x2x64xi32, #tpu.memory_space<vmem>> -> memref<1x2x64xi32, #tpu.memory_space<vmem>>
    %dma_start3A_111 = tpu.memref_squeeze %dma_start3A_110 : memref<1x2x64xi32, #tpu.memory_space<vmem>> -> memref<2x64xi32, #tpu.memory_space<vmem>>
    %dma_start3A_112 = arith.constant 0 : i32
    %dma_start3A_113 = arith.constant 0 : i32
    %dma_start3A_114 = tpu.memref_slice %arg3[%add3A, %dma_start3A_105, %dma_start3A_112, %dma_start3A_113] : memref<32x157x2x64xi32, #tpu.memory_space<hbm>> -> memref<1x1x2x64xi32, #tpu.memory_space<hbm>>
    %dma_start3A_115 = tpu.memref_squeeze %dma_start3A_114 : memref<1x1x2x64xi32, #tpu.memory_space<hbm>> -> memref<2x64xi32, #tpu.memory_space<hbm>>
    %dma_start3A_116 = tpu.memref_slice %arg9[%dma_start3A_107] : memref<6x!tpu.dma_semaphore, #tpu.memory_space<semaphore_mem>> -> memref<1x!tpu.dma_semaphore, #tpu.memory_space<semaphore_mem>>
    %dma_start3A_117 = tpu.memref_squeeze %dma_start3A_116 : memref<1x!tpu.dma_semaphore, #tpu.memory_space<semaphore_mem>> -> memref<!tpu.dma_semaphore, #tpu.memory_space<semaphore_mem>>
    %dma_start3A_118 = arith.constant 0 : i32
    %dma_start3A_119 = arith.constant 0 : i32
    %dma_start3A_120 = tpu.memref_slice %arg6[%dma_start3A_106, %dma_start3A_118, %dma_start3A_119] : memref<6x2x64xi32, #tpu.memory_space<vmem>> -> memref<1x2x64xi32, #tpu.memory_space<vmem>>
    %dma_start3A_121 = tpu.memref_squeeze %dma_start3A_120 : memref<1x2x64xi32, #tpu.memory_space<vmem>> -> memref<2x64xi32, #tpu.memory_space<vmem>>
    %dma_start3A_122 = arith.constant 0 : i32
    %dma_start3A_123 = arith.constant 0 : i32
    %dma_start3A_124 = tpu.memref_slice %arg3[%add3A, %dma_start3A_105, %dma_start3A_122, %dma_start3A_123] : memref<32x157x2x64xi32, #tpu.memory_space<hbm>> -> memref<1x1x2x64xi32, #tpu.memory_space<hbm>>
    %dma_start3A_125 = tpu.memref_squeeze %dma_start3A_124 : memref<1x1x2x64xi32, #tpu.memory_space<hbm>> -> memref<2x64xi32, #tpu.memory_space<hbm>>
    tpu.enqueue_dma source(%dma_start3A_125 : memref<2x64xi32, #tpu.memory_space<hbm>>) target(%dma_start3A_121 : memref<2x64xi32, #tpu.memory_space<vmem>>) target_semaphore(%dma_start3A_117 : memref<!tpu.dma_semaphore, #tpu.memory_space<semaphore_mem>>)
    %dma_wait3A = arith.constant 0 : i32
    %dma_wait3A_126 = arith.constant 0 : i32
    %dma_wait3A_127 = arith.constant 0 : i32
    %dma_wait3A_128 = arith.constant 0 : i32
    %dma_wait3A_129 = arith.constant 0 : i32
    %dma_wait3A_130 = tpu.memref_slice %arg6[%dma_wait3A_126, %dma_wait3A_128, %dma_wait3A_129] : memref<6x2x64xi32, #tpu.memory_space<vmem>> -> memref<1x2x64xi32, #tpu.memory_space<vmem>>
    %dma_wait3A_131 = tpu.memref_squeeze %dma_wait3A_130 : memref<1x2x64xi32, #tpu.memory_space<vmem>> -> memref<2x64xi32, #tpu.memory_space<vmem>>
    %dma_wait3A_132 = arith.constant 0 : i32
    %dma_wait3A_133 = arith.constant 0 : i32
    %dma_wait3A_134 = tpu.memref_slice %arg3[%add3A, %dma_wait3A, %dma_wait3A_132, %dma_wait3A_133] : memref<32x157x2x64xi32, #tpu.memory_space<hbm>> -> memref<1x1x2x64xi32, #tpu.memory_space<hbm>>
    %dma_wait3A_135 = tpu.memref_squeeze %dma_wait3A_134 : memref<1x1x2x64xi32, #tpu.memory_space<hbm>> -> memref<2x64xi32, #tpu.memory_space<hbm>>
    %dma_wait3A_136 = tpu.memref_slice %arg9[%dma_wait3A_127] : memref<6x!tpu.dma_semaphore, #tpu.memory_space<semaphore_mem>> -> memref<1x!tpu.dma_semaphore, #tpu.memory_space<semaphore_mem>>
    %dma_wait3A_137 = tpu.memref_squeeze %dma_wait3A_136 : memref<1x!tpu.dma_semaphore, #tpu.memory_space<semaphore_mem>> -> memref<!tpu.dma_semaphore, #tpu.memory_space<semaphore_mem>>
    %dma_wait3A_138 = arith.constant 0 : i32
    %dma_wait3A_139 = arith.constant 0 : i32
    %dma_wait3A_140 = tpu.memref_slice %arg6[%dma_wait3A_126, %dma_wait3A_138, %dma_wait3A_139] : memref<6x2x64xi32, #tpu.memory_space<vmem>> -> memref<1x2x64xi32, #tpu.memory_space<vmem>>
    %dma_wait3A_141 = tpu.memref_squeeze %dma_wait3A_140 : memref<1x2x64xi32, #tpu.memory_space<vmem>> -> memref<2x64xi32, #tpu.memory_space<vmem>>
    %dma_wait3A_142 = arith.constant 0 : i32
    %dma_wait3A_143 = arith.constant 0 : i32
    %dma_wait3A_144 = tpu.memref_slice %arg3[%add3A, %dma_wait3A, %dma_wait3A_142, %dma_wait3A_143] : memref<32x157x2x64xi32, #tpu.memory_space<hbm>> -> memref<1x1x2x64xi32, #tpu.memory_space<hbm>>
    %dma_wait3A_145 = tpu.memref_squeeze %dma_wait3A_144 : memref<1x1x2x64xi32, #tpu.memory_space<hbm>> -> memref<2x64xi32, #tpu.memory_space<hbm>>
    tpu.wait_dma2 semaphore(%dma_wait3A_137 : memref<!tpu.dma_semaphore, #tpu.memory_space<semaphore_mem>>) src(%dma_wait3A_145 : memref<2x64xi32, #tpu.memory_space<hbm>>) dst(%dma_wait3A_141 : memref<2x64xi32, #tpu.memory_space<vmem>>)
    %dma_start3A_146 = arith.constant 0 : i32
    %dma_start3A_147 = arith.constant 0 : i32
    %dma_start3A_148 = arith.constant 0 : i32
    %dma_start3A_149 = arith.constant 0 : i32
    %dma_start3A_150 = arith.constant 0 : i32
    %dma_start3A_151 = arith.constant 0 : i32
    %dma_start3A_152 = tpu.memref_slice %arg7[%dma_start3A_148, %dma_start3A_150, %dma_start3A_151] : memref<6x64x128xf32, #tpu.memory_space<vmem>> -> memref<1x64x128xf32, #tpu.memory_space<vmem>>
    %dma_start3A_153 = tpu.memref_squeeze %dma_start3A_152 : memref<1x64x128xf32, #tpu.memory_space<vmem>> -> memref<64x128xf32, #tpu.memory_space<vmem>>
    %dma_start3A_154 = arith.constant 0 : i32
    %dma_start3A_155 = tpu.memref_slice %arg6[%dma_start3A_146, %dma_start3A_147, %dma_start3A_154] : memref<6x2x64xi32, #tpu.memory_space<vmem>> -> memref<1x1x64xi32, #tpu.memory_space<vmem>>
    %dma_start3A_156 = tpu.memref_squeeze %dma_start3A_155 : memref<1x1x64xi32, #tpu.memory_space<vmem>> -> memref<64xi32, #tpu.memory_space<vmem>>
    %dma_start3A_157 = arith.constant 0 : i32
    %dma_start3A_158 = arith.constant 0 : i32
    %dma_start3A_159 = tpu.memref_slice %arg2[%dma_start3A_157, %dma_start3A_158] : memref<10000x128xf32, #tpu.memory_space<hbm>> -> memref<10000x128xf32, #tpu.memory_space<hbm>>
    %dma_start3A_160 = tpu.memref_slice %arg10[%dma_start3A_149] : memref<6x!tpu.dma_semaphore, #tpu.memory_space<semaphore_mem>> -> memref<1x!tpu.dma_semaphore, #tpu.memory_space<semaphore_mem>>
    %dma_start3A_161 = tpu.memref_squeeze %dma_start3A_160 : memref<1x!tpu.dma_semaphore, #tpu.memory_space<semaphore_mem>> -> memref<!tpu.dma_semaphore, #tpu.memory_space<semaphore_mem>>
    tpu.enqueue_indirect_dma source(%dma_start3A_159 : memref<10000x128xf32, #tpu.memory_space<hbm>>) target(%dma_start3A_153 : memref<64x128xf32, #tpu.memory_space<vmem>>) offsets(%dma_start3A_156 : memref<64xi32, #tpu.memory_space<vmem>>) semaphore(%dma_start3A_161 : memref<!tpu.dma_semaphore, #tpu.memory_space<semaphore_mem>>)
    %dma_wait3A_162 = arith.constant 1 : i32
    %dma_wait3A_163 = arith.constant 1 : i32
    %dma_wait3A_164 = arith.constant 1 : i32
    %dma_wait3A_165 = arith.constant 0 : i32
    %dma_wait3A_166 = arith.constant 0 : i32
    %dma_wait3A_167 = tpu.memref_slice %arg6[%dma_wait3A_163, %dma_wait3A_165, %dma_wait3A_166] : memref<6x2x64xi32, #tpu.memory_space<vmem>> -> memref<1x2x64xi32, #tpu.memory_space<vmem>>
    %dma_wait3A_168 = tpu.memref_squeeze %dma_wait3A_167 : memref<1x2x64xi32, #tpu.memory_space<vmem>> -> memref<2x64xi32, #tpu.memory_space<vmem>>
    %dma_wait3A_169 = arith.constant 0 : i32
    %dma_wait3A_170 = arith.constant 0 : i32
    %dma_wait3A_171 = tpu.memref_slice %arg3[%add3A, %dma_wait3A_162, %dma_wait3A_169, %dma_wait3A_170] : memref<32x157x2x64xi32, #tpu.memory_space<hbm>> -> memref<1x1x2x64xi32, #tpu.memory_space<hbm>>
    %dma_wait3A_172 = tpu.memref_squeeze %dma_wait3A_171 : memref<1x1x2x64xi32, #tpu.memory_space<hbm>> -> memref<2x64xi32, #tpu.memory_space<hbm>>
    %dma_wait3A_173 = tpu.memref_slice %arg9[%dma_wait3A_164] : memref<6x!tpu.dma_semaphore, #tpu.memory_space<semaphore_mem>> -> memref<1x!tpu.dma_semaphore, #tpu.memory_space<semaphore_mem>>
    %dma_wait3A_174 = tpu.memref_squeeze %dma_wait3A_173 : memref<1x!tpu.dma_semaphore, #tpu.memory_space<semaphore_mem>> -> memref<!tpu.dma_semaphore, #tpu.memory_space<semaphore_mem>>
    %dma_wait3A_175 = arith.constant 0 : i32
    %dma_wait3A_176 = arith.constant 0 : i32
    %dma_wait3A_177 = tpu.memref_slice %arg6[%dma_wait3A_163, %dma_wait3A_175, %dma_wait3A_176] : memref<6x2x64xi32, #tpu.memory_space<vmem>> -> memref<1x2x64xi32, #tpu.memory_space<vmem>>
    %dma_wait3A_178 = tpu.memref_squeeze %dma_wait3A_177 : memref<1x2x64xi32, #tpu.memory_space<vmem>> -> memref<2x64xi32, #tpu.memory_space<vmem>>
    %dma_wait3A_179 = arith.constant 0 : i32
    %dma_wait3A_180 = arith.constant 0 : i32
    %dma_wait3A_181 = tpu.memref_slice %arg3[%add3A, %dma_wait3A_162, %dma_wait3A_179, %dma_wait3A_180] : memref<32x157x2x64xi32, #tpu.memory_space<hbm>> -> memref<1x1x2x64xi32, #tpu.memory_space<hbm>>
    %dma_wait3A_182 = tpu.memref_squeeze %dma_wait3A_181 : memref<1x1x2x64xi32, #tpu.memory_space<hbm>> -> memref<2x64xi32, #tpu.memory_space<hbm>>
    tpu.wait_dma2 semaphore(%dma_wait3A_174 : memref<!tpu.dma_semaphore, #tpu.memory_space<semaphore_mem>>) src(%dma_wait3A_182 : memref<2x64xi32, #tpu.memory_space<hbm>>) dst(%dma_wait3A_178 : memref<2x64xi32, #tpu.memory_space<vmem>>)
    %dma_start3A_183 = arith.constant 1 : i32
    %dma_start3A_184 = arith.constant 0 : i32
    %dma_start3A_185 = arith.constant 1 : i32
    %dma_start3A_186 = arith.constant 1 : i32
    %dma_start3A_187 = arith.constant 0 : i32
    %dma_start3A_188 = arith.constant 0 : i32
    %dma_start3A_189 = tpu.memref_slice %arg7[%dma_start3A_185, %dma_start3A_187, %dma_start3A_188] : memref<6x64x128xf32, #tpu.memory_space<vmem>> -> memref<1x64x128xf32, #tpu.memory_space<vmem>>
    %dma_start3A_190 = tpu.memref_squeeze %dma_start3A_189 : memref<1x64x128xf32, #tpu.memory_space<vmem>> -> memref<64x128xf32, #tpu.memory_space<vmem>>
    %dma_start3A_191 = arith.constant 0 : i32
    %dma_start3A_192 = tpu.memref_slice %arg6[%dma_start3A_183, %dma_start3A_184, %dma_start3A_191] : memref<6x2x64xi32, #tpu.memory_space<vmem>> -> memref<1x1x64xi32, #tpu.memory_space<vmem>>
    %dma_start3A_193 = tpu.memref_squeeze %dma_start3A_192 : memref<1x1x64xi32, #tpu.memory_space<vmem>> -> memref<64xi32, #tpu.memory_space<vmem>>
    %dma_start3A_194 = arith.constant 0 : i32
    %dma_start3A_195 = arith.constant 0 : i32
    %dma_start3A_196 = tpu.memref_slice %arg2[%dma_start3A_194, %dma_start3A_195] : memref<10000x128xf32, #tpu.memory_space<hbm>> -> memref<10000x128xf32, #tpu.memory_space<hbm>>
    %dma_start3A_197 = tpu.memref_slice %arg10[%dma_start3A_186] : memref<6x!tpu.dma_semaphore, #tpu.memory_space<semaphore_mem>> -> memref<1x!tpu.dma_semaphore, #tpu.memory_space<semaphore_mem>>
    %dma_start3A_198 = tpu.memref_squeeze %dma_start3A_197 : memref<1x!tpu.dma_semaphore, #tpu.memory_space<semaphore_mem>> -> memref<!tpu.dma_semaphore, #tpu.memory_space<semaphore_mem>>
    tpu.enqueue_indirect_dma source(%dma_start3A_196 : memref<10000x128xf32, #tpu.memory_space<hbm>>) target(%dma_start3A_190 : memref<64x128xf32, #tpu.memory_space<vmem>>) offsets(%dma_start3A_193 : memref<64xi32, #tpu.memory_space<vmem>>) semaphore(%dma_start3A_198 : memref<!tpu.dma_semaphore, #tpu.memory_space<semaphore_mem>>)
    %dma_wait3A_199 = arith.constant 2 : i32
    %dma_wait3A_200 = arith.constant 2 : i32
    %dma_wait3A_201 = arith.constant 2 : i32
    %dma_wait3A_202 = arith.constant 0 : i32
    %dma_wait3A_203 = arith.constant 0 : i32
    %dma_wait3A_204 = tpu.memref_slice %arg6[%dma_wait3A_200, %dma_wait3A_202, %dma_wait3A_203] : memref<6x2x64xi32, #tpu.memory_space<vmem>> -> memref<1x2x64xi32, #tpu.memory_space<vmem>>
    %dma_wait3A_205 = tpu.memref_squeeze %dma_wait3A_204 : memref<1x2x64xi32, #tpu.memory_space<vmem>> -> memref<2x64xi32, #tpu.memory_space<vmem>>
    %dma_wait3A_206 = arith.constant 0 : i32
    %dma_wait3A_207 = arith.constant 0 : i32
    %dma_wait3A_208 = tpu.memref_slice %arg3[%add3A, %dma_wait3A_199, %dma_wait3A_206, %dma_wait3A_207] : memref<32x157x2x64xi32, #tpu.memory_space<hbm>> -> memref<1x1x2x64xi32, #tpu.memory_space<hbm>>
    %dma_wait3A_209 = tpu.memref_squeeze %dma_wait3A_208 : memref<1x1x2x64xi32, #tpu.memory_space<hbm>> -> memref<2x64xi32, #tpu.memory_space<hbm>>
    %dma_wait3A_210 = tpu.memref_slice %arg9[%dma_wait3A_201] : memref<6x!tpu.dma_semaphore, #tpu.memory_space<semaphore_mem>> -> memref<1x!tpu.dma_semaphore, #tpu.memory_space<semaphore_mem>>
    %dma_wait3A_211 = tpu.memref_squeeze %dma_wait3A_210 : memref<1x!tpu.dma_semaphore, #tpu.memory_space<semaphore_mem>> -> memref<!tpu.dma_semaphore, #tpu.memory_space<semaphore_mem>>
    %dma_wait3A_212 = arith.constant 0 : i32
    %dma_wait3A_213 = arith.constant 0 : i32
    %dma_wait3A_214 = tpu.memref_slice %arg6[%dma_wait3A_200, %dma_wait3A_212, %dma_wait3A_213] : memref<6x2x64xi32, #tpu.memory_space<vmem>> -> memref<1x2x64xi32, #tpu.memory_space<vmem>>
    %dma_wait3A_215 = tpu.memref_squeeze %dma_wait3A_214 : memref<1x2x64xi32, #tpu.memory_space<vmem>> -> memref<2x64xi32, #tpu.memory_space<vmem>>
    %dma_wait3A_216 = arith.constant 0 : i32
    %dma_wait3A_217 = arith.constant 0 : i32
    %dma_wait3A_218 = tpu.memref_slice %arg3[%add3A, %dma_wait3A_199, %dma_wait3A_216, %dma_wait3A_217] : memref<32x157x2x64xi32, #tpu.memory_space<hbm>> -> memref<1x1x2x64xi32, #tpu.memory_space<hbm>>
    %dma_wait3A_219 = tpu.memref_squeeze %dma_wait3A_218 : memref<1x1x2x64xi32, #tpu.memory_space<hbm>> -> memref<2x64xi32, #tpu.memory_space<hbm>>
    tpu.wait_dma2 semaphore(%dma_wait3A_211 : memref<!tpu.dma_semaphore, #tpu.memory_space<semaphore_mem>>) src(%dma_wait3A_219 : memref<2x64xi32, #tpu.memory_space<hbm>>) dst(%dma_wait3A_215 : memref<2x64xi32, #tpu.memory_space<vmem>>)
    %dma_start3A_220 = arith.constant 2 : i32
    %dma_start3A_221 = arith.constant 0 : i32
    %dma_start3A_222 = arith.constant 2 : i32
    %dma_start3A_223 = arith.constant 2 : i32
    %dma_start3A_224 = arith.constant 0 : i32
    %dma_start3A_225 = arith.constant 0 : i32
    %dma_start3A_226 = tpu.memref_slice %arg7[%dma_start3A_222, %dma_start3A_224, %dma_start3A_225] : memref<6x64x128xf32, #tpu.memory_space<vmem>> -> memref<1x64x128xf32, #tpu.memory_space<vmem>>
    %dma_start3A_227 = tpu.memref_squeeze %dma_start3A_226 : memref<1x64x128xf32, #tpu.memory_space<vmem>> -> memref<64x128xf32, #tpu.memory_space<vmem>>
    %dma_start3A_228 = arith.constant 0 : i32
    %dma_start3A_229 = tpu.memref_slice %arg6[%dma_start3A_220, %dma_start3A_221, %dma_start3A_228] : memref<6x2x64xi32, #tpu.memory_space<vmem>> -> memref<1x1x64xi32, #tpu.memory_space<vmem>>
    %dma_start3A_230 = tpu.memref_squeeze %dma_start3A_229 : memref<1x1x64xi32, #tpu.memory_space<vmem>> -> memref<64xi32, #tpu.memory_space<vmem>>
    %dma_start3A_231 = arith.constant 0 : i32
    %dma_start3A_232 = arith.constant 0 : i32
    %dma_start3A_233 = tpu.memref_slice %arg2[%dma_start3A_231, %dma_start3A_232] : memref<10000x128xf32, #tpu.memory_space<hbm>> -> memref<10000x128xf32, #tpu.memory_space<hbm>>
    %dma_start3A_234 = tpu.memref_slice %arg10[%dma_start3A_223] : memref<6x!tpu.dma_semaphore, #tpu.memory_space<semaphore_mem>> -> memref<1x!tpu.dma_semaphore, #tpu.memory_space<semaphore_mem>>
    %dma_start3A_235 = tpu.memref_squeeze %dma_start3A_234 : memref<1x!tpu.dma_semaphore, #tpu.memory_space<semaphore_mem>> -> memref<!tpu.dma_semaphore, #tpu.memory_space<semaphore_mem>>
    tpu.enqueue_indirect_dma source(%dma_start3A_233 : memref<10000x128xf32, #tpu.memory_space<hbm>>) target(%dma_start3A_227 : memref<64x128xf32, #tpu.memory_space<vmem>>) offsets(%dma_start3A_230 : memref<64xi32, #tpu.memory_space<vmem>>) semaphore(%dma_start3A_235 : memref<!tpu.dma_semaphore, #tpu.memory_space<semaphore_mem>>)
    %dma_wait3A_236 = arith.constant 3 : i32
    %dma_wait3A_237 = arith.constant 3 : i32
    %dma_wait3A_238 = arith.constant 3 : i32
    %dma_wait3A_239 = arith.constant 0 : i32
    %dma_wait3A_240 = arith.constant 0 : i32
    %dma_wait3A_241 = tpu.memref_slice %arg6[%dma_wait3A_237, %dma_wait3A_239, %dma_wait3A_240] : memref<6x2x64xi32, #tpu.memory_space<vmem>> -> memref<1x2x64xi32, #tpu.memory_space<vmem>>
    %dma_wait3A_242 = tpu.memref_squeeze %dma_wait3A_241 : memref<1x2x64xi32, #tpu.memory_space<vmem>> -> memref<2x64xi32, #tpu.memory_space<vmem>>
    %dma_wait3A_243 = arith.constant 0 : i32
    %dma_wait3A_244 = arith.constant 0 : i32
    %dma_wait3A_245 = tpu.memref_slice %arg3[%add3A, %dma_wait3A_236, %dma_wait3A_243, %dma_wait3A_244] : memref<32x157x2x64xi32, #tpu.memory_space<hbm>> -> memref<1x1x2x64xi32, #tpu.memory_space<hbm>>
    %dma_wait3A_246 = tpu.memref_squeeze %dma_wait3A_245 : memref<1x1x2x64xi32, #tpu.memory_space<hbm>> -> memref<2x64xi32, #tpu.memory_space<hbm>>
    %dma_wait3A_247 = tpu.memref_slice %arg9[%dma_wait3A_238] : memref<6x!tpu.dma_semaphore, #tpu.memory_space<semaphore_mem>> -> memref<1x!tpu.dma_semaphore, #tpu.memory_space<semaphore_mem>>
    %dma_wait3A_248 = tpu.memref_squeeze %dma_wait3A_247 : memref<1x!tpu.dma_semaphore, #tpu.memory_space<semaphore_mem>> -> memref<!tpu.dma_semaphore, #tpu.memory_space<semaphore_mem>>
    %dma_wait3A_249 = arith.constant 0 : i32
    %dma_wait3A_250 = arith.constant 0 : i32
    %dma_wait3A_251 = tpu.memref_slice %arg6[%dma_wait3A_237, %dma_wait3A_249, %dma_wait3A_250] : memref<6x2x64xi32, #tpu.memory_space<vmem>> -> memref<1x2x64xi32, #tpu.memory_space<vmem>>
    %dma_wait3A_252 = tpu.memref_squeeze %dma_wait3A_251 : memref<1x2x64xi32, #tpu.memory_space<vmem>> -> memref<2x64xi32, #tpu.memory_space<vmem>>
    %dma_wait3A_253 = arith.constant 0 : i32
    %dma_wait3A_254 = arith.constant 0 : i32
    %dma_wait3A_255 = tpu.memref_slice %arg3[%add3A, %dma_wait3A_236, %dma_wait3A_253, %dma_wait3A_254] : memref<32x157x2x64xi32, #tpu.memory_space<hbm>> -> memref<1x1x2x64xi32, #tpu.memory_space<hbm>>
    %dma_wait3A_256 = tpu.memref_squeeze %dma_wait3A_255 : memref<1x1x2x64xi32, #tpu.memory_space<hbm>> -> memref<2x64xi32, #tpu.memory_space<hbm>>
    tpu.wait_dma2 semaphore(%dma_wait3A_248 : memref<!tpu.dma_semaphore, #tpu.memory_space<semaphore_mem>>) src(%dma_wait3A_256 : memref<2x64xi32, #tpu.memory_space<hbm>>) dst(%dma_wait3A_252 : memref<2x64xi32, #tpu.memory_space<vmem>>)
    %dma_start3A_257 = arith.constant 3 : i32
    %dma_start3A_258 = arith.constant 0 : i32
    %dma_start3A_259 = arith.constant 3 : i32
    %dma_start3A_260 = arith.constant 3 : i32
    %dma_start3A_261 = arith.constant 0 : i32
    %dma_start3A_262 = arith.constant 0 : i32
    %dma_start3A_263 = tpu.memref_slice %arg7[%dma_start3A_259, %dma_start3A_261, %dma_start3A_262] : memref<6x64x128xf32, #tpu.memory_space<vmem>> -> memref<1x64x128xf32, #tpu.memory_space<vmem>>
    %dma_start3A_264 = tpu.memref_squeeze %dma_start3A_263 : memref<1x64x128xf32, #tpu.memory_space<vmem>> -> memref<64x128xf32, #tpu.memory_space<vmem>>
    %dma_start3A_265 = arith.constant 0 : i32
    %dma_start3A_266 = tpu.memref_slice %arg6[%dma_start3A_257, %dma_start3A_258, %dma_start3A_265] : memref<6x2x64xi32, #tpu.memory_space<vmem>> -> memref<1x1x64xi32, #tpu.memory_space<vmem>>
    %dma_start3A_267 = tpu.memref_squeeze %dma_start3A_266 : memref<1x1x64xi32, #tpu.memory_space<vmem>> -> memref<64xi32, #tpu.memory_space<vmem>>
    %dma_start3A_268 = arith.constant 0 : i32
    %dma_start3A_269 = arith.constant 0 : i32
    %dma_start3A_270 = tpu.memref_slice %arg2[%dma_start3A_268, %dma_start3A_269] : memref<10000x128xf32, #tpu.memory_space<hbm>> -> memref<10000x128xf32, #tpu.memory_space<hbm>>
    %dma_start3A_271 = tpu.memref_slice %arg10[%dma_start3A_260] : memref<6x!tpu.dma_semaphore, #tpu.memory_space<semaphore_mem>> -> memref<1x!tpu.dma_semaphore, #tpu.memory_space<semaphore_mem>>
    %dma_start3A_272 = tpu.memref_squeeze %dma_start3A_271 : memref<1x!tpu.dma_semaphore, #tpu.memory_space<semaphore_mem>> -> memref<!tpu.dma_semaphore, #tpu.memory_space<semaphore_mem>>
    tpu.enqueue_indirect_dma source(%dma_start3A_270 : memref<10000x128xf32, #tpu.memory_space<hbm>>) target(%dma_start3A_264 : memref<64x128xf32, #tpu.memory_space<vmem>>) offsets(%dma_start3A_267 : memref<64xi32, #tpu.memory_space<vmem>>) semaphore(%dma_start3A_272 : memref<!tpu.dma_semaphore, #tpu.memory_space<semaphore_mem>>)
    %dma_wait3A_273 = arith.constant 4 : i32
    %dma_wait3A_274 = arith.constant 4 : i32
    %dma_wait3A_275 = arith.constant 4 : i32
    %dma_wait3A_276 = arith.constant 0 : i32
    %dma_wait3A_277 = arith.constant 0 : i32
    %dma_wait3A_278 = tpu.memref_slice %arg6[%dma_wait3A_274, %dma_wait3A_276, %dma_wait3A_277] : memref<6x2x64xi32, #tpu.memory_space<vmem>> -> memref<1x2x64xi32, #tpu.memory_space<vmem>>
    %dma_wait3A_279 = tpu.memref_squeeze %dma_wait3A_278 : memref<1x2x64xi32, #tpu.memory_space<vmem>> -> memref<2x64xi32, #tpu.memory_space<vmem>>
    %dma_wait3A_280 = arith.constant 0 : i32
    %dma_wait3A_281 = arith.constant 0 : i32
    %dma_wait3A_282 = tpu.memref_slice %arg3[%add3A, %dma_wait3A_273, %dma_wait3A_280, %dma_wait3A_281] : memref<32x157x2x64xi32, #tpu.memory_space<hbm>> -> memref<1x1x2x64xi32, #tpu.memory_space<hbm>>
    %dma_wait3A_283 = tpu.memref_squeeze %dma_wait3A_282 : memref<1x1x2x64xi32, #tpu.memory_space<hbm>> -> memref<2x64xi32, #tpu.memory_space<hbm>>
    %dma_wait3A_284 = tpu.memref_slice %arg9[%dma_wait3A_275] : memref<6x!tpu.dma_semaphore, #tpu.memory_space<semaphore_mem>> -> memref<1x!tpu.dma_semaphore, #tpu.memory_space<semaphore_mem>>
    %dma_wait3A_285 = tpu.memref_squeeze %dma_wait3A_284 : memref<1x!tpu.dma_semaphore, #tpu.memory_space<semaphore_mem>> -> memref<!tpu.dma_semaphore, #tpu.memory_space<semaphore_mem>>
    %dma_wait3A_286 = arith.constant 0 : i32
    %dma_wait3A_287 = arith.constant 0 : i32
    %dma_wait3A_288 = tpu.memref_slice %arg6[%dma_wait3A_274, %dma_wait3A_286, %dma_wait3A_287] : memref<6x2x64xi32, #tpu.memory_space<vmem>> -> memref<1x2x64xi32, #tpu.memory_space<vmem>>
    %dma_wait3A_289 = tpu.memref_squeeze %dma_wait3A_288 : memref<1x2x64xi32, #tpu.memory_space<vmem>> -> memref<2x64xi32, #tpu.memory_space<vmem>>
    %dma_wait3A_290 = arith.constant 0 : i32
    %dma_wait3A_291 = arith.constant 0 : i32
    %dma_wait3A_292 = tpu.memref_slice %arg3[%add3A, %dma_wait3A_273, %dma_wait3A_290, %dma_wait3A_291] : memref<32x157x2x64xi32, #tpu.memory_space<hbm>> -> memref<1x1x2x64xi32, #tpu.memory_space<hbm>>
    %dma_wait3A_293 = tpu.memref_squeeze %dma_wait3A_292 : memref<1x1x2x64xi32, #tpu.memory_space<hbm>> -> memref<2x64xi32, #tpu.memory_space<hbm>>
    tpu.wait_dma2 semaphore(%dma_wait3A_285 : memref<!tpu.dma_semaphore, #tpu.memory_space<semaphore_mem>>) src(%dma_wait3A_293 : memref<2x64xi32, #tpu.memory_space<hbm>>) dst(%dma_wait3A_289 : memref<2x64xi32, #tpu.memory_space<vmem>>)
    %dma_start3A_294 = arith.constant 4 : i32
    %dma_start3A_295 = arith.constant 0 : i32
    %dma_start3A_296 = arith.constant 4 : i32
    %dma_start3A_297 = arith.constant 4 : i32
    %dma_start3A_298 = arith.constant 0 : i32
    %dma_start3A_299 = arith.constant 0 : i32
    %dma_start3A_300 = tpu.memref_slice %arg7[%dma_start3A_296, %dma_start3A_298, %dma_start3A_299] : memref<6x64x128xf32, #tpu.memory_space<vmem>> -> memref<1x64x128xf32, #tpu.memory_space<vmem>>
    %dma_start3A_301 = tpu.memref_squeeze %dma_start3A_300 : memref<1x64x128xf32, #tpu.memory_space<vmem>> -> memref<64x128xf32, #tpu.memory_space<vmem>>
    %dma_start3A_302 = arith.constant 0 : i32
    %dma_start3A_303 = tpu.memref_slice %arg6[%dma_start3A_294, %dma_start3A_295, %dma_start3A_302] : memref<6x2x64xi32, #tpu.memory_space<vmem>> -> memref<1x1x64xi32, #tpu.memory_space<vmem>>
    %dma_start3A_304 = tpu.memref_squeeze %dma_start3A_303 : memref<1x1x64xi32, #tpu.memory_space<vmem>> -> memref<64xi32, #tpu.memory_space<vmem>>
    %dma_start3A_305 = arith.constant 0 : i32
    %dma_start3A_306 = arith.constant 0 : i32
    %dma_start3A_307 = tpu.memref_slice %arg2[%dma_start3A_305, %dma_start3A_306] : memref<10000x128xf32, #tpu.memory_space<hbm>> -> memref<10000x128xf32, #tpu.memory_space<hbm>>
    %dma_start3A_308 = tpu.memref_slice %arg10[%dma_start3A_297] : memref<6x!tpu.dma_semaphore, #tpu.memory_space<semaphore_mem>> -> memref<1x!tpu.dma_semaphore, #tpu.memory_space<semaphore_mem>>
    %dma_start3A_309 = tpu.memref_squeeze %dma_start3A_308 : memref<1x!tpu.dma_semaphore, #tpu.memory_space<semaphore_mem>> -> memref<!tpu.dma_semaphore, #tpu.memory_space<semaphore_mem>>
    tpu.enqueue_indirect_dma source(%dma_start3A_307 : memref<10000x128xf32, #tpu.memory_space<hbm>>) target(%dma_start3A_301 : memref<64x128xf32, #tpu.memory_space<vmem>>) offsets(%dma_start3A_304 : memref<64xi32, #tpu.memory_space<vmem>>) semaphore(%dma_start3A_309 : memref<!tpu.dma_semaphore, #tpu.memory_space<semaphore_mem>>)
    %lt3A = arith.constant 15 : i32
    %lt3A_310 = arith.cmpi slt, %arg1, %lt3A : i32
    %convert_element_type3A = arith.extui %lt3A_310 : i1 to i32
    %cond3A = arith.constant 0 : i32
    %cond3A_311 = arith.cmpi ne, %convert_element_type3A, %cond3A : i32
    scf.if %cond3A_311 {
      %mul3A_427 = arith.constant 632 : i32
      %mul3A_428 = arith.muli %arg1, %mul3A_427 : i32
      %mul3A_429 = arith.constant 632 : i32
      %mul3A_430 = arith.muli %arg1, %mul3A_429 : i32
      "tpu.region"() ({
        %run_scoped3A = tpu.sem_alloc : memref<!tpu.dma_semaphore, #tpu.memory_space<semaphore_mem>>
        %dma_start3A_431 = arith.constant 0 : i32
        %dma_start3A_432 = tpu.memref_slice %arg8[%mul3A_430, %dma_start3A_431] : memref<10008x128xf32, #tpu.memory_space<vmem_shared>> -> memref<632x128xf32, #tpu.memory_space<vmem_shared>>
        %dma_start3A_433 = arith.constant 0 : i32
        %dma_start3A_434 = tpu.memref_slice %arg4[%mul3A_428, %dma_start3A_433] : memref<10008x128xf32, #tpu.memory_space<hbm>> -> memref<632x128xf32, #tpu.memory_space<hbm>>
        tpu.enqueue_dma source(%dma_start3A_434 : memref<632x128xf32, #tpu.memory_space<hbm>>) target(%dma_start3A_432 : memref<632x128xf32, #tpu.memory_space<vmem_shared>>) target_semaphore(%run_scoped3A : memref<!tpu.dma_semaphore, #tpu.memory_space<semaphore_mem>>)
        %dma_wait3A_435 = arith.constant 0 : i32
        %dma_wait3A_436 = tpu.memref_slice %arg8[%mul3A_430, %dma_wait3A_435] : memref<10008x128xf32, #tpu.memory_space<vmem_shared>> -> memref<632x128xf32, #tpu.memory_space<vmem_shared>>
        %dma_wait3A_437 = arith.constant 0 : i32
        %dma_wait3A_438 = tpu.memref_slice %arg4[%mul3A_428, %dma_wait3A_437] : memref<10008x128xf32, #tpu.memory_space<hbm>> -> memref<632x128xf32, #tpu.memory_space<hbm>>
        tpu.wait_dma2 semaphore(%run_scoped3A : memref<!tpu.dma_semaphore, #tpu.memory_space<semaphore_mem>>) src(%dma_wait3A_438 : memref<632x128xf32, #tpu.memory_space<hbm>>) dst(%dma_wait3A_436 : memref<632x128xf32, #tpu.memory_space<vmem_shared>>)
        tpu.yield
      }) : () -> ()
    } else {
    }
    %eq3A = arith.constant 15 : i32
    %eq3A_312 = arith.cmpi eq, %arg1, %eq3A : i32
    %convert_element_type3A_313 = arith.extui %eq3A_312 : i1 to i32
    %cond3A_314 = arith.constant 0 : i32
    %cond3A_315 = arith.cmpi ne, %convert_element_type3A_313, %cond3A_314 : i32
    scf.if %cond3A_315 {
      %mul3A_427 = arith.constant 632 : i32
      %mul3A_428 = arith.muli %arg1, %mul3A_427 : i32
      %mul3A_429 = arith.constant 632 : i32
      %mul3A_430 = arith.muli %arg1, %mul3A_429 : i32
      "tpu.region"() ({
        %run_scoped3A = tpu.sem_alloc : memref<!tpu.dma_semaphore, #tpu.memory_space<semaphore_mem>>
        %dma_start3A_431 = arith.constant 0 : i32
        %dma_start3A_432 = tpu.memref_slice %arg8[%mul3A_430, %dma_start3A_431] : memref<10008x128xf32, #tpu.memory_space<vmem_shared>> -> memref<528x128xf32, #tpu.memory_space<vmem_shared>>
        %dma_start3A_433 = arith.constant 0 : i32
        %dma_start3A_434 = tpu.memref_slice %arg4[%mul3A_428, %dma_start3A_433] : memref<10008x128xf32, #tpu.memory_space<hbm>> -> memref<528x128xf32, #tpu.memory_space<hbm>>
        tpu.enqueue_dma source(%dma_start3A_434 : memref<528x128xf32, #tpu.memory_space<hbm>>) target(%dma_start3A_432 : memref<528x128xf32, #tpu.memory_space<vmem_shared>>) target_semaphore(%run_scoped3A : memref<!tpu.dma_semaphore, #tpu.memory_space<semaphore_mem>>)
        %dma_wait3A_435 = arith.constant 0 : i32
        %dma_wait3A_436 = tpu.memref_slice %arg8[%mul3A_430, %dma_wait3A_435] : memref<10008x128xf32, #tpu.memory_space<vmem_shared>> -> memref<528x128xf32, #tpu.memory_space<vmem_shared>>
        %dma_wait3A_437 = arith.constant 0 : i32
        %dma_wait3A_438 = tpu.memref_slice %arg4[%mul3A_428, %dma_wait3A_437] : memref<10008x128xf32, #tpu.memory_space<hbm>> -> memref<528x128xf32, #tpu.memory_space<hbm>>
        tpu.wait_dma2 semaphore(%run_scoped3A : memref<!tpu.dma_semaphore, #tpu.memory_space<semaphore_mem>>) src(%dma_wait3A_438 : memref<528x128xf32, #tpu.memory_space<hbm>>) dst(%dma_wait3A_436 : memref<528x128xf32, #tpu.memory_space<vmem_shared>>)
        tpu.yield
      }) : () -> ()
    } else {
    }
    %barrier3A = arith.constant 0 : index
    tpu.barrier barrier_id(%barrier3A)
    %scan3A = arith.constant 0 : i32
    %scan3A_316 = arith.constant 157 : i32
    %scan3A_317 = arith.addi %scan3A, %scan3A_316 : i32
    %scan3A_318 = arith.constant 1 : i32
    scf.for %scan3A_427 = %scan3A to %scan3A_317 step %scan3A_318  : i32 {
      %mul3A_428 = arith.constant 1 : i32
      %mul3A_429 = arith.muli %scan3A_427, %mul3A_428 : i32
      %add3A_430 = arith.constant 0 : i32
      %add3A_431 = arith.addi %add3A_430, %mul3A_429 : i32
      %jit3A = arith.constant 6 : i32
      %eq3A_432 = arith.constant 0 : i32
      %eq3A_433 = arith.cmpi eq, %jit3A, %eq3A_432 : i32
      %jit3A_434 = arith.constant 1 : i32
      %select_n3A = arith.select %eq3A_433, %jit3A_434, %jit3A : i32
      %rem3A = arith.remsi %add3A_431, %select_n3A : i32
      %ne3A = arith.constant 0 : i32
      %ne3A_435 = arith.cmpi ne, %rem3A, %ne3A : i32
      %lt3A_436 = arith.constant 0 : i32
      %lt3A_437 = arith.cmpi slt, %rem3A, %lt3A_436 : i32
      %lt3A_438 = arith.constant 0 : i32
      %lt3A_439 = arith.cmpi slt, %select_n3A, %lt3A_438 : i32
      %ne3A_440 = arith.xori %lt3A_437, %lt3A_439 : i1
      %and3A = arith.andi %ne3A_440, %ne3A_435 : i1
      %add3A_441 = arith.addi %rem3A, %select_n3A : i32
      %select_n3A_442 = arith.select %and3A, %add3A_441, %rem3A : i32
      %add3A_443 = arith.constant 6 : i32
      %add3A_444 = arith.addi %add3A_431, %add3A_443 : i32
      %sub3A = arith.constant 1 : i32
      %sub3A_445 = arith.subi %add3A_444, %sub3A : i32
      %jit3A_446 = arith.constant 6 : i32
      %eq3A_447 = arith.constant 0 : i32
      %eq3A_448 = arith.cmpi eq, %jit3A_446, %eq3A_447 : i32
      %jit3A_449 = arith.constant 1 : i32
      %select_n3A_450 = arith.select %eq3A_448, %jit3A_449, %jit3A_446 : i32
      %rem3A_451 = arith.remsi %sub3A_445, %select_n3A_450 : i32
      %ne3A_452 = arith.constant 0 : i32
      %ne3A_453 = arith.cmpi ne, %rem3A_451, %ne3A_452 : i32
      %lt3A_454 = arith.constant 0 : i32
      %lt3A_455 = arith.cmpi slt, %rem3A_451, %lt3A_454 : i32
      %lt3A_456 = arith.constant 0 : i32
      %lt3A_457 = arith.cmpi slt, %select_n3A_450, %lt3A_456 : i32
      %ne3A_458 = arith.xori %lt3A_455, %lt3A_457 : i1
      %and3A_459 = arith.andi %ne3A_458, %ne3A_453 : i1
      %add3A_460 = arith.addi %rem3A_451, %select_n3A_450 : i32
      %select_n3A_461 = arith.select %and3A_459, %add3A_460, %rem3A_451 : i32
      %add3A_462 = arith.constant 6 : i32
      %add3A_463 = arith.addi %add3A_431, %add3A_462 : i32
      %sub3A_464 = arith.constant 1 : i32
      %sub3A_465 = arith.subi %add3A_463, %sub3A_464 : i32
      %lt3A_466 = arith.constant 157 : i32
      %lt3A_467 = arith.cmpi slt, %sub3A_465, %lt3A_466 : i32
      %convert_element_type3A_468 = arith.extui %lt3A_467 : i1 to i32
      %cond3A_469 = arith.constant 0 : i32
      %cond3A_470 = arith.cmpi ne, %convert_element_type3A_468, %cond3A_469 : i32
      scf.if %cond3A_470 {
        %add3A_504 = arith.constant 6 : i32
        %add3A_505 = arith.addi %add3A_431, %add3A_504 : i32
        %sub3A_506 = arith.constant 1 : i32
        %sub3A_507 = arith.subi %add3A_505, %sub3A_506 : i32
        %dma_wait3A_508 = arith.constant 0 : i32
        %dma_wait3A_509 = arith.constant 0 : i32
        %dma_wait3A_510 = tpu.memref_slice %arg6[%select_n3A_461, %dma_wait3A_508, %dma_wait3A_509] : memref<6x2x64xi32, #tpu.memory_space<vmem>> -> memref<1x2x64xi32, #tpu.memory_space<vmem>>
        %dma_wait3A_511 = tpu.memref_squeeze %dma_wait3A_510 : memref<1x2x64xi32, #tpu.memory_space<vmem>> -> memref<2x64xi32, #tpu.memory_space<vmem>>
        %dma_wait3A_512 = arith.constant 0 : i32
        %dma_wait3A_513 = arith.constant 0 : i32
        %dma_wait3A_514 = tpu.memref_slice %arg3[%add3A, %sub3A_507, %dma_wait3A_512, %dma_wait3A_513] : memref<32x157x2x64xi32, #tpu.memory_space<hbm>> -> memref<1x1x2x64xi32, #tpu.memory_space<hbm>>
        %dma_wait3A_515 = tpu.memref_squeeze %dma_wait3A_514 : memref<1x1x2x64xi32, #tpu.memory_space<hbm>> -> memref<2x64xi32, #tpu.memory_space<hbm>>
        %dma_wait3A_516 = tpu.memref_slice %arg9[%select_n3A_461] : memref<6x!tpu.dma_semaphore, #tpu.memory_space<semaphore_mem>> -> memref<1x!tpu.dma_semaphore, #tpu.memory_space<semaphore_mem>>
        %dma_wait3A_517 = tpu.memref_squeeze %dma_wait3A_516 : memref<1x!tpu.dma_semaphore, #tpu.memory_space<semaphore_mem>> -> memref<!tpu.dma_semaphore, #tpu.memory_space<semaphore_mem>>
        %dma_wait3A_518 = arith.constant 0 : i32
        %dma_wait3A_519 = arith.constant 0 : i32
        %dma_wait3A_520 = tpu.memref_slice %arg6[%select_n3A_461, %dma_wait3A_518, %dma_wait3A_519] : memref<6x2x64xi32, #tpu.memory_space<vmem>> -> memref<1x2x64xi32, #tpu.memory_space<vmem>>
        %dma_wait3A_521 = tpu.memref_squeeze %dma_wait3A_520 : memref<1x2x64xi32, #tpu.memory_space<vmem>> -> memref<2x64xi32, #tpu.memory_space<vmem>>
        %dma_wait3A_522 = arith.constant 0 : i32
        %dma_wait3A_523 = arith.constant 0 : i32
        %dma_wait3A_524 = tpu.memref_slice %arg3[%add3A, %sub3A_507, %dma_wait3A_522, %dma_wait3A_523] : memref<32x157x2x64xi32, #tpu.memory_space<hbm>> -> memref<1x1x2x64xi32, #tpu.memory_space<hbm>>
        %dma_wait3A_525 = tpu.memref_squeeze %dma_wait3A_524 : memref<1x1x2x64xi32, #tpu.memory_space<hbm>> -> memref<2x64xi32, #tpu.memory_space<hbm>>
        tpu.wait_dma2 semaphore(%dma_wait3A_517 : memref<!tpu.dma_semaphore, #tpu.memory_space<semaphore_mem>>) src(%dma_wait3A_525 : memref<2x64xi32, #tpu.memory_space<hbm>>) dst(%dma_wait3A_521 : memref<2x64xi32, #tpu.memory_space<vmem>>)
        %ge3A = arith.constant 1 : i32
        %ge3A_526 = arith.cmpi sge, %add3A_431, %ge3A : i32
        %convert_element_type3A_527 = arith.extui %ge3A_526 : i1 to i32
        %cond3A_528 = arith.constant 0 : i32
        %cond3A_529 = arith.cmpi ne, %convert_element_type3A_527, %cond3A_528 : i32
        scf.if %cond3A_529 {
          %dma_wait3A_543 = arith.constant 1 : i32
          %dma_wait3A_544 = arith.constant 0 : i32
          %dma_wait3A_545 = arith.constant 0 : i32
          %dma_wait3A_546 = tpu.memref_slice %arg7[%select_n3A_461, %dma_wait3A_544, %dma_wait3A_545] : memref<6x64x128xf32, #tpu.memory_space<vmem>> -> memref<1x64x128xf32, #tpu.memory_space<vmem>>
          %dma_wait3A_547 = tpu.memref_squeeze %dma_wait3A_546 : memref<1x64x128xf32, #tpu.memory_space<vmem>> -> memref<64x128xf32, #tpu.memory_space<vmem>>
          %dma_wait3A_548 = arith.constant 0 : i32
          %dma_wait3A_549 = tpu.memref_slice %arg6[%select_n3A_461, %dma_wait3A_543, %dma_wait3A_548] : memref<6x2x64xi32, #tpu.memory_space<vmem>> -> memref<1x1x64xi32, #tpu.memory_space<vmem>>
          %dma_wait3A_550 = tpu.memref_squeeze %dma_wait3A_549 : memref<1x1x64xi32, #tpu.memory_space<vmem>> -> memref<64xi32, #tpu.memory_space<vmem>>
          %dma_wait3A_551 = arith.constant 0 : i32
          %dma_wait3A_552 = arith.constant 0 : i32
          %dma_wait3A_553 = tpu.memref_slice %arg8[%dma_wait3A_551, %dma_wait3A_552] : memref<10008x128xf32, #tpu.memory_space<vmem_shared>> -> memref<10008x128xf32, #tpu.memory_space<vmem_shared>>
          %dma_wait3A_554 = tpu.memref_slice %arg11[%select_n3A_461] : memref<6x!tpu.dma_semaphore, #tpu.memory_space<semaphore_mem>> -> memref<1x!tpu.dma_semaphore, #tpu.memory_space<semaphore_mem>>
          %dma_wait3A_555 = tpu.memref_squeeze %dma_wait3A_554 : memref<1x!tpu.dma_semaphore, #tpu.memory_space<semaphore_mem>> -> memref<!tpu.dma_semaphore, #tpu.memory_space<semaphore_mem>>
          tpu.wait_indirect_dma semaphore(%dma_wait3A_555 : memref<!tpu.dma_semaphore, #tpu.memory_space<semaphore_mem>>) src(%dma_wait3A_547 : memref<64x128xf32, #tpu.memory_space<vmem>>) dst(%dma_wait3A_553 : memref<10008x128xf32, #tpu.memory_space<vmem_shared>>)
        } else {
        }
        %dma_start3A_530 = arith.constant 0 : i32
        %dma_start3A_531 = arith.constant 0 : i32
        %dma_start3A_532 = arith.constant 0 : i32
        %dma_start3A_533 = tpu.memref_slice %arg7[%select_n3A_461, %dma_start3A_531, %dma_start3A_532] : memref<6x64x128xf32, #tpu.memory_space<vmem>> -> memref<1x64x128xf32, #tpu.memory_space<vmem>>
        %dma_start3A_534 = tpu.memref_squeeze %dma_start3A_533 : memref<1x64x128xf32, #tpu.memory_space<vmem>> -> memref<64x128xf32, #tpu.memory_space<vmem>>
        %dma_start3A_535 = arith.constant 0 : i32
        %dma_start3A_536 = tpu.memref_slice %arg6[%select_n3A_461, %dma_start3A_530, %dma_start3A_535] : memref<6x2x64xi32, #tpu.memory_space<vmem>> -> memref<1x1x64xi32, #tpu.memory_space<vmem>>
        %dma_start3A_537 = tpu.memref_squeeze %dma_start3A_536 : memref<1x1x64xi32, #tpu.memory_space<vmem>> -> memref<64xi32, #tpu.memory_space<vmem>>
        %dma_start3A_538 = arith.constant 0 : i32
        %dma_start3A_539 = arith.constant 0 : i32
        %dma_start3A_540 = tpu.memref_slice %arg2[%dma_start3A_538, %dma_start3A_539] : memref<10000x128xf32, #tpu.memory_space<hbm>> -> memref<10000x128xf32, #tpu.memory_space<hbm>>
        %dma_start3A_541 = tpu.memref_slice %arg10[%select_n3A_461] : memref<6x!tpu.dma_semaphore, #tpu.memory_space<semaphore_mem>> -> memref<1x!tpu.dma_semaphore, #tpu.memory_space<semaphore_mem>>
        %dma_start3A_542 = tpu.memref_squeeze %dma_start3A_541 : memref<1x!tpu.dma_semaphore, #tpu.memory_space<semaphore_mem>> -> memref<!tpu.dma_semaphore, #tpu.memory_space<semaphore_mem>>
        tpu.enqueue_indirect_dma source(%dma_start3A_540 : memref<10000x128xf32, #tpu.memory_space<hbm>>) target(%dma_start3A_534 : memref<64x128xf32, #tpu.memory_space<vmem>>) offsets(%dma_start3A_537 : memref<64xi32, #tpu.memory_space<vmem>>) semaphore(%dma_start3A_542 : memref<!tpu.dma_semaphore, #tpu.memory_space<semaphore_mem>>)
      } else {
      }
      %dma_wait3A_471 = arith.constant 0 : i32
      %dma_wait3A_472 = arith.constant 0 : i32
      %dma_wait3A_473 = arith.constant 0 : i32
      %dma_wait3A_474 = tpu.memref_slice %arg7[%select_n3A_442, %dma_wait3A_472, %dma_wait3A_473] : memref<6x64x128xf32, #tpu.memory_space<vmem>> -> memref<1x64x128xf32, #tpu.memory_space<vmem>>
      %dma_wait3A_475 = tpu.memref_squeeze %dma_wait3A_474 : memref<1x64x128xf32, #tpu.memory_space<vmem>> -> memref<64x128xf32, #tpu.memory_space<vmem>>
      %dma_wait3A_476 = arith.constant 0 : i32
      %dma_wait3A_477 = tpu.memref_slice %arg6[%select_n3A_442, %dma_wait3A_471, %dma_wait3A_476] : memref<6x2x64xi32, #tpu.memory_space<vmem>> -> memref<1x1x64xi32, #tpu.memory_space<vmem>>
      %dma_wait3A_478 = tpu.memref_squeeze %dma_wait3A_477 : memref<1x1x64xi32, #tpu.memory_space<vmem>> -> memref<64xi32, #tpu.memory_space<vmem>>
      %dma_wait3A_479 = arith.constant 0 : i32
      %dma_wait3A_480 = arith.constant 0 : i32
      %dma_wait3A_481 = tpu.memref_slice %arg2[%dma_wait3A_479, %dma_wait3A_480] : memref<10000x128xf32, #tpu.memory_space<hbm>> -> memref<10000x128xf32, #tpu.memory_space<hbm>>
      %dma_wait3A_482 = tpu.memref_slice %arg10[%select_n3A_442] : memref<6x!tpu.dma_semaphore, #tpu.memory_space<semaphore_mem>> -> memref<1x!tpu.dma_semaphore, #tpu.memory_space<semaphore_mem>>
      %dma_wait3A_483 = tpu.memref_squeeze %dma_wait3A_482 : memref<1x!tpu.dma_semaphore, #tpu.memory_space<semaphore_mem>> -> memref<!tpu.dma_semaphore, #tpu.memory_space<semaphore_mem>>
      tpu.wait_indirect_dma semaphore(%dma_wait3A_483 : memref<!tpu.dma_semaphore, #tpu.memory_space<semaphore_mem>>) src(%dma_wait3A_481 : memref<10000x128xf32, #tpu.memory_space<hbm>>) dst(%dma_wait3A_475 : memref<64x128xf32, #tpu.memory_space<vmem>>)
      %dma_start3A_484 = arith.constant 1 : i32
      %dma_start3A_485 = arith.constant 0 : i32
      %dma_start3A_486 = arith.constant 0 : i32
      %dma_start3A_487 = tpu.memref_slice %arg7[%select_n3A_442, %dma_start3A_485, %dma_start3A_486] : memref<6x64x128xf32, #tpu.memory_space<vmem>> -> memref<1x64x128xf32, #tpu.memory_space<vmem>>
      %dma_start3A_488 = tpu.memref_squeeze %dma_start3A_487 : memref<1x64x128xf32, #tpu.memory_space<vmem>> -> memref<64x128xf32, #tpu.memory_space<vmem>>
      %dma_start3A_489 = arith.constant 0 : i32
      %dma_start3A_490 = tpu.memref_slice %arg6[%select_n3A_442, %dma_start3A_484, %dma_start3A_489] : memref<6x2x64xi32, #tpu.memory_space<vmem>> -> memref<1x1x64xi32, #tpu.memory_space<vmem>>
      %dma_start3A_491 = tpu.memref_squeeze %dma_start3A_490 : memref<1x1x64xi32, #tpu.memory_space<vmem>> -> memref<64xi32, #tpu.memory_space<vmem>>
      %dma_start3A_492 = arith.constant 0 : i32
      %dma_start3A_493 = arith.constant 0 : i32
      %dma_start3A_494 = tpu.memref_slice %arg8[%dma_start3A_492, %dma_start3A_493] : memref<10008x128xf32, #tpu.memory_space<vmem_shared>> -> memref<10008x128xf32, #tpu.memory_space<vmem_shared>>
      %dma_start3A_495 = tpu.memref_slice %arg11[%select_n3A_442] : memref<6x!tpu.dma_semaphore, #tpu.memory_space<semaphore_mem>> -> memref<1x!tpu.dma_semaphore, #tpu.memory_space<semaphore_mem>>
      %dma_start3A_496 = tpu.memref_squeeze %dma_start3A_495 : memref<1x!tpu.dma_semaphore, #tpu.memory_space<semaphore_mem>> -> memref<!tpu.dma_semaphore, #tpu.memory_space<semaphore_mem>>
      tpu.enqueue_indirect_dma source(%dma_start3A_488 : memref<64x128xf32, #tpu.memory_space<vmem>>) target(%dma_start3A_494 : memref<10008x128xf32, #tpu.memory_space<vmem_shared>>) offsets(%dma_start3A_491 : memref<64xi32, #tpu.memory_space<vmem>>) semaphore(%dma_start3A_496 : memref<!tpu.dma_semaphore, #tpu.memory_space<semaphore_mem>>) {add = true}
      %add3A_497 = arith.constant 6 : i32
      %add3A_498 = arith.addi %add3A_431, %add3A_497 : i32
      %lt3A_499 = arith.constant 157 : i32
      %lt3A_500 = arith.cmpi slt, %add3A_498, %lt3A_499 : i32
      %convert_element_type3A_501 = arith.extui %lt3A_500 : i1 to i32
      %cond3A_502 = arith.constant 0 : i32
      %cond3A_503 = arith.cmpi ne, %convert_element_type3A_501, %cond3A_502 : i32
      scf.if %cond3A_503 {
        %add3A_504 = arith.constant 6 : i32
        %add3A_505 = arith.addi %add3A_431, %add3A_504 : i32
        %dma_start3A_506 = arith.constant 0 : i32
        %dma_start3A_507 = arith.constant 0 : i32
        %dma_start3A_508 = tpu.memref_slice %arg6[%select_n3A_442, %dma_start3A_506, %dma_start3A_507] : memref<6x2x64xi32, #tpu.memory_space<vmem>> -> memref<1x2x64xi32, #tpu.memory_space<vmem>>
        %dma_start3A_509 = tpu.memref_squeeze %dma_start3A_508 : memref<1x2x64xi32, #tpu.memory_space<vmem>> -> memref<2x64xi32, #tpu.memory_space<vmem>>
        %dma_start3A_510 = arith.constant 0 : i32
        %dma_start3A_511 = arith.constant 0 : i32
        %dma_start3A_512 = tpu.memref_slice %arg3[%add3A, %add3A_505, %dma_start3A_510, %dma_start3A_511] : memref<32x157x2x64xi32, #tpu.memory_space<hbm>> -> memref<1x1x2x64xi32, #tpu.memory_space<hbm>>
        %dma_start3A_513 = tpu.memref_squeeze %dma_start3A_512 : memref<1x1x2x64xi32, #tpu.memory_space<hbm>> -> memref<2x64xi32, #tpu.memory_space<hbm>>
        %dma_start3A_514 = tpu.memref_slice %arg9[%select_n3A_442] : memref<6x!tpu.dma_semaphore, #tpu.memory_space<semaphore_mem>> -> memref<1x!tpu.dma_semaphore, #tpu.memory_space<semaphore_mem>>
        %dma_start3A_515 = tpu.memref_squeeze %dma_start3A_514 : memref<1x!tpu.dma_semaphore, #tpu.memory_space<semaphore_mem>> -> memref<!tpu.dma_semaphore, #tpu.memory_space<semaphore_mem>>
        %dma_start3A_516 = arith.constant 0 : i32
        %dma_start3A_517 = arith.constant 0 : i32
        %dma_start3A_518 = tpu.memref_slice %arg6[%select_n3A_442, %dma_start3A_516, %dma_start3A_517] : memref<6x2x64xi32, #tpu.memory_space<vmem>> -> memref<1x2x64xi32, #tpu.memory_space<vmem>>
        %dma_start3A_519 = tpu.memref_squeeze %dma_start3A_518 : memref<1x2x64xi32, #tpu.memory_space<vmem>> -> memref<2x64xi32, #tpu.memory_space<vmem>>
        %dma_start3A_520 = arith.constant 0 : i32
        %dma_start3A_521 = arith.constant 0 : i32
        %dma_start3A_522 = tpu.memref_slice %arg3[%add3A, %add3A_505, %dma_start3A_520, %dma_start3A_521] : memref<32x157x2x64xi32, #tpu.memory_space<hbm>> -> memref<1x1x2x64xi32, #tpu.memory_space<hbm>>
        %dma_start3A_523 = tpu.memref_squeeze %dma_start3A_522 : memref<1x1x2x64xi32, #tpu.memory_space<hbm>> -> memref<2x64xi32, #tpu.memory_space<hbm>>
        tpu.enqueue_dma source(%dma_start3A_523 : memref<2x64xi32, #tpu.memory_space<hbm>>) target(%dma_start3A_519 : memref<2x64xi32, #tpu.memory_space<vmem>>) target_semaphore(%dma_start3A_515 : memref<!tpu.dma_semaphore, #tpu.memory_space<semaphore_mem>>)
      } else {
      }
    }
    %scan3A_319 = arith.constant 157 : i32
    %dma_wait3A_320 = arith.constant 1 : i32
    %dma_wait3A_321 = arith.constant 1 : i32
    %dma_wait3A_322 = arith.constant 1 : i32
    %dma_wait3A_323 = arith.constant 1 : i32
    %dma_wait3A_324 = arith.constant 0 : i32
    %dma_wait3A_325 = arith.constant 0 : i32
    %dma_wait3A_326 = tpu.memref_slice %arg7[%dma_wait3A_320, %dma_wait3A_324, %dma_wait3A_325] : memref<6x64x128xf32, #tpu.memory_space<vmem>> -> memref<1x64x128xf32, #tpu.memory_space<vmem>>
    %dma_wait3A_327 = tpu.memref_squeeze %dma_wait3A_326 : memref<1x64x128xf32, #tpu.memory_space<vmem>> -> memref<64x128xf32, #tpu.memory_space<vmem>>
    %dma_wait3A_328 = arith.constant 0 : i32
    %dma_wait3A_329 = tpu.memref_slice %arg6[%dma_wait3A_321, %dma_wait3A_322, %dma_wait3A_328] : memref<6x2x64xi32, #tpu.memory_space<vmem>> -> memref<1x1x64xi32, #tpu.memory_space<vmem>>
    %dma_wait3A_330 = tpu.memref_squeeze %dma_wait3A_329 : memref<1x1x64xi32, #tpu.memory_space<vmem>> -> memref<64xi32, #tpu.memory_space<vmem>>
    %dma_wait3A_331 = arith.constant 0 : i32
    %dma_wait3A_332 = arith.constant 0 : i32
    %dma_wait3A_333 = tpu.memref_slice %arg8[%dma_wait3A_331, %dma_wait3A_332] : memref<10008x128xf32, #tpu.memory_space<vmem_shared>> -> memref<10008x128xf32, #tpu.memory_space<vmem_shared>>
    %dma_wait3A_334 = tpu.memref_slice %arg11[%dma_wait3A_323] : memref<6x!tpu.dma_semaphore, #tpu.memory_space<semaphore_mem>> -> memref<1x!tpu.dma_semaphore, #tpu.memory_space<semaphore_mem>>
    %dma_wait3A_335 = tpu.memref_squeeze %dma_wait3A_334 : memref<1x!tpu.dma_semaphore, #tpu.memory_space<semaphore_mem>> -> memref<!tpu.dma_semaphore, #tpu.memory_space<semaphore_mem>>
    tpu.wait_indirect_dma semaphore(%dma_wait3A_335 : memref<!tpu.dma_semaphore, #tpu.memory_space<semaphore_mem>>) src(%dma_wait3A_327 : memref<64x128xf32, #tpu.memory_space<vmem>>) dst(%dma_wait3A_333 : memref<10008x128xf32, #tpu.memory_space<vmem_shared>>)
    %dma_wait3A_336 = arith.constant 2 : i32
    %dma_wait3A_337 = arith.constant 2 : i32
    %dma_wait3A_338 = arith.constant 1 : i32
    %dma_wait3A_339 = arith.constant 2 : i32
    %dma_wait3A_340 = arith.constant 0 : i32
    %dma_wait3A_341 = arith.constant 0 : i32
    %dma_wait3A_342 = tpu.memref_slice %arg7[%dma_wait3A_336, %dma_wait3A_340, %dma_wait3A_341] : memref<6x64x128xf32, #tpu.memory_space<vmem>> -> memref<1x64x128xf32, #tpu.memory_space<vmem>>
    %dma_wait3A_343 = tpu.memref_squeeze %dma_wait3A_342 : memref<1x64x128xf32, #tpu.memory_space<vmem>> -> memref<64x128xf32, #tpu.memory_space<vmem>>
    %dma_wait3A_344 = arith.constant 0 : i32
    %dma_wait3A_345 = tpu.memref_slice %arg6[%dma_wait3A_337, %dma_wait3A_338, %dma_wait3A_344] : memref<6x2x64xi32, #tpu.memory_space<vmem>> -> memref<1x1x64xi32, #tpu.memory_space<vmem>>
    %dma_wait3A_346 = tpu.memref_squeeze %dma_wait3A_345 : memref<1x1x64xi32, #tpu.memory_space<vmem>> -> memref<64xi32, #tpu.memory_space<vmem>>
    %dma_wait3A_347 = arith.constant 0 : i32
    %dma_wait3A_348 = arith.constant 0 : i32
    %dma_wait3A_349 = tpu.memref_slice %arg8[%dma_wait3A_347, %dma_wait3A_348] : memref<10008x128xf32, #tpu.memory_space<vmem_shared>> -> memref<10008x128xf32, #tpu.memory_space<vmem_shared>>
    %dma_wait3A_350 = tpu.memref_slice %arg11[%dma_wait3A_339] : memref<6x!tpu.dma_semaphore, #tpu.memory_space<semaphore_mem>> -> memref<1x!tpu.dma_semaphore, #tpu.memory_space<semaphore_mem>>
    %dma_wait3A_351 = tpu.memref_squeeze %dma_wait3A_350 : memref<1x!tpu.dma_semaphore, #tpu.memory_space<semaphore_mem>> -> memref<!tpu.dma_semaphore, #tpu.memory_space<semaphore_mem>>
    tpu.wait_indirect_dma semaphore(%dma_wait3A_351 : memref<!tpu.dma_semaphore, #tpu.memory_space<semaphore_mem>>) src(%dma_wait3A_343 : memref<64x128xf32, #tpu.memory_space<vmem>>) dst(%dma_wait3A_349 : memref<10008x128xf32, #tpu.memory_space<vmem_shared>>)
    %dma_wait3A_352 = arith.constant 3 : i32
    %dma_wait3A_353 = arith.constant 3 : i32
    %dma_wait3A_354 = arith.constant 1 : i32
    %dma_wait3A_355 = arith.constant 3 : i32
    %dma_wait3A_356 = arith.constant 0 : i32
    %dma_wait3A_357 = arith.constant 0 : i32
    %dma_wait3A_358 = tpu.memref_slice %arg7[%dma_wait3A_352, %dma_wait3A_356, %dma_wait3A_357] : memref<6x64x128xf32, #tpu.memory_space<vmem>> -> memref<1x64x128xf32, #tpu.memory_space<vmem>>
    %dma_wait3A_359 = tpu.memref_squeeze %dma_wait3A_358 : memref<1x64x128xf32, #tpu.memory_space<vmem>> -> memref<64x128xf32, #tpu.memory_space<vmem>>
    %dma_wait3A_360 = arith.constant 0 : i32
    %dma_wait3A_361 = tpu.memref_slice %arg6[%dma_wait3A_353, %dma_wait3A_354, %dma_wait3A_360] : memref<6x2x64xi32, #tpu.memory_space<vmem>> -> memref<1x1x64xi32, #tpu.memory_space<vmem>>
    %dma_wait3A_362 = tpu.memref_squeeze %dma_wait3A_361 : memref<1x1x64xi32, #tpu.memory_space<vmem>> -> memref<64xi32, #tpu.memory_space<vmem>>
    %dma_wait3A_363 = arith.constant 0 : i32
    %dma_wait3A_364 = arith.constant 0 : i32
    %dma_wait3A_365 = tpu.memref_slice %arg8[%dma_wait3A_363, %dma_wait3A_364] : memref<10008x128xf32, #tpu.memory_space<vmem_shared>> -> memref<10008x128xf32, #tpu.memory_space<vmem_shared>>
    %dma_wait3A_366 = tpu.memref_slice %arg11[%dma_wait3A_355] : memref<6x!tpu.dma_semaphore, #tpu.memory_space<semaphore_mem>> -> memref<1x!tpu.dma_semaphore, #tpu.memory_space<semaphore_mem>>
    %dma_wait3A_367 = tpu.memref_squeeze %dma_wait3A_366 : memref<1x!tpu.dma_semaphore, #tpu.memory_space<semaphore_mem>> -> memref<!tpu.dma_semaphore, #tpu.memory_space<semaphore_mem>>
    tpu.wait_indirect_dma semaphore(%dma_wait3A_367 : memref<!tpu.dma_semaphore, #tpu.memory_space<semaphore_mem>>) src(%dma_wait3A_359 : memref<64x128xf32, #tpu.memory_space<vmem>>) dst(%dma_wait3A_365 : memref<10008x128xf32, #tpu.memory_space<vmem_shared>>)
    %dma_wait3A_368 = arith.constant 4 : i32
    %dma_wait3A_369 = arith.constant 4 : i32
    %dma_wait3A_370 = arith.constant 1 : i32
    %dma_wait3A_371 = arith.constant 4 : i32
    %dma_wait3A_372 = arith.constant 0 : i32
    %dma_wait3A_373 = arith.constant 0 : i32
    %dma_wait3A_374 = tpu.memref_slice %arg7[%dma_wait3A_368, %dma_wait3A_372, %dma_wait3A_373] : memref<6x64x128xf32, #tpu.memory_space<vmem>> -> memref<1x64x128xf32, #tpu.memory_space<vmem>>
    %dma_wait3A_375 = tpu.memref_squeeze %dma_wait3A_374 : memref<1x64x128xf32, #tpu.memory_space<vmem>> -> memref<64x128xf32, #tpu.memory_space<vmem>>
    %dma_wait3A_376 = arith.constant 0 : i32
    %dma_wait3A_377 = tpu.memref_slice %arg6[%dma_wait3A_369, %dma_wait3A_370, %dma_wait3A_376] : memref<6x2x64xi32, #tpu.memory_space<vmem>> -> memref<1x1x64xi32, #tpu.memory_space<vmem>>
    %dma_wait3A_378 = tpu.memref_squeeze %dma_wait3A_377 : memref<1x1x64xi32, #tpu.memory_space<vmem>> -> memref<64xi32, #tpu.memory_space<vmem>>
    %dma_wait3A_379 = arith.constant 0 : i32
    %dma_wait3A_380 = arith.constant 0 : i32
    %dma_wait3A_381 = tpu.memref_slice %arg8[%dma_wait3A_379, %dma_wait3A_380] : memref<10008x128xf32, #tpu.memory_space<vmem_shared>> -> memref<10008x128xf32, #tpu.memory_space<vmem_shared>>
    %dma_wait3A_382 = tpu.memref_slice %arg11[%dma_wait3A_371] : memref<6x!tpu.dma_semaphore, #tpu.memory_space<semaphore_mem>> -> memref<1x!tpu.dma_semaphore, #tpu.memory_space<semaphore_mem>>
    %dma_wait3A_383 = tpu.memref_squeeze %dma_wait3A_382 : memref<1x!tpu.dma_semaphore, #tpu.memory_space<semaphore_mem>> -> memref<!tpu.dma_semaphore, #tpu.memory_space<semaphore_mem>>
    tpu.wait_indirect_dma semaphore(%dma_wait3A_383 : memref<!tpu.dma_semaphore, #tpu.memory_space<semaphore_mem>>) src(%dma_wait3A_375 : memref<64x128xf32, #tpu.memory_space<vmem>>) dst(%dma_wait3A_381 : memref<10008x128xf32, #tpu.memory_space<vmem_shared>>)
    %dma_wait3A_384 = arith.constant 5 : i32
    %dma_wait3A_385 = arith.constant 5 : i32
    %dma_wait3A_386 = arith.constant 1 : i32
    %dma_wait3A_387 = arith.constant 5 : i32
    %dma_wait3A_388 = arith.constant 0 : i32
    %dma_wait3A_389 = arith.constant 0 : i32
    %dma_wait3A_390 = tpu.memref_slice %arg7[%dma_wait3A_384, %dma_wait3A_388, %dma_wait3A_389] : memref<6x64x128xf32, #tpu.memory_space<vmem>> -> memref<1x64x128xf32, #tpu.memory_space<vmem>>
    %dma_wait3A_391 = tpu.memref_squeeze %dma_wait3A_390 : memref<1x64x128xf32, #tpu.memory_space<vmem>> -> memref<64x128xf32, #tpu.memory_space<vmem>>
    %dma_wait3A_392 = arith.constant 0 : i32
    %dma_wait3A_393 = tpu.memref_slice %arg6[%dma_wait3A_385, %dma_wait3A_386, %dma_wait3A_392] : memref<6x2x64xi32, #tpu.memory_space<vmem>> -> memref<1x1x64xi32, #tpu.memory_space<vmem>>
    %dma_wait3A_394 = tpu.memref_squeeze %dma_wait3A_393 : memref<1x1x64xi32, #tpu.memory_space<vmem>> -> memref<64xi32, #tpu.memory_space<vmem>>
    %dma_wait3A_395 = arith.constant 0 : i32
    %dma_wait3A_396 = arith.constant 0 : i32
    %dma_wait3A_397 = tpu.memref_slice %arg8[%dma_wait3A_395, %dma_wait3A_396] : memref<10008x128xf32, #tpu.memory_space<vmem_shared>> -> memref<10008x128xf32, #tpu.memory_space<vmem_shared>>
    %dma_wait3A_398 = tpu.memref_slice %arg11[%dma_wait3A_387] : memref<6x!tpu.dma_semaphore, #tpu.memory_space<semaphore_mem>> -> memref<1x!tpu.dma_semaphore, #tpu.memory_space<semaphore_mem>>
    %dma_wait3A_399 = tpu.memref_squeeze %dma_wait3A_398 : memref<1x!tpu.dma_semaphore, #tpu.memory_space<semaphore_mem>> -> memref<!tpu.dma_semaphore, #tpu.memory_space<semaphore_mem>>
    tpu.wait_indirect_dma semaphore(%dma_wait3A_399 : memref<!tpu.dma_semaphore, #tpu.memory_space<semaphore_mem>>) src(%dma_wait3A_391 : memref<64x128xf32, #tpu.memory_space<vmem>>) dst(%dma_wait3A_397 : memref<10008x128xf32, #tpu.memory_space<vmem_shared>>)
    %dma_wait3A_400 = arith.constant 0 : i32
    %dma_wait3A_401 = arith.constant 0 : i32
    %dma_wait3A_402 = arith.constant 1 : i32
    %dma_wait3A_403 = arith.constant 0 : i32
    %dma_wait3A_404 = arith.constant 0 : i32
    %dma_wait3A_405 = arith.constant 0 : i32
    %dma_wait3A_406 = tpu.memref_slice %arg7[%dma_wait3A_400, %dma_wait3A_404, %dma_wait3A_405] : memref<6x64x128xf32, #tpu.memory_space<vmem>> -> memref<1x64x128xf32, #tpu.memory_space<vmem>>
    %dma_wait3A_407 = tpu.memref_squeeze %dma_wait3A_406 : memref<1x64x128xf32, #tpu.memory_space<vmem>> -> memref<64x128xf32, #tpu.memory_space<vmem>>
    %dma_wait3A_408 = arith.constant 0 : i32
    %dma_wait3A_409 = tpu.memref_slice %arg6[%dma_wait3A_401, %dma_wait3A_402, %dma_wait3A_408] : memref<6x2x64xi32, #tpu.memory_space<vmem>> -> memref<1x1x64xi32, #tpu.memory_space<vmem>>
    %dma_wait3A_410 = tpu.memref_squeeze %dma_wait3A_409 : memref<1x1x64xi32, #tpu.memory_space<vmem>> -> memref<64xi32, #tpu.memory_space<vmem>>
    %dma_wait3A_411 = arith.constant 0 : i32
    %dma_wait3A_412 = arith.constant 0 : i32
    %dma_wait3A_413 = tpu.memref_slice %arg8[%dma_wait3A_411, %dma_wait3A_412] : memref<10008x128xf32, #tpu.memory_space<vmem_shared>> -> memref<10008x128xf32, #tpu.memory_space<vmem_shared>>
    %dma_wait3A_414 = tpu.memref_slice %arg11[%dma_wait3A_403] : memref<6x!tpu.dma_semaphore, #tpu.memory_space<semaphore_mem>> -> memref<1x!tpu.dma_semaphore, #tpu.memory_space<semaphore_mem>>
    %dma_wait3A_415 = tpu.memref_squeeze %dma_wait3A_414 : memref<1x!tpu.dma_semaphore, #tpu.memory_space<semaphore_mem>> -> memref<!tpu.dma_semaphore, #tpu.memory_space<semaphore_mem>>
    tpu.wait_indirect_dma semaphore(%dma_wait3A_415 : memref<!tpu.dma_semaphore, #tpu.memory_space<semaphore_mem>>) src(%dma_wait3A_407 : memref<64x128xf32, #tpu.memory_space<vmem>>) dst(%dma_wait3A_413 : memref<10008x128xf32, #tpu.memory_space<vmem_shared>>)
    %barrier3A_416 = arith.constant 0 : index
    tpu.barrier barrier_id(%barrier3A_416)
    %lt3A_417 = arith.constant 15 : i32
    %lt3A_418 = arith.cmpi slt, %arg1, %lt3A_417 : i32
    %convert_element_type3A_419 = arith.extui %lt3A_418 : i1 to i32
    %cond3A_420 = arith.constant 0 : i32
    %cond3A_421 = arith.cmpi ne, %convert_element_type3A_419, %cond3A_420 : i32
    scf.if %cond3A_421 {
      %mul3A_427 = arith.constant 632 : i32
      %mul3A_428 = arith.muli %arg1, %mul3A_427 : i32
      %mul3A_429 = arith.constant 632 : i32
      %mul3A_430 = arith.muli %arg1, %mul3A_429 : i32
      "tpu.region"() ({
        %run_scoped3A = tpu.sem_alloc : memref<!tpu.dma_semaphore, #tpu.memory_space<semaphore_mem>>
        %dma_start3A_431 = arith.constant 0 : i32
        %dma_start3A_432 = tpu.memref_slice %arg5[%arg0, %mul3A_430, %dma_start3A_431] : memref<2x10008x128xf32, #tpu.memory_space<hbm>> -> memref<1x632x128xf32, #tpu.memory_space<hbm>>
        %dma_start3A_433 = tpu.memref_squeeze %dma_start3A_432 : memref<1x632x128xf32, #tpu.memory_space<hbm>> -> memref<632x128xf32, #tpu.memory_space<hbm>>
        %dma_start3A_434 = arith.constant 0 : i32
        %dma_start3A_435 = tpu.memref_slice %arg8[%mul3A_428, %dma_start3A_434] : memref<10008x128xf32, #tpu.memory_space<vmem_shared>> -> memref<632x128xf32, #tpu.memory_space<vmem_shared>>
        tpu.enqueue_dma source(%dma_start3A_435 : memref<632x128xf32, #tpu.memory_space<vmem_shared>>) target(%dma_start3A_433 : memref<632x128xf32, #tpu.memory_space<hbm>>) target_semaphore(%run_scoped3A : memref<!tpu.dma_semaphore, #tpu.memory_space<semaphore_mem>>)
        %dma_wait3A_436 = arith.constant 0 : i32
        %dma_wait3A_437 = tpu.memref_slice %arg5[%arg0, %mul3A_430, %dma_wait3A_436] : memref<2x10008x128xf32, #tpu.memory_space<hbm>> -> memref<1x632x128xf32, #tpu.memory_space<hbm>>
        %dma_wait3A_438 = tpu.memref_squeeze %dma_wait3A_437 : memref<1x632x128xf32, #tpu.memory_space<hbm>> -> memref<632x128xf32, #tpu.memory_space<hbm>>
        %dma_wait3A_439 = arith.constant 0 : i32
        %dma_wait3A_440 = tpu.memref_slice %arg8[%mul3A_428, %dma_wait3A_439] : memref<10008x128xf32, #tpu.memory_space<vmem_shared>> -> memref<632x128xf32, #tpu.memory_space<vmem_shared>>
        tpu.wait_dma2 semaphore(%run_scoped3A : memref<!tpu.dma_semaphore, #tpu.memory_space<semaphore_mem>>) src(%dma_wait3A_440 : memref<632x128xf32, #tpu.memory_space<vmem_shared>>) dst(%dma_wait3A_438 : memref<632x128xf32, #tpu.memory_space<hbm>>)
        tpu.yield
      }) : () -> ()
    } else {
    }
    %eq3A_422 = arith.constant 15 : i32
    %eq3A_423 = arith.cmpi eq, %arg1, %eq3A_422 : i32
    %convert_element_type3A_424 = arith.extui %eq3A_423 : i1 to i32
    %cond3A_425 = arith.constant 0 : i32
    %cond3A_426 = arith.cmpi ne, %convert_element_type3A_424, %cond3A_425 : i32
    scf.if %cond3A_426 {
      %mul3A_427 = arith.constant 632 : i32
      %mul3A_428 = arith.muli %arg1, %mul3A_427 : i32
      %mul3A_429 = arith.constant 632 : i32
      %mul3A_430 = arith.muli %arg1, %mul3A_429 : i32
      "tpu.region"() ({
        %run_scoped3A = tpu.sem_alloc : memref<!tpu.dma_semaphore, #tpu.memory_space<semaphore_mem>>
        %dma_start3A_431 = arith.constant 0 : i32
        %dma_start3A_432 = tpu.memref_slice %arg5[%arg0, %mul3A_430, %dma_start3A_431] : memref<2x10008x128xf32, #tpu.memory_space<hbm>> -> memref<1x528x128xf32, #tpu.memory_space<hbm>>
        %dma_start3A_433 = tpu.memref_squeeze %dma_start3A_432 : memref<1x528x128xf32, #tpu.memory_space<hbm>> -> memref<528x128xf32, #tpu.memory_space<hbm>>
        %dma_start3A_434 = arith.constant 0 : i32
        %dma_start3A_435 = tpu.memref_slice %arg8[%mul3A_428, %dma_start3A_434] : memref<10008x128xf32, #tpu.memory_space<vmem_shared>> -> memref<528x128xf32, #tpu.memory_space<vmem_shared>>
        tpu.enqueue_dma source(%dma_start3A_435 : memref<528x128xf32, #tpu.memory_space<vmem_shared>>) target(%dma_start3A_433 : memref<528x128xf32, #tpu.memory_space<hbm>>) target_semaphore(%run_scoped3A : memref<!tpu.dma_semaphore, #tpu.memory_space<semaphore_mem>>)
        %dma_wait3A_436 = arith.constant 0 : i32
        %dma_wait3A_437 = tpu.memref_slice %arg5[%arg0, %mul3A_430, %dma_wait3A_436] : memref<2x10008x128xf32, #tpu.memory_space<hbm>> -> memref<1x528x128xf32, #tpu.memory_space<hbm>>
        %dma_wait3A_438 = tpu.memref_squeeze %dma_wait3A_437 : memref<1x528x128xf32, #tpu.memory_space<hbm>> -> memref<528x128xf32, #tpu.memory_space<hbm>>
        %dma_wait3A_439 = arith.constant 0 : i32
        %dma_wait3A_440 = tpu.memref_slice %arg8[%mul3A_428, %dma_wait3A_439] : memref<10008x128xf32, #tpu.memory_space<vmem_shared>> -> memref<528x128xf32, #tpu.memory_space<vmem_shared>>
        tpu.wait_dma2 semaphore(%run_scoped3A : memref<!tpu.dma_semaphore, #tpu.memory_space<semaphore_mem>>) src(%dma_wait3A_440 : memref<528x128xf32, #tpu.memory_space<vmem_shared>>) dst(%dma_wait3A_438 : memref<528x128xf32, #tpu.memory_space<hbm>>)
        tpu.yield
      }) : () -> ()
    } else {
    }
    return
  }
}

#map = affine_map<(d0, d1) -> (0, 0)>
#map1 = affine_map<(d0, d1) -> (0, 0, 0, 0)>
#map2 = affine_map<(d0, d1) -> (0, 0, 0)>
module attributes {stable_mosaic.version = 14 : i64} {
  func.func @k(%arg0: i32, %arg1: i32, %arg2: memref<10000x128xf32, #tpu.memory_space<hbm>>, %arg3: memref<32x157x2x64xi32, #tpu.memory_space<hbm>>, %arg4: memref<10008x128xf32, #tpu.memory_space<hbm>>, %arg5: memref<2x10008x128xf32, #tpu.memory_space<hbm>>, %arg6: memref<6x2x64xi32, #tpu.memory_space<vmem>>, %arg7: memref<6x64x128xf32, #tpu.memory_space<vmem>>, %arg8: memref<10008x128xf32, #tpu.memory_space<vmem_shared>>, %arg9: memref<6x!tpu.dma_semaphore, #tpu.memory_space<semaphore_mem>>, %arg10: memref<6x!tpu.dma_semaphore, #tpu.memory_space<semaphore_mem>>, %arg11: memref<6x!tpu.dma_semaphore, #tpu.memory_space<semaphore_mem>>) attributes {dimension_semantics = [#tpu.dimension_semantics<core_parallel>, #tpu.dimension_semantics<subcore_parallel>], iteration_bounds = array<i64: 2, 16>, scalar_prefetch = 0 : i64, scratch_operands = 6 : i64, tpu.core_type = #tpu.core_type<sc_vector_subcore>, window_params = [{transform_indices = #map}, {transform_indices = #map1}, {transform_indices = #map}, {transform_indices = #map2}]} {
    %mul3A = arith.constant 16 : i32
    %mul3A_0 = arith.muli %arg0, %mul3A : i32
    %add3A = arith.addi %mul3A_0, %arg1 : i32
    %dma_start3A = arith.constant 0 : i32
    %dma_start3A_1 = arith.constant 0 : i32
    %dma_start3A_2 = arith.constant 0 : i32
    %dma_start3A_3 = arith.constant 0 : i32
    %dma_start3A_4 = arith.constant 0 : i32
    %dma_start3A_5 = tpu.memref_slice %arg6[%dma_start3A_1, %dma_start3A_3, %dma_start3A_4] : memref<6x2x64xi32, #tpu.memory_space<vmem>> -> memref<1x2x64xi32, #tpu.memory_space<vmem>>
    %dma_start3A_6 = tpu.memref_squeeze %dma_start3A_5 : memref<1x2x64xi32, #tpu.memory_space<vmem>> -> memref<2x64xi32, #tpu.memory_space<vmem>>
    %dma_start3A_7 = arith.constant 0 : i32
    %dma_start3A_8 = arith.constant 0 : i32
    %dma_start3A_9 = tpu.memref_slice %arg3[%add3A, %dma_start3A, %dma_start3A_7, %dma_start3A_8] : memref<32x157x2x64xi32, #tpu.memory_space<hbm>> -> memref<1x1x2x64xi32, #tpu.memory_space<hbm>>
    %dma_start3A_10 = tpu.memref_squeeze %dma_start3A_9 : memref<1x1x2x64xi32, #tpu.memory_space<hbm>> -> memref<2x64xi32, #tpu.memory_space<hbm>>
    %dma_start3A_11 = tpu.memref_slice %arg9[%dma_start3A_2] : memref<6x!tpu.dma_semaphore, #tpu.memory_space<semaphore_mem>> -> memref<1x!tpu.dma_semaphore, #tpu.memory_space<semaphore_mem>>
    %dma_start3A_12 = tpu.memref_squeeze %dma_start3A_11 : memref<1x!tpu.dma_semaphore, #tpu.memory_space<semaphore_mem>> -> memref<!tpu.dma_semaphore, #tpu.memory_space<semaphore_mem>>
    %dma_start3A_13 = arith.constant 0 : i32
    %dma_start3A_14 = arith.constant 0 : i32
    %dma_start3A_15 = tpu.memref_slice %arg6[%dma_start3A_1, %dma_start3A_13, %dma_start3A_14] : memref<6x2x64xi32, #tpu.memory_space<vmem>> -> memref<1x2x64xi32, #tpu.memory_space<vmem>>
    %dma_start3A_16 = tpu.memref_squeeze %dma_start3A_15 : memref<1x2x64xi32, #tpu.memory_space<vmem>> -> memref<2x64xi32, #tpu.memory_space<vmem>>
    %dma_start3A_17 = arith.constant 0 : i32
    %dma_start3A_18 = arith.constant 0 : i32
    %dma_start3A_19 = tpu.memref_slice %arg3[%add3A, %dma_start3A, %dma_start3A_17, %dma_start3A_18] : memref<32x157x2x64xi32, #tpu.memory_space<hbm>> -> memref<1x1x2x64xi32, #tpu.memory_space<hbm>>
    %dma_start3A_20 = tpu.memref_squeeze %dma_start3A_19 : memref<1x1x2x64xi32, #tpu.memory_space<hbm>> -> memref<2x64xi32, #tpu.memory_space<hbm>>
    tpu.enqueue_dma source(%dma_start3A_20 : memref<2x64xi32, #tpu.memory_space<hbm>>) target(%dma_start3A_16 : memref<2x64xi32, #tpu.memory_space<vmem>>) target_semaphore(%dma_start3A_12 : memref<!tpu.dma_semaphore, #tpu.memory_space<semaphore_mem>>)
    %dma_start3A_21 = arith.constant 1 : i32
    %dma_start3A_22 = arith.constant 1 : i32
    %dma_start3A_23 = arith.constant 1 : i32
    %dma_start3A_24 = arith.constant 0 : i32
    %dma_start3A_25 = arith.constant 0 : i32
    %dma_start3A_26 = tpu.memref_slice %arg6[%dma_start3A_22, %dma_start3A_24, %dma_start3A_25] : memref<6x2x64xi32, #tpu.memory_space<vmem>> -> memref<1x2x64xi32, #tpu.memory_space<vmem>>
    %dma_start3A_27 = tpu.memref_squeeze %dma_start3A_26 : memref<1x2x64xi32, #tpu.memory_space<vmem>> -> memref<2x64xi32, #tpu.memory_space<vmem>>
    %dma_start3A_28 = arith.constant 0 : i32
    %dma_start3A_29 = arith.constant 0 : i32
    %dma_start3A_30 = tpu.memref_slice %arg3[%add3A, %dma_start3A_21, %dma_start3A_28, %dma_start3A_29] : memref<32x157x2x64xi32, #tpu.memory_space<hbm>> -> memref<1x1x2x64xi32, #tpu.memory_space<hbm>>
    %dma_start3A_31 = tpu.memref_squeeze %dma_start3A_30 : memref<1x1x2x64xi32, #tpu.memory_space<hbm>> -> memref<2x64xi32, #tpu.memory_space<hbm>>
    %dma_start3A_32 = tpu.memref_slice %arg9[%dma_start3A_23] : memref<6x!tpu.dma_semaphore, #tpu.memory_space<semaphore_mem>> -> memref<1x!tpu.dma_semaphore, #tpu.memory_space<semaphore_mem>>
    %dma_start3A_33 = tpu.memref_squeeze %dma_start3A_32 : memref<1x!tpu.dma_semaphore, #tpu.memory_space<semaphore_mem>> -> memref<!tpu.dma_semaphore, #tpu.memory_space<semaphore_mem>>
    %dma_start3A_34 = arith.constant 0 : i32
    %dma_start3A_35 = arith.constant 0 : i32
    %dma_start3A_36 = tpu.memref_slice %arg6[%dma_start3A_22, %dma_start3A_34, %dma_start3A_35] : memref<6x2x64xi32, #tpu.memory_space<vmem>> -> memref<1x2x64xi32, #tpu.memory_space<vmem>>
    %dma_start3A_37 = tpu.memref_squeeze %dma_start3A_36 : memref<1x2x64xi32, #tpu.memory_space<vmem>> -> memref<2x64xi32, #tpu.memory_space<vmem>>
    %dma_start3A_38 = arith.constant 0 : i32
    %dma_start3A_39 = arith.constant 0 : i32
    %dma_start3A_40 = tpu.memref_slice %arg3[%add3A, %dma_start3A_21, %dma_start3A_38, %dma_start3A_39] : memref<32x157x2x64xi32, #tpu.memory_space<hbm>> -> memref<1x1x2x64xi32, #tpu.memory_space<hbm>>
    %dma_start3A_41 = tpu.memref_squeeze %dma_start3A_40 : memref<1x1x2x64xi32, #tpu.memory_space<hbm>> -> memref<2x64xi32, #tpu.memory_space<hbm>>
    tpu.enqueue_dma source(%dma_start3A_41 : memref<2x64xi32, #tpu.memory_space<hbm>>) target(%dma_start3A_37 : memref<2x64xi32, #tpu.memory_space<vmem>>) target_semaphore(%dma_start3A_33 : memref<!tpu.dma_semaphore, #tpu.memory_space<semaphore_mem>>)
    %dma_start3A_42 = arith.constant 2 : i32
    %dma_start3A_43 = arith.constant 2 : i32
    %dma_start3A_44 = arith.constant 2 : i32
    %dma_start3A_45 = arith.constant 0 : i32
    %dma_start3A_46 = arith.constant 0 : i32
    %dma_start3A_47 = tpu.memref_slice %arg6[%dma_start3A_43, %dma_start3A_45, %dma_start3A_46] : memref<6x2x64xi32, #tpu.memory_space<vmem>> -> memref<1x2x64xi32, #tpu.memory_space<vmem>>
    %dma_start3A_48 = tpu.memref_squeeze %dma_start3A_47 : memref<1x2x64xi32, #tpu.memory_space<vmem>> -> memref<2x64xi32, #tpu.memory_space<vmem>>
    %dma_start3A_49 = arith.constant 0 : i32
    %dma_start3A_50 = arith.constant 0 : i32
    %dma_start3A_51 = tpu.memref_slice %arg3[%add3A, %dma_start3A_42, %dma_start3A_49, %dma_start3A_50] : memref<32x157x2x64xi32, #tpu.memory_space<hbm>> -> memref<1x1x2x64xi32, #tpu.memory_space<hbm>>
    %dma_start3A_52 = tpu.memref_squeeze %dma_start3A_51 : memref<1x1x2x64xi32, #tpu.memory_space<hbm>> -> memref<2x64xi32, #tpu.memory_space<hbm>>
    %dma_start3A_53 = tpu.memref_slice %arg9[%dma_start3A_44] : memref<6x!tpu.dma_semaphore, #tpu.memory_space<semaphore_mem>> -> memref<1x!tpu.dma_semaphore, #tpu.memory_space<semaphore_mem>>
    %dma_start3A_54 = tpu.memref_squeeze %dma_start3A_53 : memref<1x!tpu.dma_semaphore, #tpu.memory_space<semaphore_mem>> -> memref<!tpu.dma_semaphore, #tpu.memory_space<semaphore_mem>>
    %dma_start3A_55 = arith.constant 0 : i32
    %dma_start3A_56 = arith.constant 0 : i32
    %dma_start3A_57 = tpu.memref_slice %arg6[%dma_start3A_43, %dma_start3A_55, %dma_start3A_56] : memref<6x2x64xi32, #tpu.memory_space<vmem>> -> memref<1x2x64xi32, #tpu.memory_space<vmem>>
    %dma_start3A_58 = tpu.memref_squeeze %dma_start3A_57 : memref<1x2x64xi32, #tpu.memory_space<vmem>> -> memref<2x64xi32, #tpu.memory_space<vmem>>
    %dma_start3A_59 = arith.constant 0 : i32
    %dma_start3A_60 = arith.constant 0 : i32
    %dma_start3A_61 = tpu.memref_slice %arg3[%add3A, %dma_start3A_42, %dma_start3A_59, %dma_start3A_60] : memref<32x157x2x64xi32, #tpu.memory_space<hbm>> -> memref<1x1x2x64xi32, #tpu.memory_space<hbm>>
    %dma_start3A_62 = tpu.memref_squeeze %dma_start3A_61 : memref<1x1x2x64xi32, #tpu.memory_space<hbm>> -> memref<2x64xi32, #tpu.memory_space<hbm>>
    tpu.enqueue_dma source(%dma_start3A_62 : memref<2x64xi32, #tpu.memory_space<hbm>>) target(%dma_start3A_58 : memref<2x64xi32, #tpu.memory_space<vmem>>) target_semaphore(%dma_start3A_54 : memref<!tpu.dma_semaphore, #tpu.memory_space<semaphore_mem>>)
    %dma_start3A_63 = arith.constant 3 : i32
    %dma_start3A_64 = arith.constant 3 : i32
    %dma_start3A_65 = arith.constant 3 : i32
    %dma_start3A_66 = arith.constant 0 : i32
    %dma_start3A_67 = arith.constant 0 : i32
    %dma_start3A_68 = tpu.memref_slice %arg6[%dma_start3A_64, %dma_start3A_66, %dma_start3A_67] : memref<6x2x64xi32, #tpu.memory_space<vmem>> -> memref<1x2x64xi32, #tpu.memory_space<vmem>>
    %dma_start3A_69 = tpu.memref_squeeze %dma_start3A_68 : memref<1x2x64xi32, #tpu.memory_space<vmem>> -> memref<2x64xi32, #tpu.memory_space<vmem>>
    %dma_start3A_70 = arith.constant 0 : i32
    %dma_start3A_71 = arith.constant 0 : i32
    %dma_start3A_72 = tpu.memref_slice %arg3[%add3A, %dma_start3A_63, %dma_start3A_70, %dma_start3A_71] : memref<32x157x2x64xi32, #tpu.memory_space<hbm>> -> memref<1x1x2x64xi32, #tpu.memory_space<hbm>>
    %dma_start3A_73 = tpu.memref_squeeze %dma_start3A_72 : memref<1x1x2x64xi32, #tpu.memory_space<hbm>> -> memref<2x64xi32, #tpu.memory_space<hbm>>
    %dma_start3A_74 = tpu.memref_slice %arg9[%dma_start3A_65] : memref<6x!tpu.dma_semaphore, #tpu.memory_space<semaphore_mem>> -> memref<1x!tpu.dma_semaphore, #tpu.memory_space<semaphore_mem>>
    %dma_start3A_75 = tpu.memref_squeeze %dma_start3A_74 : memref<1x!tpu.dma_semaphore, #tpu.memory_space<semaphore_mem>> -> memref<!tpu.dma_semaphore, #tpu.memory_space<semaphore_mem>>
    %dma_start3A_76 = arith.constant 0 : i32
    %dma_start3A_77 = arith.constant 0 : i32
    %dma_start3A_78 = tpu.memref_slice %arg6[%dma_start3A_64, %dma_start3A_76, %dma_start3A_77] : memref<6x2x64xi32, #tpu.memory_space<vmem>> -> memref<1x2x64xi32, #tpu.memory_space<vmem>>
    %dma_start3A_79 = tpu.memref_squeeze %dma_start3A_78 : memref<1x2x64xi32, #tpu.memory_space<vmem>> -> memref<2x64xi32, #tpu.memory_space<vmem>>
    %dma_start3A_80 = arith.constant 0 : i32
    %dma_start3A_81 = arith.constant 0 : i32
    %dma_start3A_82 = tpu.memref_slice %arg3[%add3A, %dma_start3A_63, %dma_start3A_80, %dma_start3A_81] : memref<32x157x2x64xi32, #tpu.memory_space<hbm>> -> memref<1x1x2x64xi32, #tpu.memory_space<hbm>>
    %dma_start3A_83 = tpu.memref_squeeze %dma_start3A_82 : memref<1x1x2x64xi32, #tpu.memory_space<hbm>> -> memref<2x64xi32, #tpu.memory_space<hbm>>
    tpu.enqueue_dma source(%dma_start3A_83 : memref<2x64xi32, #tpu.memory_space<hbm>>) target(%dma_start3A_79 : memref<2x64xi32, #tpu.memory_space<vmem>>) target_semaphore(%dma_start3A_75 : memref<!tpu.dma_semaphore, #tpu.memory_space<semaphore_mem>>)
    %dma_start3A_84 = arith.constant 4 : i32
    %dma_start3A_85 = arith.constant 4 : i32
    %dma_start3A_86 = arith.constant 4 : i32
    %dma_start3A_87 = arith.constant 0 : i32
    %dma_start3A_88 = arith.constant 0 : i32
    %dma_start3A_89 = tpu.memref_slice %arg6[%dma_start3A_85, %dma_start3A_87, %dma_start3A_88] : memref<6x2x64xi32, #tpu.memory_space<vmem>> -> memref<1x2x64xi32, #tpu.memory_space<vmem>>
    %dma_start3A_90 = tpu.memref_squeeze %dma_start3A_89 : memref<1x2x64xi32, #tpu.memory_space<vmem>> -> memref<2x64xi32, #tpu.memory_space<vmem>>
    %dma_start3A_91 = arith.constant 0 : i32
    %dma_start3A_92 = arith.constant 0 : i32
    %dma_start3A_93 = tpu.memref_slice %arg3[%add3A, %dma_start3A_84, %dma_start3A_91, %dma_start3A_92] : memref<32x157x2x64xi32, #tpu.memory_space<hbm>> -> memref<1x1x2x64xi32, #tpu.memory_space<hbm>>
    %dma_start3A_94 = tpu.memref_squeeze %dma_start3A_93 : memref<1x1x2x64xi32, #tpu.memory_space<hbm>> -> memref<2x64xi32, #tpu.memory_space<hbm>>
    %dma_start3A_95 = tpu.memref_slice %arg9[%dma_start3A_86] : memref<6x!tpu.dma_semaphore, #tpu.memory_space<semaphore_mem>> -> memref<1x!tpu.dma_semaphore, #tpu.memory_space<semaphore_mem>>
    %dma_start3A_96 = tpu.memref_squeeze %dma_start3A_95 : memref<1x!tpu.dma_semaphore, #tpu.memory_space<semaphore_mem>> -> memref<!tpu.dma_semaphore, #tpu.memory_space<semaphore_mem>>
    %dma_start3A_97 = arith.constant 0 : i32
    %dma_start3A_98 = arith.constant 0 : i32
    %dma_start3A_99 = tpu.memref_slice %arg6[%dma_start3A_85, %dma_start3A_97, %dma_start3A_98] : memref<6x2x64xi32, #tpu.memory_space<vmem>> -> memref<1x2x64xi32, #tpu.memory_space<vmem>>
    %dma_start3A_100 = tpu.memref_squeeze %dma_start3A_99 : memref<1x2x64xi32, #tpu.memory_space<vmem>> -> memref<2x64xi32, #tpu.memory_space<vmem>>
    %dma_start3A_101 = arith.constant 0 : i32
    %dma_start3A_102 = arith.constant 0 : i32
    %dma_start3A_103 = tpu.memref_slice %arg3[%add3A, %dma_start3A_84, %dma_start3A_101, %dma_start3A_102] : memref<32x157x2x64xi32, #tpu.memory_space<hbm>> -> memref<1x1x2x64xi32, #tpu.memory_space<hbm>>
    %dma_start3A_104 = tpu.memref_squeeze %dma_start3A_103 : memref<1x1x2x64xi32, #tpu.memory_space<hbm>> -> memref<2x64xi32, #tpu.memory_space<hbm>>
    tpu.enqueue_dma source(%dma_start3A_104 : memref<2x64xi32, #tpu.memory_space<hbm>>) target(%dma_start3A_100 : memref<2x64xi32, #tpu.memory_space<vmem>>) target_semaphore(%dma_start3A_96 : memref<!tpu.dma_semaphore, #tpu.memory_space<semaphore_mem>>)
    %dma_start3A_105 = arith.constant 5 : i32
    %dma_start3A_106 = arith.constant 5 : i32
    %dma_start3A_107 = arith.constant 5 : i32
    %dma_start3A_108 = arith.constant 0 : i32
    %dma_start3A_109 = arith.constant 0 : i32
    %dma_start3A_110 = tpu.memref_slice %arg6[%dma_start3A_106, %dma_start3A_108, %dma_start3A_109] : memref<6x2x64xi32, #tpu.memory_space<vmem>> -> memref<1x2x64xi32, #tpu.memory_space<vmem>>
    %dma_start3A_111 = tpu.memref_squeeze %dma_start3A_110 : memref<1x2x64xi32, #tpu.memory_space<vmem>> -> memref<2x64xi32, #tpu.memory_space<vmem>>
    %dma_start3A_112 = arith.constant 0 : i32
    %dma_start3A_113 = arith.constant 0 : i32
    %dma_start3A_114 = tpu.memref_slice %arg3[%add3A, %dma_start3A_105, %dma_start3A_112, %dma_start3A_113] : memref<32x157x2x64xi32, #tpu.memory_space<hbm>> -> memref<1x1x2x64xi32, #tpu.memory_space<hbm>>
    %dma_start3A_115 = tpu.memref_squeeze %dma_start3A_114 : memref<1x1x2x64xi32, #tpu.memory_space<hbm>> -> memref<2x64xi32, #tpu.memory_space<hbm>>
    %dma_start3A_116 = tpu.memref_slice %arg9[%dma_start3A_107] : memref<6x!tpu.dma_semaphore, #tpu.memory_space<semaphore_mem>> -> memref<1x!tpu.dma_semaphore, #tpu.memory_space<semaphore_mem>>
    %dma_start3A_117 = tpu.memref_squeeze %dma_start3A_116 : memref<1x!tpu.dma_semaphore, #tpu.memory_space<semaphore_mem>> -> memref<!tpu.dma_semaphore, #tpu.memory_space<semaphore_mem>>
    %dma_start3A_118 = arith.constant 0 : i32
    %dma_start3A_119 = arith.constant 0 : i32
    %dma_start3A_120 = tpu.memref_slice %arg6[%dma_start3A_106, %dma_start3A_118, %dma_start3A_119] : memref<6x2x64xi32, #tpu.memory_space<vmem>> -> memref<1x2x64xi32, #tpu.memory_space<vmem>>
    %dma_start3A_121 = tpu.memref_squeeze %dma_start3A_120 : memref<1x2x64xi32, #tpu.memory_space<vmem>> -> memref<2x64xi32, #tpu.memory_space<vmem>>
    %dma_start3A_122 = arith.constant 0 : i32
    %dma_start3A_123 = arith.constant 0 : i32
    %dma_start3A_124 = tpu.memref_slice %arg3[%add3A, %dma_start3A_105, %dma_start3A_122, %dma_start3A_123] : memref<32x157x2x64xi32, #tpu.memory_space<hbm>> -> memref<1x1x2x64xi32, #tpu.memory_space<hbm>>
    %dma_start3A_125 = tpu.memref_squeeze %dma_start3A_124 : memref<1x1x2x64xi32, #tpu.memory_space<hbm>> -> memref<2x64xi32, #tpu.memory_space<hbm>>
    tpu.enqueue_dma source(%dma_start3A_125 : memref<2x64xi32, #tpu.memory_space<hbm>>) target(%dma_start3A_121 : memref<2x64xi32, #tpu.memory_space<vmem>>) target_semaphore(%dma_start3A_117 : memref<!tpu.dma_semaphore, #tpu.memory_space<semaphore_mem>>)
    %dma_wait3A = arith.constant 0 : i32
    %dma_wait3A_126 = arith.constant 0 : i32
    %dma_wait3A_127 = arith.constant 0 : i32
    %dma_wait3A_128 = arith.constant 0 : i32
    %dma_wait3A_129 = arith.constant 0 : i32
    %dma_wait3A_130 = tpu.memref_slice %arg6[%dma_wait3A_126, %dma_wait3A_128, %dma_wait3A_129] : memref<6x2x64xi32, #tpu.memory_space<vmem>> -> memref<1x2x64xi32, #tpu.memory_space<vmem>>
    %dma_wait3A_131 = tpu.memref_squeeze %dma_wait3A_130 : memref<1x2x64xi32, #tpu.memory_space<vmem>> -> memref<2x64xi32, #tpu.memory_space<vmem>>
    %dma_wait3A_132 = arith.constant 0 : i32
    %dma_wait3A_133 = arith.constant 0 : i32
    %dma_wait3A_134 = tpu.memref_slice %arg3[%add3A, %dma_wait3A, %dma_wait3A_132, %dma_wait3A_133] : memref<32x157x2x64xi32, #tpu.memory_space<hbm>> -> memref<1x1x2x64xi32, #tpu.memory_space<hbm>>
    %dma_wait3A_135 = tpu.memref_squeeze %dma_wait3A_134 : memref<1x1x2x64xi32, #tpu.memory_space<hbm>> -> memref<2x64xi32, #tpu.memory_space<hbm>>
    %dma_wait3A_136 = tpu.memref_slice %arg9[%dma_wait3A_127] : memref<6x!tpu.dma_semaphore, #tpu.memory_space<semaphore_mem>> -> memref<1x!tpu.dma_semaphore, #tpu.memory_space<semaphore_mem>>
    %dma_wait3A_137 = tpu.memref_squeeze %dma_wait3A_136 : memref<1x!tpu.dma_semaphore, #tpu.memory_space<semaphore_mem>> -> memref<!tpu.dma_semaphore, #tpu.memory_space<semaphore_mem>>
    %dma_wait3A_138 = arith.constant 0 : i32
    %dma_wait3A_139 = arith.constant 0 : i32
    %dma_wait3A_140 = tpu.memref_slice %arg6[%dma_wait3A_126, %dma_wait3A_138, %dma_wait3A_139] : memref<6x2x64xi32, #tpu.memory_space<vmem>> -> memref<1x2x64xi32, #tpu.memory_space<vmem>>
    %dma_wait3A_141 = tpu.memref_squeeze %dma_wait3A_140 : memref<1x2x64xi32, #tpu.memory_space<vmem>> -> memref<2x64xi32, #tpu.memory_space<vmem>>
    %dma_wait3A_142 = arith.constant 0 : i32
    %dma_wait3A_143 = arith.constant 0 : i32
    %dma_wait3A_144 = tpu.memref_slice %arg3[%add3A, %dma_wait3A, %dma_wait3A_142, %dma_wait3A_143] : memref<32x157x2x64xi32, #tpu.memory_space<hbm>> -> memref<1x1x2x64xi32, #tpu.memory_space<hbm>>
    %dma_wait3A_145 = tpu.memref_squeeze %dma_wait3A_144 : memref<1x1x2x64xi32, #tpu.memory_space<hbm>> -> memref<2x64xi32, #tpu.memory_space<hbm>>
    tpu.wait_dma2 semaphore(%dma_wait3A_137 : memref<!tpu.dma_semaphore, #tpu.memory_space<semaphore_mem>>) src(%dma_wait3A_145 : memref<2x64xi32, #tpu.memory_space<hbm>>) dst(%dma_wait3A_141 : memref<2x64xi32, #tpu.memory_space<vmem>>)
    %dma_start3A_146 = arith.constant 0 : i32
    %dma_start3A_147 = arith.constant 0 : i32
    %dma_start3A_148 = arith.constant 0 : i32
    %dma_start3A_149 = arith.constant 0 : i32
    %dma_start3A_150 = arith.constant 0 : i32
    %dma_start3A_151 = arith.constant 0 : i32
    %dma_start3A_152 = tpu.memref_slice %arg7[%dma_start3A_148, %dma_start3A_150, %dma_start3A_151] : memref<6x64x128xf32, #tpu.memory_space<vmem>> -> memref<1x64x128xf32, #tpu.memory_space<vmem>>
    %dma_start3A_153 = tpu.memref_squeeze %dma_start3A_152 : memref<1x64x128xf32, #tpu.memory_space<vmem>> -> memref<64x128xf32, #tpu.memory_space<vmem>>
    %dma_start3A_154 = arith.constant 0 : i32
    %dma_start3A_155 = tpu.memref_slice %arg6[%dma_start3A_146, %dma_start3A_147, %dma_start3A_154] : memref<6x2x64xi32, #tpu.memory_space<vmem>> -> memref<1x1x64xi32, #tpu.memory_space<vmem>>
    %dma_start3A_156 = tpu.memref_squeeze %dma_start3A_155 : memref<1x1x64xi32, #tpu.memory_space<vmem>> -> memref<64xi32, #tpu.memory_space<vmem>>
    %dma_start3A_157 = arith.constant 0 : i32
    %dma_start3A_158 = arith.constant 0 : i32
    %dma_start3A_159 = tpu.memref_slice %arg2[%dma_start3A_157, %dma_start3A_158] : memref<10000x128xf32, #tpu.memory_space<hbm>> -> memref<10000x128xf32, #tpu.memory_space<hbm>>
    %dma_start3A_160 = tpu.memref_slice %arg10[%dma_start3A_149] : memref<6x!tpu.dma_semaphore, #tpu.memory_space<semaphore_mem>> -> memref<1x!tpu.dma_semaphore, #tpu.memory_space<semaphore_mem>>
    %dma_start3A_161 = tpu.memref_squeeze %dma_start3A_160 : memref<1x!tpu.dma_semaphore, #tpu.memory_space<semaphore_mem>> -> memref<!tpu.dma_semaphore, #tpu.memory_space<semaphore_mem>>
    tpu.enqueue_indirect_dma source(%dma_start3A_159 : memref<10000x128xf32, #tpu.memory_space<hbm>>) target(%dma_start3A_153 : memref<64x128xf32, #tpu.memory_space<vmem>>) offsets(%dma_start3A_156 : memref<64xi32, #tpu.memory_space<vmem>>) semaphore(%dma_start3A_161 : memref<!tpu.dma_semaphore, #tpu.memory_space<semaphore_mem>>)
    %dma_wait3A_162 = arith.constant 1 : i32
    %dma_wait3A_163 = arith.constant 1 : i32
    %dma_wait3A_164 = arith.constant 1 : i32
    %dma_wait3A_165 = arith.constant 0 : i32
    %dma_wait3A_166 = arith.constant 0 : i32
    %dma_wait3A_167 = tpu.memref_slice %arg6[%dma_wait3A_163, %dma_wait3A_165, %dma_wait3A_166] : memref<6x2x64xi32, #tpu.memory_space<vmem>> -> memref<1x2x64xi32, #tpu.memory_space<vmem>>
    %dma_wait3A_168 = tpu.memref_squeeze %dma_wait3A_167 : memref<1x2x64xi32, #tpu.memory_space<vmem>> -> memref<2x64xi32, #tpu.memory_space<vmem>>
    %dma_wait3A_169 = arith.constant 0 : i32
    %dma_wait3A_170 = arith.constant 0 : i32
    %dma_wait3A_171 = tpu.memref_slice %arg3[%add3A, %dma_wait3A_162, %dma_wait3A_169, %dma_wait3A_170] : memref<32x157x2x64xi32, #tpu.memory_space<hbm>> -> memref<1x1x2x64xi32, #tpu.memory_space<hbm>>
    %dma_wait3A_172 = tpu.memref_squeeze %dma_wait3A_171 : memref<1x1x2x64xi32, #tpu.memory_space<hbm>> -> memref<2x64xi32, #tpu.memory_space<hbm>>
    %dma_wait3A_173 = tpu.memref_slice %arg9[%dma_wait3A_164] : memref<6x!tpu.dma_semaphore, #tpu.memory_space<semaphore_mem>> -> memref<1x!tpu.dma_semaphore, #tpu.memory_space<semaphore_mem>>
    %dma_wait3A_174 = tpu.memref_squeeze %dma_wait3A_173 : memref<1x!tpu.dma_semaphore, #tpu.memory_space<semaphore_mem>> -> memref<!tpu.dma_semaphore, #tpu.memory_space<semaphore_mem>>
    %dma_wait3A_175 = arith.constant 0 : i32
    %dma_wait3A_176 = arith.constant 0 : i32
    %dma_wait3A_177 = tpu.memref_slice %arg6[%dma_wait3A_163, %dma_wait3A_175, %dma_wait3A_176] : memref<6x2x64xi32, #tpu.memory_space<vmem>> -> memref<1x2x64xi32, #tpu.memory_space<vmem>>
    %dma_wait3A_178 = tpu.memref_squeeze %dma_wait3A_177 : memref<1x2x64xi32, #tpu.memory_space<vmem>> -> memref<2x64xi32, #tpu.memory_space<vmem>>
    %dma_wait3A_179 = arith.constant 0 : i32
    %dma_wait3A_180 = arith.constant 0 : i32
    %dma_wait3A_181 = tpu.memref_slice %arg3[%add3A, %dma_wait3A_162, %dma_wait3A_179, %dma_wait3A_180] : memref<32x157x2x64xi32, #tpu.memory_space<hbm>> -> memref<1x1x2x64xi32, #tpu.memory_space<hbm>>
    %dma_wait3A_182 = tpu.memref_squeeze %dma_wait3A_181 : memref<1x1x2x64xi32, #tpu.memory_space<hbm>> -> memref<2x64xi32, #tpu.memory_space<hbm>>
    tpu.wait_dma2 semaphore(%dma_wait3A_174 : memref<!tpu.dma_semaphore, #tpu.memory_space<semaphore_mem>>) src(%dma_wait3A_182 : memref<2x64xi32, #tpu.memory_space<hbm>>) dst(%dma_wait3A_178 : memref<2x64xi32, #tpu.memory_space<vmem>>)
    %dma_start3A_183 = arith.constant 1 : i32
    %dma_start3A_184 = arith.constant 0 : i32
    %dma_start3A_185 = arith.constant 1 : i32
    %dma_start3A_186 = arith.constant 1 : i32
    %dma_start3A_187 = arith.constant 0 : i32
    %dma_start3A_188 = arith.constant 0 : i32
    %dma_start3A_189 = tpu.memref_slice %arg7[%dma_start3A_185, %dma_start3A_187, %dma_start3A_188] : memref<6x64x128xf32, #tpu.memory_space<vmem>> -> memref<1x64x128xf32, #tpu.memory_space<vmem>>
    %dma_start3A_190 = tpu.memref_squeeze %dma_start3A_189 : memref<1x64x128xf32, #tpu.memory_space<vmem>> -> memref<64x128xf32, #tpu.memory_space<vmem>>
    %dma_start3A_191 = arith.constant 0 : i32
    %dma_start3A_192 = tpu.memref_slice %arg6[%dma_start3A_183, %dma_start3A_184, %dma_start3A_191] : memref<6x2x64xi32, #tpu.memory_space<vmem>> -> memref<1x1x64xi32, #tpu.memory_space<vmem>>
    %dma_start3A_193 = tpu.memref_squeeze %dma_start3A_192 : memref<1x1x64xi32, #tpu.memory_space<vmem>> -> memref<64xi32, #tpu.memory_space<vmem>>
    %dma_start3A_194 = arith.constant 0 : i32
    %dma_start3A_195 = arith.constant 0 : i32
    %dma_start3A_196 = tpu.memref_slice %arg2[%dma_start3A_194, %dma_start3A_195] : memref<10000x128xf32, #tpu.memory_space<hbm>> -> memref<10000x128xf32, #tpu.memory_space<hbm>>
    %dma_start3A_197 = tpu.memref_slice %arg10[%dma_start3A_186] : memref<6x!tpu.dma_semaphore, #tpu.memory_space<semaphore_mem>> -> memref<1x!tpu.dma_semaphore, #tpu.memory_space<semaphore_mem>>
    %dma_start3A_198 = tpu.memref_squeeze %dma_start3A_197 : memref<1x!tpu.dma_semaphore, #tpu.memory_space<semaphore_mem>> -> memref<!tpu.dma_semaphore, #tpu.memory_space<semaphore_mem>>
    tpu.enqueue_indirect_dma source(%dma_start3A_196 : memref<10000x128xf32, #tpu.memory_space<hbm>>) target(%dma_start3A_190 : memref<64x128xf32, #tpu.memory_space<vmem>>) offsets(%dma_start3A_193 : memref<64xi32, #tpu.memory_space<vmem>>) semaphore(%dma_start3A_198 : memref<!tpu.dma_semaphore, #tpu.memory_space<semaphore_mem>>)
    %dma_wait3A_199 = arith.constant 2 : i32
    %dma_wait3A_200 = arith.constant 2 : i32
    %dma_wait3A_201 = arith.constant 2 : i32
    %dma_wait3A_202 = arith.constant 0 : i32
    %dma_wait3A_203 = arith.constant 0 : i32
    %dma_wait3A_204 = tpu.memref_slice %arg6[%dma_wait3A_200, %dma_wait3A_202, %dma_wait3A_203] : memref<6x2x64xi32, #tpu.memory_space<vmem>> -> memref<1x2x64xi32, #tpu.memory_space<vmem>>
    %dma_wait3A_205 = tpu.memref_squeeze %dma_wait3A_204 : memref<1x2x64xi32, #tpu.memory_space<vmem>> -> memref<2x64xi32, #tpu.memory_space<vmem>>
    %dma_wait3A_206 = arith.constant 0 : i32
    %dma_wait3A_207 = arith.constant 0 : i32
    %dma_wait3A_208 = tpu.memref_slice %arg3[%add3A, %dma_wait3A_199, %dma_wait3A_206, %dma_wait3A_207] : memref<32x157x2x64xi32, #tpu.memory_space<hbm>> -> memref<1x1x2x64xi32, #tpu.memory_space<hbm>>
    %dma_wait3A_209 = tpu.memref_squeeze %dma_wait3A_208 : memref<1x1x2x64xi32, #tpu.memory_space<hbm>> -> memref<2x64xi32, #tpu.memory_space<hbm>>
    %dma_wait3A_210 = tpu.memref_slice %arg9[%dma_wait3A_201] : memref<6x!tpu.dma_semaphore, #tpu.memory_space<semaphore_mem>> -> memref<1x!tpu.dma_semaphore, #tpu.memory_space<semaphore_mem>>
    %dma_wait3A_211 = tpu.memref_squeeze %dma_wait3A_210 : memref<1x!tpu.dma_semaphore, #tpu.memory_space<semaphore_mem>> -> memref<!tpu.dma_semaphore, #tpu.memory_space<semaphore_mem>>
    %dma_wait3A_212 = arith.constant 0 : i32
    %dma_wait3A_213 = arith.constant 0 : i32
    %dma_wait3A_214 = tpu.memref_slice %arg6[%dma_wait3A_200, %dma_wait3A_212, %dma_wait3A_213] : memref<6x2x64xi32, #tpu.memory_space<vmem>> -> memref<1x2x64xi32, #tpu.memory_space<vmem>>
    %dma_wait3A_215 = tpu.memref_squeeze %dma_wait3A_214 : memref<1x2x64xi32, #tpu.memory_space<vmem>> -> memref<2x64xi32, #tpu.memory_space<vmem>>
    %dma_wait3A_216 = arith.constant 0 : i32
    %dma_wait3A_217 = arith.constant 0 : i32
    %dma_wait3A_218 = tpu.memref_slice %arg3[%add3A, %dma_wait3A_199, %dma_wait3A_216, %dma_wait3A_217] : memref<32x157x2x64xi32, #tpu.memory_space<hbm>> -> memref<1x1x2x64xi32, #tpu.memory_space<hbm>>
    %dma_wait3A_219 = tpu.memref_squeeze %dma_wait3A_218 : memref<1x1x2x64xi32, #tpu.memory_space<hbm>> -> memref<2x64xi32, #tpu.memory_space<hbm>>
    tpu.wait_dma2 semaphore(%dma_wait3A_211 : memref<!tpu.dma_semaphore, #tpu.memory_space<semaphore_mem>>) src(%dma_wait3A_219 : memref<2x64xi32, #tpu.memory_space<hbm>>) dst(%dma_wait3A_215 : memref<2x64xi32, #tpu.memory_space<vmem>>)
    %dma_start3A_220 = arith.constant 2 : i32
    %dma_start3A_221 = arith.constant 0 : i32
    %dma_start3A_222 = arith.constant 2 : i32
    %dma_start3A_223 = arith.constant 2 : i32
    %dma_start3A_224 = arith.constant 0 : i32
    %dma_start3A_225 = arith.constant 0 : i32
    %dma_start3A_226 = tpu.memref_slice %arg7[%dma_start3A_222, %dma_start3A_224, %dma_start3A_225] : memref<6x64x128xf32, #tpu.memory_space<vmem>> -> memref<1x64x128xf32, #tpu.memory_space<vmem>>
    %dma_start3A_227 = tpu.memref_squeeze %dma_start3A_226 : memref<1x64x128xf32, #tpu.memory_space<vmem>> -> memref<64x128xf32, #tpu.memory_space<vmem>>
    %dma_start3A_228 = arith.constant 0 : i32
    %dma_start3A_229 = tpu.memref_slice %arg6[%dma_start3A_220, %dma_start3A_221, %dma_start3A_228] : memref<6x2x64xi32, #tpu.memory_space<vmem>> -> memref<1x1x64xi32, #tpu.memory_space<vmem>>
    %dma_start3A_230 = tpu.memref_squeeze %dma_start3A_229 : memref<1x1x64xi32, #tpu.memory_space<vmem>> -> memref<64xi32, #tpu.memory_space<vmem>>
    %dma_start3A_231 = arith.constant 0 : i32
    %dma_start3A_232 = arith.constant 0 : i32
    %dma_start3A_233 = tpu.memref_slice %arg2[%dma_start3A_231, %dma_start3A_232] : memref<10000x128xf32, #tpu.memory_space<hbm>> -> memref<10000x128xf32, #tpu.memory_space<hbm>>
    %dma_start3A_234 = tpu.memref_slice %arg10[%dma_start3A_223] : memref<6x!tpu.dma_semaphore, #tpu.memory_space<semaphore_mem>> -> memref<1x!tpu.dma_semaphore, #tpu.memory_space<semaphore_mem>>
    %dma_start3A_235 = tpu.memref_squeeze %dma_start3A_234 : memref<1x!tpu.dma_semaphore, #tpu.memory_space<semaphore_mem>> -> memref<!tpu.dma_semaphore, #tpu.memory_space<semaphore_mem>>
    tpu.enqueue_indirect_dma source(%dma_start3A_233 : memref<10000x128xf32, #tpu.memory_space<hbm>>) target(%dma_start3A_227 : memref<64x128xf32, #tpu.memory_space<vmem>>) offsets(%dma_start3A_230 : memref<64xi32, #tpu.memory_space<vmem>>) semaphore(%dma_start3A_235 : memref<!tpu.dma_semaphore, #tpu.memory_space<semaphore_mem>>)
    %dma_wait3A_236 = arith.constant 3 : i32
    %dma_wait3A_237 = arith.constant 3 : i32
    %dma_wait3A_238 = arith.constant 3 : i32
    %dma_wait3A_239 = arith.constant 0 : i32
    %dma_wait3A_240 = arith.constant 0 : i32
    %dma_wait3A_241 = tpu.memref_slice %arg6[%dma_wait3A_237, %dma_wait3A_239, %dma_wait3A_240] : memref<6x2x64xi32, #tpu.memory_space<vmem>> -> memref<1x2x64xi32, #tpu.memory_space<vmem>>
    %dma_wait3A_242 = tpu.memref_squeeze %dma_wait3A_241 : memref<1x2x64xi32, #tpu.memory_space<vmem>> -> memref<2x64xi32, #tpu.memory_space<vmem>>
    %dma_wait3A_243 = arith.constant 0 : i32
    %dma_wait3A_244 = arith.constant 0 : i32
    %dma_wait3A_245 = tpu.memref_slice %arg3[%add3A, %dma_wait3A_236, %dma_wait3A_243, %dma_wait3A_244] : memref<32x157x2x64xi32, #tpu.memory_space<hbm>> -> memref<1x1x2x64xi32, #tpu.memory_space<hbm>>
    %dma_wait3A_246 = tpu.memref_squeeze %dma_wait3A_245 : memref<1x1x2x64xi32, #tpu.memory_space<hbm>> -> memref<2x64xi32, #tpu.memory_space<hbm>>
    %dma_wait3A_247 = tpu.memref_slice %arg9[%dma_wait3A_238] : memref<6x!tpu.dma_semaphore, #tpu.memory_space<semaphore_mem>> -> memref<1x!tpu.dma_semaphore, #tpu.memory_space<semaphore_mem>>
    %dma_wait3A_248 = tpu.memref_squeeze %dma_wait3A_247 : memref<1x!tpu.dma_semaphore, #tpu.memory_space<semaphore_mem>> -> memref<!tpu.dma_semaphore, #tpu.memory_space<semaphore_mem>>
    %dma_wait3A_249 = arith.constant 0 : i32
    %dma_wait3A_250 = arith.constant 0 : i32
    %dma_wait3A_251 = tpu.memref_slice %arg6[%dma_wait3A_237, %dma_wait3A_249, %dma_wait3A_250] : memref<6x2x64xi32, #tpu.memory_space<vmem>> -> memref<1x2x64xi32, #tpu.memory_space<vmem>>
    %dma_wait3A_252 = tpu.memref_squeeze %dma_wait3A_251 : memref<1x2x64xi32, #tpu.memory_space<vmem>> -> memref<2x64xi32, #tpu.memory_space<vmem>>
    %dma_wait3A_253 = arith.constant 0 : i32
    %dma_wait3A_254 = arith.constant 0 : i32
    %dma_wait3A_255 = tpu.memref_slice %arg3[%add3A, %dma_wait3A_236, %dma_wait3A_253, %dma_wait3A_254] : memref<32x157x2x64xi32, #tpu.memory_space<hbm>> -> memref<1x1x2x64xi32, #tpu.memory_space<hbm>>
    %dma_wait3A_256 = tpu.memref_squeeze %dma_wait3A_255 : memref<1x1x2x64xi32, #tpu.memory_space<hbm>> -> memref<2x64xi32, #tpu.memory_space<hbm>>
    tpu.wait_dma2 semaphore(%dma_wait3A_248 : memref<!tpu.dma_semaphore, #tpu.memory_space<semaphore_mem>>) src(%dma_wait3A_256 : memref<2x64xi32, #tpu.memory_space<hbm>>) dst(%dma_wait3A_252 : memref<2x64xi32, #tpu.memory_space<vmem>>)
    %dma_start3A_257 = arith.constant 3 : i32
    %dma_start3A_258 = arith.constant 0 : i32
    %dma_start3A_259 = arith.constant 3 : i32
    %dma_start3A_260 = arith.constant 3 : i32
    %dma_start3A_261 = arith.constant 0 : i32
    %dma_start3A_262 = arith.constant 0 : i32
    %dma_start3A_263 = tpu.memref_slice %arg7[%dma_start3A_259, %dma_start3A_261, %dma_start3A_262] : memref<6x64x128xf32, #tpu.memory_space<vmem>> -> memref<1x64x128xf32, #tpu.memory_space<vmem>>
    %dma_start3A_264 = tpu.memref_squeeze %dma_start3A_263 : memref<1x64x128xf32, #tpu.memory_space<vmem>> -> memref<64x128xf32, #tpu.memory_space<vmem>>
    %dma_start3A_265 = arith.constant 0 : i32
    %dma_start3A_266 = tpu.memref_slice %arg6[%dma_start3A_257, %dma_start3A_258, %dma_start3A_265] : memref<6x2x64xi32, #tpu.memory_space<vmem>> -> memref<1x1x64xi32, #tpu.memory_space<vmem>>
    %dma_start3A_267 = tpu.memref_squeeze %dma_start3A_266 : memref<1x1x64xi32, #tpu.memory_space<vmem>> -> memref<64xi32, #tpu.memory_space<vmem>>
    %dma_start3A_268 = arith.constant 0 : i32
    %dma_start3A_269 = arith.constant 0 : i32
    %dma_start3A_270 = tpu.memref_slice %arg2[%dma_start3A_268, %dma_start3A_269] : memref<10000x128xf32, #tpu.memory_space<hbm>> -> memref<10000x128xf32, #tpu.memory_space<hbm>>
    %dma_start3A_271 = tpu.memref_slice %arg10[%dma_start3A_260] : memref<6x!tpu.dma_semaphore, #tpu.memory_space<semaphore_mem>> -> memref<1x!tpu.dma_semaphore, #tpu.memory_space<semaphore_mem>>
    %dma_start3A_272 = tpu.memref_squeeze %dma_start3A_271 : memref<1x!tpu.dma_semaphore, #tpu.memory_space<semaphore_mem>> -> memref<!tpu.dma_semaphore, #tpu.memory_space<semaphore_mem>>
    tpu.enqueue_indirect_dma source(%dma_start3A_270 : memref<10000x128xf32, #tpu.memory_space<hbm>>) target(%dma_start3A_264 : memref<64x128xf32, #tpu.memory_space<vmem>>) offsets(%dma_start3A_267 : memref<64xi32, #tpu.memory_space<vmem>>) semaphore(%dma_start3A_272 : memref<!tpu.dma_semaphore, #tpu.memory_space<semaphore_mem>>)
    %dma_wait3A_273 = arith.constant 4 : i32
    %dma_wait3A_274 = arith.constant 4 : i32
    %dma_wait3A_275 = arith.constant 4 : i32
    %dma_wait3A_276 = arith.constant 0 : i32
    %dma_wait3A_277 = arith.constant 0 : i32
    %dma_wait3A_278 = tpu.memref_slice %arg6[%dma_wait3A_274, %dma_wait3A_276, %dma_wait3A_277] : memref<6x2x64xi32, #tpu.memory_space<vmem>> -> memref<1x2x64xi32, #tpu.memory_space<vmem>>
    %dma_wait3A_279 = tpu.memref_squeeze %dma_wait3A_278 : memref<1x2x64xi32, #tpu.memory_space<vmem>> -> memref<2x64xi32, #tpu.memory_space<vmem>>
    %dma_wait3A_280 = arith.constant 0 : i32
    %dma_wait3A_281 = arith.constant 0 : i32
    %dma_wait3A_282 = tpu.memref_slice %arg3[%add3A, %dma_wait3A_273, %dma_wait3A_280, %dma_wait3A_281] : memref<32x157x2x64xi32, #tpu.memory_space<hbm>> -> memref<1x1x2x64xi32, #tpu.memory_space<hbm>>
    %dma_wait3A_283 = tpu.memref_squeeze %dma_wait3A_282 : memref<1x1x2x64xi32, #tpu.memory_space<hbm>> -> memref<2x64xi32, #tpu.memory_space<hbm>>
    %dma_wait3A_284 = tpu.memref_slice %arg9[%dma_wait3A_275] : memref<6x!tpu.dma_semaphore, #tpu.memory_space<semaphore_mem>> -> memref<1x!tpu.dma_semaphore, #tpu.memory_space<semaphore_mem>>
    %dma_wait3A_285 = tpu.memref_squeeze %dma_wait3A_284 : memref<1x!tpu.dma_semaphore, #tpu.memory_space<semaphore_mem>> -> memref<!tpu.dma_semaphore, #tpu.memory_space<semaphore_mem>>
    %dma_wait3A_286 = arith.constant 0 : i32
    %dma_wait3A_287 = arith.constant 0 : i32
    %dma_wait3A_288 = tpu.memref_slice %arg6[%dma_wait3A_274, %dma_wait3A_286, %dma_wait3A_287] : memref<6x2x64xi32, #tpu.memory_space<vmem>> -> memref<1x2x64xi32, #tpu.memory_space<vmem>>
    %dma_wait3A_289 = tpu.memref_squeeze %dma_wait3A_288 : memref<1x2x64xi32, #tpu.memory_space<vmem>> -> memref<2x64xi32, #tpu.memory_space<vmem>>
    %dma_wait3A_290 = arith.constant 0 : i32
    %dma_wait3A_291 = arith.constant 0 : i32
    %dma_wait3A_292 = tpu.memref_slice %arg3[%add3A, %dma_wait3A_273, %dma_wait3A_290, %dma_wait3A_291] : memref<32x157x2x64xi32, #tpu.memory_space<hbm>> -> memref<1x1x2x64xi32, #tpu.memory_space<hbm>>
    %dma_wait3A_293 = tpu.memref_squeeze %dma_wait3A_292 : memref<1x1x2x64xi32, #tpu.memory_space<hbm>> -> memref<2x64xi32, #tpu.memory_space<hbm>>
    tpu.wait_dma2 semaphore(%dma_wait3A_285 : memref<!tpu.dma_semaphore, #tpu.memory_space<semaphore_mem>>) src(%dma_wait3A_293 : memref<2x64xi32, #tpu.memory_space<hbm>>) dst(%dma_wait3A_289 : memref<2x64xi32, #tpu.memory_space<vmem>>)
    %dma_start3A_294 = arith.constant 4 : i32
    %dma_start3A_295 = arith.constant 0 : i32
    %dma_start3A_296 = arith.constant 4 : i32
    %dma_start3A_297 = arith.constant 4 : i32
    %dma_start3A_298 = arith.constant 0 : i32
    %dma_start3A_299 = arith.constant 0 : i32
    %dma_start3A_300 = tpu.memref_slice %arg7[%dma_start3A_296, %dma_start3A_298, %dma_start3A_299] : memref<6x64x128xf32, #tpu.memory_space<vmem>> -> memref<1x64x128xf32, #tpu.memory_space<vmem>>
    %dma_start3A_301 = tpu.memref_squeeze %dma_start3A_300 : memref<1x64x128xf32, #tpu.memory_space<vmem>> -> memref<64x128xf32, #tpu.memory_space<vmem>>
    %dma_start3A_302 = arith.constant 0 : i32
    %dma_start3A_303 = tpu.memref_slice %arg6[%dma_start3A_294, %dma_start3A_295, %dma_start3A_302] : memref<6x2x64xi32, #tpu.memory_space<vmem>> -> memref<1x1x64xi32, #tpu.memory_space<vmem>>
    %dma_start3A_304 = tpu.memref_squeeze %dma_start3A_303 : memref<1x1x64xi32, #tpu.memory_space<vmem>> -> memref<64xi32, #tpu.memory_space<vmem>>
    %dma_start3A_305 = arith.constant 0 : i32
    %dma_start3A_306 = arith.constant 0 : i32
    %dma_start3A_307 = tpu.memref_slice %arg2[%dma_start3A_305, %dma_start3A_306] : memref<10000x128xf32, #tpu.memory_space<hbm>> -> memref<10000x128xf32, #tpu.memory_space<hbm>>
    %dma_start3A_308 = tpu.memref_slice %arg10[%dma_start3A_297] : memref<6x!tpu.dma_semaphore, #tpu.memory_space<semaphore_mem>> -> memref<1x!tpu.dma_semaphore, #tpu.memory_space<semaphore_mem>>
    %dma_start3A_309 = tpu.memref_squeeze %dma_start3A_308 : memref<1x!tpu.dma_semaphore, #tpu.memory_space<semaphore_mem>> -> memref<!tpu.dma_semaphore, #tpu.memory_space<semaphore_mem>>
    tpu.enqueue_indirect_dma source(%dma_start3A_307 : memref<10000x128xf32, #tpu.memory_space<hbm>>) target(%dma_start3A_301 : memref<64x128xf32, #tpu.memory_space<vmem>>) offsets(%dma_start3A_304 : memref<64xi32, #tpu.memory_space<vmem>>) semaphore(%dma_start3A_309 : memref<!tpu.dma_semaphore, #tpu.memory_space<semaphore_mem>>)
    %lt3A = arith.constant 15 : i32
    %lt3A_310 = arith.cmpi slt, %arg1, %lt3A : i32
    %convert_element_type3A = arith.extui %lt3A_310 : i1 to i32
    %cond3A = arith.constant 0 : i32
    %cond3A_311 = arith.cmpi ne, %convert_element_type3A, %cond3A : i32
    scf.if %cond3A_311 {
      %mul3A_427 = arith.constant 632 : i32
      %mul3A_428 = arith.muli %arg1, %mul3A_427 : i32
      %mul3A_429 = arith.constant 632 : i32
      %mul3A_430 = arith.muli %arg1, %mul3A_429 : i32
      "tpu.region"() ({
        %run_scoped3A = tpu.sem_alloc : memref<!tpu.dma_semaphore, #tpu.memory_space<semaphore_mem>>
        %dma_start3A_431 = arith.constant 0 : i32
        %dma_start3A_432 = tpu.memref_slice %arg8[%mul3A_430, %dma_start3A_431] : memref<10008x128xf32, #tpu.memory_space<vmem_shared>> -> memref<632x128xf32, #tpu.memory_space<vmem_shared>>
        %dma_start3A_433 = arith.constant 0 : i32
        %dma_start3A_434 = tpu.memref_slice %arg4[%mul3A_428, %dma_start3A_433] : memref<10008x128xf32, #tpu.memory_space<hbm>> -> memref<632x128xf32, #tpu.memory_space<hbm>>
        tpu.enqueue_dma source(%dma_start3A_434 : memref<632x128xf32, #tpu.memory_space<hbm>>) target(%dma_start3A_432 : memref<632x128xf32, #tpu.memory_space<vmem_shared>>) target_semaphore(%run_scoped3A : memref<!tpu.dma_semaphore, #tpu.memory_space<semaphore_mem>>)
        %dma_wait3A_435 = arith.constant 0 : i32
        %dma_wait3A_436 = tpu.memref_slice %arg8[%mul3A_430, %dma_wait3A_435] : memref<10008x128xf32, #tpu.memory_space<vmem_shared>> -> memref<632x128xf32, #tpu.memory_space<vmem_shared>>
        %dma_wait3A_437 = arith.constant 0 : i32
        %dma_wait3A_438 = tpu.memref_slice %arg4[%mul3A_428, %dma_wait3A_437] : memref<10008x128xf32, #tpu.memory_space<hbm>> -> memref<632x128xf32, #tpu.memory_space<hbm>>
        tpu.wait_dma2 semaphore(%run_scoped3A : memref<!tpu.dma_semaphore, #tpu.memory_space<semaphore_mem>>) src(%dma_wait3A_438 : memref<632x128xf32, #tpu.memory_space<hbm>>) dst(%dma_wait3A_436 : memref<632x128xf32, #tpu.memory_space<vmem_shared>>)
        tpu.yield
      }) : () -> ()
    } else {
    }
    %eq3A = arith.constant 15 : i32
    %eq3A_312 = arith.cmpi eq, %arg1, %eq3A : i32
    %convert_element_type3A_313 = arith.extui %eq3A_312 : i1 to i32
    %cond3A_314 = arith.constant 0 : i32
    %cond3A_315 = arith.cmpi ne, %convert_element_type3A_313, %cond3A_314 : i32
    scf.if %cond3A_315 {
      %mul3A_427 = arith.constant 632 : i32
      %mul3A_428 = arith.muli %arg1, %mul3A_427 : i32
      %mul3A_429 = arith.constant 632 : i32
      %mul3A_430 = arith.muli %arg1, %mul3A_429 : i32
      "tpu.region"() ({
        %run_scoped3A = tpu.sem_alloc : memref<!tpu.dma_semaphore, #tpu.memory_space<semaphore_mem>>
        %dma_start3A_431 = arith.constant 0 : i32
        %dma_start3A_432 = tpu.memref_slice %arg8[%mul3A_430, %dma_start3A_431] : memref<10008x128xf32, #tpu.memory_space<vmem_shared>> -> memref<528x128xf32, #tpu.memory_space<vmem_shared>>
        %dma_start3A_433 = arith.constant 0 : i32
        %dma_start3A_434 = tpu.memref_slice %arg4[%mul3A_428, %dma_start3A_433] : memref<10008x128xf32, #tpu.memory_space<hbm>> -> memref<528x128xf32, #tpu.memory_space<hbm>>
        tpu.enqueue_dma source(%dma_start3A_434 : memref<528x128xf32, #tpu.memory_space<hbm>>) target(%dma_start3A_432 : memref<528x128xf32, #tpu.memory_space<vmem_shared>>) target_semaphore(%run_scoped3A : memref<!tpu.dma_semaphore, #tpu.memory_space<semaphore_mem>>)
        %dma_wait3A_435 = arith.constant 0 : i32
        %dma_wait3A_436 = tpu.memref_slice %arg8[%mul3A_430, %dma_wait3A_435] : memref<10008x128xf32, #tpu.memory_space<vmem_shared>> -> memref<528x128xf32, #tpu.memory_space<vmem_shared>>
        %dma_wait3A_437 = arith.constant 0 : i32
        %dma_wait3A_438 = tpu.memref_slice %arg4[%mul3A_428, %dma_wait3A_437] : memref<10008x128xf32, #tpu.memory_space<hbm>> -> memref<528x128xf32, #tpu.memory_space<hbm>>
        tpu.wait_dma2 semaphore(%run_scoped3A : memref<!tpu.dma_semaphore, #tpu.memory_space<semaphore_mem>>) src(%dma_wait3A_438 : memref<528x128xf32, #tpu.memory_space<hbm>>) dst(%dma_wait3A_436 : memref<528x128xf32, #tpu.memory_space<vmem_shared>>)
        tpu.yield
      }) : () -> ()
    } else {
    }
    %barrier3A = arith.constant 0 : index
    tpu.barrier barrier_id(%barrier3A)
    %scan3A = arith.constant 0 : i32
    %scan3A_316 = arith.constant 157 : i32
    %scan3A_317 = arith.addi %scan3A, %scan3A_316 : i32
    %scan3A_318 = arith.constant 1 : i32
    scf.for %scan3A_427 = %scan3A to %scan3A_317 step %scan3A_318  : i32 {
      %mul3A_428 = arith.constant 1 : i32
      %mul3A_429 = arith.muli %scan3A_427, %mul3A_428 : i32
      %add3A_430 = arith.constant 0 : i32
      %add3A_431 = arith.addi %add3A_430, %mul3A_429 : i32
      %jit3A = arith.constant 6 : i32
      %eq3A_432 = arith.constant 0 : i32
      %eq3A_433 = arith.cmpi eq, %jit3A, %eq3A_432 : i32
      %jit3A_434 = arith.constant 1 : i32
      %select_n3A = arith.select %eq3A_433, %jit3A_434, %jit3A : i32
      %rem3A = arith.remsi %add3A_431, %select_n3A : i32
      %ne3A = arith.constant 0 : i32
      %ne3A_435 = arith.cmpi ne, %rem3A, %ne3A : i32
      %lt3A_436 = arith.constant 0 : i32
      %lt3A_437 = arith.cmpi slt, %rem3A, %lt3A_436 : i32
      %lt3A_438 = arith.constant 0 : i32
      %lt3A_439 = arith.cmpi slt, %select_n3A, %lt3A_438 : i32
      %ne3A_440 = arith.xori %lt3A_437, %lt3A_439 : i1
      %and3A = arith.andi %ne3A_440, %ne3A_435 : i1
      %add3A_441 = arith.addi %rem3A, %select_n3A : i32
      %select_n3A_442 = arith.select %and3A, %add3A_441, %rem3A : i32
      %add3A_443 = arith.constant 6 : i32
      %add3A_444 = arith.addi %add3A_431, %add3A_443 : i32
      %sub3A = arith.constant 1 : i32
      %sub3A_445 = arith.subi %add3A_444, %sub3A : i32
      %jit3A_446 = arith.constant 6 : i32
      %eq3A_447 = arith.constant 0 : i32
      %eq3A_448 = arith.cmpi eq, %jit3A_446, %eq3A_447 : i32
      %jit3A_449 = arith.constant 1 : i32
      %select_n3A_450 = arith.select %eq3A_448, %jit3A_449, %jit3A_446 : i32
      %rem3A_451 = arith.remsi %sub3A_445, %select_n3A_450 : i32
      %ne3A_452 = arith.constant 0 : i32
      %ne3A_453 = arith.cmpi ne, %rem3A_451, %ne3A_452 : i32
      %lt3A_454 = arith.constant 0 : i32
      %lt3A_455 = arith.cmpi slt, %rem3A_451, %lt3A_454 : i32
      %lt3A_456 = arith.constant 0 : i32
      %lt3A_457 = arith.cmpi slt, %select_n3A_450, %lt3A_456 : i32
      %ne3A_458 = arith.xori %lt3A_455, %lt3A_457 : i1
      %and3A_459 = arith.andi %ne3A_458, %ne3A_453 : i1
      %add3A_460 = arith.addi %rem3A_451, %select_n3A_450 : i32
      %select_n3A_461 = arith.select %and3A_459, %add3A_460, %rem3A_451 : i32
      %add3A_462 = arith.constant 6 : i32
      %add3A_463 = arith.addi %add3A_431, %add3A_462 : i32
      %sub3A_464 = arith.constant 1 : i32
      %sub3A_465 = arith.subi %add3A_463, %sub3A_464 : i32
      %lt3A_466 = arith.constant 157 : i32
      %lt3A_467 = arith.cmpi slt, %sub3A_465, %lt3A_466 : i32
      %convert_element_type3A_468 = arith.extui %lt3A_467 : i1 to i32
      %cond3A_469 = arith.constant 0 : i32
      %cond3A_470 = arith.cmpi ne, %convert_element_type3A_468, %cond3A_469 : i32
      scf.if %cond3A_470 {
        %add3A_504 = arith.constant 6 : i32
        %add3A_505 = arith.addi %add3A_431, %add3A_504 : i32
        %sub3A_506 = arith.constant 1 : i32
        %sub3A_507 = arith.subi %add3A_505, %sub3A_506 : i32
        %dma_wait3A_508 = arith.constant 0 : i32
        %dma_wait3A_509 = arith.constant 0 : i32
        %dma_wait3A_510 = tpu.memref_slice %arg6[%select_n3A_461, %dma_wait3A_508, %dma_wait3A_509] : memref<6x2x64xi32, #tpu.memory_space<vmem>> -> memref<1x2x64xi32, #tpu.memory_space<vmem>>
        %dma_wait3A_511 = tpu.memref_squeeze %dma_wait3A_510 : memref<1x2x64xi32, #tpu.memory_space<vmem>> -> memref<2x64xi32, #tpu.memory_space<vmem>>
        %dma_wait3A_512 = arith.constant 0 : i32
        %dma_wait3A_513 = arith.constant 0 : i32
        %dma_wait3A_514 = tpu.memref_slice %arg3[%add3A, %sub3A_507, %dma_wait3A_512, %dma_wait3A_513] : memref<32x157x2x64xi32, #tpu.memory_space<hbm>> -> memref<1x1x2x64xi32, #tpu.memory_space<hbm>>
        %dma_wait3A_515 = tpu.memref_squeeze %dma_wait3A_514 : memref<1x1x2x64xi32, #tpu.memory_space<hbm>> -> memref<2x64xi32, #tpu.memory_space<hbm>>
        %dma_wait3A_516 = tpu.memref_slice %arg9[%select_n3A_461] : memref<6x!tpu.dma_semaphore, #tpu.memory_space<semaphore_mem>> -> memref<1x!tpu.dma_semaphore, #tpu.memory_space<semaphore_mem>>
        %dma_wait3A_517 = tpu.memref_squeeze %dma_wait3A_516 : memref<1x!tpu.dma_semaphore, #tpu.memory_space<semaphore_mem>> -> memref<!tpu.dma_semaphore, #tpu.memory_space<semaphore_mem>>
        %dma_wait3A_518 = arith.constant 0 : i32
        %dma_wait3A_519 = arith.constant 0 : i32
        %dma_wait3A_520 = tpu.memref_slice %arg6[%select_n3A_461, %dma_wait3A_518, %dma_wait3A_519] : memref<6x2x64xi32, #tpu.memory_space<vmem>> -> memref<1x2x64xi32, #tpu.memory_space<vmem>>
        %dma_wait3A_521 = tpu.memref_squeeze %dma_wait3A_520 : memref<1x2x64xi32, #tpu.memory_space<vmem>> -> memref<2x64xi32, #tpu.memory_space<vmem>>
        %dma_wait3A_522 = arith.constant 0 : i32
        %dma_wait3A_523 = arith.constant 0 : i32
        %dma_wait3A_524 = tpu.memref_slice %arg3[%add3A, %sub3A_507, %dma_wait3A_522, %dma_wait3A_523] : memref<32x157x2x64xi32, #tpu.memory_space<hbm>> -> memref<1x1x2x64xi32, #tpu.memory_space<hbm>>
        %dma_wait3A_525 = tpu.memref_squeeze %dma_wait3A_524 : memref<1x1x2x64xi32, #tpu.memory_space<hbm>> -> memref<2x64xi32, #tpu.memory_space<hbm>>
        tpu.wait_dma2 semaphore(%dma_wait3A_517 : memref<!tpu.dma_semaphore, #tpu.memory_space<semaphore_mem>>) src(%dma_wait3A_525 : memref<2x64xi32, #tpu.memory_space<hbm>>) dst(%dma_wait3A_521 : memref<2x64xi32, #tpu.memory_space<vmem>>)
        %ge3A = arith.constant 1 : i32
        %ge3A_526 = arith.cmpi sge, %add3A_431, %ge3A : i32
        %convert_element_type3A_527 = arith.extui %ge3A_526 : i1 to i32
        %cond3A_528 = arith.constant 0 : i32
        %cond3A_529 = arith.cmpi ne, %convert_element_type3A_527, %cond3A_528 : i32
        scf.if %cond3A_529 {
          %dma_wait3A_543 = arith.constant 1 : i32
          %dma_wait3A_544 = arith.constant 0 : i32
          %dma_wait3A_545 = arith.constant 0 : i32
          %dma_wait3A_546 = tpu.memref_slice %arg7[%select_n3A_461, %dma_wait3A_544, %dma_wait3A_545] : memref<6x64x128xf32, #tpu.memory_space<vmem>> -> memref<1x64x128xf32, #tpu.memory_space<vmem>>
          %dma_wait3A_547 = tpu.memref_squeeze %dma_wait3A_546 : memref<1x64x128xf32, #tpu.memory_space<vmem>> -> memref<64x128xf32, #tpu.memory_space<vmem>>
          %dma_wait3A_548 = arith.constant 0 : i32
          %dma_wait3A_549 = tpu.memref_slice %arg6[%select_n3A_461, %dma_wait3A_543, %dma_wait3A_548] : memref<6x2x64xi32, #tpu.memory_space<vmem>> -> memref<1x1x64xi32, #tpu.memory_space<vmem>>
          %dma_wait3A_550 = tpu.memref_squeeze %dma_wait3A_549 : memref<1x1x64xi32, #tpu.memory_space<vmem>> -> memref<64xi32, #tpu.memory_space<vmem>>
          %dma_wait3A_551 = arith.constant 0 : i32
          %dma_wait3A_552 = arith.constant 0 : i32
          %dma_wait3A_553 = tpu.memref_slice %arg8[%dma_wait3A_551, %dma_wait3A_552] : memref<10008x128xf32, #tpu.memory_space<vmem_shared>> -> memref<10008x128xf32, #tpu.memory_space<vmem_shared>>
          %dma_wait3A_554 = tpu.memref_slice %arg11[%select_n3A_461] : memref<6x!tpu.dma_semaphore, #tpu.memory_space<semaphore_mem>> -> memref<1x!tpu.dma_semaphore, #tpu.memory_space<semaphore_mem>>
          %dma_wait3A_555 = tpu.memref_squeeze %dma_wait3A_554 : memref<1x!tpu.dma_semaphore, #tpu.memory_space<semaphore_mem>> -> memref<!tpu.dma_semaphore, #tpu.memory_space<semaphore_mem>>
          tpu.wait_indirect_dma semaphore(%dma_wait3A_555 : memref<!tpu.dma_semaphore, #tpu.memory_space<semaphore_mem>>) src(%dma_wait3A_547 : memref<64x128xf32, #tpu.memory_space<vmem>>) dst(%dma_wait3A_553 : memref<10008x128xf32, #tpu.memory_space<vmem_shared>>)
        } else {
        }
        %dma_start3A_530 = arith.constant 0 : i32
        %dma_start3A_531 = arith.constant 0 : i32
        %dma_start3A_532 = arith.constant 0 : i32
        %dma_start3A_533 = tpu.memref_slice %arg7[%select_n3A_461, %dma_start3A_531, %dma_start3A_532] : memref<6x64x128xf32, #tpu.memory_space<vmem>> -> memref<1x64x128xf32, #tpu.memory_space<vmem>>
        %dma_start3A_534 = tpu.memref_squeeze %dma_start3A_533 : memref<1x64x128xf32, #tpu.memory_space<vmem>> -> memref<64x128xf32, #tpu.memory_space<vmem>>
        %dma_start3A_535 = arith.constant 0 : i32
        %dma_start3A_536 = tpu.memref_slice %arg6[%select_n3A_461, %dma_start3A_530, %dma_start3A_535] : memref<6x2x64xi32, #tpu.memory_space<vmem>> -> memref<1x1x64xi32, #tpu.memory_space<vmem>>
        %dma_start3A_537 = tpu.memref_squeeze %dma_start3A_536 : memref<1x1x64xi32, #tpu.memory_space<vmem>> -> memref<64xi32, #tpu.memory_space<vmem>>
        %dma_start3A_538 = arith.constant 0 : i32
        %dma_start3A_539 = arith.constant 0 : i32
        %dma_start3A_540 = tpu.memref_slice %arg2[%dma_start3A_538, %dma_start3A_539] : memref<10000x128xf32, #tpu.memory_space<hbm>> -> memref<10000x128xf32, #tpu.memory_space<hbm>>
        %dma_start3A_541 = tpu.memref_slice %arg10[%select_n3A_461] : memref<6x!tpu.dma_semaphore, #tpu.memory_space<semaphore_mem>> -> memref<1x!tpu.dma_semaphore, #tpu.memory_space<semaphore_mem>>
        %dma_start3A_542 = tpu.memref_squeeze %dma_start3A_541 : memref<1x!tpu.dma_semaphore, #tpu.memory_space<semaphore_mem>> -> memref<!tpu.dma_semaphore, #tpu.memory_space<semaphore_mem>>
        tpu.enqueue_indirect_dma source(%dma_start3A_540 : memref<10000x128xf32, #tpu.memory_space<hbm>>) target(%dma_start3A_534 : memref<64x128xf32, #tpu.memory_space<vmem>>) offsets(%dma_start3A_537 : memref<64xi32, #tpu.memory_space<vmem>>) semaphore(%dma_start3A_542 : memref<!tpu.dma_semaphore, #tpu.memory_space<semaphore_mem>>)
      } else {
      }
      %dma_wait3A_471 = arith.constant 0 : i32
      %dma_wait3A_472 = arith.constant 0 : i32
      %dma_wait3A_473 = arith.constant 0 : i32
      %dma_wait3A_474 = tpu.memref_slice %arg7[%select_n3A_442, %dma_wait3A_472, %dma_wait3A_473] : memref<6x64x128xf32, #tpu.memory_space<vmem>> -> memref<1x64x128xf32, #tpu.memory_space<vmem>>
      %dma_wait3A_475 = tpu.memref_squeeze %dma_wait3A_474 : memref<1x64x128xf32, #tpu.memory_space<vmem>> -> memref<64x128xf32, #tpu.memory_space<vmem>>
      %dma_wait3A_476 = arith.constant 0 : i32
      %dma_wait3A_477 = tpu.memref_slice %arg6[%select_n3A_442, %dma_wait3A_471, %dma_wait3A_476] : memref<6x2x64xi32, #tpu.memory_space<vmem>> -> memref<1x1x64xi32, #tpu.memory_space<vmem>>
      %dma_wait3A_478 = tpu.memref_squeeze %dma_wait3A_477 : memref<1x1x64xi32, #tpu.memory_space<vmem>> -> memref<64xi32, #tpu.memory_space<vmem>>
      %dma_wait3A_479 = arith.constant 0 : i32
      %dma_wait3A_480 = arith.constant 0 : i32
      %dma_wait3A_481 = tpu.memref_slice %arg2[%dma_wait3A_479, %dma_wait3A_480] : memref<10000x128xf32, #tpu.memory_space<hbm>> -> memref<10000x128xf32, #tpu.memory_space<hbm>>
      %dma_wait3A_482 = tpu.memref_slice %arg10[%select_n3A_442] : memref<6x!tpu.dma_semaphore, #tpu.memory_space<semaphore_mem>> -> memref<1x!tpu.dma_semaphore, #tpu.memory_space<semaphore_mem>>
      %dma_wait3A_483 = tpu.memref_squeeze %dma_wait3A_482 : memref<1x!tpu.dma_semaphore, #tpu.memory_space<semaphore_mem>> -> memref<!tpu.dma_semaphore, #tpu.memory_space<semaphore_mem>>
      tpu.wait_indirect_dma semaphore(%dma_wait3A_483 : memref<!tpu.dma_semaphore, #tpu.memory_space<semaphore_mem>>) src(%dma_wait3A_481 : memref<10000x128xf32, #tpu.memory_space<hbm>>) dst(%dma_wait3A_475 : memref<64x128xf32, #tpu.memory_space<vmem>>)
      %dma_start3A_484 = arith.constant 1 : i32
      %dma_start3A_485 = arith.constant 0 : i32
      %dma_start3A_486 = arith.constant 0 : i32
      %dma_start3A_487 = tpu.memref_slice %arg7[%select_n3A_442, %dma_start3A_485, %dma_start3A_486] : memref<6x64x128xf32, #tpu.memory_space<vmem>> -> memref<1x64x128xf32, #tpu.memory_space<vmem>>
      %dma_start3A_488 = tpu.memref_squeeze %dma_start3A_487 : memref<1x64x128xf32, #tpu.memory_space<vmem>> -> memref<64x128xf32, #tpu.memory_space<vmem>>
      %dma_start3A_489 = arith.constant 0 : i32
      %dma_start3A_490 = tpu.memref_slice %arg6[%select_n3A_442, %dma_start3A_484, %dma_start3A_489] : memref<6x2x64xi32, #tpu.memory_space<vmem>> -> memref<1x1x64xi32, #tpu.memory_space<vmem>>
      %dma_start3A_491 = tpu.memref_squeeze %dma_start3A_490 : memref<1x1x64xi32, #tpu.memory_space<vmem>> -> memref<64xi32, #tpu.memory_space<vmem>>
      %dma_start3A_492 = arith.constant 0 : i32
      %dma_start3A_493 = arith.constant 0 : i32
      %dma_start3A_494 = tpu.memref_slice %arg8[%dma_start3A_492, %dma_start3A_493] : memref<10008x128xf32, #tpu.memory_space<vmem_shared>> -> memref<10008x128xf32, #tpu.memory_space<vmem_shared>>
      %dma_start3A_495 = tpu.memref_slice %arg11[%select_n3A_442] : memref<6x!tpu.dma_semaphore, #tpu.memory_space<semaphore_mem>> -> memref<1x!tpu.dma_semaphore, #tpu.memory_space<semaphore_mem>>
      %dma_start3A_496 = tpu.memref_squeeze %dma_start3A_495 : memref<1x!tpu.dma_semaphore, #tpu.memory_space<semaphore_mem>> -> memref<!tpu.dma_semaphore, #tpu.memory_space<semaphore_mem>>
      tpu.enqueue_indirect_dma source(%dma_start3A_488 : memref<64x128xf32, #tpu.memory_space<vmem>>) target(%dma_start3A_494 : memref<10008x128xf32, #tpu.memory_space<vmem_shared>>) offsets(%dma_start3A_491 : memref<64xi32, #tpu.memory_space<vmem>>) semaphore(%dma_start3A_496 : memref<!tpu.dma_semaphore, #tpu.memory_space<semaphore_mem>>) {add = true}
      %add3A_497 = arith.constant 6 : i32
      %add3A_498 = arith.addi %add3A_431, %add3A_497 : i32
      %lt3A_499 = arith.constant 157 : i32
      %lt3A_500 = arith.cmpi slt, %add3A_498, %lt3A_499 : i32
      %convert_element_type3A_501 = arith.extui %lt3A_500 : i1 to i32
      %cond3A_502 = arith.constant 0 : i32
      %cond3A_503 = arith.cmpi ne, %convert_element_type3A_501, %cond3A_502 : i32
      scf.if %cond3A_503 {
        %add3A_504 = arith.constant 6 : i32
        %add3A_505 = arith.addi %add3A_431, %add3A_504 : i32
        %dma_start3A_506 = arith.constant 0 : i32
        %dma_start3A_507 = arith.constant 0 : i32
        %dma_start3A_508 = tpu.memref_slice %arg6[%select_n3A_442, %dma_start3A_506, %dma_start3A_507] : memref<6x2x64xi32, #tpu.memory_space<vmem>> -> memref<1x2x64xi32, #tpu.memory_space<vmem>>
        %dma_start3A_509 = tpu.memref_squeeze %dma_start3A_508 : memref<1x2x64xi32, #tpu.memory_space<vmem>> -> memref<2x64xi32, #tpu.memory_space<vmem>>
        %dma_start3A_510 = arith.constant 0 : i32
        %dma_start3A_511 = arith.constant 0 : i32
        %dma_start3A_512 = tpu.memref_slice %arg3[%add3A, %add3A_505, %dma_start3A_510, %dma_start3A_511] : memref<32x157x2x64xi32, #tpu.memory_space<hbm>> -> memref<1x1x2x64xi32, #tpu.memory_space<hbm>>
        %dma_start3A_513 = tpu.memref_squeeze %dma_start3A_512 : memref<1x1x2x64xi32, #tpu.memory_space<hbm>> -> memref<2x64xi32, #tpu.memory_space<hbm>>
        %dma_start3A_514 = tpu.memref_slice %arg9[%select_n3A_442] : memref<6x!tpu.dma_semaphore, #tpu.memory_space<semaphore_mem>> -> memref<1x!tpu.dma_semaphore, #tpu.memory_space<semaphore_mem>>
        %dma_start3A_515 = tpu.memref_squeeze %dma_start3A_514 : memref<1x!tpu.dma_semaphore, #tpu.memory_space<semaphore_mem>> -> memref<!tpu.dma_semaphore, #tpu.memory_space<semaphore_mem>>
        %dma_start3A_516 = arith.constant 0 : i32
        %dma_start3A_517 = arith.constant 0 : i32
        %dma_start3A_518 = tpu.memref_slice %arg6[%select_n3A_442, %dma_start3A_516, %dma_start3A_517] : memref<6x2x64xi32, #tpu.memory_space<vmem>> -> memref<1x2x64xi32, #tpu.memory_space<vmem>>
        %dma_start3A_519 = tpu.memref_squeeze %dma_start3A_518 : memref<1x2x64xi32, #tpu.memory_space<vmem>> -> memref<2x64xi32, #tpu.memory_space<vmem>>
        %dma_start3A_520 = arith.constant 0 : i32
        %dma_start3A_521 = arith.constant 0 : i32
        %dma_start3A_522 = tpu.memref_slice %arg3[%add3A, %add3A_505, %dma_start3A_520, %dma_start3A_521] : memref<32x157x2x64xi32, #tpu.memory_space<hbm>> -> memref<1x1x2x64xi32, #tpu.memory_space<hbm>>
        %dma_start3A_523 = tpu.memref_squeeze %dma_start3A_522 : memref<1x1x2x64xi32, #tpu.memory_space<hbm>> -> memref<2x64xi32, #tpu.memory_space<hbm>>
        tpu.enqueue_dma source(%dma_start3A_523 : memref<2x64xi32, #tpu.memory_space<hbm>>) target(%dma_start3A_519 : memref<2x64xi32, #tpu.memory_space<vmem>>) target_semaphore(%dma_start3A_515 : memref<!tpu.dma_semaphore, #tpu.memory_space<semaphore_mem>>)
      } else {
      }
    }
    %scan3A_319 = arith.constant 157 : i32
    %dma_wait3A_320 = arith.constant 1 : i32
    %dma_wait3A_321 = arith.constant 1 : i32
    %dma_wait3A_322 = arith.constant 1 : i32
    %dma_wait3A_323 = arith.constant 1 : i32
    %dma_wait3A_324 = arith.constant 0 : i32
    %dma_wait3A_325 = arith.constant 0 : i32
    %dma_wait3A_326 = tpu.memref_slice %arg7[%dma_wait3A_320, %dma_wait3A_324, %dma_wait3A_325] : memref<6x64x128xf32, #tpu.memory_space<vmem>> -> memref<1x64x128xf32, #tpu.memory_space<vmem>>
    %dma_wait3A_327 = tpu.memref_squeeze %dma_wait3A_326 : memref<1x64x128xf32, #tpu.memory_space<vmem>> -> memref<64x128xf32, #tpu.memory_space<vmem>>
    %dma_wait3A_328 = arith.constant 0 : i32
    %dma_wait3A_329 = tpu.memref_slice %arg6[%dma_wait3A_321, %dma_wait3A_322, %dma_wait3A_328] : memref<6x2x64xi32, #tpu.memory_space<vmem>> -> memref<1x1x64xi32, #tpu.memory_space<vmem>>
    %dma_wait3A_330 = tpu.memref_squeeze %dma_wait3A_329 : memref<1x1x64xi32, #tpu.memory_space<vmem>> -> memref<64xi32, #tpu.memory_space<vmem>>
    %dma_wait3A_331 = arith.constant 0 : i32
    %dma_wait3A_332 = arith.constant 0 : i32
    %dma_wait3A_333 = tpu.memref_slice %arg8[%dma_wait3A_331, %dma_wait3A_332] : memref<10008x128xf32, #tpu.memory_space<vmem_shared>> -> memref<10008x128xf32, #tpu.memory_space<vmem_shared>>
    %dma_wait3A_334 = tpu.memref_slice %arg11[%dma_wait3A_323] : memref<6x!tpu.dma_semaphore, #tpu.memory_space<semaphore_mem>> -> memref<1x!tpu.dma_semaphore, #tpu.memory_space<semaphore_mem>>
    %dma_wait3A_335 = tpu.memref_squeeze %dma_wait3A_334 : memref<1x!tpu.dma_semaphore, #tpu.memory_space<semaphore_mem>> -> memref<!tpu.dma_semaphore, #tpu.memory_space<semaphore_mem>>
    tpu.wait_indirect_dma semaphore(%dma_wait3A_335 : memref<!tpu.dma_semaphore, #tpu.memory_space<semaphore_mem>>) src(%dma_wait3A_327 : memref<64x128xf32, #tpu.memory_space<vmem>>) dst(%dma_wait3A_333 : memref<10008x128xf32, #tpu.memory_space<vmem_shared>>)
    %dma_wait3A_336 = arith.constant 2 : i32
    %dma_wait3A_337 = arith.constant 2 : i32
    %dma_wait3A_338 = arith.constant 1 : i32
    %dma_wait3A_339 = arith.constant 2 : i32
    %dma_wait3A_340 = arith.constant 0 : i32
    %dma_wait3A_341 = arith.constant 0 : i32
    %dma_wait3A_342 = tpu.memref_slice %arg7[%dma_wait3A_336, %dma_wait3A_340, %dma_wait3A_341] : memref<6x64x128xf32, #tpu.memory_space<vmem>> -> memref<1x64x128xf32, #tpu.memory_space<vmem>>
    %dma_wait3A_343 = tpu.memref_squeeze %dma_wait3A_342 : memref<1x64x128xf32, #tpu.memory_space<vmem>> -> memref<64x128xf32, #tpu.memory_space<vmem>>
    %dma_wait3A_344 = arith.constant 0 : i32
    %dma_wait3A_345 = tpu.memref_slice %arg6[%dma_wait3A_337, %dma_wait3A_338, %dma_wait3A_344] : memref<6x2x64xi32, #tpu.memory_space<vmem>> -> memref<1x1x64xi32, #tpu.memory_space<vmem>>
    %dma_wait3A_346 = tpu.memref_squeeze %dma_wait3A_345 : memref<1x1x64xi32, #tpu.memory_space<vmem>> -> memref<64xi32, #tpu.memory_space<vmem>>
    %dma_wait3A_347 = arith.constant 0 : i32
    %dma_wait3A_348 = arith.constant 0 : i32
    %dma_wait3A_349 = tpu.memref_slice %arg8[%dma_wait3A_347, %dma_wait3A_348] : memref<10008x128xf32, #tpu.memory_space<vmem_shared>> -> memref<10008x128xf32, #tpu.memory_space<vmem_shared>>
    %dma_wait3A_350 = tpu.memref_slice %arg11[%dma_wait3A_339] : memref<6x!tpu.dma_semaphore, #tpu.memory_space<semaphore_mem>> -> memref<1x!tpu.dma_semaphore, #tpu.memory_space<semaphore_mem>>
    %dma_wait3A_351 = tpu.memref_squeeze %dma_wait3A_350 : memref<1x!tpu.dma_semaphore, #tpu.memory_space<semaphore_mem>> -> memref<!tpu.dma_semaphore, #tpu.memory_space<semaphore_mem>>
    tpu.wait_indirect_dma semaphore(%dma_wait3A_351 : memref<!tpu.dma_semaphore, #tpu.memory_space<semaphore_mem>>) src(%dma_wait3A_343 : memref<64x128xf32, #tpu.memory_space<vmem>>) dst(%dma_wait3A_349 : memref<10008x128xf32, #tpu.memory_space<vmem_shared>>)
    %dma_wait3A_352 = arith.constant 3 : i32
    %dma_wait3A_353 = arith.constant 3 : i32
    %dma_wait3A_354 = arith.constant 1 : i32
    %dma_wait3A_355 = arith.constant 3 : i32
    %dma_wait3A_356 = arith.constant 0 : i32
    %dma_wait3A_357 = arith.constant 0 : i32
    %dma_wait3A_358 = tpu.memref_slice %arg7[%dma_wait3A_352, %dma_wait3A_356, %dma_wait3A_357] : memref<6x64x128xf32, #tpu.memory_space<vmem>> -> memref<1x64x128xf32, #tpu.memory_space<vmem>>
    %dma_wait3A_359 = tpu.memref_squeeze %dma_wait3A_358 : memref<1x64x128xf32, #tpu.memory_space<vmem>> -> memref<64x128xf32, #tpu.memory_space<vmem>>
    %dma_wait3A_360 = arith.constant 0 : i32
    %dma_wait3A_361 = tpu.memref_slice %arg6[%dma_wait3A_353, %dma_wait3A_354, %dma_wait3A_360] : memref<6x2x64xi32, #tpu.memory_space<vmem>> -> memref<1x1x64xi32, #tpu.memory_space<vmem>>
    %dma_wait3A_362 = tpu.memref_squeeze %dma_wait3A_361 : memref<1x1x64xi32, #tpu.memory_space<vmem>> -> memref<64xi32, #tpu.memory_space<vmem>>
    %dma_wait3A_363 = arith.constant 0 : i32
    %dma_wait3A_364 = arith.constant 0 : i32
    %dma_wait3A_365 = tpu.memref_slice %arg8[%dma_wait3A_363, %dma_wait3A_364] : memref<10008x128xf32, #tpu.memory_space<vmem_shared>> -> memref<10008x128xf32, #tpu.memory_space<vmem_shared>>
    %dma_wait3A_366 = tpu.memref_slice %arg11[%dma_wait3A_355] : memref<6x!tpu.dma_semaphore, #tpu.memory_space<semaphore_mem>> -> memref<1x!tpu.dma_semaphore, #tpu.memory_space<semaphore_mem>>
    %dma_wait3A_367 = tpu.memref_squeeze %dma_wait3A_366 : memref<1x!tpu.dma_semaphore, #tpu.memory_space<semaphore_mem>> -> memref<!tpu.dma_semaphore, #tpu.memory_space<semaphore_mem>>
    tpu.wait_indirect_dma semaphore(%dma_wait3A_367 : memref<!tpu.dma_semaphore, #tpu.memory_space<semaphore_mem>>) src(%dma_wait3A_359 : memref<64x128xf32, #tpu.memory_space<vmem>>) dst(%dma_wait3A_365 : memref<10008x128xf32, #tpu.memory_space<vmem_shared>>)
    %dma_wait3A_368 = arith.constant 4 : i32
    %dma_wait3A_369 = arith.constant 4 : i32
    %dma_wait3A_370 = arith.constant 1 : i32
    %dma_wait3A_371 = arith.constant 4 : i32
    %dma_wait3A_372 = arith.constant 0 : i32
    %dma_wait3A_373 = arith.constant 0 : i32
    %dma_wait3A_374 = tpu.memref_slice %arg7[%dma_wait3A_368, %dma_wait3A_372, %dma_wait3A_373] : memref<6x64x128xf32, #tpu.memory_space<vmem>> -> memref<1x64x128xf32, #tpu.memory_space<vmem>>
    %dma_wait3A_375 = tpu.memref_squeeze %dma_wait3A_374 : memref<1x64x128xf32, #tpu.memory_space<vmem>> -> memref<64x128xf32, #tpu.memory_space<vmem>>
    %dma_wait3A_376 = arith.constant 0 : i32
    %dma_wait3A_377 = tpu.memref_slice %arg6[%dma_wait3A_369, %dma_wait3A_370, %dma_wait3A_376] : memref<6x2x64xi32, #tpu.memory_space<vmem>> -> memref<1x1x64xi32, #tpu.memory_space<vmem>>
    %dma_wait3A_378 = tpu.memref_squeeze %dma_wait3A_377 : memref<1x1x64xi32, #tpu.memory_space<vmem>> -> memref<64xi32, #tpu.memory_space<vmem>>
    %dma_wait3A_379 = arith.constant 0 : i32
    %dma_wait3A_380 = arith.constant 0 : i32
    %dma_wait3A_381 = tpu.memref_slice %arg8[%dma_wait3A_379, %dma_wait3A_380] : memref<10008x128xf32, #tpu.memory_space<vmem_shared>> -> memref<10008x128xf32, #tpu.memory_space<vmem_shared>>
    %dma_wait3A_382 = tpu.memref_slice %arg11[%dma_wait3A_371] : memref<6x!tpu.dma_semaphore, #tpu.memory_space<semaphore_mem>> -> memref<1x!tpu.dma_semaphore, #tpu.memory_space<semaphore_mem>>
    %dma_wait3A_383 = tpu.memref_squeeze %dma_wait3A_382 : memref<1x!tpu.dma_semaphore, #tpu.memory_space<semaphore_mem>> -> memref<!tpu.dma_semaphore, #tpu.memory_space<semaphore_mem>>
    tpu.wait_indirect_dma semaphore(%dma_wait3A_383 : memref<!tpu.dma_semaphore, #tpu.memory_space<semaphore_mem>>) src(%dma_wait3A_375 : memref<64x128xf32, #tpu.memory_space<vmem>>) dst(%dma_wait3A_381 : memref<10008x128xf32, #tpu.memory_space<vmem_shared>>)
    %dma_wait3A_384 = arith.constant 5 : i32
    %dma_wait3A_385 = arith.constant 5 : i32
    %dma_wait3A_386 = arith.constant 1 : i32
    %dma_wait3A_387 = arith.constant 5 : i32
    %dma_wait3A_388 = arith.constant 0 : i32
    %dma_wait3A_389 = arith.constant 0 : i32
    %dma_wait3A_390 = tpu.memref_slice %arg7[%dma_wait3A_384, %dma_wait3A_388, %dma_wait3A_389] : memref<6x64x128xf32, #tpu.memory_space<vmem>> -> memref<1x64x128xf32, #tpu.memory_space<vmem>>
    %dma_wait3A_391 = tpu.memref_squeeze %dma_wait3A_390 : memref<1x64x128xf32, #tpu.memory_space<vmem>> -> memref<64x128xf32, #tpu.memory_space<vmem>>
    %dma_wait3A_392 = arith.constant 0 : i32
    %dma_wait3A_393 = tpu.memref_slice %arg6[%dma_wait3A_385, %dma_wait3A_386, %dma_wait3A_392] : memref<6x2x64xi32, #tpu.memory_space<vmem>> -> memref<1x1x64xi32, #tpu.memory_space<vmem>>
    %dma_wait3A_394 = tpu.memref_squeeze %dma_wait3A_393 : memref<1x1x64xi32, #tpu.memory_space<vmem>> -> memref<64xi32, #tpu.memory_space<vmem>>
    %dma_wait3A_395 = arith.constant 0 : i32
    %dma_wait3A_396 = arith.constant 0 : i32
    %dma_wait3A_397 = tpu.memref_slice %arg8[%dma_wait3A_395, %dma_wait3A_396] : memref<10008x128xf32, #tpu.memory_space<vmem_shared>> -> memref<10008x128xf32, #tpu.memory_space<vmem_shared>>
    %dma_wait3A_398 = tpu.memref_slice %arg11[%dma_wait3A_387] : memref<6x!tpu.dma_semaphore, #tpu.memory_space<semaphore_mem>> -> memref<1x!tpu.dma_semaphore, #tpu.memory_space<semaphore_mem>>
    %dma_wait3A_399 = tpu.memref_squeeze %dma_wait3A_398 : memref<1x!tpu.dma_semaphore, #tpu.memory_space<semaphore_mem>> -> memref<!tpu.dma_semaphore, #tpu.memory_space<semaphore_mem>>
    tpu.wait_indirect_dma semaphore(%dma_wait3A_399 : memref<!tpu.dma_semaphore, #tpu.memory_space<semaphore_mem>>) src(%dma_wait3A_391 : memref<64x128xf32, #tpu.memory_space<vmem>>) dst(%dma_wait3A_397 : memref<10008x128xf32, #tpu.memory_space<vmem_shared>>)
    %dma_wait3A_400 = arith.constant 0 : i32
    %dma_wait3A_401 = arith.constant 0 : i32
    %dma_wait3A_402 = arith.constant 1 : i32
    %dma_wait3A_403 = arith.constant 0 : i32
    %dma_wait3A_404 = arith.constant 0 : i32
    %dma_wait3A_405 = arith.constant 0 : i32
    %dma_wait3A_406 = tpu.memref_slice %arg7[%dma_wait3A_400, %dma_wait3A_404, %dma_wait3A_405] : memref<6x64x128xf32, #tpu.memory_space<vmem>> -> memref<1x64x128xf32, #tpu.memory_space<vmem>>
    %dma_wait3A_407 = tpu.memref_squeeze %dma_wait3A_406 : memref<1x64x128xf32, #tpu.memory_space<vmem>> -> memref<64x128xf32, #tpu.memory_space<vmem>>
    %dma_wait3A_408 = arith.constant 0 : i32
    %dma_wait3A_409 = tpu.memref_slice %arg6[%dma_wait3A_401, %dma_wait3A_402, %dma_wait3A_408] : memref<6x2x64xi32, #tpu.memory_space<vmem>> -> memref<1x1x64xi32, #tpu.memory_space<vmem>>
    %dma_wait3A_410 = tpu.memref_squeeze %dma_wait3A_409 : memref<1x1x64xi32, #tpu.memory_space<vmem>> -> memref<64xi32, #tpu.memory_space<vmem>>
    %dma_wait3A_411 = arith.constant 0 : i32
    %dma_wait3A_412 = arith.constant 0 : i32
    %dma_wait3A_413 = tpu.memref_slice %arg8[%dma_wait3A_411, %dma_wait3A_412] : memref<10008x128xf32, #tpu.memory_space<vmem_shared>> -> memref<10008x128xf32, #tpu.memory_space<vmem_shared>>
    %dma_wait3A_414 = tpu.memref_slice %arg11[%dma_wait3A_403] : memref<6x!tpu.dma_semaphore, #tpu.memory_space<semaphore_mem>> -> memref<1x!tpu.dma_semaphore, #tpu.memory_space<semaphore_mem>>
    %dma_wait3A_415 = tpu.memref_squeeze %dma_wait3A_414 : memref<1x!tpu.dma_semaphore, #tpu.memory_space<semaphore_mem>> -> memref<!tpu.dma_semaphore, #tpu.memory_space<semaphore_mem>>
    tpu.wait_indirect_dma semaphore(%dma_wait3A_415 : memref<!tpu.dma_semaphore, #tpu.memory_space<semaphore_mem>>) src(%dma_wait3A_407 : memref<64x128xf32, #tpu.memory_space<vmem>>) dst(%dma_wait3A_413 : memref<10008x128xf32, #tpu.memory_space<vmem_shared>>)
    %barrier3A_416 = arith.constant 0 : index
    tpu.barrier barrier_id(%barrier3A_416)
    %lt3A_417 = arith.constant 15 : i32
    %lt3A_418 = arith.cmpi slt, %arg1, %lt3A_417 : i32
    %convert_element_type3A_419 = arith.extui %lt3A_418 : i1 to i32
    %cond3A_420 = arith.constant 0 : i32
    %cond3A_421 = arith.cmpi ne, %convert_element_type3A_419, %cond3A_420 : i32
    scf.if %cond3A_421 {
      %mul3A_427 = arith.constant 632 : i32
      %mul3A_428 = arith.muli %arg1, %mul3A_427 : i32
      %mul3A_429 = arith.constant 632 : i32
      %mul3A_430 = arith.muli %arg1, %mul3A_429 : i32
      "tpu.region"() ({
        %run_scoped3A = tpu.sem_alloc : memref<!tpu.dma_semaphore, #tpu.memory_space<semaphore_mem>>
        %dma_start3A_431 = arith.constant 0 : i32
        %dma_start3A_432 = tpu.memref_slice %arg5[%arg0, %mul3A_430, %dma_start3A_431] : memref<2x10008x128xf32, #tpu.memory_space<hbm>> -> memref<1x632x128xf32, #tpu.memory_space<hbm>>
        %dma_start3A_433 = tpu.memref_squeeze %dma_start3A_432 : memref<1x632x128xf32, #tpu.memory_space<hbm>> -> memref<632x128xf32, #tpu.memory_space<hbm>>
        %dma_start3A_434 = arith.constant 0 : i32
        %dma_start3A_435 = tpu.memref_slice %arg8[%mul3A_428, %dma_start3A_434] : memref<10008x128xf32, #tpu.memory_space<vmem_shared>> -> memref<632x128xf32, #tpu.memory_space<vmem_shared>>
        tpu.enqueue_dma source(%dma_start3A_435 : memref<632x128xf32, #tpu.memory_space<vmem_shared>>) target(%dma_start3A_433 : memref<632x128xf32, #tpu.memory_space<hbm>>) target_semaphore(%run_scoped3A : memref<!tpu.dma_semaphore, #tpu.memory_space<semaphore_mem>>)
        %dma_wait3A_436 = arith.constant 0 : i32
        %dma_wait3A_437 = tpu.memref_slice %arg5[%arg0, %mul3A_430, %dma_wait3A_436] : memref<2x10008x128xf32, #tpu.memory_space<hbm>> -> memref<1x632x128xf32, #tpu.memory_space<hbm>>
        %dma_wait3A_438 = tpu.memref_squeeze %dma_wait3A_437 : memref<1x632x128xf32, #tpu.memory_space<hbm>> -> memref<632x128xf32, #tpu.memory_space<hbm>>
        %dma_wait3A_439 = arith.constant 0 : i32
        %dma_wait3A_440 = tpu.memref_slice %arg8[%mul3A_428, %dma_wait3A_439] : memref<10008x128xf32, #tpu.memory_space<vmem_shared>> -> memref<632x128xf32, #tpu.memory_space<vmem_shared>>
        tpu.wait_dma2 semaphore(%run_scoped3A : memref<!tpu.dma_semaphore, #tpu.memory_space<semaphore_mem>>) src(%dma_wait3A_440 : memref<632x128xf32, #tpu.memory_space<vmem_shared>>) dst(%dma_wait3A_438 : memref<632x128xf32, #tpu.memory_space<hbm>>)
        tpu.yield
      }) : () -> ()
    } else {
    }
    %eq3A_422 = arith.constant 15 : i32
    %eq3A_423 = arith.cmpi eq, %arg1, %eq3A_422 : i32
    %convert_element_type3A_424 = arith.extui %eq3A_423 : i1 to i32
    %cond3A_425 = arith.constant 0 : i32
    %cond3A_426 = arith.cmpi ne, %convert_element_type3A_424, %cond3A_425 : i32
    scf.if %cond3A_426 {
      %mul3A_427 = arith.constant 632 : i32
      %mul3A_428 = arith.muli %arg1, %mul3A_427 : i32
      %mul3A_429 = arith.constant 632 : i32
      %mul3A_430 = arith.muli %arg1, %mul3A_429 : i32
      "tpu.region"() ({
        %run_scoped3A = tpu.sem_alloc : memref<!tpu.dma_semaphore, #tpu.memory_space<semaphore_mem>>
        %dma_start3A_431 = arith.constant 0 : i32
        %dma_start3A_432 = tpu.memref_slice %arg5[%arg0, %mul3A_430, %dma_start3A_431] : memref<2x10008x128xf32, #tpu.memory_space<hbm>> -> memref<1x528x128xf32, #tpu.memory_space<hbm>>
        %dma_start3A_433 = tpu.memref_squeeze %dma_start3A_432 : memref<1x528x128xf32, #tpu.memory_space<hbm>> -> memref<528x128xf32, #tpu.memory_space<hbm>>
        %dma_start3A_434 = arith.constant 0 : i32
        %dma_start3A_435 = tpu.memref_slice %arg8[%mul3A_428, %dma_start3A_434] : memref<10008x128xf32, #tpu.memory_space<vmem_shared>> -> memref<528x128xf32, #tpu.memory_space<vmem_shared>>
        tpu.enqueue_dma source(%dma_start3A_435 : memref<528x128xf32, #tpu.memory_space<vmem_shared>>) target(%dma_start3A_433 : memref<528x128xf32, #tpu.memory_space<hbm>>) target_semaphore(%run_scoped3A : memref<!tpu.dma_semaphore, #tpu.memory_space<semaphore_mem>>)
        %dma_wait3A_436 = arith.constant 0 : i32
        %dma_wait3A_437 = tpu.memref_slice %arg5[%arg0, %mul3A_430, %dma_wait3A_436] : memref<2x10008x128xf32, #tpu.memory_space<hbm>> -> memref<1x528x128xf32, #tpu.memory_space<hbm>>
        %dma_wait3A_438 = tpu.memref_squeeze %dma_wait3A_437 : memref<1x528x128xf32, #tpu.memory_space<hbm>> -> memref<528x128xf32, #tpu.memory_space<hbm>>
        %dma_wait3A_439 = arith.constant 0 : i32
        %dma_wait3A_440 = tpu.memref_slice %arg8[%mul3A_428, %dma_wait3A_439] : memref<10008x128xf32, #tpu.memory_space<vmem_shared>> -> memref<528x128xf32, #tpu.memory_space<vmem_shared>>
        tpu.wait_dma2 semaphore(%run_scoped3A : memref<!tpu.dma_semaphore, #tpu.memory_space<semaphore_mem>>) src(%dma_wait3A_440 : memref<528x128xf32, #tpu.memory_space<vmem_shared>>) dst(%dma_wait3A_438 : memref<528x128xf32, #tpu.memory_space<hbm>>)
        tpu.yield
      }) : () -> ()
    } else {
    }
    return
  }
}

module attributes {stable_mosaic.version = 14 : i64} {
  func.func @_mm_body(%arg0: i32, %arg1: memref<1000x128xf32, #tpu.memory_space<vmem>>, %arg2: memref<128x128xf32, #tpu.memory_space<vmem>>, %arg3: memref<1x128xf32, #tpu.memory_space<vmem>>, %arg4: memref<1000x128xf32, #tpu.memory_space<vmem>>) attributes {dimension_semantics = [#tpu.dimension_semantics<arbitrary>], iteration_bounds = array<i64: 10>, scalar_prefetch = 0 : i64, scratch_operands = 0 : i64, tpu.core_type = #tpu.core_type<tc>, window_params = [{transform_indices = @transform_0, window_bounds = array<i64: 1000, 128>}, {pipeline_mode = #tpu.pipeline_mode<synchronous>, transform_indices = @transform_1, window_bounds = array<i64: 128, 128>}, {pipeline_mode = #tpu.pipeline_mode<synchronous>, transform_indices = @transform_2, window_bounds = array<i64: 1, 128>}, {transform_indices = @transform_3, window_bounds = array<i64: 1000, 128>}]} {
    %get3A = arith.constant 0 : index
    %get3A_0 = arith.constant 0 : index
    %get3A_1 = vector.load %arg1[%get3A, %get3A_0] : memref<1000x128xf32, #tpu.memory_space<vmem>>, vector<1000x128xf32>
    %get3A_2 = arith.constant 0 : index
    %get3A_3 = arith.constant 0 : index
    %get3A_4 = vector.load %arg2[%get3A_2, %get3A_3] : memref<128x128xf32, #tpu.memory_space<vmem>>, vector<128x128xf32>
    %dot_general3A = arith.constant dense<0.000000e+00> : vector<1000x128xf32>
    %dot_general3A_5 = tpu.matmul %get3A_1, %get3A_4, %dot_general3A {dimension_numbers = #tpu.dot_dimension_numbers<[1], [0], [0], [1], [0, 0, 1, 1], [], []>, transpose_lhs_hint = false} : vector<1000x128xf32>, vector<128x128xf32>, vector<1000x128xf32> -> vector<1000x128xf32>
    %get3A_6 = arith.constant 0 : index
    %get3A_7 = arith.constant 0 : index
    %get3A_8 = vector.load %arg3[%get3A_6, %get3A_7] : memref<1x128xf32, #tpu.memory_space<vmem>>, vector<1x128xf32>
    %add3A = vector.broadcast %get3A_8 : vector<1x128xf32> to vector<1000x128xf32>
    %add3A_9 = arith.addf %dot_general3A_5, %add3A : vector<1000x128xf32>
    %swap3A = arith.constant 0 : index
    %swap3A_10 = arith.constant 0 : index
    %swap3A_11 = vector.load %arg4[%swap3A, %swap3A_10] : memref<1000x128xf32, #tpu.memory_space<vmem>>, vector<1000x128xf32>
    tpu.vector_store %arg4[%swap3A, %swap3A_10], %add3A_9 {strides = array<i32>} : memref<1000x128xf32, #tpu.memory_space<vmem>>, vector<1000x128xf32>,
    return
  }
  func.func @transform_0(%arg0: i32) -> (i32, i32) {
    %c0_i32 = arith.constant 0 : i32
    %c0_i32_0 = arith.constant 0 : i32
    return %arg0, %c0_i32 : i32, i32
  }
  func.func @transform_1(%arg0: i32) -> (i32, i32) {
    %c0_i32 = arith.constant 0 : i32
    %c0_i32_0 = arith.constant 0 : i32
    %c0_i32_1 = arith.constant 0 : i32
    return %c0_i32, %c0_i32_0 : i32, i32
  }
  func.func @transform_2(%arg0: i32) -> (i32, i32) {
    %c0_i32 = arith.constant 0 : i32
    %c0_i32_0 = arith.constant 0 : i32
    %c0_i32_1 = arith.constant 0 : i32
    return %c0_i32, %c0_i32_0 : i32, i32
  }
  func.func @transform_3(%arg0: i32) -> (i32, i32) {
    %c0_i32 = arith.constant 0 : i32
    %c0_i32_0 = arith.constant 0 : i32
    return %arg0, %c0_i32 : i32, i32
  }
}

module attributes {stable_mosaic.version = 14 : i64} {
  func.func @_relu_mm_body(%arg0: i32, %arg1: memref<1x1000x128xf32, #tpu.memory_space<vmem>>, %arg2: memref<1x1000x128xf32, #tpu.memory_space<vmem>>, %arg3: memref<128x128xf32, #tpu.memory_space<vmem>>, %arg4: memref<1x128xf32, #tpu.memory_space<vmem>>, %arg5: memref<1000x128xf32, #tpu.memory_space<vmem>>) attributes {dimension_semantics = [#tpu.dimension_semantics<arbitrary>], iteration_bounds = array<i64: 10>, scalar_prefetch = 0 : i64, scratch_operands = 0 : i64, tpu.core_type = #tpu.core_type<tc>, window_params = [{transform_indices = @transform_0, window_bounds = array<i64: 1, 1000, 128>}, {transform_indices = @transform_1, window_bounds = array<i64: 1, 1000, 128>}, {pipeline_mode = #tpu.pipeline_mode<synchronous>, transform_indices = @transform_2, window_bounds = array<i64: 128, 128>}, {pipeline_mode = #tpu.pipeline_mode<synchronous>, transform_indices = @transform_3, window_bounds = array<i64: 1, 128>}, {transform_indices = @transform_4, window_bounds = array<i64: 1000, 128>}]} {
    %get3A = arith.constant 0 : index
    %get3A_0 = arith.constant 0 : index
    %get3A_1 = arith.constant 0 : index
    %get3A_2 = vector.load %arg1[%get3A, %get3A_0, %get3A_1] : memref<1x1000x128xf32, #tpu.memory_space<vmem>>, vector<1x1000x128xf32>
    %get3A_3 = vector.shape_cast %get3A_2 : vector<1x1000x128xf32> to vector<1000x128xf32>
    %get3A_4 = arith.constant 0 : index
    %get3A_5 = arith.constant 0 : index
    %get3A_6 = arith.constant 0 : index
    %get3A_7 = vector.load %arg2[%get3A_4, %get3A_5, %get3A_6] : memref<1x1000x128xf32, #tpu.memory_space<vmem>>, vector<1x1000x128xf32>
    %get3A_8 = vector.shape_cast %get3A_7 : vector<1x1000x128xf32> to vector<1000x128xf32>
    %add3A = arith.addf %get3A_3, %get3A_8 : vector<1000x128xf32>
    %max3A = arith.constant 0.000000e+00 : f32
    %max3A_9 = vector.broadcast %max3A : f32 to vector<1000x128xf32>
    %max3A_10 = arith.maximumf %add3A, %max3A_9 : vector<1000x128xf32>
    %get3A_11 = arith.constant 0 : index
    %get3A_12 = arith.constant 0 : index
    %get3A_13 = vector.load %arg3[%get3A_11, %get3A_12] : memref<128x128xf32, #tpu.memory_space<vmem>>, vector<128x128xf32>
    %dot_general3A = arith.constant dense<0.000000e+00> : vector<1000x128xf32>
    %dot_general3A_14 = tpu.matmul %max3A_10, %get3A_13, %dot_general3A {dimension_numbers = #tpu.dot_dimension_numbers<[1], [0], [0], [1], [0, 0, 1, 1], [], []>, transpose_lhs_hint = false} : vector<1000x128xf32>, vector<128x128xf32>, vector<1000x128xf32> -> vector<1000x128xf32>
    %get3A_15 = arith.constant 0 : index
    %get3A_16 = arith.constant 0 : index
    %get3A_17 = vector.load %arg4[%get3A_15, %get3A_16] : memref<1x128xf32, #tpu.memory_space<vmem>>, vector<1x128xf32>
    %add3A_18 = vector.broadcast %get3A_17 : vector<1x128xf32> to vector<1000x128xf32>
    %add3A_19 = arith.addf %dot_general3A_14, %add3A_18 : vector<1000x128xf32>
    %swap3A = arith.constant 0 : index
    %swap3A_20 = arith.constant 0 : index
    %swap3A_21 = vector.load %arg5[%swap3A, %swap3A_20] : memref<1000x128xf32, #tpu.memory_space<vmem>>, vector<1000x128xf32>
    tpu.vector_store %arg5[%swap3A, %swap3A_20], %add3A_19 {strides = array<i32>} : memref<1000x128xf32, #tpu.memory_space<vmem>>, vector<1000x128xf32>,
    return
  }
  func.func @transform_0(%arg0: i32) -> (i32, i32, i32) {
    %c0_i32 = arith.constant 0 : i32
    %c0_i32_0 = arith.constant 0 : i32
    %c0_i32_1 = arith.constant 0 : i32
    return %c0_i32, %arg0, %c0_i32_0 : i32, i32, i32
  }
  func.func @transform_1(%arg0: i32) -> (i32, i32, i32) {
    %c1_i32 = arith.constant 1 : i32
    %c0_i32 = arith.constant 0 : i32
    %c0_i32_0 = arith.constant 0 : i32
    return %c1_i32, %arg0, %c0_i32 : i32, i32, i32
  }
  func.func @transform_2(%arg0: i32) -> (i32, i32) {
    %c0_i32 = arith.constant 0 : i32
    %c0_i32_0 = arith.constant 0 : i32
    %c0_i32_1 = arith.constant 0 : i32
    return %c0_i32, %c0_i32_0 : i32, i32
  }
  func.func @transform_3(%arg0: i32) -> (i32, i32) {
    %c0_i32 = arith.constant 0 : i32
    %c0_i32_0 = arith.constant 0 : i32
    %c0_i32_1 = arith.constant 0 : i32
    return %c0_i32, %c0_i32_0 : i32, i32
  }
  func.func @transform_4(%arg0: i32) -> (i32, i32) {
    %c0_i32 = arith.constant 0 : i32
    %c0_i32_0 = arith.constant 0 : i32
    return %arg0, %c0_i32 : i32, i32
  }
}

module attributes {stable_mosaic.version = 14 : i64} {
  func.func @_relu_mm2_body(%arg0: i32, %arg1: memref<1x1000x128xf32, #tpu.memory_space<vmem>>, %arg2: memref<1x1000x128xf32, #tpu.memory_space<vmem>>, %arg3: memref<128x128xf32, #tpu.memory_space<vmem>>, %arg4: memref<1x128xf32, #tpu.memory_space<vmem>>, %arg5: memref<1000x128xf32, #tpu.memory_space<vmem>>, %arg6: memref<1000x128xf32, #tpu.memory_space<vmem>>) attributes {dimension_semantics = [#tpu.dimension_semantics<arbitrary>], iteration_bounds = array<i64: 10>, scalar_prefetch = 0 : i64, scratch_operands = 0 : i64, tpu.core_type = #tpu.core_type<tc>, window_params = [{transform_indices = @transform_0, window_bounds = array<i64: 1, 1000, 128>}, {transform_indices = @transform_1, window_bounds = array<i64: 1, 1000, 128>}, {pipeline_mode = #tpu.pipeline_mode<synchronous>, transform_indices = @transform_2, window_bounds = array<i64: 128, 128>}, {pipeline_mode = #tpu.pipeline_mode<synchronous>, transform_indices = @transform_3, window_bounds = array<i64: 1, 128>}, {transform_indices = @transform_4, window_bounds = array<i64: 1000, 128>}, {transform_indices = @transform_5, window_bounds = array<i64: 1000, 128>}]} {
    %get3A = arith.constant 0 : index
    %get3A_0 = arith.constant 0 : index
    %get3A_1 = arith.constant 0 : index
    %get3A_2 = vector.load %arg1[%get3A, %get3A_0, %get3A_1] : memref<1x1000x128xf32, #tpu.memory_space<vmem>>, vector<1x1000x128xf32>
    %get3A_3 = vector.shape_cast %get3A_2 : vector<1x1000x128xf32> to vector<1000x128xf32>
    %get3A_4 = arith.constant 0 : index
    %get3A_5 = arith.constant 0 : index
    %get3A_6 = arith.constant 0 : index
    %get3A_7 = vector.load %arg2[%get3A_4, %get3A_5, %get3A_6] : memref<1x1000x128xf32, #tpu.memory_space<vmem>>, vector<1x1000x128xf32>
    %get3A_8 = vector.shape_cast %get3A_7 : vector<1x1000x128xf32> to vector<1000x128xf32>
    %add3A = arith.addf %get3A_3, %get3A_8 : vector<1000x128xf32>
    %max3A = arith.constant 0.000000e+00 : f32
    %max3A_9 = vector.broadcast %max3A : f32 to vector<1000x128xf32>
    %max3A_10 = arith.maximumf %add3A, %max3A_9 : vector<1000x128xf32>
    %swap3A = arith.constant 0 : index
    %swap3A_11 = arith.constant 0 : index
    %swap3A_12 = vector.load %arg5[%swap3A, %swap3A_11] : memref<1000x128xf32, #tpu.memory_space<vmem>>, vector<1000x128xf32>
    tpu.vector_store %arg5[%swap3A, %swap3A_11], %max3A_10 {strides = array<i32>} : memref<1000x128xf32, #tpu.memory_space<vmem>>, vector<1000x128xf32>,
    %get3A_13 = arith.constant 0 : index
    %get3A_14 = arith.constant 0 : index
    %get3A_15 = vector.load %arg3[%get3A_13, %get3A_14] : memref<128x128xf32, #tpu.memory_space<vmem>>, vector<128x128xf32>
    %dot_general3A = arith.constant dense<0.000000e+00> : vector<1000x128xf32>
    %dot_general3A_16 = tpu.matmul %max3A_10, %get3A_15, %dot_general3A {dimension_numbers = #tpu.dot_dimension_numbers<[1], [0], [0], [1], [0, 0, 1, 1], [], []>, transpose_lhs_hint = false} : vector<1000x128xf32>, vector<128x128xf32>, vector<1000x128xf32> -> vector<1000x128xf32>
    %get3A_17 = arith.constant 0 : index
    %get3A_18 = arith.constant 0 : index
    %get3A_19 = vector.load %arg4[%get3A_17, %get3A_18] : memref<1x128xf32, #tpu.memory_space<vmem>>, vector<1x128xf32>
    %add3A_20 = vector.broadcast %get3A_19 : vector<1x128xf32> to vector<1000x128xf32>
    %add3A_21 = arith.addf %dot_general3A_16, %add3A_20 : vector<1000x128xf32>
    %swap3A_22 = arith.constant 0 : index
    %swap3A_23 = arith.constant 0 : index
    %swap3A_24 = vector.load %arg6[%swap3A_22, %swap3A_23] : memref<1000x128xf32, #tpu.memory_space<vmem>>, vector<1000x128xf32>
    tpu.vector_store %arg6[%swap3A_22, %swap3A_23], %add3A_21 {strides = array<i32>} : memref<1000x128xf32, #tpu.memory_space<vmem>>, vector<1000x128xf32>,
    return
  }
  func.func @transform_0(%arg0: i32) -> (i32, i32, i32) {
    %c0_i32 = arith.constant 0 : i32
    %c0_i32_0 = arith.constant 0 : i32
    %c0_i32_1 = arith.constant 0 : i32
    return %c0_i32, %arg0, %c0_i32_0 : i32, i32, i32
  }
  func.func @transform_1(%arg0: i32) -> (i32, i32, i32) {
    %c1_i32 = arith.constant 1 : i32
    %c0_i32 = arith.constant 0 : i32
    %c0_i32_0 = arith.constant 0 : i32
    return %c1_i32, %arg0, %c0_i32 : i32, i32, i32
  }
  func.func @transform_2(%arg0: i32) -> (i32, i32) {
    %c0_i32 = arith.constant 0 : i32
    %c0_i32_0 = arith.constant 0 : i32
    %c0_i32_1 = arith.constant 0 : i32
    return %c0_i32, %c0_i32_0 : i32, i32
  }
  func.func @transform_3(%arg0: i32) -> (i32, i32) {
    %c0_i32 = arith.constant 0 : i32
    %c0_i32_0 = arith.constant 0 : i32
    %c0_i32_1 = arith.constant 0 : i32
    return %c0_i32, %c0_i32_0 : i32, i32
  }
  func.func @transform_4(%arg0: i32) -> (i32, i32) {
    %c0_i32 = arith.constant 0 : i32
    %c0_i32_0 = arith.constant 0 : i32
    return %arg0, %c0_i32 : i32, i32
  }
  func.func @transform_5(%arg0: i32) -> (i32, i32) {
    %c0_i32 = arith.constant 0 : i32
    %c0_i32_0 = arith.constant 0 : i32
    return %arg0, %c0_i32 : i32, i32
  }
}

module attributes {stable_mosaic.version = 14 : i64} {
  func.func @_blend_mm_body(%arg0: i32, %arg1: memref<1x1000x128xf32, #tpu.memory_space<vmem>>, %arg2: memref<1x1000x128xf32, #tpu.memory_space<vmem>>, %arg3: memref<1000x128xf32, #tpu.memory_space<vmem>>, %arg4: memref<128x128xf32, #tpu.memory_space<vmem>>, %arg5: memref<1x128xf32, #tpu.memory_space<vmem>>, %arg6: memref<1xf32, #tpu.memory_space<smem>>, %arg7: memref<1000x128xf32, #tpu.memory_space<vmem>>, %arg8: memref<1000x128xf32, #tpu.memory_space<vmem>>) attributes {dimension_semantics = [#tpu.dimension_semantics<arbitrary>], iteration_bounds = array<i64: 10>, scalar_prefetch = 0 : i64, scratch_operands = 0 : i64, tpu.core_type = #tpu.core_type<tc>, window_params = [{transform_indices = @transform_0, window_bounds = array<i64: 1, 1000, 128>}, {transform_indices = @transform_1, window_bounds = array<i64: 1, 1000, 128>}, {transform_indices = @transform_2, window_bounds = array<i64: 1000, 128>}, {pipeline_mode = #tpu.pipeline_mode<synchronous>, transform_indices = @transform_3, window_bounds = array<i64: 128, 128>}, {pipeline_mode = #tpu.pipeline_mode<synchronous>, transform_indices = @transform_4, window_bounds = array<i64: 1, 128>}, {transform_indices = @transform_5, window_bounds = array<i64: 1>}, {transform_indices = @transform_6, window_bounds = array<i64: 1000, 128>}, {transform_indices = @transform_7, window_bounds = array<i64: 1000, 128>}]} {
    %get3A = arith.constant 0 : index
    %get3A_0 = memref.load %arg6[%get3A] : memref<1xf32, #tpu.memory_space<smem>>
    %get3A_1 = arith.constant 0 : index
    %get3A_2 = arith.constant 0 : index
    %get3A_3 = arith.constant 0 : index
    %get3A_4 = vector.load %arg1[%get3A_1, %get3A_2, %get3A_3] : memref<1x1000x128xf32, #tpu.memory_space<vmem>>, vector<1x1000x128xf32>
    %get3A_5 = vector.shape_cast %get3A_4 : vector<1x1000x128xf32> to vector<1000x128xf32>
    %get3A_6 = arith.constant 0 : index
    %get3A_7 = arith.constant 0 : index
    %get3A_8 = arith.constant 0 : index
    %get3A_9 = vector.load %arg2[%get3A_6, %get3A_7, %get3A_8] : memref<1x1000x128xf32, #tpu.memory_space<vmem>>, vector<1x1000x128xf32>
    %get3A_10 = vector.shape_cast %get3A_9 : vector<1x1000x128xf32> to vector<1000x128xf32>
    %add3A = arith.addf %get3A_5, %get3A_10 : vector<1000x128xf32>
    %max3A = arith.constant 0.000000e+00 : f32
    %max3A_11 = vector.broadcast %max3A : f32 to vector<1000x128xf32>
    %max3A_12 = arith.maximumf %add3A, %max3A_11 : vector<1000x128xf32>
    %mul3A = vector.broadcast %get3A_0 : f32 to vector<1000x128xf32>
    %mul3A_13 = arith.mulf %mul3A, %max3A_12 : vector<1000x128xf32>
    %sub3A = arith.constant 1.000000e+00 : f32
    %sub3A_14 = arith.subf %sub3A, %get3A_0 : f32
    %get3A_15 = arith.constant 0 : index
    %get3A_16 = arith.constant 0 : index
    %get3A_17 = vector.load %arg3[%get3A_15, %get3A_16] : memref<1000x128xf32, #tpu.memory_space<vmem>>, vector<1000x128xf32>
    %mul3A_18 = vector.broadcast %sub3A_14 : f32 to vector<1000x128xf32>
    %mul3A_19 = arith.mulf %mul3A_18, %get3A_17 : vector<1000x128xf32>
    %add3A_20 = arith.addf %mul3A_13, %mul3A_19 : vector<1000x128xf32>
    %swap3A = arith.constant 0 : index
    %swap3A_21 = arith.constant 0 : index
    %swap3A_22 = vector.load %arg7[%swap3A, %swap3A_21] : memref<1000x128xf32, #tpu.memory_space<vmem>>, vector<1000x128xf32>
    tpu.vector_store %arg7[%swap3A, %swap3A_21], %add3A_20 {strides = array<i32>} : memref<1000x128xf32, #tpu.memory_space<vmem>>, vector<1000x128xf32>,
    %get3A_23 = arith.constant 0 : index
    %get3A_24 = arith.constant 0 : index
    %get3A_25 = vector.load %arg4[%get3A_23, %get3A_24] : memref<128x128xf32, #tpu.memory_space<vmem>>, vector<128x128xf32>
    %dot_general3A = arith.constant dense<0.000000e+00> : vector<1000x128xf32>
    %dot_general3A_26 = tpu.matmul %add3A_20, %get3A_25, %dot_general3A {dimension_numbers = #tpu.dot_dimension_numbers<[1], [0], [0], [1], [0, 0, 1, 1], [], []>, transpose_lhs_hint = false} : vector<1000x128xf32>, vector<128x128xf32>, vector<1000x128xf32> -> vector<1000x128xf32>
    %get3A_27 = arith.constant 0 : index
    %get3A_28 = arith.constant 0 : index
    %get3A_29 = vector.load %arg5[%get3A_27, %get3A_28] : memref<1x128xf32, #tpu.memory_space<vmem>>, vector<1x128xf32>
    %add3A_30 = vector.broadcast %get3A_29 : vector<1x128xf32> to vector<1000x128xf32>
    %add3A_31 = arith.addf %dot_general3A_26, %add3A_30 : vector<1000x128xf32>
    %swap3A_32 = arith.constant 0 : index
    %swap3A_33 = arith.constant 0 : index
    %swap3A_34 = vector.load %arg8[%swap3A_32, %swap3A_33] : memref<1000x128xf32, #tpu.memory_space<vmem>>, vector<1000x128xf32>
    tpu.vector_store %arg8[%swap3A_32, %swap3A_33], %add3A_31 {strides = array<i32>} : memref<1000x128xf32, #tpu.memory_space<vmem>>, vector<1000x128xf32>,
    return
  }
  func.func @transform_0(%arg0: i32) -> (i32, i32, i32) {
    %c0_i32 = arith.constant 0 : i32
    %c0_i32_0 = arith.constant 0 : i32
    %c0_i32_1 = arith.constant 0 : i32
    return %c0_i32, %arg0, %c0_i32_0 : i32, i32, i32
  }
  func.func @transform_1(%arg0: i32) -> (i32, i32, i32) {
    %c1_i32 = arith.constant 1 : i32
    %c0_i32 = arith.constant 0 : i32
    %c0_i32_0 = arith.constant 0 : i32
    return %c1_i32, %arg0, %c0_i32 : i32, i32, i32
  }
  func.func @transform_2(%arg0: i32) -> (i32, i32) {
    %c0_i32 = arith.constant 0 : i32
    %c0_i32_0 = arith.constant 0 : i32
    return %arg0, %c0_i32 : i32, i32
  }
  func.func @transform_3(%arg0: i32) -> (i32, i32) {
    %c0_i32 = arith.constant 0 : i32
    %c0_i32_0 = arith.constant 0 : i32
    %c0_i32_1 = arith.constant 0 : i32
    return %c0_i32, %c0_i32_0 : i32, i32
  }
  func.func @transform_4(%arg0: i32) -> (i32, i32) {
    %c0_i32 = arith.constant 0 : i32
    %c0_i32_0 = arith.constant 0 : i32
    %c0_i32_1 = arith.constant 0 : i32
    return %c0_i32, %c0_i32_0 : i32, i32
  }
  func.func @transform_5(%arg0: i32) -> i32 {
    %c0_i32 = arith.constant 0 : i32
    %c0_i32_0 = arith.constant 0 : i32
    return %c0_i32 : i32
  }
  func.func @transform_6(%arg0: i32) -> (i32, i32) {
    %c0_i32 = arith.constant 0 : i32
    %c0_i32_0 = arith.constant 0 : i32
    return %arg0, %c0_i32 : i32, i32
  }
  func.func @transform_7(%arg0: i32) -> (i32, i32) {
    %c0_i32 = arith.constant 0 : i32
    %c0_i32_0 = arith.constant 0 : i32
    return %arg0, %c0_i32 : i32, i32
  }
}

module attributes {stable_mosaic.version = 14 : i64} {
  func.func @_final_body(%arg0: i32, %arg1: memref<1x1000x128xf32, #tpu.memory_space<vmem>>, %arg2: memref<1x1000x128xf32, #tpu.memory_space<vmem>>, %arg3: memref<1000x128xf32, #tpu.memory_space<vmem>>, %arg4: memref<1000x128xf32, #tpu.memory_space<vmem>>, %arg5: memref<1xf32, #tpu.memory_space<smem>>, %arg6: memref<1000x256xf32, #tpu.memory_space<vmem>>) attributes {dimension_semantics = [#tpu.dimension_semantics<arbitrary>], iteration_bounds = array<i64: 10>, scalar_prefetch = 0 : i64, scratch_operands = 0 : i64, tpu.core_type = #tpu.core_type<tc>, window_params = [{transform_indices = @transform_0, window_bounds = array<i64: 1, 1000, 128>}, {transform_indices = @transform_1, window_bounds = array<i64: 1, 1000, 128>}, {transform_indices = @transform_2, window_bounds = array<i64: 1000, 128>}, {transform_indices = @transform_3, window_bounds = array<i64: 1000, 128>}, {transform_indices = @transform_4, window_bounds = array<i64: 1>}, {transform_indices = @transform_5, window_bounds = array<i64: 1000, 256>}]} {
    %get3A = arith.constant 0 : index
    %get3A_0 = memref.load %arg5[%get3A] : memref<1xf32, #tpu.memory_space<smem>>
    %get3A_1 = arith.constant 0 : index
    %get3A_2 = arith.constant 0 : index
    %get3A_3 = arith.constant 0 : index
    %get3A_4 = vector.load %arg1[%get3A_1, %get3A_2, %get3A_3] : memref<1x1000x128xf32, #tpu.memory_space<vmem>>, vector<1x1000x128xf32>
    %get3A_5 = vector.shape_cast %get3A_4 : vector<1x1000x128xf32> to vector<1000x128xf32>
    %get3A_6 = arith.constant 0 : index
    %get3A_7 = arith.constant 0 : index
    %get3A_8 = arith.constant 0 : index
    %get3A_9 = vector.load %arg2[%get3A_6, %get3A_7, %get3A_8] : memref<1x1000x128xf32, #tpu.memory_space<vmem>>, vector<1x1000x128xf32>
    %get3A_10 = vector.shape_cast %get3A_9 : vector<1x1000x128xf32> to vector<1000x128xf32>
    %add3A = arith.addf %get3A_5, %get3A_10 : vector<1000x128xf32>
    %max3A = arith.constant 0.000000e+00 : f32
    %max3A_11 = vector.broadcast %max3A : f32 to vector<1000x128xf32>
    %max3A_12 = arith.maximumf %add3A, %max3A_11 : vector<1000x128xf32>
    %mul3A = vector.broadcast %get3A_0 : f32 to vector<1000x128xf32>
    %mul3A_13 = arith.mulf %mul3A, %max3A_12 : vector<1000x128xf32>
    %sub3A = arith.constant 1.000000e+00 : f32
    %sub3A_14 = arith.subf %sub3A, %get3A_0 : f32
    %get3A_15 = arith.constant 0 : index
    %get3A_16 = arith.constant 0 : index
    %get3A_17 = vector.load %arg3[%get3A_15, %get3A_16] : memref<1000x128xf32, #tpu.memory_space<vmem>>, vector<1000x128xf32>
    %mul3A_18 = vector.broadcast %sub3A_14 : f32 to vector<1000x128xf32>
    %mul3A_19 = arith.mulf %mul3A_18, %get3A_17 : vector<1000x128xf32>
    %add3A_20 = arith.addf %mul3A_13, %mul3A_19 : vector<1000x128xf32>
    %swap3A = arith.constant 0 : index
    %swap3A_21 = arith.constant 0 : index
    %swap3A_22 = vector.load %arg6[%swap3A, %swap3A_21] : memref<1000x256xf32, #tpu.memory_space<vmem>>, vector<1000x128xf32>
    tpu.vector_store %arg6[%swap3A, %swap3A_21], %add3A_20 {strides = array<i32>} : memref<1000x256xf32, #tpu.memory_space<vmem>>, vector<1000x128xf32>,
    %get3A_23 = arith.constant 0 : index
    %get3A_24 = arith.constant 0 : index
    %get3A_25 = vector.load %arg4[%get3A_23, %get3A_24] : memref<1000x128xf32, #tpu.memory_space<vmem>>, vector<1000x128xf32>
    %swap3A_26 = arith.constant 0 : index
    %swap3A_27 = arith.constant 128 : index
    %swap3A_28 = vector.load %arg6[%swap3A_26, %swap3A_27] : memref<1000x256xf32, #tpu.memory_space<vmem>>, vector<1000x128xf32>
    tpu.vector_store %arg6[%swap3A_26, %swap3A_27], %get3A_25 {strides = array<i32>} : memref<1000x256xf32, #tpu.memory_space<vmem>>, vector<1000x128xf32>,
    return
  }
  func.func @transform_0(%arg0: i32) -> (i32, i32, i32) {
    %c0_i32 = arith.constant 0 : i32
    %c0_i32_0 = arith.constant 0 : i32
    %c0_i32_1 = arith.constant 0 : i32
    return %c0_i32, %arg0, %c0_i32_0 : i32, i32, i32
  }
  func.func @transform_1(%arg0: i32) -> (i32, i32, i32) {
    %c1_i32 = arith.constant 1 : i32
    %c0_i32 = arith.constant 0 : i32
    %c0_i32_0 = arith.constant 0 : i32
    return %c1_i32, %arg0, %c0_i32 : i32, i32, i32
  }
  func.func @transform_2(%arg0: i32) -> (i32, i32) {
    %c0_i32 = arith.constant 0 : i32
    %c0_i32_0 = arith.constant 0 : i32
    return %arg0, %c0_i32 : i32, i32
  }
  func.func @transform_3(%arg0: i32) -> (i32, i32) {
    %c0_i32 = arith.constant 0 : i32
    %c0_i32_0 = arith.constant 0 : i32
    return %arg0, %c0_i32 : i32, i32
  }
  func.func @transform_4(%arg0: i32) -> i32 {
    %c0_i32 = arith.constant 0 : i32
    %c0_i32_0 = arith.constant 0 : i32
    return %c0_i32 : i32
  }
  func.func @transform_5(%arg0: i32) -> (i32, i32) {
    %c0_i32 = arith.constant 0 : i32
    %c0_i32_0 = arith.constant 0 : i32
    return %arg0, %c0_i32 : i32, i32
  }
}

</mosaic_0001>

<sc_bundles>
// kernel: kernel.11.cloned.1.call-start
scs
__scs_entry_jumppad:
0x0: {  	(pc) =	sbr.rel $0x88, $3  }
0x1: {  	(tag) =	ssettag $0x0;
	lr =	simm.s32 $0x1  }
0x2: {  	[smem:$0x3F98] =	sst lr;
	_ =	strace $0xD0000000  }
0x3: {  	_ = 	snop  }
0x4: {  	_ = 	snop  }
0x5: {  	_ = 	snop  }
0x6: {  	_ = 	snop  }
0x7: {  	_ = 	snop  }
__scs_overlays_trampoline_lowered:
0x8: {  	[smem:$0x3FA7] =	sst s0  }
0x9: {  	[smem:$0x3FA8] =	sst s1  }
0xa: {  	[smem:$0x3FA9] =	sst s2  }
0xb: {  	[smem:$0x3FAA] =	sst s3  }
0xc: {  	[smem:$0x3FAB] =	sst s4  }
0xd: {  	[smem:$0x3FAC] =	sst s5  }
0xe: {  	[smem:$0x3FAD] =	sst s6  }
0xf: {  	[smem:$0x3FAE] =	sst s7  }
0x10: {  	[smem:$0x3FAF] =	sst s8  }
0x11: {  	[smem:$0x3FB0] =	sst s9;
	s0 =	simm.s32 @!p0 $0x0  }
0x12: {  	s1 =	sld [smem:$0x3F96];
	s0 =	simm.s32 @p0 $0x1  }
0x13: {  	[smem:$0x3FB1] =	sst s0;
	s0 =	simm.s32 @!p1 $0x0  }
0x14: {  	s2 =	sld [smem:$0x3F95];
	s0 =	simm.s32 @p1 $0x1  }
0x15: {  	[smem:$0x3FB2] =	sst s0;
	s0 =	simm.s32 @!p2 $0x0  }
0x16: {  	s3 =	sld [smem:$0x3FDB];
	s0 =	simm.s32 @p2 $0x1  }
0x17: {  	s4 =	simm.s32 $0x1BF5;
	[smem:$0x3FB4] =	sst s0  }
0x18: {  	s0 =	sld [smem:$0x3F97];
	_ =	swait.ge [sflag:s4], $0x0  }
0x19: {  	s7 =	sld [smem:$0x3F98]  }
0x1a: {  	s8 =	sadd.s32 $0xFFFFE003, lr  }
0x1b: {  	s9 =	sadd.s32 $0xFFFFFEF7, lr;
	s5 =	simm.s32 $0xFFFFFFFF;
	p2 =	slt.u32 s8, $0xFFFFF086  }
0x1c: {  	p1 =	slt.u32 s9, $0xF7A;
	s5 =	simm.s32 @!p2 $0x0  }
0x1d: {  	s5 =	simm.s32 @p1 $0x1;
	p0 =	seq.s32 s7, s2  }
0x1e: {  	s7 =	smul.u32 @!p0 $0xF7A, s2;
	p2 =	seq.s32 @!p0 s5, $0x0  }
0x1f: {  	s9 =	smul.u32 $0xF7A, s1;
	s8 =	simm.s32 @!p0 $0x1BF5;
	p2 =	por !p2, p0  }
0x20: {  	[sflag:s8] =	ssyncset.s32 @!p0 $0xFFFFF086;
	s6 =	sadd.s32 @!p0 s3, s7;
	s7 =	simm.s32 @!p0 $0x108  }
0x21: {  	s3 =	sadd.s32 s3, s9;
	s6 =	sadd.s32 @!p0 $0x88, s6;
	s7 =	simm.s32 @p2 $0x1082  }
0x22: {  	[simem:s7], [sflag:s8] =	dma.local @!p0 [hbm:s6], $0xF7A  }
0x23: {  	s9 =	sor.u32 $0xD0000000, s2;
	s6 =	simm.s32 $0x108;
	_ =	swait.ge @!p0 [sflag:s8], $0x0  }
0x24: {  	s3 =	sadd.s32 $0x88, s3;
	s6 =	simm.s32 @!p1 $0x1082;
	[sflag:s4] =	ssyncset.s32 $0xFFFFF086  }
0x25: {  	[simem:s6], [sflag:s4] =	dma.local [hbm:s3], $0xF7A  }
0x26: {  	[smem:$0x3F98] =	sst s1;
	(tag) =	ssettag s2;
	_ =	strace s9  }
0x27: {  	s1 =	sld [smem:$0x3FA8]  }
0x28: {  	s2 =	sld [smem:$0x3FA9]  }
0x29: {  	s4 =	sld [smem:$0x3FAB]  }
0x2a: {  	p0 =	seq.s32 s5, $0x0;
	s5 =	sld [smem:$0x3FAC]  }
0x2b: {  	s6 =	sld [smem:$0x3FAD]  }
0x2c: {  	s7 =	sld [smem:$0x3FAE]  }
0x2d: {  	s3 =	simm.s32 $0x108;
	s8 =	sld [smem:$0x3FAF]  }
0x2e: {  	s3 =	simm.s32 @!p0 $0x1082;
	s9 =	sld [smem:$0x3FB0]  }
0x2f: {  	lr =	sadd.s32 s0, s3;
	s0 =	sld [smem:$0x3FA7]  }
0x30: {  	s3 =	sld [smem:$0x3FAA]  }
0x31: {  	[smem:$0x3FB3] =	sst s10  }
0x32: {  	s10 =	sld [smem:$0x3FB1];
	_ =	sdelay $0x3  }
0x33: {  	p0 =	seq.s32 s10, $0x1;
	s10 =	sld [smem:$0x3FB3];
	_ =	sdelay $0x3  }
0x34: {  	[smem:$0x3FB3] =	sst s10  }
0x35: {  	s10 =	sld [smem:$0x3FB2];
	_ =	sdelay $0x3  }
0x36: {  	p1 =	seq.s32 s10, $0x1;
	s10 =	sld [smem:$0x3FB3];
	_ =	sdelay $0x3  }
0x37: {  	[smem:$0x3FB3] =	sst s10  }
0x38: {  	s10 =	sld [smem:$0x3FB4]  }
0x39: {  	_ = 	snop;
	(pc) =	sbr.ind lr, $3  }
0x3a: {  	_ = 	snop  }
0x3b: {  	_ = 	snop  }
0x3c: {  	p2 =	seq.s32 s10, $0x1;
	s10 =	sld [smem:$0x3FB3]  }
0x3d: {  	_ =	shalt  }
0x3e: {  	_ =	shalt  }
0x3f: {  	_ =	shalt  }
0x40: {  	_ =	shalt  }
0x41: {  	_ =	shalt  }
0x42: {  	_ =	shalt  }
0x43: {  	_ =	shalt  }
0x44: {  	_ =	shalt  }
0x45: {  	_ =	shalt  }
0x46: {  	_ =	shalt  }
0x47: {  	_ =	shalt  }
0x48: {  	_ =	shalt  }
0x49: {  	_ =	shalt  }
0x4a: {  	_ =	shalt  }
0x4b: {  	_ =	shalt  }
0x4c: {  	_ =	shalt  }
0x4d: {  	_ =	shalt  }
0x4e: {  	_ =	shalt  }
0x4f: {  	_ =	shalt  }
0x50: {  	_ =	shalt  }
0x51: {  	_ =	shalt  }
0x52: {  	_ =	shalt  }
0x53: {  	_ =	shalt  }
0x54: {  	_ =	shalt  }
0x55: {  	_ =	shalt  }
0x56: {  	_ =	shalt  }
0x57: {  	_ =	shalt  }
0x58: {  	_ =	shalt  }
0x59: {  	_ =	shalt  }
0x5a: {  	_ =	shalt  }
0x5b: {  	_ =	shalt  }
0x5c: {  	_ =	shalt  }
0x5d: {  	_ =	shalt  }
0x5e: {  	_ =	shalt  }
0x5f: {  	_ =	shalt  }
0x60: {  	_ =	shalt  }
0x61: {  	_ =	shalt  }
0x62: {  	_ =	shalt  }
0x63: {  	_ =	shalt  }
0x64: {  	_ =	shalt  }
0x65: {  	_ =	shalt  }
0x66: {  	_ =	shalt  }
0x67: {  	_ =	shalt  }
0x68: {  	_ =	shalt  }
0x69: {  	_ =	shalt  }
0x6a: {  	_ =	shalt  }
0x6b: {  	_ =	shalt  }
0x6c: {  	_ =	shalt  }
0x6d: {  	_ =	shalt  }
0x6e: {  	_ =	shalt  }
0x6f: {  	_ =	shalt  }
0x70: {  	_ =	shalt  }
0x71: {  	_ =	shalt  }
0x72: {  	_ =	shalt  }
0x73: {  	_ =	shalt  }
0x74: {  	_ =	shalt  }
0x75: {  	_ =	shalt  }
0x76: {  	_ =	shalt  }
0x77: {  	_ =	shalt  }
0x78: {  	_ =	shalt  }
0x79: {  	_ =	shalt  }
0x7a: {  	_ =	shalt  }
0x7b: {  	_ =	shalt  }
0x7c: {  	_ =	shalt  }
0x7d: {  	_ =	shalt  }
0x7e: {  	_ =	shalt  }
0x7f: {  	_ =	shalt  }
0x80: {  	_ =	shalt  }
0x81: {  	_ =	shalt  }
0x82: {  	_ =	shalt  }
0x83: {  	_ =	shalt  }
0x84: {  	_ =	shalt  }
0x85: {  	_ =	shalt  }
0x86: {  	_ =	shalt  }
0x87: {  	_ =	shalt  }
.Lfunc_end0:
.L_simem_size_0:
called_computation_lowered:
.L_overlay_start_0:
0x88: {  	s2 =	sld [smem:$0x3FD9]  }
0x89: {  	s3 =	sld [smem:$0x3FFE];
	_ =	sdelay $0x1  }
0x8a: {  	s1 =	srdreg.scid  }
0x8b: {  	s0 =	sand.u32 $0x1, s1  }
0x8c: {  	s17 =	sshll.u32 s0, $0xA;
	s2 =	sadd.s32 s3, s2  }
0x8d: {  	s2 =	sadd.s32 s2, s17  }
0x8e: {  	[smem:$0x3FBF] =	sst s2  }
0x8f: {  	_ = 	snop  }
0x90: {  	s2 =	sld [smem:$0x3FD0];
	(tm) =	ssettm $0x1  }
0x91: {  	s18 =	sld [smem:$0x3FFB];
	_ =	sdelay $0x3  }
0x92: {  	_ =	strace s18  }
0x93: {  	s3 =	sld [smem:$0x3FFC];
	_ =	sdelay $0x3  }
0x94: {  	_ =	strace s3  }
0x95: {  	s3 =	sld [smem:$0x3FFD];
	_ =	sdelay $0x3  }
0x96: {  	_ =	strace s3  }
0x97: {  	_ =	strace $0x8FFFFFFF  }
0x98: {  	s19 =	sld [smem:$0x3FDB];
	_ =	sdelay $0x1  }
0x99: {  	s4 =	simm.s32 $_scs_section_size  }
0x9a: {  	s5 =	simm.s32 $_size__tile_overlayer_lowered;
	s6 =	simm.s32 $_tile_overlayer_lowered  }
0x9b: {  	s22 =	simm.s32 $0x1BFF;
	s21 =	sshll.u32 s6, $0x1;
	s3 =	sadd.s32 s4, s19  }
0x9c: {  	s7 =	simm.s32 $0x0;
	s20 =	sshll.u32 s5, $0x1;
	s5 =	sadd.s32 s21, s3  }
0x9d: {  	[timem:s7], [sflag:s22] =	dma.local [hbm:s5], s20  }
0x9e: {  	_ =	swait.ge [sflag:s22], s20  }
0x9f: {  	s4 =	ssub.s32 $0x0, s20;
	[sflag:s22] =	ssyncset.done $0x0  }
0xa0: {  	[sflag:s22] =	ssyncadd.s32 s4;
	_ =	sdelay $0x1  }
0xa1: {  	s23 =	simm.s32 $0x1B8B  }
0xa2: {  	_ =	swait.ge [sflag:s23], $0x1  }
0xa3: {  	[sflag:s23] =	ssyncset.done $0x0  }
0xa4: {  	s25 =	simm.s32 $0x1B8E;
	s24 =	sld [smem:$0x3FFE];
	[sflag:s23] =	ssyncadd.s32 $0xFFFFFFFF  }
0xa5: {  	s26 =	simm.s32 $execute0_lowered;
	[smem:$0x3FD2] =	sst s25  }
0xa6: {  	s5 =	sshll.u32 s26, $0x1;
	_ =	strace $0x80000046;
	[dreg:$0x1] =	wrdreg $0xFFFFFFFF  }
0xa7: {  	s28 =	simm.s32 $_size_execute0_lowered;
	s3 =	sadd.s32 s3, s5;
	[dreg:$0x0] =	wrdreg $0x0  }
0xa8: {  	s5 =	sshll.u32 s28, $0x1;
	[dreg:$0x2] =	wrdreg s3  }
0xa9: {  	[dreg:$0x3] =	wrdreg s5  }
0xaa: {  	[dreg:$0x4] =	wrdreg $0xC0  }
0xab: {  	_ =	task [dreg:s7], $0x5FFFF  }
0xac: {  	[dreg:$0x1] =	wrdreg $0xFFFFFFFF  }
0xad: {  	[dreg:$0x0] =	wrdreg $0x60  }
0xae: {  	[dreg:$0x2] =	wrdreg s24  }
0xaf: {  	[dreg:$0x3] =	wrdreg s2  }
0xb0: {  	[dreg:$0x4] =	wrdreg $0xC6000  }
0xb1: {  	[dreg:$0x5] =	wrdreg $0x9  }
0xb2: {  	_ =	task.clear_ibuf [dreg:s7], $0x6FFFF;
	_ =	strace $0x90000046  }
0xb3: {  	s29 =	simm.s32 $0x9;
	_ =	strace $0x80000048  }
0xb4: {  	_ =	swait.ge [sflag:s29], $0x1  }
0xb5: {  	[sflag:s29] =	ssyncadd.s32 $0xFFFFFFFF  }
0xb6: {  	_ =	strace $0x90000048  }
0xb7: {  	_ =	sfence  }
0xb8: {  	s30 =	sld [smem:$0x0];
	_ =	sdelay $0x2  }
0xb9: {  	s31 =	sshll.u32 s1, $0xD;
	s1 =	sshrl.u32 s1, $0x2  }
0xba: {  	s3 =	sand.u32 $0x4000, s31;
	s1 =	sadd.s32 s1, s30  }
0xbb: {  	s0 =	sor.u32 s3, s0;
	s1 =	sshll.u32 s1, $0x11  }
0xbc: {  	s0 =	sor.u32 s1, s0  }
0xbd: {  	s0 =	sadd.s32 $0x8F2B, s0  }
0xbe: {  	[sflag:s0] =	ssyncadd.remote.s32 $0x1  }
0xbf: {  	_ =	sfence.sel $0xFFFF  }
0xc0: {  	[dreg:$0x0] =	wrdreg $0xFFFFFFFF;
	(pc) =	sbr.abs _section_cstart, $3  }
0xc1: {  	[dreg:$0x1] =	wrdreg $0xFFFFFFFF  }
0xc2: {  	_ =	task.clear_ibuf [dreg:s7], $0x2FFFF;
	_ =	strace $0x9FFFFFFF  }
0xc3: {  	(tm) =	ssettm $0x7FFFFFFF  }
tec
execute0_lowered:
.L_overlay_start_1:
0x0: {  	(tag) =	ssettag $0x1  }
0x1: {  	s0 =	rddreg [dreg:$0x0]  }
0x2: {  	s2 =	rddreg [dreg:$0x1]  }
0x3: {  	s1 =	rddreg [dreg:$0x2]  }
0x4: {  	s3 =	srdreg.scid;
	s13 =	stileid.u32  }
0x5: {  	s28 =	simm.s32 $0x2;
	s30 =	simm.s32 $0x3;
	s6 =	smul.u32 $0x2780, s13  }
0x6: {  	s31 =	simm.s32 $0xE;
	s29 =	simm.s32 $0x11;
	s11 =	smul.u32 $0x4F000, s13  }
0x7: {  	s5 =	sand.u32 $0x1, s3;
	s3 =	simm.s32 $0x0;
	s18 =	smul.u32 $0x13C00, s13  }
0x8: {  	s8 =	sadd.s32 $0x50A00, s0;
	s20 =	smul.u32 $0x9D00, s13;
	s21 =	sadd.s32 $0x128400, s1  }
0x9: {  	p0 =	seq.s32 s13, $0xF;
	s4 =	sshll.u32 s5, $0x4;
	s15 =	smul.u32 $0x138C00, s5  }
0xa: {  	[smem:$0x7FF] =	sst s3;
	s9 =	ssub.s32 $0x2, s5;
	s5 =	smul.u32 $0x9D000, s5  }
0xb: {  	s7 =	sor.u32 s13, s4;
	_ =	strace $0x80000047;
	s4 =	sadd.s32 $0x2600, s0  }
0xc: {  	s6 =	sadd.s32 s6, s0;
	s10 =	sshrl.u32 s9, $0x1;
	s11 =	sshrl.u32 s11, $0x2  }
0xd: {  	[dreg:$0xc] =	wrdreg s21;
	s0 =	sadd.s32 $0x4E880, s0;
	s7 =	smul.u32 $0x9D00, s7  }
0xe: {  	s9 =	ssub.s32 s9, s10;
	s11 =	sadd.s32 s11, s1;
	[dreg:$0xd] =	wrdreg s0  }
0xf: {  	s6 =	sadd.s32 $0x29800, s6;
	s22 =	sadd.s32 s18, s15;
	[dreg:$0xa] =	wrdreg s11  }
0x10: {  	s5 =	sadd.s32 s20, s5;
	s23 =	sshrl.u32 s15, $0x3;
	[dreg:$0xb] =	wrdreg s6  }
0x11: {  	s0 =	sshrl.u32 s22, $0x3;
	s5 =	sadd.s32 $0x600, s5;
	s25 =	smax.u32 s9, $0x1  }
0x12: {  	s7 =	sshrl.u32 s7, $0x3;
	s0 =	sadd.s32 s8, s0;
	[dreg:$0x10] =	wrdreg s25  }
0x13: {  	s24 =	sadd.s32 s8, s23;
	s12 =	sadd.s32 s2, s7;
	[dreg:$0xe] =	wrdreg s0  }
0x14: {  	s5 =	sshrl.u32 s5, $0x3;
	s0 =	sadd.s32 $0x25080, s24;
	[dreg:$0x4] =	wrdreg s12  }
0x15: {  	s23 =	simm.s32 $0x10;
	s26 =	sadd.s32 s5, s2;
	[dreg:$0xf] =	wrdreg s0  }
0x16: {  	s6 =	simm.s32 $0x12;
	s16 =	sadd.s32 $0x20, s12;
	[dreg:$0x11] =	wrdreg s26  }
0x17: {  	s25 =	simm.s32 $0x40;
	s17 =	sadd.s32 $0x40, s12;
	[dreg:$0x5] =	wrdreg s16  }
0x18: {  	s8 =	simm.s32 $0x0;
	s14 =	sadd.s32 $0x60, s12;
	[dreg:$0x6] =	wrdreg s17  }
0x19: {  	s2 =	simm.s32 $0xF;
	s19 =	sadd.s32 $0x80, s12;
	[dreg:$0x7] =	wrdreg s14  }
0x1a: {  	s7 =	simm.s32 $0xD;
	s12 =	sadd.s32 $0xA0, s12;
	[dreg:$0x8] =	wrdreg s19  }
0x1b: {  	s0 =	simm.s32 $0x4;
	s26 =	simm.s32 $0x5;
	[dreg:$0x9] =	wrdreg s12  }
.LBB2_1:
0x1c: {  	s5 =	rddreg [dreg:$0x4]  }
0x1d: {  	[tilespmem:s3], [sflag:$0x1] =	stream.linear.gather [hbm4b:s5+s3], $0x100, $0x38;
	[tilespmem:$0x1FEC0] =	vst v63  }
0x1e: {  	s16 =	rddreg [dreg:$0x5];
	s9 =	simm.s32 $0x100  }
0x1f: {  	[tilespmem:s9], [sflag:$0x2] =	stream.linear.gather [hbm4b:s16+s3], $0x100, $0x38;
	[tilespmem:$0x1FEC0] =	vst v63  }
0x20: {  	s17 =	rddreg [dreg:$0x6];
	s10 =	simm.s32 $0x200  }
0x21: {  	[tilespmem:s10], [sflag:$0x3] =	stream.linear.gather [hbm4b:s17+s3], $0x100, $0x38;
	[tilespmem:$0x1FEC0] =	vst v63  }
0x22: {  	s18 =	rddreg [dreg:$0x7];
	s11 =	simm.s32 $0x300  }
0x23: {  	[tilespmem:s11], [sflag:$0x4] =	stream.linear.gather [hbm4b:s18+s3], $0x100, $0x38;
	[tilespmem:$0x1FEC0] =	vst v63  }
0x24: {  	s19 =	rddreg [dreg:$0x8];
	s12 =	simm.s32 $0x400  }
0x25: {  	[tilespmem:s12], [sflag:$0x5] =	stream.linear.gather [hbm4b:s19+s3], $0x100, $0x38;
	[tilespmem:$0x1FEC0] =	vst v63  }
0x26: {  	s20 =	rddreg [dreg:$0x9];
	s13 =	simm.s32 $0x500;
	s21 =	simm.s32 $0x1  }
0x27: {  	[tilespmem:s13], [sflag:$0x6] =	stream.linear.gather [hbm4b:s20+s3], $0x100, $0x38;
	[tilespmem:$0x1FEC0] =	vst v63  }
0x28: {  	_ =	swait.ge [sflag:s21], $0x100  }
0x29: {  	[sflag:s21] =	ssyncset.done $0x0  }
0x2a: {  	s22 =	simm.s32 $0x600;
	[sflag:s21] =	ssyncadd.s32 $0xFFFFFF00  }
0x2b: {  	[tilespmem:s22], [sflag:$0x7] =	stream.indirect.gather [hbm4b:s4+s25], $0x80, s3, s25, $0xb8;
	[tilespmem:$0x1FEC0] =	vst v63  }
0x2c: {  	_ =	swait.ge [sflag:s28], $0x100  }
0x2d: {  	[sflag:s28] =	ssyncset.done $0x0  }
0x2e: {  	s24 =	simm.s32 $0x2600;
	[sflag:s28] =	ssyncadd.s32 $0xFFFFFF00  }
0x2f: {  	[tilespmem:s24], [sflag:$0x8] =	stream.indirect.gather [hbm4b:s4+s25], $0x80, s9, s25, $0xb8;
	[tilespmem:$0x1FEC0] =	vst v63  }
0x30: {  	_ =	swait.ge [sflag:s30], $0x100  }
0x31: {  	[sflag:s30] =	ssyncset.done $0x0  }
0x32: {  	s13 =	simm.s32 $0x4600;
	[sflag:s30] =	ssyncadd.s32 $0xFFFFFF00  }
0x33: {  	[tilespmem:s13], [sflag:$0x9] =	stream.indirect.gather [hbm4b:s4+s25], $0x80, s10, s25, $0xb8;
	[tilespmem:$0x1FEC0] =	vst v63  }
0x34: {  	_ =	swait.ge [sflag:s0], $0x100  }
0x35: {  	[sflag:s0] =	ssyncset.done $0x0  }
0x36: {  	s14 =	simm.s32 $0x6600;
	[sflag:s0] =	ssyncadd.s32 $0xFFFFFF00  }
0x37: {  	[tilespmem:s14], [sflag:$0xA] =	stream.indirect.gather [hbm4b:s4+s25], $0x80, s11, s25, $0xb8;
	[tilespmem:$0x1FEC0] =	vst v63  }
0x38: {  	_ =	swait.ge [sflag:s26], $0x100  }
0x39: {  	s5 =	rddreg [dreg:$0xc]  }
0x3a: {  	s15 =	simm.s32 $0x8600;
	[sflag:s26] =	ssyncset.done $0x0;
	s10 =	rddreg [dreg:$0xd]  }
0x3b: {  	[sflag:s26] =	ssyncadd.s32 $0xFFFFFF00;
	s9 =	sshrl.u32 @p0 s5, $0x3;
	s5 =	simm.s32 @p0 $0x1FD3  }
0x3c: {  	[tilespmem:s15], [sflag:$0xB] =	stream.indirect.gather [hbm4b:s4+s25], $0x80, s12, s25, $0xb8;
	[tilespmem:$0x1FEC0] =	vst v63  }
0x3d: {  	[spmem:s9], [sflag:s5] =	dma.local @p0 [hbm:s10], $0x2100  }
0x3e: {  	s5 =	simm.s32 @p0 $0x13  }
0x3f: {  	_ =	swait.ge @p0 [sflag:s5], $0x2100  }
0x40: {  	s16 =	simm.s32 $0x5;
	s10 =	stileid.u32;
	[sflag:s5] =	ssyncset.done @p0 $0x0  }
0x41: {  	s10 =	sshll.u32 @!p0 s10, $0x6;
	[sflag:s5] =	ssyncadd.s32 @p0 $0xFFFFDF00;
	s5 =	rddreg [dreg:$0xa]  }
0x42: {  	s10 =	sor.u32 @!p0 $0x1C13, s10;
	s11 =	sshrl.u32 @!p0 s5, $0x3;
	s5 =	rddreg [dreg:$0xb]  }
0x43: {  	[spmem:s11], [sflag:s10] =	dma.local @!p0 [hbm:s5], $0x2780  }
0x44: {  	s5 =	sand.u32 $0xFF, s16  }
0x45: {  	s5 =	smul.u32 $0xAB, s5;
	_ =	sdelay $0x1  }
0x46: {  	s17 =	smul.u32 $0xAB, s3;
	s5 =	sshrl.u32 s5, $0xA  }
0x47: {  	p1 =	por $0x0, $0x0;
	s12 =	simm.s32 @!p0 $0x13;
	s5 =	smul.u32 $0x6, s5  }
0x48: {  	p2 =	por @!p1 $0x1, $0x1;
	_ =	swait.ge @!p0 [sflag:s12], $0x2780  }
0x49: {  	s13 =	sshrl.u32 s17, $0xA;
	[sflag:s12] =	ssyncset.done @!p0 $0x0;
	s5 =	ssub.s32 $0x5, s5  }
0x4a: {  	s13 =	sand.u32 $0x3F, s13;
	[sflag:s12] =	ssyncadd.s32 @!p0 $0xFFFFD880;
	s5 =	sand.u32 $0xFF, s5  }
0x4b: {  	s13 =	smul.u32 $0x6, s13;
	[bflag:$0x0] =	sbarrier.arrive $0xFFFF;
	s15 =	sadd.s32 @!p1 $0x1, s5  }
0x4c: {  	p2 =	por p2, p1;
	s18 =	simm.s32 @!p1 $0x40;
	_ =	swait.ge @!p1 [sflag:s15], $0x100  }
0x4d: {  	s14 =	simm.s32 $0x2;
	s13 =	ssub.s32 $0x0, s13;
	[sflag:s15] =	ssyncset.done @!p1 $0x0  }
0x4e: {  	s12 =	simm.s32 $0x1;
	s17 =	sadd.s32 @!p2 $0xD, s5;
	[sflag:s15] =	ssyncadd.s32 @!p1 $0xFFFFFF00  }
0x4f: {  	s16 =	sshll.u32 @!p1 s5, $0xD;
	s19 =	sshll.u32 @!p1 s5, $0x8;
	_ =	swait.ge @!p2 [sflag:s17], $0x2000  }
0x50: {  	s5 =	sadd.s32 @!p1 $0x7, s5;
	s15 =	sand.u32 $0xFF, s13;
	[sflag:s17] =	ssyncset.done @!p2 $0x0  }
0x51: {  	s16 =	sor.u32 @!p1 $0x600, s16;
	s21 =	sadd.s32 $0xD, s15;
	[sflag:s17] =	ssyncadd.s32 @!p2 $0xFFFFE000  }
0x52: {  	[tilespmem:s16], [sflag:s5] =	stream.indirect.gather @!p1 [hbm4b:s4+s18], $0x80, s19, s18, $0xb8;
	[tilespmem:$0x1FEC0] =	vst v63  }
0x53: {  	s20 =	sshll.u32 s15, $0x8;
	s17 =	simm.s32 $0x0;
	s16 =	sadd.s32 $0x7, s15  }
0x54: {  	s18 =	sshll.u32 s15, $0xD;
	s19 =	simm.s32 $0x6;
	s5 =	sor.u32 $0x80, s20  }
0x55: {  	_ =	swait.ge [sflag:s16], $0x2000;
	s24 =	sand.u32 $0xFF, s19;
	s13 =	sor.u32 $0x600, s18  }
0x56: {  	[sflag:s16] =	ssyncset.done $0x0;
	s22 =	smul.u32 $0xAB, s24;
	s18 =	rddreg [dreg:$0x11]  }
.LBB2_2:
0x57: {  	[sflag:s16] =	ssyncadd.s32 $0xFFFFE000;
	s24 =	smov.u32 s14;
	s14 =	sadd.s32 $0x1, s14  }
0x58: {  	p2 =	sgt.u32 s17, $0x96;
	p1 =	sne.s32 s14, $0x9D;
	s16 =	sshrl.u32 s22, $0xA  }
0x59: {  	[spmem:s1] =	stream.indirect.scatter.add.f32 [tilespmem:s13], [sflag:s21], $0x80, s5, s25, $0xb8;
	[tilespmem:$0x1FEC0] =	vst v63  }
0x5a: {  	s5 =	smul.u32 $0x6, s16;
	s13 =	sadd.s32 @!p2 $0x1, s15;
	s15 =	simm.s32 @!p2 $0x0  }
0x5b: {  	[tilespmem:s20], [sflag:s13] =	stream.linear.gather @!p2 [hbm4b:s18+s15], $0x100, $0x38;
	[tilespmem:$0x1FEC0] =	vst v63  }
0x5c: {  	s13 =	smul.u32 $0xAB, s12;
	s5 =	ssub.s32 s19, s5;
	p2 =	sgt.u32 s12, $0x97  }
0x5d: {  	s18 =	sadd.s32 $0x20, s18;
	s5 =	sand.u32 $0xFF, s5;
	p3 =	seq.s32 @!p2 s12, $0x0  }
0x5e: {  	s13 =	sshrl.u32 s13, $0xA;
	s15 =	sadd.s32 @!p2 $0x1, s5;
	p3 =	por p3, p2  }
0x5f: {  	s16 =	sshll.u32 @!p2 s5, $0xD;
	s13 =	sand.u32 $0x3F, s13;
	_ =	swait.ge @!p2 [sflag:s15], $0x100  }
0x60: {  	s19 =	sor.u32 @!p2 $0x600, s16;
	s13 =	smul.u32 $0x6, s13;
	[sflag:s15] =	ssyncset.done @!p2 $0x0  }
0x61: {  	s20 =	simm.s32 @!p2 $0x40;
	s16 =	sadd.s32 @!p3 $0xD, s5;
	[sflag:s15] =	ssyncadd.s32 @!p2 $0xFFFFFF00  }
0x62: {  	s21 =	sshll.u32 @!p2 s5, $0x8;
	s13 =	ssub.s32 s12, s13;
	_ =	swait.ge @!p3 [sflag:s16], $0x2000  }
0x63: {  	s5 =	sadd.s32 @!p2 $0x7, s5;
	s15 =	sand.u32 $0xFF, s13;
	[sflag:s16] =	ssyncset.done @!p3 $0x0  }
0x64: {  	s17 =	smov.u32 s12;
	[sflag:s16] =	ssyncadd.s32 @!p3 $0xFFFFE000;
	s16 =	sadd.s32 $0x7, s15  }
.Ltmp0:
0x65: {  	s12 =	smov.u32 s24;
	s13 =	sshll.u32 s15, $0xD;
	(pc) =	sbr.rel @p1 .LBB2_2-.Ltmp0, $4  }
0x66: {  	[tilespmem:s19], [sflag:s5] =	stream.indirect.gather @!p2 [hbm4b:s4+s20], $0x80, s21, s20, $0xb8;
	[tilespmem:$0x1FEC0] =	vst v63  }
0x67: {  	s19 =	sadd.s32 $0x5, s12;
	s21 =	sadd.s32 $0xD, s15;
	_ =	swait.ge [sflag:s16], $0x2000  }
0x68: {  	s20 =	sshll.u32 s15, $0x8;
	s5 =	sand.u32 $0xFF, s19;
	[sflag:s16] =	ssyncset.done $0x0  }
0x69: {  	s13 =	sor.u32 $0x600, s13;
	s22 =	smul.u32 $0xAB, s5;
	s5 =	sor.u32 $0x80, s20  }
0x6a: {  	[sflag:s16] =	ssyncadd.s32 $0xFFFFE000  }
0x6b: {  	[spmem:s1] =	stream.indirect.scatter.add.f32 [tilespmem:s13], [sflag:s21], $0x80, s5, s25, $0xb8;
	[tilespmem:$0x1FEC0] =	vst v63  }
0x6c: {  	p1 =	sgt.u32 s17, $0x96;
	s17 =	smul.u32 $0xAB, s12;
	s16 =	sshrl.u32 s22, $0xA  }
0x6d: {  	s13 =	sadd.s32 @!p1 $0x1, s15;
	s14 =	simm.s32 @!p1 $0x0;
	s5 =	smul.u32 $0x6, s16  }
0x6e: {  	[tilespmem:s20], [sflag:s13] =	stream.linear.gather @!p1 [hbm4b:s18+s14], $0x100, $0x38;
	[tilespmem:$0x1FEC0] =	vst v63  }
0x6f: {  	s5 =	ssub.s32 s19, s5  }
0x70: {  	p1 =	sgt.u32 s12, $0x97;
	s13 =	sshrl.u32 s17, $0xA;
	s5 =	sand.u32 $0xFF, s5  }
0x71: {  	s13 =	sand.u32 $0x3F, s13;
	s14 =	sadd.s32 @!p1 $0x1, s5  }
0x72: {  	p2 =	seq.s32 @!p1 s12, $0x0;
	s13 =	smul.u32 $0x6, s13;
	_ =	swait.ge @!p1 [sflag:s14], $0x100  }
0x73: {  	s16 =	simm.s32 @!p1 $0x40;
	p2 =	por p2, p1;
	[sflag:s14] =	ssyncset.done @!p1 $0x0  }
0x74: {  	s13 =	ssub.s32 s12, s13;
	[sflag:s14] =	ssyncadd.s32 @!p1 $0xFFFFFF00;
	s14 =	sadd.s32 @!p2 $0xD, s5  }
0x75: {  	s15 =	sshll.u32 @!p1 s5, $0xD;
	s13 =	sand.u32 $0xFF, s13;
	_ =	swait.ge @!p2 [sflag:s14], $0x2000  }
0x76: {  	s15 =	sor.u32 @!p1 $0x600, s15;
	s19 =	sadd.s32 $0x7, s13;
	[sflag:s14] =	ssyncset.done @!p2 $0x0  }
0x77: {  	[sflag:s14] =	ssyncadd.s32 @!p2 $0xFFFFE000;
	s14 =	sshll.u32 @!p1 s5, $0x8;
	s5 =	sadd.s32 @!p1 $0x7, s5  }
0x78: {  	[tilespmem:s15], [sflag:s5] =	stream.indirect.gather @!p1 [hbm4b:s4+s16], $0x80, s14, s16, $0xb8;
	[tilespmem:$0x1FEC0] =	vst v63  }
0x79: {  	s20 =	sshll.u32 s13, $0xD;
	s21 =	sadd.s32 $0xD, s13;
	_ =	swait.ge [sflag:s19], $0x2000  }
0x7a: {  	s16 =	sshll.u32 s13, $0x8;
	s14 =	sor.u32 $0x600, s20;
	[sflag:s19] =	ssyncset.done $0x0  }
0x7b: {  	p1 =	sgt.u32 s12, $0x96;
	s22 =	sor.u32 $0x80, s16;
	[sflag:s19] =	ssyncadd.s32 $0xFFFFE000  }
0x7c: {  	[spmem:s1] =	stream.indirect.scatter.add.f32 [tilespmem:s14], [sflag:s21], $0x80, s22, s25, $0xb8;
	[tilespmem:$0x1FEC0] =	vst v63  }
0x7d: {  	s5 =	sadd.s32 $0x20, s18;
	s12 =	sadd.s32 @!p1 $0x1, s13;
	s13 =	simm.s32 @!p1 $0x0  }
0x7e: {  	[tilespmem:s16], [sflag:s12] =	stream.linear.gather @!p1 [hbm4b:s5+s13], $0x100, $0x38;
	[tilespmem:$0x1FEC0] =	vst v63  }
0x7f: {  	_ =	swait.ge [sflag:s31], $0x2000  }
0x80: {  	[sflag:s31] =	ssyncset.done $0x0  }
0x81: {  	[sflag:s31] =	ssyncadd.s32 $0xFFFFE000  }
0x82: {  	_ =	swait.ge [sflag:s2], $0x2000  }
0x83: {  	[sflag:s2] =	ssyncset.done $0x0  }
0x84: {  	[sflag:s2] =	ssyncadd.s32 $0xFFFFE000  }
0x85: {  	_ =	swait.ge [sflag:s23], $0x2000  }
0x86: {  	[sflag:s23] =	ssyncset.done $0x0  }
0x87: {  	[sflag:s23] =	ssyncadd.s32 $0xFFFFE000  }
0x88: {  	_ =	swait.ge [sflag:s29], $0x2000  }
0x89: {  	[sflag:s29] =	ssyncset.done $0x0  }
0x8a: {  	[sflag:s29] =	ssyncadd.s32 $0xFFFFE000  }
0x8b: {  	_ =	swait.ge [sflag:s6], $0x2000  }
0x8c: {  	[sflag:s6] =	ssyncset.done $0x0  }
0x8d: {  	[sflag:s6] =	ssyncadd.s32 $0xFFFFE000  }
0x8e: {  	_ =	swait.ge [sflag:s7], $0x2000  }
0x8f: {  	[sflag:s7] =	ssyncset.done $0x0  }
0x90: {  	[sflag:s7] =	ssyncadd.s32 $0xFFFFE000  }
0x91: {  	[bflag:$0x0] =	sbarrier.arrive $0xFFFF  }
0x92: {  	s5 =	simm.s32 @p0 $0x1FD3;
	s12 =	rddreg [dreg:$0xf]  }
0x93: {  	[hbm:s12], [sflag:s5] =	dma.local @p0 [spmem:s9], $0x2100  }
0x94: {  	s5 =	simm.s32 @p0 $0x13  }
0x95: {  	_ =	swait.ge @p0 [sflag:s5], $0x2100  }
0x96: {  	[sflag:s5] =	ssyncset.done @p0 $0x0  }
0x97: {  	[sflag:s5] =	ssyncadd.s32 @p0 $0xFFFFDF00;
	s5 =	rddreg [dreg:$0xe]  }
0x98: {  	[hbm:s5], [sflag:s10] =	dma.local @!p0 [spmem:s11], $0x2780  }
0x99: {  	s5 =	simm.s32 @!p0 $0x13  }
0x9a: {  	_ =	swait.ge @!p0 [sflag:s5], $0x2780  }
0x9b: {  	s8 =	sadd.s32 $0x1, s8;
	s24 =	rddreg [dreg:$0x10]  }
0x9c: {  	p1 =	sne.s32 s8, s24  }
.Ltmp1:
0x9d: {  	_ = 	snop;
	(pc) =	sbr.rel @p1 .LBB2_1-.Ltmp1, $3  }
0x9e: {  	_ =	sdelay $0x1  }
0x9f: {  	[sflag:s5] =	ssyncset.done @!p0 $0x0  }
0xa0: {  	[sflag:s5] =	ssyncadd.s32 @!p0 $0xFFFFD880  }
0xa1: {  	_ =	sfence.sel $0x180000  }
0xa2: {  	[bflag:$0x0] =	sbarrier.arrive $0xFFFF  }
0xa3: {  	_ =	strace $0x90000047  }
0xa4: {  	s0 =	stileid.u32;
	[bflag:$0x2] =	sbarrier.arrive $0xFFFF  }
0xa5: {  	p0 =	sne.s32 s0, $0x0;
	s0 =	rddreg [dreg:$0x3]  }
0xa6: {  	s0 =	sadd.s32 @!p0 $0x100000, s0  }
0xa7: {  	[sflag:s0] =	ssyncadd.tile.s32 @!p0 $0x1;
	_ =	shalt  }
.Lfunc_end2:
_tile_overlayer_lowered:
.L_overlay_start_2:
0xa8: {  	(tag) =	ssettag $0x2  }
0xa9: {  	s0 =	rddreg [dreg:$0x0];
	s2 =	stileid.u32  }
0xaa: {  	s1 =	rddreg [dreg:$0x1];
	p0 =	sne.s32 s2, $0x0  }
0xab: {  	s3 =	rddreg [dreg:$0x2];
	[bflag:$0x3] =	sbarrier.arrive $0xFFFF;
	s2 =	simm.s32 @!p0 $0x1C13  }
0xac: {  	[timem:s3], [sflag:s2] =	dma.local @!p0 [hbm:s0], s1  }
0xad: {  	s0 =	simm.s32 @!p0 $0x13  }
0xae: {  	_ =	swait.ge @!p0 [sflag:s0], s1  }
0xaf: {  	s1 =	ssub.s32 @!p0 $0x0, s1;
	[sflag:s0] =	ssyncset.done @!p0 $0x0  }
0xb0: {  	[sflag:s0] =	ssyncadd.s32 @!p0 s1  }
0xb1: {  	[bflag:$0x3] =	sbarrier.arrive $0xFFFF  }
0xb2: {  	_ =	shalt  }

// kernel: kernel.14.cloned.1.call-start
scs
__scs_entry_jumppad:
0x0: {  	(pc) =	sbr.rel $0x88, $3  }
0x1: {  	(tag) =	ssettag $0x0;
	lr =	simm.s32 $0x1  }
0x2: {  	[smem:$0x3F98] =	sst lr;
	_ =	strace $0xD0000000  }
0x3: {  	_ = 	snop  }
0x4: {  	_ = 	snop  }
0x5: {  	_ = 	snop  }
0x6: {  	_ = 	snop  }
0x7: {  	_ = 	snop  }
__scs_overlays_trampoline_lowered:
0x8: {  	[smem:$0x3FA7] =	sst s0  }
0x9: {  	[smem:$0x3FA8] =	sst s1  }
0xa: {  	[smem:$0x3FA9] =	sst s2  }
0xb: {  	[smem:$0x3FAA] =	sst s3  }
0xc: {  	[smem:$0x3FAB] =	sst s4  }
0xd: {  	[smem:$0x3FAC] =	sst s5  }
0xe: {  	[smem:$0x3FAD] =	sst s6  }
0xf: {  	[smem:$0x3FAE] =	sst s7  }
0x10: {  	[smem:$0x3FAF] =	sst s8  }
0x11: {  	[smem:$0x3FB0] =	sst s9;
	s0 =	simm.s32 @!p0 $0x0  }
0x12: {  	s1 =	sld [smem:$0x3F96];
	s0 =	simm.s32 @p0 $0x1  }
0x13: {  	[smem:$0x3FB1] =	sst s0;
	s0 =	simm.s32 @!p1 $0x0  }
0x14: {  	s2 =	sld [smem:$0x3F95];
	s0 =	simm.s32 @p1 $0x1  }
0x15: {  	[smem:$0x3FB2] =	sst s0;
	s0 =	simm.s32 @!p2 $0x0  }
0x16: {  	s3 =	sld [smem:$0x3FDB];
	s0 =	simm.s32 @p2 $0x1  }
0x17: {  	s4 =	simm.s32 $0x1BF5;
	[smem:$0x3FB4] =	sst s0  }
0x18: {  	s0 =	sld [smem:$0x3F97];
	_ =	swait.ge [sflag:s4], $0x0  }
0x19: {  	s7 =	sld [smem:$0x3F98]  }
0x1a: {  	s8 =	sadd.s32 $0xFFFFE003, lr  }
0x1b: {  	s9 =	sadd.s32 $0xFFFFFEF7, lr;
	s5 =	simm.s32 $0xFFFFFFFF;
	p2 =	slt.u32 s8, $0xFFFFF086  }
0x1c: {  	p1 =	slt.u32 s9, $0xF7A;
	s5 =	simm.s32 @!p2 $0x0  }
0x1d: {  	s5 =	simm.s32 @p1 $0x1;
	p0 =	seq.s32 s7, s2  }
0x1e: {  	s7 =	smul.u32 @!p0 $0xF7A, s2;
	p2 =	seq.s32 @!p0 s5, $0x0  }
0x1f: {  	s9 =	smul.u32 $0xF7A, s1;
	s8 =	simm.s32 @!p0 $0x1BF5;
	p2 =	por !p2, p0  }
0x20: {  	[sflag:s8] =	ssyncset.s32 @!p0 $0xFFFFF086;
	s6 =	sadd.s32 @!p0 s3, s7;
	s7 =	simm.s32 @!p0 $0x108  }
0x21: {  	s3 =	sadd.s32 s3, s9;
	s6 =	sadd.s32 @!p0 $0x88, s6;
	s7 =	simm.s32 @p2 $0x1082  }
0x22: {  	[simem:s7], [sflag:s8] =	dma.local @!p0 [hbm:s6], $0xF7A  }
0x23: {  	s9 =	sor.u32 $0xD0000000, s2;
	s6 =	simm.s32 $0x108;
	_ =	swait.ge @!p0 [sflag:s8], $0x0  }
0x24: {  	s3 =	sadd.s32 $0x88, s3;
	s6 =	simm.s32 @!p1 $0x1082;
	[sflag:s4] =	ssyncset.s32 $0xFFFFF086  }
0x25: {  	[simem:s6], [sflag:s4] =	dma.local [hbm:s3], $0xF7A  }
0x26: {  	[smem:$0x3F98] =	sst s1;
	(tag) =	ssettag s2;
	_ =	strace s9  }
0x27: {  	s1 =	sld [smem:$0x3FA8]  }
0x28: {  	s2 =	sld [smem:$0x3FA9]  }
0x29: {  	s4 =	sld [smem:$0x3FAB]  }
0x2a: {  	p0 =	seq.s32 s5, $0x0;
	s5 =	sld [smem:$0x3FAC]  }
0x2b: {  	s6 =	sld [smem:$0x3FAD]  }
0x2c: {  	s7 =	sld [smem:$0x3FAE]  }
0x2d: {  	s3 =	simm.s32 $0x108;
	s8 =	sld [smem:$0x3FAF]  }
0x2e: {  	s3 =	simm.s32 @!p0 $0x1082;
	s9 =	sld [smem:$0x3FB0]  }
0x2f: {  	lr =	sadd.s32 s0, s3;
	s0 =	sld [smem:$0x3FA7]  }
0x30: {  	s3 =	sld [smem:$0x3FAA]  }
0x31: {  	[smem:$0x3FB3] =	sst s10  }
0x32: {  	s10 =	sld [smem:$0x3FB1];
	_ =	sdelay $0x3  }
0x33: {  	p0 =	seq.s32 s10, $0x1;
	s10 =	sld [smem:$0x3FB3];
	_ =	sdelay $0x3  }
0x34: {  	[smem:$0x3FB3] =	sst s10  }
0x35: {  	s10 =	sld [smem:$0x3FB2];
	_ =	sdelay $0x3  }
0x36: {  	p1 =	seq.s32 s10, $0x1;
	s10 =	sld [smem:$0x3FB3];
	_ =	sdelay $0x3  }
0x37: {  	[smem:$0x3FB3] =	sst s10  }
0x38: {  	s10 =	sld [smem:$0x3FB4]  }
0x39: {  	_ = 	snop;
	(pc) =	sbr.ind lr, $3  }
0x3a: {  	_ = 	snop  }
0x3b: {  	_ = 	snop  }
0x3c: {  	p2 =	seq.s32 s10, $0x1;
	s10 =	sld [smem:$0x3FB3]  }
0x3d: {  	_ =	shalt  }
0x3e: {  	_ =	shalt  }
0x3f: {  	_ =	shalt  }
0x40: {  	_ =	shalt  }
0x41: {  	_ =	shalt  }
0x42: {  	_ =	shalt  }
0x43: {  	_ =	shalt  }
0x44: {  	_ =	shalt  }
0x45: {  	_ =	shalt  }
0x46: {  	_ =	shalt  }
0x47: {  	_ =	shalt  }
0x48: {  	_ =	shalt  }
0x49: {  	_ =	shalt  }
0x4a: {  	_ =	shalt  }
0x4b: {  	_ =	shalt  }
0x4c: {  	_ =	shalt  }
0x4d: {  	_ =	shalt  }
0x4e: {  	_ =	shalt  }
0x4f: {  	_ =	shalt  }
0x50: {  	_ =	shalt  }
0x51: {  	_ =	shalt  }
0x52: {  	_ =	shalt  }
0x53: {  	_ =	shalt  }
0x54: {  	_ =	shalt  }
0x55: {  	_ =	shalt  }
0x56: {  	_ =	shalt  }
0x57: {  	_ =	shalt  }
0x58: {  	_ =	shalt  }
0x59: {  	_ =	shalt  }
0x5a: {  	_ =	shalt  }
0x5b: {  	_ =	shalt  }
0x5c: {  	_ =	shalt  }
0x5d: {  	_ =	shalt  }
0x5e: {  	_ =	shalt  }
0x5f: {  	_ =	shalt  }
0x60: {  	_ =	shalt  }
0x61: {  	_ =	shalt  }
0x62: {  	_ =	shalt  }
0x63: {  	_ =	shalt  }
0x64: {  	_ =	shalt  }
0x65: {  	_ =	shalt  }
0x66: {  	_ =	shalt  }
0x67: {  	_ =	shalt  }
0x68: {  	_ =	shalt  }
0x69: {  	_ =	shalt  }
0x6a: {  	_ =	shalt  }
0x6b: {  	_ =	shalt  }
0x6c: {  	_ =	shalt  }
0x6d: {  	_ =	shalt  }
0x6e: {  	_ =	shalt  }
0x6f: {  	_ =	shalt  }
0x70: {  	_ =	shalt  }
0x71: {  	_ =	shalt  }
0x72: {  	_ =	shalt  }
0x73: {  	_ =	shalt  }
0x74: {  	_ =	shalt  }
0x75: {  	_ =	shalt  }
0x76: {  	_ =	shalt  }
0x77: {  	_ =	shalt  }
0x78: {  	_ =	shalt  }
0x79: {  	_ =	shalt  }
0x7a: {  	_ =	shalt  }
0x7b: {  	_ =	shalt  }
0x7c: {  	_ =	shalt  }
0x7d: {  	_ =	shalt  }
0x7e: {  	_ =	shalt  }
0x7f: {  	_ =	shalt  }
0x80: {  	_ =	shalt  }
0x81: {  	_ =	shalt  }
0x82: {  	_ =	shalt  }
0x83: {  	_ =	shalt  }
0x84: {  	_ =	shalt  }
0x85: {  	_ =	shalt  }
0x86: {  	_ =	shalt  }
0x87: {  	_ =	shalt  }
.Lfunc_end0:
.L_simem_size_0:
called_computation.1_lowered:
.L_overlay_start_0:
0x88: {  	s2 =	sld [smem:$0x3FD9]  }
0x89: {  	s3 =	sld [smem:$0x3FFE];
	_ =	sdelay $0x1  }
0x8a: {  	s1 =	srdreg.scid  }
0x8b: {  	s0 =	sand.u32 $0x1, s1  }
0x8c: {  	s17 =	sshll.u32 s0, $0xA;
	s2 =	sadd.s32 s3, s2  }
0x8d: {  	s2 =	sadd.s32 s2, s17  }
0x8e: {  	[smem:$0x3FBF] =	sst s2  }
0x8f: {  	_ = 	snop  }
0x90: {  	s2 =	sld [smem:$0x3FD0];
	(tm) =	ssettm $0x1  }
0x91: {  	s18 =	sld [smem:$0x3FFB];
	_ =	sdelay $0x3  }
0x92: {  	_ =	strace s18  }
0x93: {  	s3 =	sld [smem:$0x3FFC];
	_ =	sdelay $0x3  }
0x94: {  	_ =	strace s3  }
0x95: {  	s3 =	sld [smem:$0x3FFD];
	_ =	sdelay $0x3  }
0x96: {  	_ =	strace s3  }
0x97: {  	_ =	strace $0x8FFFFFFF  }
0x98: {  	s19 =	sld [smem:$0x3FDB];
	_ =	sdelay $0x1  }
0x99: {  	s4 =	simm.s32 $_scs_section_size  }
0x9a: {  	s5 =	simm.s32 $_size__tile_overlayer_lowered;
	s6 =	simm.s32 $_tile_overlayer_lowered  }
0x9b: {  	s22 =	simm.s32 $0x1BFF;
	s21 =	sshll.u32 s6, $0x1;
	s3 =	sadd.s32 s4, s19  }
0x9c: {  	s7 =	simm.s32 $0x0;
	s20 =	sshll.u32 s5, $0x1;
	s5 =	sadd.s32 s21, s3  }
0x9d: {  	[timem:s7], [sflag:s22] =	dma.local [hbm:s5], s20  }
0x9e: {  	_ =	swait.ge [sflag:s22], s20  }
0x9f: {  	s4 =	ssub.s32 $0x0, s20;
	[sflag:s22] =	ssyncset.done $0x0  }
0xa0: {  	[sflag:s22] =	ssyncadd.s32 s4;
	_ =	sdelay $0x1  }
0xa1: {  	s23 =	simm.s32 $0x1B8B  }
0xa2: {  	_ =	swait.ge [sflag:s23], $0x1  }
0xa3: {  	[sflag:s23] =	ssyncset.done $0x0  }
0xa4: {  	s25 =	simm.s32 $0x1B8E;
	s24 =	sld [smem:$0x3FFE];
	[sflag:s23] =	ssyncadd.s32 $0xFFFFFFFF  }
0xa5: {  	s26 =	simm.s32 $execute0_lowered;
	[smem:$0x3FD2] =	sst s25  }
0xa6: {  	s5 =	sshll.u32 s26, $0x1;
	_ =	strace $0x80000049;
	[dreg:$0x1] =	wrdreg $0xFFFFFFFF  }
0xa7: {  	s28 =	simm.s32 $_size_execute0_lowered;
	s3 =	sadd.s32 s3, s5;
	[dreg:$0x0] =	wrdreg $0x0  }
0xa8: {  	s5 =	sshll.u32 s28, $0x1;
	[dreg:$0x2] =	wrdreg s3  }
0xa9: {  	[dreg:$0x3] =	wrdreg s5  }
0xaa: {  	[dreg:$0x4] =	wrdreg $0xC0  }
0xab: {  	_ =	task [dreg:s7], $0x5FFFF  }
0xac: {  	[dreg:$0x1] =	wrdreg $0xFFFFFFFF  }
0xad: {  	[dreg:$0x0] =	wrdreg $0x60  }
0xae: {  	[dreg:$0x2] =	wrdreg s24  }
0xaf: {  	[dreg:$0x3] =	wrdreg s2  }
0xb0: {  	[dreg:$0x4] =	wrdreg $0xC6000  }
0xb1: {  	[dreg:$0x5] =	wrdreg $0x9  }
0xb2: {  	_ =	task.clear_ibuf [dreg:s7], $0x6FFFF;
	_ =	strace $0x90000049  }
0xb3: {  	s29 =	simm.s32 $0x9;
	_ =	strace $0x8000004B  }
0xb4: {  	_ =	swait.ge [sflag:s29], $0x1  }
0xb5: {  	[sflag:s29] =	ssyncadd.s32 $0xFFFFFFFF  }
0xb6: {  	_ =	strace $0x9000004B  }
0xb7: {  	_ =	sfence  }
0xb8: {  	s30 =	sld [smem:$0x0];
	_ =	sdelay $0x2  }
0xb9: {  	s31 =	sshll.u32 s1, $0xD;
	s1 =	sshrl.u32 s1, $0x2  }
0xba: {  	s3 =	sand.u32 $0x4000, s31;
	s1 =	sadd.s32 s1, s30  }
0xbb: {  	s0 =	sor.u32 s3, s0;
	s1 =	sshll.u32 s1, $0x11  }
0xbc: {  	s0 =	sor.u32 s1, s0  }
0xbd: {  	s0 =	sadd.s32 $0x8F2B, s0  }
0xbe: {  	[sflag:s0] =	ssyncadd.remote.s32 $0x1  }
0xbf: {  	_ =	sfence.sel $0xFFFF  }
0xc0: {  	[dreg:$0x0] =	wrdreg $0xFFFFFFFF;
	(pc) =	sbr.abs _section_cstart, $3  }
0xc1: {  	[dreg:$0x1] =	wrdreg $0xFFFFFFFF  }
0xc2: {  	_ =	task.clear_ibuf [dreg:s7], $0x2FFFF;
	_ =	strace $0x9FFFFFFF  }
0xc3: {  	(tm) =	ssettm $0x7FFFFFFF  }
tec
execute0_lowered:
.L_overlay_start_1:
0x0: {  	(tag) =	ssettag $0x1  }
0x1: {  	s0 =	rddreg [dreg:$0x0]  }
0x2: {  	s2 =	rddreg [dreg:$0x1]  }
0x3: {  	s1 =	rddreg [dreg:$0x2]  }
0x4: {  	s3 =	srdreg.scid;
	s13 =	stileid.u32  }
0x5: {  	s28 =	simm.s32 $0x2;
	s30 =	simm.s32 $0x3;
	s6 =	smul.u32 $0x2780, s13  }
0x6: {  	s31 =	simm.s32 $0xE;
	s29 =	simm.s32 $0x11;
	s11 =	smul.u32 $0x4F000, s13  }
0x7: {  	s5 =	sand.u32 $0x1, s3;
	s3 =	simm.s32 $0x0;
	s18 =	smul.u32 $0x13C00, s13  }
0x8: {  	s8 =	sadd.s32 $0x50A00, s0;
	s20 =	smul.u32 $0x9D00, s13;
	s21 =	sadd.s32 $0x128400, s1  }
0x9: {  	p0 =	seq.s32 s13, $0xF;
	s4 =	sshll.u32 s5, $0x4;
	s15 =	smul.u32 $0x138C00, s5  }
0xa: {  	[smem:$0x7FF] =	sst s3;
	s9 =	ssub.s32 $0x2, s5;
	s5 =	smul.u32 $0x9D000, s5  }
0xb: {  	s7 =	sor.u32 s13, s4;
	_ =	strace $0x8000004A;
	s4 =	sadd.s32 $0x2600, s0  }
0xc: {  	s6 =	sadd.s32 s6, s0;
	s10 =	sshrl.u32 s9, $0x1;
	s11 =	sshrl.u32 s11, $0x2  }
0xd: {  	[dreg:$0xc] =	wrdreg s21;
	s0 =	sadd.s32 $0x4E880, s0;
	s7 =	smul.u32 $0x9D00, s7  }
0xe: {  	s9 =	ssub.s32 s9, s10;
	s11 =	sadd.s32 s11, s1;
	[dreg:$0xd] =	wrdreg s0  }
0xf: {  	s6 =	sadd.s32 $0x29800, s6;
	s22 =	sadd.s32 s18, s15;
	[dreg:$0xa] =	wrdreg s11  }
0x10: {  	s5 =	sadd.s32 s20, s5;
	s23 =	sshrl.u32 s15, $0x3;
	[dreg:$0xb] =	wrdreg s6  }
0x11: {  	s0 =	sshrl.u32 s22, $0x3;
	s5 =	sadd.s32 $0x600, s5;
	s25 =	smax.u32 s9, $0x1  }
0x12: {  	s7 =	sshrl.u32 s7, $0x3;
	s0 =	sadd.s32 s8, s0;
	[dreg:$0x10] =	wrdreg s25  }
0x13: {  	s24 =	sadd.s32 s8, s23;
	s12 =	sadd.s32 s2, s7;
	[dreg:$0xe] =	wrdreg s0  }
0x14: {  	s5 =	sshrl.u32 s5, $0x3;
	s0 =	sadd.s32 $0x25080, s24;
	[dreg:$0x4] =	wrdreg s12  }
0x15: {  	s23 =	simm.s32 $0x10;
	s26 =	sadd.s32 s5, s2;
	[dreg:$0xf] =	wrdreg s0  }
0x16: {  	s6 =	simm.s32 $0x12;
	s16 =	sadd.s32 $0x20, s12;
	[dreg:$0x11] =	wrdreg s26  }
0x17: {  	s25 =	simm.s32 $0x40;
	s17 =	sadd.s32 $0x40, s12;
	[dreg:$0x5] =	wrdreg s16  }
0x18: {  	s8 =	simm.s32 $0x0;
	s14 =	sadd.s32 $0x60, s12;
	[dreg:$0x6] =	wrdreg s17  }
0x19: {  	s2 =	simm.s32 $0xF;
	s19 =	sadd.s32 $0x80, s12;
	[dreg:$0x7] =	wrdreg s14  }
0x1a: {  	s7 =	simm.s32 $0xD;
	s12 =	sadd.s32 $0xA0, s12;
	[dreg:$0x8] =	wrdreg s19  }
0x1b: {  	s0 =	simm.s32 $0x4;
	s26 =	simm.s32 $0x5;
	[dreg:$0x9] =	wrdreg s12  }
.LBB2_1:
0x1c: {  	s5 =	rddreg [dreg:$0x4]  }
0x1d: {  	[tilespmem:s3], [sflag:$0x1] =	stream.linear.gather [hbm4b:s5+s3], $0x100, $0x38;
	[tilespmem:$0x1FEC0] =	vst v63  }
0x1e: {  	s16 =	rddreg [dreg:$0x5];
	s9 =	simm.s32 $0x100  }
0x1f: {  	[tilespmem:s9], [sflag:$0x2] =	stream.linear.gather [hbm4b:s16+s3], $0x100, $0x38;
	[tilespmem:$0x1FEC0] =	vst v63  }
0x20: {  	s17 =	rddreg [dreg:$0x6];
	s10 =	simm.s32 $0x200  }
0x21: {  	[tilespmem:s10], [sflag:$0x3] =	stream.linear.gather [hbm4b:s17+s3], $0x100, $0x38;
	[tilespmem:$0x1FEC0] =	vst v63  }
0x22: {  	s18 =	rddreg [dreg:$0x7];
	s11 =	simm.s32 $0x300  }
0x23: {  	[tilespmem:s11], [sflag:$0x4] =	stream.linear.gather [hbm4b:s18+s3], $0x100, $0x38;
	[tilespmem:$0x1FEC0] =	vst v63  }
0x24: {  	s19 =	rddreg [dreg:$0x8];
	s12 =	simm.s32 $0x400  }
0x25: {  	[tilespmem:s12], [sflag:$0x5] =	stream.linear.gather [hbm4b:s19+s3], $0x100, $0x38;
	[tilespmem:$0x1FEC0] =	vst v63  }
0x26: {  	s20 =	rddreg [dreg:$0x9];
	s13 =	simm.s32 $0x500;
	s21 =	simm.s32 $0x1  }
0x27: {  	[tilespmem:s13], [sflag:$0x6] =	stream.linear.gather [hbm4b:s20+s3], $0x100, $0x38;
	[tilespmem:$0x1FEC0] =	vst v63  }
0x28: {  	_ =	swait.ge [sflag:s21], $0x100  }
0x29: {  	[sflag:s21] =	ssyncset.done $0x0  }
0x2a: {  	s22 =	simm.s32 $0x600;
	[sflag:s21] =	ssyncadd.s32 $0xFFFFFF00  }
0x2b: {  	[tilespmem:s22], [sflag:$0x7] =	stream.indirect.gather [hbm4b:s4+s25], $0x80, s3, s25, $0xb8;
	[tilespmem:$0x1FEC0] =	vst v63  }
0x2c: {  	_ =	swait.ge [sflag:s28], $0x100  }
0x2d: {  	[sflag:s28] =	ssyncset.done $0x0  }
0x2e: {  	s24 =	simm.s32 $0x2600;
	[sflag:s28] =	ssyncadd.s32 $0xFFFFFF00  }
0x2f: {  	[tilespmem:s24], [sflag:$0x8] =	stream.indirect.gather [hbm4b:s4+s25], $0x80, s9, s25, $0xb8;
	[tilespmem:$0x1FEC0] =	vst v63  }
0x30: {  	_ =	swait.ge [sflag:s30], $0x100  }
0x31: {  	[sflag:s30] =	ssyncset.done $0x0  }
0x32: {  	s13 =	simm.s32 $0x4600;
	[sflag:s30] =	ssyncadd.s32 $0xFFFFFF00  }
0x33: {  	[tilespmem:s13], [sflag:$0x9] =	stream.indirect.gather [hbm4b:s4+s25], $0x80, s10, s25, $0xb8;
	[tilespmem:$0x1FEC0] =	vst v63  }
0x34: {  	_ =	swait.ge [sflag:s0], $0x100  }
0x35: {  	[sflag:s0] =	ssyncset.done $0x0  }
0x36: {  	s14 =	simm.s32 $0x6600;
	[sflag:s0] =	ssyncadd.s32 $0xFFFFFF00  }
0x37: {  	[tilespmem:s14], [sflag:$0xA] =	stream.indirect.gather [hbm4b:s4+s25], $0x80, s11, s25, $0xb8;
	[tilespmem:$0x1FEC0] =	vst v63  }
0x38: {  	_ =	swait.ge [sflag:s26], $0x100  }
0x39: {  	s5 =	rddreg [dreg:$0xc]  }
0x3a: {  	s15 =	simm.s32 $0x8600;
	[sflag:s26] =	ssyncset.done $0x0;
	s10 =	rddreg [dreg:$0xd]  }
0x3b: {  	[sflag:s26] =	ssyncadd.s32 $0xFFFFFF00;
	s9 =	sshrl.u32 @p0 s5, $0x3;
	s5 =	simm.s32 @p0 $0x1FD3  }
0x3c: {  	[tilespmem:s15], [sflag:$0xB] =	stream.indirect.gather [hbm4b:s4+s25], $0x80, s12, s25, $0xb8;
	[tilespmem:$0x1FEC0] =	vst v63  }
0x3d: {  	[spmem:s9], [sflag:s5] =	dma.local @p0 [hbm:s10], $0x2100  }
0x3e: {  	s5 =	simm.s32 @p0 $0x13  }
0x3f: {  	_ =	swait.ge @p0 [sflag:s5], $0x2100  }
0x40: {  	s16 =	simm.s32 $0x5;
	s10 =	stileid.u32;
	[sflag:s5] =	ssyncset.done @p0 $0x0  }
0x41: {  	s10 =	sshll.u32 @!p0 s10, $0x6;
	[sflag:s5] =	ssyncadd.s32 @p0 $0xFFFFDF00;
	s5 =	rddreg [dreg:$0xa]  }
0x42: {  	s10 =	sor.u32 @!p0 $0x1C13, s10;
	s11 =	sshrl.u32 @!p0 s5, $0x3;
	s5 =	rddreg [dreg:$0xb]  }
0x43: {  	[spmem:s11], [sflag:s10] =	dma.local @!p0 [hbm:s5], $0x2780  }
0x44: {  	s5 =	sand.u32 $0xFF, s16  }
0x45: {  	s5 =	smul.u32 $0xAB, s5;
	_ =	sdelay $0x1  }
0x46: {  	s17 =	smul.u32 $0xAB, s3;
	s5 =	sshrl.u32 s5, $0xA  }
0x47: {  	p1 =	por $0x0, $0x0;
	s12 =	simm.s32 @!p0 $0x13;
	s5 =	smul.u32 $0x6, s5  }
0x48: {  	p2 =	por @!p1 $0x1, $0x1;
	_ =	swait.ge @!p0 [sflag:s12], $0x2780  }
0x49: {  	s13 =	sshrl.u32 s17, $0xA;
	[sflag:s12] =	ssyncset.done @!p0 $0x0;
	s5 =	ssub.s32 $0x5, s5  }
0x4a: {  	s13 =	sand.u32 $0x3F, s13;
	[sflag:s12] =	ssyncadd.s32 @!p0 $0xFFFFD880;
	s5 =	sand.u32 $0xFF, s5  }
0x4b: {  	s13 =	smul.u32 $0x6, s13;
	[bflag:$0x0] =	sbarrier.arrive $0xFFFF;
	s15 =	sadd.s32 @!p1 $0x1, s5  }
0x4c: {  	p2 =	por p2, p1;
	s18 =	simm.s32 @!p1 $0x40;
	_ =	swait.ge @!p1 [sflag:s15], $0x100  }
0x4d: {  	s14 =	simm.s32 $0x2;
	s13 =	ssub.s32 $0x0, s13;
	[sflag:s15] =	ssyncset.done @!p1 $0x0  }
0x4e: {  	s12 =	simm.s32 $0x1;
	s17 =	sadd.s32 @!p2 $0xD, s5;
	[sflag:s15] =	ssyncadd.s32 @!p1 $0xFFFFFF00  }
0x4f: {  	s16 =	sshll.u32 @!p1 s5, $0xD;
	s19 =	sshll.u32 @!p1 s5, $0x8;
	_ =	swait.ge @!p2 [sflag:s17], $0x2000  }
0x50: {  	s5 =	sadd.s32 @!p1 $0x7, s5;
	s15 =	sand.u32 $0xFF, s13;
	[sflag:s17] =	ssyncset.done @!p2 $0x0  }
0x51: {  	s16 =	sor.u32 @!p1 $0x600, s16;
	s21 =	sadd.s32 $0xD, s15;
	[sflag:s17] =	ssyncadd.s32 @!p2 $0xFFFFE000  }
0x52: {  	[tilespmem:s16], [sflag:s5] =	stream.indirect.gather @!p1 [hbm4b:s4+s18], $0x80, s19, s18, $0xb8;
	[tilespmem:$0x1FEC0] =	vst v63  }
0x53: {  	s20 =	sshll.u32 s15, $0x8;
	s17 =	simm.s32 $0x0;
	s16 =	sadd.s32 $0x7, s15  }
0x54: {  	s18 =	sshll.u32 s15, $0xD;
	s19 =	simm.s32 $0x6;
	s5 =	sor.u32 $0x80, s20  }
0x55: {  	_ =	swait.ge [sflag:s16], $0x2000;
	s24 =	sand.u32 $0xFF, s19;
	s13 =	sor.u32 $0x600, s18  }
0x56: {  	[sflag:s16] =	ssyncset.done $0x0;
	s22 =	smul.u32 $0xAB, s24;
	s18 =	rddreg [dreg:$0x11]  }
.LBB2_2:
0x57: {  	[sflag:s16] =	ssyncadd.s32 $0xFFFFE000;
	s24 =	smov.u32 s14;
	s14 =	sadd.s32 $0x1, s14  }
0x58: {  	p2 =	sgt.u32 s17, $0x96;
	p1 =	sne.s32 s14, $0x9D;
	s16 =	sshrl.u32 s22, $0xA  }
0x59: {  	[spmem:s1] =	stream.indirect.scatter.add.f32 [tilespmem:s13], [sflag:s21], $0x80, s5, s25, $0xb8;
	[tilespmem:$0x1FEC0] =	vst v63  }
0x5a: {  	s5 =	smul.u32 $0x6, s16;
	s13 =	sadd.s32 @!p2 $0x1, s15;
	s15 =	simm.s32 @!p2 $0x0  }
0x5b: {  	[tilespmem:s20], [sflag:s13] =	stream.linear.gather @!p2 [hbm4b:s18+s15], $0x100, $0x38;
	[tilespmem:$0x1FEC0] =	vst v63  }
0x5c: {  	s13 =	smul.u32 $0xAB, s12;
	s5 =	ssub.s32 s19, s5;
	p2 =	sgt.u32 s12, $0x97  }
0x5d: {  	s18 =	sadd.s32 $0x20, s18;
	s5 =	sand.u32 $0xFF, s5;
	p3 =	seq.s32 @!p2 s12, $0x0  }
0x5e: {  	s13 =	sshrl.u32 s13, $0xA;
	s15 =	sadd.s32 @!p2 $0x1, s5;
	p3 =	por p3, p2  }
0x5f: {  	s16 =	sshll.u32 @!p2 s5, $0xD;
	s13 =	sand.u32 $0x3F, s13;
	_ =	swait.ge @!p2 [sflag:s15], $0x100  }
0x60: {  	s19 =	sor.u32 @!p2 $0x600, s16;
	s13 =	smul.u32 $0x6, s13;
	[sflag:s15] =	ssyncset.done @!p2 $0x0  }
0x61: {  	s20 =	simm.s32 @!p2 $0x40;
	s16 =	sadd.s32 @!p3 $0xD, s5;
	[sflag:s15] =	ssyncadd.s32 @!p2 $0xFFFFFF00  }
0x62: {  	s21 =	sshll.u32 @!p2 s5, $0x8;
	s13 =	ssub.s32 s12, s13;
	_ =	swait.ge @!p3 [sflag:s16], $0x2000  }
0x63: {  	s5 =	sadd.s32 @!p2 $0x7, s5;
	s15 =	sand.u32 $0xFF, s13;
	[sflag:s16] =	ssyncset.done @!p3 $0x0  }
0x64: {  	s17 =	smov.u32 s12;
	[sflag:s16] =	ssyncadd.s32 @!p3 $0xFFFFE000;
	s16 =	sadd.s32 $0x7, s15  }
.Ltmp0:
0x65: {  	s12 =	smov.u32 s24;
	s13 =	sshll.u32 s15, $0xD;
	(pc) =	sbr.rel @p1 .LBB2_2-.Ltmp0, $4  }
0x66: {  	[tilespmem:s19], [sflag:s5] =	stream.indirect.gather @!p2 [hbm4b:s4+s20], $0x80, s21, s20, $0xb8;
	[tilespmem:$0x1FEC0] =	vst v63  }
0x67: {  	s19 =	sadd.s32 $0x5, s12;
	s21 =	sadd.s32 $0xD, s15;
	_ =	swait.ge [sflag:s16], $0x2000  }
0x68: {  	s20 =	sshll.u32 s15, $0x8;
	s5 =	sand.u32 $0xFF, s19;
	[sflag:s16] =	ssyncset.done $0x0  }
0x69: {  	s13 =	sor.u32 $0x600, s13;
	s22 =	smul.u32 $0xAB, s5;
	s5 =	sor.u32 $0x80, s20  }
0x6a: {  	[sflag:s16] =	ssyncadd.s32 $0xFFFFE000  }
0x6b: {  	[spmem:s1] =	stream.indirect.scatter.add.f32 [tilespmem:s13], [sflag:s21], $0x80, s5, s25, $0xb8;
	[tilespmem:$0x1FEC0] =	vst v63  }
0x6c: {  	p1 =	sgt.u32 s17, $0x96;
	s17 =	smul.u32 $0xAB, s12;
	s16 =	sshrl.u32 s22, $0xA  }
0x6d: {  	s13 =	sadd.s32 @!p1 $0x1, s15;
	s14 =	simm.s32 @!p1 $0x0;
	s5 =	smul.u32 $0x6, s16  }
0x6e: {  	[tilespmem:s20], [sflag:s13] =	stream.linear.gather @!p1 [hbm4b:s18+s14], $0x100, $0x38;
	[tilespmem:$0x1FEC0] =	vst v63  }
0x6f: {  	s5 =	ssub.s32 s19, s5  }
0x70: {  	p1 =	sgt.u32 s12, $0x97;
	s13 =	sshrl.u32 s17, $0xA;
	s5 =	sand.u32 $0xFF, s5  }
0x71: {  	s13 =	sand.u32 $0x3F, s13;
	s14 =	sadd.s32 @!p1 $0x1, s5  }
0x72: {  	p2 =	seq.s32 @!p1 s12, $0x0;
	s13 =	smul.u32 $0x6, s13;
	_ =	swait.ge @!p1 [sflag:s14], $0x100  }
0x73: {  	s16 =	simm.s32 @!p1 $0x40;
	p2 =	por p2, p1;
	[sflag:s14] =	ssyncset.done @!p1 $0x0  }
0x74: {  	s13 =	ssub.s32 s12, s13;
	[sflag:s14] =	ssyncadd.s32 @!p1 $0xFFFFFF00;
	s14 =	sadd.s32 @!p2 $0xD, s5  }
0x75: {  	s15 =	sshll.u32 @!p1 s5, $0xD;
	s13 =	sand.u32 $0xFF, s13;
	_ =	swait.ge @!p2 [sflag:s14], $0x2000  }
0x76: {  	s15 =	sor.u32 @!p1 $0x600, s15;
	s19 =	sadd.s32 $0x7, s13;
	[sflag:s14] =	ssyncset.done @!p2 $0x0  }
0x77: {  	[sflag:s14] =	ssyncadd.s32 @!p2 $0xFFFFE000;
	s14 =	sshll.u32 @!p1 s5, $0x8;
	s5 =	sadd.s32 @!p1 $0x7, s5  }
0x78: {  	[tilespmem:s15], [sflag:s5] =	stream.indirect.gather @!p1 [hbm4b:s4+s16], $0x80, s14, s16, $0xb8;
	[tilespmem:$0x1FEC0] =	vst v63  }
0x79: {  	s20 =	sshll.u32 s13, $0xD;
	s21 =	sadd.s32 $0xD, s13;
	_ =	swait.ge [sflag:s19], $0x2000  }
0x7a: {  	s16 =	sshll.u32 s13, $0x8;
	s14 =	sor.u32 $0x600, s20;
	[sflag:s19] =	ssyncset.done $0x0  }
0x7b: {  	p1 =	sgt.u32 s12, $0x96;
	s22 =	sor.u32 $0x80, s16;
	[sflag:s19] =	ssyncadd.s32 $0xFFFFE000  }
0x7c: {  	[spmem:s1] =	stream.indirect.scatter.add.f32 [tilespmem:s14], [sflag:s21], $0x80, s22, s25, $0xb8;
	[tilespmem:$0x1FEC0] =	vst v63  }
0x7d: {  	s5 =	sadd.s32 $0x20, s18;
	s12 =	sadd.s32 @!p1 $0x1, s13;
	s13 =	simm.s32 @!p1 $0x0  }
0x7e: {  	[tilespmem:s16], [sflag:s12] =	stream.linear.gather @!p1 [hbm4b:s5+s13], $0x100, $0x38;
	[tilespmem:$0x1FEC0] =	vst v63  }
0x7f: {  	_ =	swait.ge [sflag:s31], $0x2000  }
0x80: {  	[sflag:s31] =	ssyncset.done $0x0  }
0x81: {  	[sflag:s31] =	ssyncadd.s32 $0xFFFFE000  }
0x82: {  	_ =	swait.ge [sflag:s2], $0x2000  }
0x83: {  	[sflag:s2] =	ssyncset.done $0x0  }
0x84: {  	[sflag:s2] =	ssyncadd.s32 $0xFFFFE000  }
0x85: {  	_ =	swait.ge [sflag:s23], $0x2000  }
0x86: {  	[sflag:s23] =	ssyncset.done $0x0  }
0x87: {  	[sflag:s23] =	ssyncadd.s32 $0xFFFFE000  }
0x88: {  	_ =	swait.ge [sflag:s29], $0x2000  }
0x89: {  	[sflag:s29] =	ssyncset.done $0x0  }
0x8a: {  	[sflag:s29] =	ssyncadd.s32 $0xFFFFE000  }
0x8b: {  	_ =	swait.ge [sflag:s6], $0x2000  }
0x8c: {  	[sflag:s6] =	ssyncset.done $0x0  }
0x8d: {  	[sflag:s6] =	ssyncadd.s32 $0xFFFFE000  }
0x8e: {  	_ =	swait.ge [sflag:s7], $0x2000  }
0x8f: {  	[sflag:s7] =	ssyncset.done $0x0  }
0x90: {  	[sflag:s7] =	ssyncadd.s32 $0xFFFFE000  }
0x91: {  	[bflag:$0x0] =	sbarrier.arrive $0xFFFF  }
0x92: {  	s5 =	simm.s32 @p0 $0x1FD3;
	s12 =	rddreg [dreg:$0xf]  }
0x93: {  	[hbm:s12], [sflag:s5] =	dma.local @p0 [spmem:s9], $0x2100  }
0x94: {  	s5 =	simm.s32 @p0 $0x13  }
0x95: {  	_ =	swait.ge @p0 [sflag:s5], $0x2100  }
0x96: {  	[sflag:s5] =	ssyncset.done @p0 $0x0  }
0x97: {  	[sflag:s5] =	ssyncadd.s32 @p0 $0xFFFFDF00;
	s5 =	rddreg [dreg:$0xe]  }
0x98: {  	[hbm:s5], [sflag:s10] =	dma.local @!p0 [spmem:s11], $0x2780  }
0x99: {  	s5 =	simm.s32 @!p0 $0x13  }
0x9a: {  	_ =	swait.ge @!p0 [sflag:s5], $0x2780  }
0x9b: {  	s8 =	sadd.s32 $0x1, s8;
	s24 =	rddreg [dreg:$0x10]  }
0x9c: {  	p1 =	sne.s32 s8, s24  }
.Ltmp1:
0x9d: {  	_ = 	snop;
	(pc) =	sbr.rel @p1 .LBB2_1-.Ltmp1, $3  }
0x9e: {  	_ =	sdelay $0x1  }
0x9f: {  	[sflag:s5] =	ssyncset.done @!p0 $0x0  }
0xa0: {  	[sflag:s5] =	ssyncadd.s32 @!p0 $0xFFFFD880  }
0xa1: {  	_ =	sfence.sel $0x180000  }
0xa2: {  	[bflag:$0x0] =	sbarrier.arrive $0xFFFF  }
0xa3: {  	_ =	strace $0x9000004A  }
0xa4: {  	s0 =	stileid.u32;
	[bflag:$0x2] =	sbarrier.arrive $0xFFFF  }
0xa5: {  	p0 =	sne.s32 s0, $0x0;
	s0 =	rddreg [dreg:$0x3]  }
0xa6: {  	s0 =	sadd.s32 @!p0 $0x100000, s0  }
0xa7: {  	[sflag:s0] =	ssyncadd.tile.s32 @!p0 $0x1;
	_ =	shalt  }
.Lfunc_end2:
_tile_overlayer_lowered:
.L_overlay_start_2:
0xa8: {  	(tag) =	ssettag $0x2  }
0xa9: {  	s0 =	rddreg [dreg:$0x0];
	s2 =	stileid.u32  }
0xaa: {  	s1 =	rddreg [dreg:$0x1];
	p0 =	sne.s32 s2, $0x0  }
0xab: {  	s3 =	rddreg [dreg:$0x2];
	[bflag:$0x3] =	sbarrier.arrive $0xFFFF;
	s2 =	simm.s32 @!p0 $0x1C13  }
0xac: {  	[timem:s3], [sflag:s2] =	dma.local @!p0 [hbm:s0], s1  }
0xad: {  	s0 =	simm.s32 @!p0 $0x13  }
0xae: {  	_ =	swait.ge @!p0 [sflag:s0], s1  }
0xaf: {  	s1 =	ssub.s32 @!p0 $0x0, s1;
	[sflag:s0] =	ssyncset.done @!p0 $0x0  }
0xb0: {  	[sflag:s0] =	ssyncadd.s32 @!p0 s1  }
0xb1: {  	[bflag:$0x3] =	sbarrier.arrive $0xFFFF  }
0xb2: {  	_ =	shalt  }

// kernel: kernel.17.cloned.1.call-start
scs
__scs_entry_jumppad:
0x0: {  	(pc) =	sbr.rel $0x88, $3  }
0x1: {  	(tag) =	ssettag $0x0;
	lr =	simm.s32 $0x1  }
0x2: {  	[smem:$0x3F98] =	sst lr;
	_ =	strace $0xD0000000  }
0x3: {  	_ = 	snop  }
0x4: {  	_ = 	snop  }
0x5: {  	_ = 	snop  }
0x6: {  	_ = 	snop  }
0x7: {  	_ = 	snop  }
__scs_overlays_trampoline_lowered:
0x8: {  	[smem:$0x3FA7] =	sst s0  }
0x9: {  	[smem:$0x3FA8] =	sst s1  }
0xa: {  	[smem:$0x3FA9] =	sst s2  }
0xb: {  	[smem:$0x3FAA] =	sst s3  }
0xc: {  	[smem:$0x3FAB] =	sst s4  }
0xd: {  	[smem:$0x3FAC] =	sst s5  }
0xe: {  	[smem:$0x3FAD] =	sst s6  }
0xf: {  	[smem:$0x3FAE] =	sst s7  }
0x10: {  	[smem:$0x3FAF] =	sst s8  }
0x11: {  	[smem:$0x3FB0] =	sst s9;
	s0 =	simm.s32 @!p0 $0x0  }
0x12: {  	s1 =	sld [smem:$0x3F96];
	s0 =	simm.s32 @p0 $0x1  }
0x13: {  	[smem:$0x3FB1] =	sst s0;
	s0 =	simm.s32 @!p1 $0x0  }
0x14: {  	s2 =	sld [smem:$0x3F95];
	s0 =	simm.s32 @p1 $0x1  }
0x15: {  	[smem:$0x3FB2] =	sst s0;
	s0 =	simm.s32 @!p2 $0x0  }
0x16: {  	s3 =	sld [smem:$0x3FDB];
	s0 =	simm.s32 @p2 $0x1  }
0x17: {  	s4 =	simm.s32 $0x1BF5;
	[smem:$0x3FB4] =	sst s0  }
0x18: {  	s0 =	sld [smem:$0x3F97];
	_ =	swait.ge [sflag:s4], $0x0  }
0x19: {  	s7 =	sld [smem:$0x3F98]  }
0x1a: {  	s8 =	sadd.s32 $0xFFFFE003, lr  }
0x1b: {  	s9 =	sadd.s32 $0xFFFFFEF7, lr;
	s5 =	simm.s32 $0xFFFFFFFF;
	p2 =	slt.u32 s8, $0xFFFFF086  }
0x1c: {  	p1 =	slt.u32 s9, $0xF7A;
	s5 =	simm.s32 @!p2 $0x0  }
0x1d: {  	s5 =	simm.s32 @p1 $0x1;
	p0 =	seq.s32 s7, s2  }
0x1e: {  	s7 =	smul.u32 @!p0 $0xF7A, s2;
	p2 =	seq.s32 @!p0 s5, $0x0  }
0x1f: {  	s9 =	smul.u32 $0xF7A, s1;
	s8 =	simm.s32 @!p0 $0x1BF5;
	p2 =	por !p2, p0  }
0x20: {  	[sflag:s8] =	ssyncset.s32 @!p0 $0xFFFFF086;
	s6 =	sadd.s32 @!p0 s3, s7;
	s7 =	simm.s32 @!p0 $0x108  }
0x21: {  	s3 =	sadd.s32 s3, s9;
	s6 =	sadd.s32 @!p0 $0x88, s6;
	s7 =	simm.s32 @p2 $0x1082  }
0x22: {  	[simem:s7], [sflag:s8] =	dma.local @!p0 [hbm:s6], $0xF7A  }
0x23: {  	s9 =	sor.u32 $0xD0000000, s2;
	s6 =	simm.s32 $0x108;
	_ =	swait.ge @!p0 [sflag:s8], $0x0  }
0x24: {  	s3 =	sadd.s32 $0x88, s3;
	s6 =	simm.s32 @!p1 $0x1082;
	[sflag:s4] =	ssyncset.s32 $0xFFFFF086  }
0x25: {  	[simem:s6], [sflag:s4] =	dma.local [hbm:s3], $0xF7A  }
0x26: {  	[smem:$0x3F98] =	sst s1;
	(tag) =	ssettag s2;
	_ =	strace s9  }
0x27: {  	s1 =	sld [smem:$0x3FA8]  }
0x28: {  	s2 =	sld [smem:$0x3FA9]  }
0x29: {  	s4 =	sld [smem:$0x3FAB]  }
0x2a: {  	p0 =	seq.s32 s5, $0x0;
	s5 =	sld [smem:$0x3FAC]  }
0x2b: {  	s6 =	sld [smem:$0x3FAD]  }
0x2c: {  	s7 =	sld [smem:$0x3FAE]  }
0x2d: {  	s3 =	simm.s32 $0x108;
	s8 =	sld [smem:$0x3FAF]  }
0x2e: {  	s3 =	simm.s32 @!p0 $0x1082;
	s9 =	sld [smem:$0x3FB0]  }
0x2f: {  	lr =	sadd.s32 s0, s3;
	s0 =	sld [smem:$0x3FA7]  }
0x30: {  	s3 =	sld [smem:$0x3FAA]  }
0x31: {  	[smem:$0x3FB3] =	sst s10  }
0x32: {  	s10 =	sld [smem:$0x3FB1];
	_ =	sdelay $0x3  }
0x33: {  	p0 =	seq.s32 s10, $0x1;
	s10 =	sld [smem:$0x3FB3];
	_ =	sdelay $0x3  }
0x34: {  	[smem:$0x3FB3] =	sst s10  }
0x35: {  	s10 =	sld [smem:$0x3FB2];
	_ =	sdelay $0x3  }
0x36: {  	p1 =	seq.s32 s10, $0x1;
	s10 =	sld [smem:$0x3FB3];
	_ =	sdelay $0x3  }
0x37: {  	[smem:$0x3FB3] =	sst s10  }
0x38: {  	s10 =	sld [smem:$0x3FB4]  }
0x39: {  	_ = 	snop;
	(pc) =	sbr.ind lr, $3  }
0x3a: {  	_ = 	snop  }
0x3b: {  	_ = 	snop  }
0x3c: {  	p2 =	seq.s32 s10, $0x1;
	s10 =	sld [smem:$0x3FB3]  }
0x3d: {  	_ =	shalt  }
0x3e: {  	_ =	shalt  }
0x3f: {  	_ =	shalt  }
0x40: {  	_ =	shalt  }
0x41: {  	_ =	shalt  }
0x42: {  	_ =	shalt  }
0x43: {  	_ =	shalt  }
0x44: {  	_ =	shalt  }
0x45: {  	_ =	shalt  }
0x46: {  	_ =	shalt  }
0x47: {  	_ =	shalt  }
0x48: {  	_ =	shalt  }
0x49: {  	_ =	shalt  }
0x4a: {  	_ =	shalt  }
0x4b: {  	_ =	shalt  }
0x4c: {  	_ =	shalt  }
0x4d: {  	_ =	shalt  }
0x4e: {  	_ =	shalt  }
0x4f: {  	_ =	shalt  }
0x50: {  	_ =	shalt  }
0x51: {  	_ =	shalt  }
0x52: {  	_ =	shalt  }
0x53: {  	_ =	shalt  }
0x54: {  	_ =	shalt  }
0x55: {  	_ =	shalt  }
0x56: {  	_ =	shalt  }
0x57: {  	_ =	shalt  }
0x58: {  	_ =	shalt  }
0x59: {  	_ =	shalt  }
0x5a: {  	_ =	shalt  }
0x5b: {  	_ =	shalt  }
0x5c: {  	_ =	shalt  }
0x5d: {  	_ =	shalt  }
0x5e: {  	_ =	shalt  }
0x5f: {  	_ =	shalt  }
0x60: {  	_ =	shalt  }
0x61: {  	_ =	shalt  }
0x62: {  	_ =	shalt  }
0x63: {  	_ =	shalt  }
0x64: {  	_ =	shalt  }
0x65: {  	_ =	shalt  }
0x66: {  	_ =	shalt  }
0x67: {  	_ =	shalt  }
0x68: {  	_ =	shalt  }
0x69: {  	_ =	shalt  }
0x6a: {  	_ =	shalt  }
0x6b: {  	_ =	shalt  }
0x6c: {  	_ =	shalt  }
0x6d: {  	_ =	shalt  }
0x6e: {  	_ =	shalt  }
0x6f: {  	_ =	shalt  }
0x70: {  	_ =	shalt  }
0x71: {  	_ =	shalt  }
0x72: {  	_ =	shalt  }
0x73: {  	_ =	shalt  }
0x74: {  	_ =	shalt  }
0x75: {  	_ =	shalt  }
0x76: {  	_ =	shalt  }
0x77: {  	_ =	shalt  }
0x78: {  	_ =	shalt  }
0x79: {  	_ =	shalt  }
0x7a: {  	_ =	shalt  }
0x7b: {  	_ =	shalt  }
0x7c: {  	_ =	shalt  }
0x7d: {  	_ =	shalt  }
0x7e: {  	_ =	shalt  }
0x7f: {  	_ =	shalt  }
0x80: {  	_ =	shalt  }
0x81: {  	_ =	shalt  }
0x82: {  	_ =	shalt  }
0x83: {  	_ =	shalt  }
0x84: {  	_ =	shalt  }
0x85: {  	_ =	shalt  }
0x86: {  	_ =	shalt  }
0x87: {  	_ =	shalt  }
.Lfunc_end0:
.L_simem_size_0:
called_computation.2_lowered:
.L_overlay_start_0:
0x88: {  	s2 =	sld [smem:$0x3FD9]  }
0x89: {  	s3 =	sld [smem:$0x3FFE];
	_ =	sdelay $0x1  }
0x8a: {  	s1 =	srdreg.scid  }
0x8b: {  	s0 =	sand.u32 $0x1, s1  }
0x8c: {  	s16 =	sshll.u32 s0, $0xA;
	s2 =	sadd.s32 s3, s2  }
0x8d: {  	s2 =	sadd.s32 s2, s16  }
0x8e: {  	[smem:$0x3FBF] =	sst s2  }
0x8f: {  	_ = 	snop  }
0x90: {  	(tm) =	ssettm $0x1  }
0x91: {  	s17 =	sld [smem:$0x3FFB];
	_ =	sdelay $0x3  }
0x92: {  	_ =	strace s17  }
0x93: {  	s2 =	sld [smem:$0x3FFC];
	_ =	sdelay $0x3  }
0x94: {  	_ =	strace s2  }
0x95: {  	s2 =	sld [smem:$0x3FFD];
	_ =	sdelay $0x3  }
0x96: {  	_ =	strace s2  }
0x97: {  	_ =	strace $0x8FFFFFFF  }
0x98: {  	s18 =	sld [smem:$0x3FDB];
	_ =	sdelay $0x1  }
0x99: {  	s19 =	simm.s32 $_scs_section_size  }
0x9a: {  	s4 =	simm.s32 $_size__tile_overlayer_lowered;
	s5 =	simm.s32 $_tile_overlayer_lowered  }
0x9b: {  	s22 =	simm.s32 $0x1BFF;
	s21 =	sshll.u32 s5, $0x1;
	s2 =	sadd.s32 s19, s18  }
0x9c: {  	s6 =	simm.s32 $0x0;
	s20 =	sshll.u32 s4, $0x1;
	s4 =	sadd.s32 s21, s2  }
0x9d: {  	[timem:s6], [sflag:s22] =	dma.local [hbm:s4], s20  }
0x9e: {  	_ =	swait.ge [sflag:s22], s20  }
0x9f: {  	s3 =	ssub.s32 $0x0, s20;
	[sflag:s22] =	ssyncset.done $0x0  }
0xa0: {  	[sflag:s22] =	ssyncadd.s32 s3;
	_ =	sdelay $0x1  }
0xa1: {  	s23 =	simm.s32 $0x1B8B  }
0xa2: {  	_ =	swait.ge [sflag:s23], $0x1  }
0xa3: {  	[sflag:s23] =	ssyncset.done $0x0  }
0xa4: {  	s25 =	simm.s32 $0x1B8E;
	s24 =	sld [smem:$0x3FFE];
	[sflag:s23] =	ssyncadd.s32 $0xFFFFFFFF  }
0xa5: {  	s26 =	simm.s32 $execute0_lowered;
	[smem:$0x3FD2] =	sst s25  }
0xa6: {  	s4 =	sshll.u32 s26, $0x1;
	_ =	strace $0x8000004C;
	[dreg:$0x1] =	wrdreg $0xFFFFFFFF  }
0xa7: {  	s28 =	simm.s32 $_size_execute0_lowered;
	s2 =	sadd.s32 s2, s4;
	[dreg:$0x0] =	wrdreg $0x0  }
0xa8: {  	s4 =	sshll.u32 s28, $0x1;
	[dreg:$0x2] =	wrdreg s2  }
0xa9: {  	[dreg:$0x3] =	wrdreg s4  }
0xaa: {  	[dreg:$0x4] =	wrdreg $0xC0  }
0xab: {  	_ =	task [dreg:s6], $0x5FFFF  }
0xac: {  	[dreg:$0x1] =	wrdreg $0xFFFFFFFF  }
0xad: {  	[dreg:$0x0] =	wrdreg $0x60  }
0xae: {  	[dreg:$0x2] =	wrdreg s24  }
0xaf: {  	[dreg:$0x3] =	wrdreg $0xC6000  }
0xb0: {  	[dreg:$0x4] =	wrdreg $0x9  }
0xb1: {  	_ =	task.clear_ibuf [dreg:s6], $0x5FFFF;
	_ =	strace $0x9000004C  }
0xb2: {  	s29 =	simm.s32 $0x9;
	_ =	strace $0x8000004E  }
0xb3: {  	_ =	swait.ge [sflag:s29], $0x1  }
0xb4: {  	[sflag:s29] =	ssyncadd.s32 $0xFFFFFFFF  }
0xb5: {  	_ =	strace $0x9000004E  }
0xb6: {  	_ =	sfence  }
0xb7: {  	s30 =	sld [smem:$0x0];
	_ =	sdelay $0x2  }
0xb8: {  	s31 =	sshll.u32 s1, $0xD;
	s1 =	sshrl.u32 s1, $0x2  }
0xb9: {  	s3 =	sand.u32 $0x4000, s31;
	s1 =	sadd.s32 s1, s30  }
0xba: {  	s0 =	sor.u32 s3, s0;
	s1 =	sshll.u32 s1, $0x11  }
0xbb: {  	s0 =	sor.u32 s1, s0  }
0xbc: {  	s0 =	sadd.s32 $0x8F2B, s0  }
0xbd: {  	[sflag:s0] =	ssyncadd.remote.s32 $0x1  }
0xbe: {  	_ =	sfence.sel $0xFFFF  }
0xbf: {  	[dreg:$0x0] =	wrdreg $0xFFFFFFFF;
	(pc) =	sbr.abs _section_cstart, $3  }
0xc0: {  	[dreg:$0x1] =	wrdreg $0xFFFFFFFF  }
0xc1: {  	_ =	task.clear_ibuf [dreg:s6], $0x2FFFF;
	_ =	strace $0x9FFFFFFF  }
0xc2: {  	(tm) =	ssettm $0x7FFFFFFF  }
0xc3: {  	_ =	shalt  }
tec
execute0_lowered:
.L_overlay_start_1:
0x0: {  	(tag) =	ssettag $0x1  }
0x1: {  	s0 =	rddreg [dreg:$0x0]  }
0x2: {  	s1 =	rddreg [dreg:$0x1]  }
0x3: {  	s2 =	srdreg.scid;
	s3 =	simm.s32 $0x0;
	s13 =	stileid.u32  }
0x4: {  	s28 =	simm.s32 $0x2;
	s30 =	simm.s32 $0x3;
	s5 =	smul.u32 $0x2780, s13  }
0x5: {  	s31 =	simm.s32 $0xE;
	s29 =	simm.s32 $0x11;
	s11 =	smul.u32 $0x4F000, s13  }
0x6: {  	s2 =	sand.u32 $0x1, s2;
	[smem:$0x7FF] =	sst s3;
	s18 =	smul.u32 $0x13C00, s13  }
0x7: {  	s7 =	sadd.s32 $0x9EE00, s0;
	s8 =	sadd.s32 $0x50A00, s0;
	s20 =	smul.u32 $0x9D00, s13  }
0x8: {  	s21 =	sadd.s32 $0x128400, s1;
	p0 =	seq.s32 s13, $0xF;
	s4 =	sshll.u32 s2, $0x4  }
0x9: {  	_ =	strace $0x8000004D;
	s9 =	ssub.s32 $0x2, s2;
	s15 =	smul.u32 $0x138C00, s2  }
0xa: {  	s2 =	smul.u32 $0x9D000, s2;
	[dreg:$0xb] =	wrdreg s21;
	s6 =	sor.u32 s13, s4  }
0xb: {  	s4 =	sadd.s32 $0x2600, s0;
	s5 =	sadd.s32 s5, s0;
	s10 =	sshrl.u32 s9, $0x1  }
0xc: {  	s11 =	sshrl.u32 s11, $0x2;
	s0 =	sadd.s32 $0x4E880, s0;
	s6 =	smul.u32 $0x9D00, s6  }
0xd: {  	s9 =	ssub.s32 s9, s10;
	s11 =	sadd.s32 s11, s1;
	[dreg:$0xc] =	wrdreg s0  }
0xe: {  	s5 =	sadd.s32 $0x29800, s5;
	s22 =	sadd.s32 s18, s15;
	[dreg:$0x9] =	wrdreg s11  }
0xf: {  	s2 =	sadd.s32 s20, s2;
	s23 =	sshrl.u32 s15, $0x3;
	[dreg:$0xa] =	wrdreg s5  }
0x10: {  	s0 =	sshrl.u32 s22, $0x3;
	s2 =	sadd.s32 $0x600, s2;
	s25 =	smax.u32 s9, $0x1  }
0x11: {  	s6 =	sshrl.u32 s6, $0x3;
	s0 =	sadd.s32 s8, s0;
	[dreg:$0xf] =	wrdreg s25  }
0x12: {  	s24 =	sadd.s32 s8, s23;
	s12 =	sadd.s32 s7, s6;
	[dreg:$0xd] =	wrdreg s0  }
0x13: {  	s2 =	sshrl.u32 s2, $0x3;
	s0 =	sadd.s32 $0x25080, s24;
	[dreg:$0x3] =	wrdreg s12  }
0x14: {  	s23 =	simm.s32 $0x10;
	s26 =	sadd.s32 s2, s7;
	[dreg:$0xe] =	wrdreg s0  }
0x15: {  	s25 =	simm.s32 $0x40;
	s16 =	sadd.s32 $0x20, s12;
	[dreg:$0x10] =	wrdreg s26  }
0x16: {  	s8 =	simm.s32 $0x0;
	s17 =	sadd.s32 $0x40, s12;
	[dreg:$0x4] =	wrdreg s16  }
0x17: {  	s2 =	simm.s32 $0xF;
	s14 =	sadd.s32 $0x60, s12;
	[dreg:$0x5] =	wrdreg s17  }
0x18: {  	s6 =	simm.s32 $0x12;
	s19 =	sadd.s32 $0x80, s12;
	[dreg:$0x6] =	wrdreg s14  }
0x19: {  	s7 =	simm.s32 $0xD;
	s12 =	sadd.s32 $0xA0, s12;
	[dreg:$0x7] =	wrdreg s19  }
0x1a: {  	s0 =	simm.s32 $0x4;
	s26 =	simm.s32 $0x5;
	[dreg:$0x8] =	wrdreg s12  }
.LBB2_1:
0x1b: {  	s5 =	rddreg [dreg:$0x3]  }
0x1c: {  	[tilespmem:s3], [sflag:$0x1] =	stream.linear.gather [hbm4b:s5+s3], $0x100, $0x38;
	[tilespmem:$0x1FEC0] =	vst v63  }
0x1d: {  	s16 =	rddreg [dreg:$0x4];
	s9 =	simm.s32 $0x100  }
0x1e: {  	[tilespmem:s9], [sflag:$0x2] =	stream.linear.gather [hbm4b:s16+s3], $0x100, $0x38;
	[tilespmem:$0x1FEC0] =	vst v63  }
0x1f: {  	s17 =	rddreg [dreg:$0x5];
	s10 =	simm.s32 $0x200  }
0x20: {  	[tilespmem:s10], [sflag:$0x3] =	stream.linear.gather [hbm4b:s17+s3], $0x100, $0x38;
	[tilespmem:$0x1FEC0] =	vst v63  }
0x21: {  	s18 =	rddreg [dreg:$0x6];
	s11 =	simm.s32 $0x300  }
0x22: {  	[tilespmem:s11], [sflag:$0x4] =	stream.linear.gather [hbm4b:s18+s3], $0x100, $0x38;
	[tilespmem:$0x1FEC0] =	vst v63  }
0x23: {  	s19 =	rddreg [dreg:$0x7];
	s12 =	simm.s32 $0x400  }
0x24: {  	[tilespmem:s12], [sflag:$0x5] =	stream.linear.gather [hbm4b:s19+s3], $0x100, $0x38;
	[tilespmem:$0x1FEC0] =	vst v63  }
0x25: {  	s20 =	rddreg [dreg:$0x8];
	s13 =	simm.s32 $0x500;
	s21 =	simm.s32 $0x1  }
0x26: {  	[tilespmem:s13], [sflag:$0x6] =	stream.linear.gather [hbm4b:s20+s3], $0x100, $0x38;
	[tilespmem:$0x1FEC0] =	vst v63  }
0x27: {  	_ =	swait.ge [sflag:s21], $0x100  }
0x28: {  	[sflag:s21] =	ssyncset.done $0x0  }
0x29: {  	s22 =	simm.s32 $0x600;
	[sflag:s21] =	ssyncadd.s32 $0xFFFFFF00  }
0x2a: {  	[tilespmem:s22], [sflag:$0x7] =	stream.indirect.gather [hbm4b:s4+s25], $0x80, s3, s25, $0xb8;
	[tilespmem:$0x1FEC0] =	vst v63  }
0x2b: {  	_ =	swait.ge [sflag:s28], $0x100  }
0x2c: {  	[sflag:s28] =	ssyncset.done $0x0  }
0x2d: {  	s24 =	simm.s32 $0x2600;
	[sflag:s28] =	ssyncadd.s32 $0xFFFFFF00  }
0x2e: {  	[tilespmem:s24], [sflag:$0x8] =	stream.indirect.gather [hbm4b:s4+s25], $0x80, s9, s25, $0xb8;
	[tilespmem:$0x1FEC0] =	vst v63  }
0x2f: {  	_ =	swait.ge [sflag:s30], $0x100  }
0x30: {  	[sflag:s30] =	ssyncset.done $0x0  }
0x31: {  	s13 =	simm.s32 $0x4600;
	[sflag:s30] =	ssyncadd.s32 $0xFFFFFF00  }
0x32: {  	[tilespmem:s13], [sflag:$0x9] =	stream.indirect.gather [hbm4b:s4+s25], $0x80, s10, s25, $0xb8;
	[tilespmem:$0x1FEC0] =	vst v63  }
0x33: {  	_ =	swait.ge [sflag:s0], $0x100  }
0x34: {  	[sflag:s0] =	ssyncset.done $0x0  }
0x35: {  	s14 =	simm.s32 $0x6600;
	[sflag:s0] =	ssyncadd.s32 $0xFFFFFF00  }
0x36: {  	[tilespmem:s14], [sflag:$0xA] =	stream.indirect.gather [hbm4b:s4+s25], $0x80, s11, s25, $0xb8;
	[tilespmem:$0x1FEC0] =	vst v63  }
0x37: {  	_ =	swait.ge [sflag:s26], $0x100  }
0x38: {  	s5 =	rddreg [dreg:$0xb]  }
0x39: {  	s15 =	simm.s32 $0x8600;
	[sflag:s26] =	ssyncset.done $0x0;
	s10 =	rddreg [dreg:$0xc]  }
0x3a: {  	[sflag:s26] =	ssyncadd.s32 $0xFFFFFF00;
	s9 =	sshrl.u32 @p0 s5, $0x3;
	s5 =	simm.s32 @p0 $0x1FD3  }
0x3b: {  	[tilespmem:s15], [sflag:$0xB] =	stream.indirect.gather [hbm4b:s4+s25], $0x80, s12, s25, $0xb8;
	[tilespmem:$0x1FEC0] =	vst v63  }
0x3c: {  	[spmem:s9], [sflag:s5] =	dma.local @p0 [hbm:s10], $0x2100  }
0x3d: {  	s5 =	simm.s32 @p0 $0x13  }
0x3e: {  	_ =	swait.ge @p0 [sflag:s5], $0x2100  }
0x3f: {  	s16 =	simm.s32 $0x5;
	s10 =	stileid.u32;
	[sflag:s5] =	ssyncset.done @p0 $0x0  }
0x40: {  	s10 =	sshll.u32 @!p0 s10, $0x6;
	[sflag:s5] =	ssyncadd.s32 @p0 $0xFFFFDF00;
	s5 =	rddreg [dreg:$0x9]  }
0x41: {  	s10 =	sor.u32 @!p0 $0x1C13, s10;
	s11 =	sshrl.u32 @!p0 s5, $0x3;
	s5 =	rddreg [dreg:$0xa]  }
0x42: {  	[spmem:s11], [sflag:s10] =	dma.local @!p0 [hbm:s5], $0x2780  }
0x43: {  	s5 =	sand.u32 $0xFF, s16  }
0x44: {  	s5 =	smul.u32 $0xAB, s5;
	_ =	sdelay $0x1  }
0x45: {  	s17 =	smul.u32 $0xAB, s3;
	s5 =	sshrl.u32 s5, $0xA  }
0x46: {  	p1 =	por $0x0, $0x0;
	s12 =	simm.s32 @!p0 $0x13;
	s5 =	smul.u32 $0x6, s5  }
0x47: {  	p2 =	por @!p1 $0x1, $0x1;
	_ =	swait.ge @!p0 [sflag:s12], $0x2780  }
0x48: {  	s13 =	sshrl.u32 s17, $0xA;
	[sflag:s12] =	ssyncset.done @!p0 $0x0;
	s5 =	ssub.s32 $0x5, s5  }
0x49: {  	s13 =	sand.u32 $0x3F, s13;
	[sflag:s12] =	ssyncadd.s32 @!p0 $0xFFFFD880;
	s5 =	sand.u32 $0xFF, s5  }
0x4a: {  	s13 =	smul.u32 $0x6, s13;
	[bflag:$0x0] =	sbarrier.arrive $0xFFFF;
	s15 =	sadd.s32 @!p1 $0x1, s5  }
0x4b: {  	p2 =	por p2, p1;
	s18 =	simm.s32 @!p1 $0x40;
	_ =	swait.ge @!p1 [sflag:s15], $0x100  }
0x4c: {  	s14 =	simm.s32 $0x2;
	s13 =	ssub.s32 $0x0, s13;
	[sflag:s15] =	ssyncset.done @!p1 $0x0  }
0x4d: {  	s12 =	simm.s32 $0x1;
	s17 =	sadd.s32 @!p2 $0xD, s5;
	[sflag:s15] =	ssyncadd.s32 @!p1 $0xFFFFFF00  }
0x4e: {  	s16 =	sshll.u32 @!p1 s5, $0xD;
	s19 =	sshll.u32 @!p1 s5, $0x8;
	_ =	swait.ge @!p2 [sflag:s17], $0x2000  }
0x4f: {  	s5 =	sadd.s32 @!p1 $0x7, s5;
	s15 =	sand.u32 $0xFF, s13;
	[sflag:s17] =	ssyncset.done @!p2 $0x0  }
0x50: {  	s16 =	sor.u32 @!p1 $0x600, s16;
	s21 =	sadd.s32 $0xD, s15;
	[sflag:s17] =	ssyncadd.s32 @!p2 $0xFFFFE000  }
0x51: {  	[tilespmem:s16], [sflag:s5] =	stream.indirect.gather @!p1 [hbm4b:s4+s18], $0x80, s19, s18, $0xb8;
	[tilespmem:$0x1FEC0] =	vst v63  }
0x52: {  	s20 =	sshll.u32 s15, $0x8;
	s17 =	simm.s32 $0x0;
	s16 =	sadd.s32 $0x7, s15  }
0x53: {  	s18 =	sshll.u32 s15, $0xD;
	s19 =	simm.s32 $0x6;
	s5 =	sor.u32 $0x80, s20  }
0x54: {  	_ =	swait.ge [sflag:s16], $0x2000;
	s24 =	sand.u32 $0xFF, s19;
	s13 =	sor.u32 $0x600, s18  }
0x55: {  	[sflag:s16] =	ssyncset.done $0x0;
	s22 =	smul.u32 $0xAB, s24;
	s18 =	rddreg [dreg:$0x10]  }
.LBB2_2:
0x56: {  	[sflag:s16] =	ssyncadd.s32 $0xFFFFE000;
	s24 =	smov.u32 s14;
	s14 =	sadd.s32 $0x1, s14  }
0x57: {  	p2 =	sgt.u32 s17, $0x96;
	p1 =	sne.s32 s14, $0x9D;
	s16 =	sshrl.u32 s22, $0xA  }
0x58: {  	[spmem:s1] =	stream.indirect.scatter.add.f32 [tilespmem:s13], [sflag:s21], $0x80, s5, s25, $0xb8;
	[tilespmem:$0x1FEC0] =	vst v63  }
0x59: {  	s5 =	smul.u32 $0x6, s16;
	s13 =	sadd.s32 @!p2 $0x1, s15;
	s15 =	simm.s32 @!p2 $0x0  }
0x5a: {  	[tilespmem:s20], [sflag:s13] =	stream.linear.gather @!p2 [hbm4b:s18+s15], $0x100, $0x38;
	[tilespmem:$0x1FEC0] =	vst v63  }
0x5b: {  	s13 =	smul.u32 $0xAB, s12;
	s5 =	ssub.s32 s19, s5;
	p2 =	sgt.u32 s12, $0x97  }
0x5c: {  	s18 =	sadd.s32 $0x20, s18;
	s5 =	sand.u32 $0xFF, s5;
	p3 =	seq.s32 @!p2 s12, $0x0  }
0x5d: {  	s13 =	sshrl.u32 s13, $0xA;
	s15 =	sadd.s32 @!p2 $0x1, s5;
	p3 =	por p3, p2  }
0x5e: {  	s16 =	sshll.u32 @!p2 s5, $0xD;
	s13 =	sand.u32 $0x3F, s13;
	_ =	swait.ge @!p2 [sflag:s15], $0x100  }
0x5f: {  	s19 =	sor.u32 @!p2 $0x600, s16;
	s13 =	smul.u32 $0x6, s13;
	[sflag:s15] =	ssyncset.done @!p2 $0x0  }
0x60: {  	s20 =	simm.s32 @!p2 $0x40;
	s16 =	sadd.s32 @!p3 $0xD, s5;
	[sflag:s15] =	ssyncadd.s32 @!p2 $0xFFFFFF00  }
0x61: {  	s21 =	sshll.u32 @!p2 s5, $0x8;
	s13 =	ssub.s32 s12, s13;
	_ =	swait.ge @!p3 [sflag:s16], $0x2000  }
0x62: {  	s5 =	sadd.s32 @!p2 $0x7, s5;
	s15 =	sand.u32 $0xFF, s13;
	[sflag:s16] =	ssyncset.done @!p3 $0x0  }
0x63: {  	s17 =	smov.u32 s12;
	[sflag:s16] =	ssyncadd.s32 @!p3 $0xFFFFE000;
	s16 =	sadd.s32 $0x7, s15  }
.Ltmp0:
0x64: {  	s12 =	smov.u32 s24;
	s13 =	sshll.u32 s15, $0xD;
	(pc) =	sbr.rel @p1 .LBB2_2-.Ltmp0, $4  }
0x65: {  	[tilespmem:s19], [sflag:s5] =	stream.indirect.gather @!p2 [hbm4b:s4+s20], $0x80, s21, s20, $0xb8;
	[tilespmem:$0x1FEC0] =	vst v63  }
0x66: {  	s19 =	sadd.s32 $0x5, s12;
	s21 =	sadd.s32 $0xD, s15;
	_ =	swait.ge [sflag:s16], $0x2000  }
0x67: {  	s20 =	sshll.u32 s15, $0x8;
	s5 =	sand.u32 $0xFF, s19;
	[sflag:s16] =	ssyncset.done $0x0  }
0x68: {  	s13 =	sor.u32 $0x600, s13;
	s22 =	smul.u32 $0xAB, s5;
	s5 =	sor.u32 $0x80, s20  }
0x69: {  	[sflag:s16] =	ssyncadd.s32 $0xFFFFE000  }
0x6a: {  	[spmem:s1] =	stream.indirect.scatter.add.f32 [tilespmem:s13], [sflag:s21], $0x80, s5, s25, $0xb8;
	[tilespmem:$0x1FEC0] =	vst v63  }
0x6b: {  	p1 =	sgt.u32 s17, $0x96;
	s17 =	smul.u32 $0xAB, s12;
	s16 =	sshrl.u32 s22, $0xA  }
0x6c: {  	s13 =	sadd.s32 @!p1 $0x1, s15;
	s14 =	simm.s32 @!p1 $0x0;
	s5 =	smul.u32 $0x6, s16  }
0x6d: {  	[tilespmem:s20], [sflag:s13] =	stream.linear.gather @!p1 [hbm4b:s18+s14], $0x100, $0x38;
	[tilespmem:$0x1FEC0] =	vst v63  }
0x6e: {  	s5 =	ssub.s32 s19, s5  }
0x6f: {  	p1 =	sgt.u32 s12, $0x97;
	s13 =	sshrl.u32 s17, $0xA;
	s5 =	sand.u32 $0xFF, s5  }
0x70: {  	s13 =	sand.u32 $0x3F, s13;
	s14 =	sadd.s32 @!p1 $0x1, s5  }
0x71: {  	p2 =	seq.s32 @!p1 s12, $0x0;
	s13 =	smul.u32 $0x6, s13;
	_ =	swait.ge @!p1 [sflag:s14], $0x100  }
0x72: {  	s16 =	simm.s32 @!p1 $0x40;
	p2 =	por p2, p1;
	[sflag:s14] =	ssyncset.done @!p1 $0x0  }
0x73: {  	s13 =	ssub.s32 s12, s13;
	[sflag:s14] =	ssyncadd.s32 @!p1 $0xFFFFFF00;
	s14 =	sadd.s32 @!p2 $0xD, s5  }
0x74: {  	s15 =	sshll.u32 @!p1 s5, $0xD;
	s13 =	sand.u32 $0xFF, s13;
	_ =	swait.ge @!p2 [sflag:s14], $0x2000  }
0x75: {  	s15 =	sor.u32 @!p1 $0x600, s15;
	s19 =	sadd.s32 $0x7, s13;
	[sflag:s14] =	ssyncset.done @!p2 $0x0  }
0x76: {  	[sflag:s14] =	ssyncadd.s32 @!p2 $0xFFFFE000;
	s14 =	sshll.u32 @!p1 s5, $0x8;
	s5 =	sadd.s32 @!p1 $0x7, s5  }
0x77: {  	[tilespmem:s15], [sflag:s5] =	stream.indirect.gather @!p1 [hbm4b:s4+s16], $0x80, s14, s16, $0xb8;
	[tilespmem:$0x1FEC0] =	vst v63  }
0x78: {  	s20 =	sshll.u32 s13, $0xD;
	s21 =	sadd.s32 $0xD, s13;
	_ =	swait.ge [sflag:s19], $0x2000  }
0x79: {  	s16 =	sshll.u32 s13, $0x8;
	s14 =	sor.u32 $0x600, s20;
	[sflag:s19] =	ssyncset.done $0x0  }
0x7a: {  	p1 =	sgt.u32 s12, $0x96;
	s22 =	sor.u32 $0x80, s16;
	[sflag:s19] =	ssyncadd.s32 $0xFFFFE000  }
0x7b: {  	[spmem:s1] =	stream.indirect.scatter.add.f32 [tilespmem:s14], [sflag:s21], $0x80, s22, s25, $0xb8;
	[tilespmem:$0x1FEC0] =	vst v63  }
0x7c: {  	s5 =	sadd.s32 $0x20, s18;
	s12 =	sadd.s32 @!p1 $0x1, s13;
	s13 =	simm.s32 @!p1 $0x0  }
0x7d: {  	[tilespmem:s16], [sflag:s12] =	stream.linear.gather @!p1 [hbm4b:s5+s13], $0x100, $0x38;
	[tilespmem:$0x1FEC0] =	vst v63  }
0x7e: {  	_ =	swait.ge [sflag:s31], $0x2000  }
0x7f: {  	[sflag:s31] =	ssyncset.done $0x0  }
0x80: {  	[sflag:s31] =	ssyncadd.s32 $0xFFFFE000  }
0x81: {  	_ =	swait.ge [sflag:s2], $0x2000  }
0x82: {  	[sflag:s2] =	ssyncset.done $0x0  }
0x83: {  	[sflag:s2] =	ssyncadd.s32 $0xFFFFE000  }
0x84: {  	_ =	swait.ge [sflag:s23], $0x2000  }
0x85: {  	[sflag:s23] =	ssyncset.done $0x0  }
0x86: {  	[sflag:s23] =	ssyncadd.s32 $0xFFFFE000  }
0x87: {  	_ =	swait.ge [sflag:s29], $0x2000  }
0x88: {  	[sflag:s29] =	ssyncset.done $0x0  }
0x89: {  	[sflag:s29] =	ssyncadd.s32 $0xFFFFE000  }
0x8a: {  	_ =	swait.ge [sflag:s6], $0x2000  }
0x8b: {  	[sflag:s6] =	ssyncset.done $0x0  }
0x8c: {  	[sflag:s6] =	ssyncadd.s32 $0xFFFFE000  }
0x8d: {  	_ =	swait.ge [sflag:s7], $0x2000  }
0x8e: {  	[sflag:s7] =	ssyncset.done $0x0  }
0x8f: {  	[sflag:s7] =	ssyncadd.s32 $0xFFFFE000  }
0x90: {  	[bflag:$0x0] =	sbarrier.arrive $0xFFFF  }
0x91: {  	s5 =	simm.s32 @p0 $0x1FD3;
	s12 =	rddreg [dreg:$0xe]  }
0x92: {  	[hbm:s12], [sflag:s5] =	dma.local @p0 [spmem:s9], $0x2100  }
0x93: {  	s5 =	simm.s32 @p0 $0x13  }
0x94: {  	_ =	swait.ge @p0 [sflag:s5], $0x2100  }
0x95: {  	[sflag:s5] =	ssyncset.done @p0 $0x0  }
0x96: {  	[sflag:s5] =	ssyncadd.s32 @p0 $0xFFFFDF00;
	s5 =	rddreg [dreg:$0xd]  }
0x97: {  	[hbm:s5], [sflag:s10] =	dma.local @!p0 [spmem:s11], $0x2780  }
0x98: {  	s5 =	simm.s32 @!p0 $0x13  }
0x99: {  	_ =	swait.ge @!p0 [sflag:s5], $0x2780  }
0x9a: {  	s8 =	sadd.s32 $0x1, s8;
	s24 =	rddreg [dreg:$0xf]  }
0x9b: {  	p1 =	sne.s32 s8, s24  }
.Ltmp1:
0x9c: {  	_ = 	snop;
	(pc) =	sbr.rel @p1 .LBB2_1-.Ltmp1, $3  }
0x9d: {  	_ =	sdelay $0x1  }
0x9e: {  	[sflag:s5] =	ssyncset.done @!p0 $0x0  }
0x9f: {  	[sflag:s5] =	ssyncadd.s32 @!p0 $0xFFFFD880  }
0xa0: {  	_ =	sfence.sel $0x180000  }
0xa1: {  	[bflag:$0x0] =	sbarrier.arrive $0xFFFF  }
0xa2: {  	_ =	strace $0x9000004D  }
0xa3: {  	s0 =	stileid.u32;
	[bflag:$0x2] =	sbarrier.arrive $0xFFFF  }
0xa4: {  	p0 =	sne.s32 s0, $0x0;
	s0 =	rddreg [dreg:$0x2]  }
0xa5: {  	s0 =	sadd.s32 @!p0 $0x100000, s0  }
0xa6: {  	[sflag:s0] =	ssyncadd.tile.s32 @!p0 $0x1;
	_ =	shalt  }
.Lfunc_end2:
_tile_overlayer_lowered:
.L_overlay_start_2:
0xa7: {  	(tag) =	ssettag $0x2  }
0xa8: {  	s0 =	rddreg [dreg:$0x0];
	s2 =	stileid.u32  }
0xa9: {  	s1 =	rddreg [dreg:$0x1];
	p0 =	sne.s32 s2, $0x0  }
0xaa: {  	s3 =	rddreg [dreg:$0x2];
	[bflag:$0x3] =	sbarrier.arrive $0xFFFF;
	s2 =	simm.s32 @!p0 $0x1C13  }
0xab: {  	[timem:s3], [sflag:s2] =	dma.local @!p0 [hbm:s0], s1  }
0xac: {  	s0 =	simm.s32 @!p0 $0x13  }
0xad: {  	_ =	swait.ge @!p0 [sflag:s0], s1  }
0xae: {  	s1 =	ssub.s32 @!p0 $0x0, s1;
	[sflag:s0] =	ssyncset.done @!p0 $0x0  }
0xaf: {  	[sflag:s0] =	ssyncadd.s32 @!p0 s1  }
0xb0: {  	[bflag:$0x3] =	sbarrier.arrive $0xFFFF  }
0xb1: {  	_ =	shalt  }

// kernel: kernel.20.cloned.1.call-start
scs
__scs_entry_jumppad:
0x0: {  	(pc) =	sbr.rel $0x88, $3  }
0x1: {  	(tag) =	ssettag $0x0;
	lr =	simm.s32 $0x1  }
0x2: {  	[smem:$0x3F98] =	sst lr;
	_ =	strace $0xD0000000  }
0x3: {  	_ = 	snop  }
0x4: {  	_ = 	snop  }
0x5: {  	_ = 	snop  }
0x6: {  	_ = 	snop  }
0x7: {  	_ = 	snop  }
__scs_overlays_trampoline_lowered:
0x8: {  	[smem:$0x3FA7] =	sst s0  }
0x9: {  	[smem:$0x3FA8] =	sst s1  }
0xa: {  	[smem:$0x3FA9] =	sst s2  }
0xb: {  	[smem:$0x3FAA] =	sst s3  }
0xc: {  	[smem:$0x3FAB] =	sst s4  }
0xd: {  	[smem:$0x3FAC] =	sst s5  }
0xe: {  	[smem:$0x3FAD] =	sst s6  }
0xf: {  	[smem:$0x3FAE] =	sst s7  }
0x10: {  	[smem:$0x3FAF] =	sst s8  }
0x11: {  	[smem:$0x3FB0] =	sst s9;
	s0 =	simm.s32 @!p0 $0x0  }
0x12: {  	s1 =	sld [smem:$0x3F96];
	s0 =	simm.s32 @p0 $0x1  }
0x13: {  	[smem:$0x3FB1] =	sst s0;
	s0 =	simm.s32 @!p1 $0x0  }
0x14: {  	s2 =	sld [smem:$0x3F95];
	s0 =	simm.s32 @p1 $0x1  }
0x15: {  	[smem:$0x3FB2] =	sst s0;
	s0 =	simm.s32 @!p2 $0x0  }
0x16: {  	s3 =	sld [smem:$0x3FDB];
	s0 =	simm.s32 @p2 $0x1  }
0x17: {  	s4 =	simm.s32 $0x1BF5;
	[smem:$0x3FB4] =	sst s0  }
0x18: {  	s0 =	sld [smem:$0x3F97];
	_ =	swait.ge [sflag:s4], $0x0  }
0x19: {  	s7 =	sld [smem:$0x3F98]  }
0x1a: {  	s8 =	sadd.s32 $0xFFFFE003, lr  }
0x1b: {  	s9 =	sadd.s32 $0xFFFFFEF7, lr;
	s5 =	simm.s32 $0xFFFFFFFF;
	p2 =	slt.u32 s8, $0xFFFFF086  }
0x1c: {  	p1 =	slt.u32 s9, $0xF7A;
	s5 =	simm.s32 @!p2 $0x0  }
0x1d: {  	s5 =	simm.s32 @p1 $0x1;
	p0 =	seq.s32 s7, s2  }
0x1e: {  	s7 =	smul.u32 @!p0 $0xF7A, s2;
	p2 =	seq.s32 @!p0 s5, $0x0  }
0x1f: {  	s9 =	smul.u32 $0xF7A, s1;
	s8 =	simm.s32 @!p0 $0x1BF5;
	p2 =	por !p2, p0  }
0x20: {  	[sflag:s8] =	ssyncset.s32 @!p0 $0xFFFFF086;
	s6 =	sadd.s32 @!p0 s3, s7;
	s7 =	simm.s32 @!p0 $0x108  }
0x21: {  	s3 =	sadd.s32 s3, s9;
	s6 =	sadd.s32 @!p0 $0x88, s6;
	s7 =	simm.s32 @p2 $0x1082  }
0x22: {  	[simem:s7], [sflag:s8] =	dma.local @!p0 [hbm:s6], $0xF7A  }
0x23: {  	s9 =	sor.u32 $0xD0000000, s2;
	s6 =	simm.s32 $0x108;
	_ =	swait.ge @!p0 [sflag:s8], $0x0  }
0x24: {  	s3 =	sadd.s32 $0x88, s3;
	s6 =	simm.s32 @!p1 $0x1082;
	[sflag:s4] =	ssyncset.s32 $0xFFFFF086  }
0x25: {  	[simem:s6], [sflag:s4] =	dma.local [hbm:s3], $0xF7A  }
0x26: {  	[smem:$0x3F98] =	sst s1;
	(tag) =	ssettag s2;
	_ =	strace s9  }
0x27: {  	s1 =	sld [smem:$0x3FA8]  }
0x28: {  	s2 =	sld [smem:$0x3FA9]  }
0x29: {  	s4 =	sld [smem:$0x3FAB]  }
0x2a: {  	p0 =	seq.s32 s5, $0x0;
	s5 =	sld [smem:$0x3FAC]  }
0x2b: {  	s6 =	sld [smem:$0x3FAD]  }
0x2c: {  	s7 =	sld [smem:$0x3FAE]  }
0x2d: {  	s3 =	simm.s32 $0x108;
	s8 =	sld [smem:$0x3FAF]  }
0x2e: {  	s3 =	simm.s32 @!p0 $0x1082;
	s9 =	sld [smem:$0x3FB0]  }
0x2f: {  	lr =	sadd.s32 s0, s3;
	s0 =	sld [smem:$0x3FA7]  }
0x30: {  	s3 =	sld [smem:$0x3FAA]  }
0x31: {  	[smem:$0x3FB3] =	sst s10  }
0x32: {  	s10 =	sld [smem:$0x3FB1];
	_ =	sdelay $0x3  }
0x33: {  	p0 =	seq.s32 s10, $0x1;
	s10 =	sld [smem:$0x3FB3];
	_ =	sdelay $0x3  }
0x34: {  	[smem:$0x3FB3] =	sst s10  }
0x35: {  	s10 =	sld [smem:$0x3FB2];
	_ =	sdelay $0x3  }
0x36: {  	p1 =	seq.s32 s10, $0x1;
	s10 =	sld [smem:$0x3FB3];
	_ =	sdelay $0x3  }
0x37: {  	[smem:$0x3FB3] =	sst s10  }
0x38: {  	s10 =	sld [smem:$0x3FB4]  }
0x39: {  	_ = 	snop;
	(pc) =	sbr.ind lr, $3  }
0x3a: {  	_ = 	snop  }
0x3b: {  	_ = 	snop  }
0x3c: {  	p2 =	seq.s32 s10, $0x1;
	s10 =	sld [smem:$0x3FB3]  }
0x3d: {  	_ =	shalt  }
0x3e: {  	_ =	shalt  }
0x3f: {  	_ =	shalt  }
0x40: {  	_ =	shalt  }
0x41: {  	_ =	shalt  }
0x42: {  	_ =	shalt  }
0x43: {  	_ =	shalt  }
0x44: {  	_ =	shalt  }
0x45: {  	_ =	shalt  }
0x46: {  	_ =	shalt  }
0x47: {  	_ =	shalt  }
0x48: {  	_ =	shalt  }
0x49: {  	_ =	shalt  }
0x4a: {  	_ =	shalt  }
0x4b: {  	_ =	shalt  }
0x4c: {  	_ =	shalt  }
0x4d: {  	_ =	shalt  }
0x4e: {  	_ =	shalt  }
0x4f: {  	_ =	shalt  }
0x50: {  	_ =	shalt  }
0x51: {  	_ =	shalt  }
0x52: {  	_ =	shalt  }
0x53: {  	_ =	shalt  }
0x54: {  	_ =	shalt  }
0x55: {  	_ =	shalt  }
0x56: {  	_ =	shalt  }
0x57: {  	_ =	shalt  }
0x58: {  	_ =	shalt  }
0x59: {  	_ =	shalt  }
0x5a: {  	_ =	shalt  }
0x5b: {  	_ =	shalt  }
0x5c: {  	_ =	shalt  }
0x5d: {  	_ =	shalt  }
0x5e: {  	_ =	shalt  }
0x5f: {  	_ =	shalt  }
0x60: {  	_ =	shalt  }
0x61: {  	_ =	shalt  }
0x62: {  	_ =	shalt  }
0x63: {  	_ =	shalt  }
0x64: {  	_ =	shalt  }
0x65: {  	_ =	shalt  }
0x66: {  	_ =	shalt  }
0x67: {  	_ =	shalt  }
0x68: {  	_ =	shalt  }
0x69: {  	_ =	shalt  }
0x6a: {  	_ =	shalt  }
0x6b: {  	_ =	shalt  }
0x6c: {  	_ =	shalt  }
0x6d: {  	_ =	shalt  }
0x6e: {  	_ =	shalt  }
0x6f: {  	_ =	shalt  }
0x70: {  	_ =	shalt  }
0x71: {  	_ =	shalt  }
0x72: {  	_ =	shalt  }
0x73: {  	_ =	shalt  }
0x74: {  	_ =	shalt  }
0x75: {  	_ =	shalt  }
0x76: {  	_ =	shalt  }
0x77: {  	_ =	shalt  }
0x78: {  	_ =	shalt  }
0x79: {  	_ =	shalt  }
0x7a: {  	_ =	shalt  }
0x7b: {  	_ =	shalt  }
0x7c: {  	_ =	shalt  }
0x7d: {  	_ =	shalt  }
0x7e: {  	_ =	shalt  }
0x7f: {  	_ =	shalt  }
0x80: {  	_ =	shalt  }
0x81: {  	_ =	shalt  }
0x82: {  	_ =	shalt  }
0x83: {  	_ =	shalt  }
0x84: {  	_ =	shalt  }
0x85: {  	_ =	shalt  }
0x86: {  	_ =	shalt  }
0x87: {  	_ =	shalt  }
.Lfunc_end0:
.L_simem_size_0:
called_computation.3_lowered:
.L_overlay_start_0:
0x88: {  	s2 =	sld [smem:$0x3FD9]  }
0x89: {  	s3 =	sld [smem:$0x3FFE];
	_ =	sdelay $0x1  }
0x8a: {  	s1 =	srdreg.scid  }
0x8b: {  	s0 =	sand.u32 $0x1, s1  }
0x8c: {  	s17 =	sshll.u32 s0, $0xA;
	s2 =	sadd.s32 s3, s2  }
0x8d: {  	s2 =	sadd.s32 s2, s17  }
0x8e: {  	[smem:$0x3FBF] =	sst s2  }
0x8f: {  	_ = 	snop  }
0x90: {  	s2 =	sld [smem:$0x3FD0];
	(tm) =	ssettm $0x1  }
0x91: {  	s18 =	sld [smem:$0x3FFB];
	_ =	sdelay $0x3  }
0x92: {  	_ =	strace s18  }
0x93: {  	s3 =	sld [smem:$0x3FFC];
	_ =	sdelay $0x3  }
0x94: {  	_ =	strace s3  }
0x95: {  	s3 =	sld [smem:$0x3FFD];
	_ =	sdelay $0x3  }
0x96: {  	_ =	strace s3  }
0x97: {  	_ =	strace $0x8FFFFFFF  }
0x98: {  	s19 =	sld [smem:$0x3FDB];
	_ =	sdelay $0x1  }
0x99: {  	s4 =	simm.s32 $_scs_section_size  }
0x9a: {  	s5 =	simm.s32 $_size__tile_overlayer_lowered;
	s6 =	simm.s32 $_tile_overlayer_lowered  }
0x9b: {  	s22 =	simm.s32 $0x1BFF;
	s21 =	sshll.u32 s6, $0x1;
	s3 =	sadd.s32 s4, s19  }
0x9c: {  	s7 =	simm.s32 $0x0;
	s20 =	sshll.u32 s5, $0x1;
	s5 =	sadd.s32 s21, s3  }
0x9d: {  	[timem:s7], [sflag:s22] =	dma.local [hbm:s5], s20  }
0x9e: {  	_ =	swait.ge [sflag:s22], s20  }
0x9f: {  	s4 =	ssub.s32 $0x0, s20;
	[sflag:s22] =	ssyncset.done $0x0  }
0xa0: {  	[sflag:s22] =	ssyncadd.s32 s4;
	_ =	sdelay $0x1  }
0xa1: {  	s23 =	simm.s32 $0x1B8B  }
0xa2: {  	_ =	swait.ge [sflag:s23], $0x1  }
0xa3: {  	[sflag:s23] =	ssyncset.done $0x0  }
0xa4: {  	s25 =	simm.s32 $0x1B8E;
	s24 =	sld [smem:$0x3FFE];
	[sflag:s23] =	ssyncadd.s32 $0xFFFFFFFF  }
0xa5: {  	s26 =	simm.s32 $execute0_lowered;
	[smem:$0x3FD2] =	sst s25  }
0xa6: {  	s5 =	sshll.u32 s26, $0x1;
	_ =	strace $0x8000004F;
	[dreg:$0x1] =	wrdreg $0xFFFFFFFF  }
0xa7: {  	s28 =	simm.s32 $_size_execute0_lowered;
	s3 =	sadd.s32 s3, s5;
	[dreg:$0x0] =	wrdreg $0x0  }
0xa8: {  	s5 =	sshll.u32 s28, $0x1;
	[dreg:$0x2] =	wrdreg s3  }
0xa9: {  	[dreg:$0x3] =	wrdreg s5  }
0xaa: {  	[dreg:$0x4] =	wrdreg $0xC0  }
0xab: {  	_ =	task [dreg:s7], $0x5FFFF  }
0xac: {  	[dreg:$0x1] =	wrdreg $0xFFFFFFFF  }
0xad: {  	[dreg:$0x0] =	wrdreg $0x60  }
0xae: {  	[dreg:$0x2] =	wrdreg s24  }
0xaf: {  	[dreg:$0x3] =	wrdreg s2  }
0xb0: {  	[dreg:$0x4] =	wrdreg $0xC6000  }
0xb1: {  	[dreg:$0x5] =	wrdreg $0x9  }
0xb2: {  	_ =	task.clear_ibuf [dreg:s7], $0x6FFFF;
	_ =	strace $0x9000004F  }
0xb3: {  	s29 =	simm.s32 $0x9;
	_ =	strace $0x80000051  }
0xb4: {  	_ =	swait.ge [sflag:s29], $0x1  }
0xb5: {  	[sflag:s29] =	ssyncadd.s32 $0xFFFFFFFF  }
0xb6: {  	_ =	strace $0x90000051  }
0xb7: {  	_ =	sfence  }
0xb8: {  	s30 =	sld [smem:$0x0];
	_ =	sdelay $0x2  }
0xb9: {  	s31 =	sshll.u32 s1, $0xD;
	s1 =	sshrl.u32 s1, $0x2  }
0xba: {  	s3 =	sand.u32 $0x4000, s31;
	s1 =	sadd.s32 s1, s30  }
0xbb: {  	s0 =	sor.u32 s3, s0;
	s1 =	sshll.u32 s1, $0x11  }
0xbc: {  	s0 =	sor.u32 s1, s0  }
0xbd: {  	s0 =	sadd.s32 $0x8F2B, s0  }
0xbe: {  	[sflag:s0] =	ssyncadd.remote.s32 $0x1  }
0xbf: {  	_ =	sfence.sel $0xFFFF  }
0xc0: {  	[dreg:$0x0] =	wrdreg $0xFFFFFFFF;
	(pc) =	sbr.abs _section_cstart, $3  }
0xc1: {  	[dreg:$0x1] =	wrdreg $0xFFFFFFFF  }
0xc2: {  	_ =	task.clear_ibuf [dreg:s7], $0x2FFFF;
	_ =	strace $0x9FFFFFFF  }
0xc3: {  	(tm) =	ssettm $0x7FFFFFFF  }
tec
execute0_lowered:
.L_overlay_start_1:
0x0: {  	(tag) =	ssettag $0x1  }
0x1: {  	s0 =	rddreg [dreg:$0x0]  }
0x2: {  	s2 =	rddreg [dreg:$0x1]  }
0x3: {  	s1 =	rddreg [dreg:$0x2]  }
0x4: {  	s3 =	srdreg.scid;
	s13 =	stileid.u32  }
0x5: {  	s28 =	simm.s32 $0x2;
	s30 =	simm.s32 $0x3;
	s6 =	smul.u32 $0x2780, s13  }
0x6: {  	s31 =	simm.s32 $0xE;
	s29 =	simm.s32 $0x11;
	s11 =	smul.u32 $0x4F000, s13  }
0x7: {  	s5 =	sand.u32 $0x1, s3;
	s3 =	simm.s32 $0x0;
	s18 =	smul.u32 $0x13C00, s13  }
0x8: {  	s8 =	sadd.s32 $0x50A00, s0;
	s20 =	smul.u32 $0x9D00, s13;
	s21 =	sadd.s32 $0x128400, s1  }
0x9: {  	p0 =	seq.s32 s13, $0xF;
	s4 =	sshll.u32 s5, $0x4;
	s15 =	smul.u32 $0x138C00, s5  }
0xa: {  	[smem:$0x7FF] =	sst s3;
	s9 =	ssub.s32 $0x2, s5;
	s5 =	smul.u32 $0x9D000, s5  }
0xb: {  	s7 =	sor.u32 s13, s4;
	_ =	strace $0x80000050;
	s4 =	sadd.s32 $0x2600, s0  }
0xc: {  	s6 =	sadd.s32 s6, s0;
	s10 =	sshrl.u32 s9, $0x1;
	s11 =	sshrl.u32 s11, $0x2  }
0xd: {  	[dreg:$0xc] =	wrdreg s21;
	s0 =	sadd.s32 $0x4E880, s0;
	s7 =	smul.u32 $0x9D00, s7  }
0xe: {  	s9 =	ssub.s32 s9, s10;
	s11 =	sadd.s32 s11, s1;
	[dreg:$0xd] =	wrdreg s0  }
0xf: {  	s6 =	sadd.s32 $0x29800, s6;
	s22 =	sadd.s32 s18, s15;
	[dreg:$0xa] =	wrdreg s11  }
0x10: {  	s5 =	sadd.s32 s20, s5;
	s23 =	sshrl.u32 s15, $0x3;
	[dreg:$0xb] =	wrdreg s6  }
0x11: {  	s0 =	sshrl.u32 s22, $0x3;
	s5 =	sadd.s32 $0x600, s5;
	s25 =	smax.u32 s9, $0x1  }
0x12: {  	s7 =	sshrl.u32 s7, $0x3;
	s0 =	sadd.s32 s8, s0;
	[dreg:$0x10] =	wrdreg s25  }
0x13: {  	s24 =	sadd.s32 s8, s23;
	s12 =	sadd.s32 s2, s7;
	[dreg:$0xe] =	wrdreg s0  }
0x14: {  	s5 =	sshrl.u32 s5, $0x3;
	s0 =	sadd.s32 $0x25080, s24;
	[dreg:$0x4] =	wrdreg s12  }
0x15: {  	s23 =	simm.s32 $0x10;
	s26 =	sadd.s32 s5, s2;
	[dreg:$0xf] =	wrdreg s0  }
0x16: {  	s6 =	simm.s32 $0x12;
	s16 =	sadd.s32 $0x20, s12;
	[dreg:$0x11] =	wrdreg s26  }
0x17: {  	s25 =	simm.s32 $0x40;
	s17 =	sadd.s32 $0x40, s12;
	[dreg:$0x5] =	wrdreg s16  }
0x18: {  	s8 =	simm.s32 $0x0;
	s14 =	sadd.s32 $0x60, s12;
	[dreg:$0x6] =	wrdreg s17  }
0x19: {  	s2 =	simm.s32 $0xF;
	s19 =	sadd.s32 $0x80, s12;
	[dreg:$0x7] =	wrdreg s14  }
0x1a: {  	s7 =	simm.s32 $0xD;
	s12 =	sadd.s32 $0xA0, s12;
	[dreg:$0x8] =	wrdreg s19  }
0x1b: {  	s0 =	simm.s32 $0x4;
	s26 =	simm.s32 $0x5;
	[dreg:$0x9] =	wrdreg s12  }
.LBB2_1:
0x1c: {  	s5 =	rddreg [dreg:$0x4]  }
0x1d: {  	[tilespmem:s3], [sflag:$0x1] =	stream.linear.gather [hbm4b:s5+s3], $0x100, $0x38;
	[tilespmem:$0x1FEC0] =	vst v63  }
0x1e: {  	s16 =	rddreg [dreg:$0x5];
	s9 =	simm.s32 $0x100  }
0x1f: {  	[tilespmem:s9], [sflag:$0x2] =	stream.linear.gather [hbm4b:s16+s3], $0x100, $0x38;
	[tilespmem:$0x1FEC0] =	vst v63  }
0x20: {  	s17 =	rddreg [dreg:$0x6];
	s10 =	simm.s32 $0x200  }
0x21: {  	[tilespmem:s10], [sflag:$0x3] =	stream.linear.gather [hbm4b:s17+s3], $0x100, $0x38;
	[tilespmem:$0x1FEC0] =	vst v63  }
0x22: {  	s18 =	rddreg [dreg:$0x7];
	s11 =	simm.s32 $0x300  }
0x23: {  	[tilespmem:s11], [sflag:$0x4] =	stream.linear.gather [hbm4b:s18+s3], $0x100, $0x38;
	[tilespmem:$0x1FEC0] =	vst v63  }
0x24: {  	s19 =	rddreg [dreg:$0x8];
	s12 =	simm.s32 $0x400  }
0x25: {  	[tilespmem:s12], [sflag:$0x5] =	stream.linear.gather [hbm4b:s19+s3], $0x100, $0x38;
	[tilespmem:$0x1FEC0] =	vst v63  }
0x26: {  	s20 =	rddreg [dreg:$0x9];
	s13 =	simm.s32 $0x500;
	s21 =	simm.s32 $0x1  }
0x27: {  	[tilespmem:s13], [sflag:$0x6] =	stream.linear.gather [hbm4b:s20+s3], $0x100, $0x38;
	[tilespmem:$0x1FEC0] =	vst v63  }
0x28: {  	_ =	swait.ge [sflag:s21], $0x100  }
0x29: {  	[sflag:s21] =	ssyncset.done $0x0  }
0x2a: {  	s22 =	simm.s32 $0x600;
	[sflag:s21] =	ssyncadd.s32 $0xFFFFFF00  }
0x2b: {  	[tilespmem:s22], [sflag:$0x7] =	stream.indirect.gather [hbm4b:s4+s25], $0x80, s3, s25, $0xb8;
	[tilespmem:$0x1FEC0] =	vst v63  }
0x2c: {  	_ =	swait.ge [sflag:s28], $0x100  }
0x2d: {  	[sflag:s28] =	ssyncset.done $0x0  }
0x2e: {  	s24 =	simm.s32 $0x2600;
	[sflag:s28] =	ssyncadd.s32 $0xFFFFFF00  }
0x2f: {  	[tilespmem:s24], [sflag:$0x8] =	stream.indirect.gather [hbm4b:s4+s25], $0x80, s9, s25, $0xb8;
	[tilespmem:$0x1FEC0] =	vst v63  }
0x30: {  	_ =	swait.ge [sflag:s30], $0x100  }
0x31: {  	[sflag:s30] =	ssyncset.done $0x0  }
0x32: {  	s13 =	simm.s32 $0x4600;
	[sflag:s30] =	ssyncadd.s32 $0xFFFFFF00  }
0x33: {  	[tilespmem:s13], [sflag:$0x9] =	stream.indirect.gather [hbm4b:s4+s25], $0x80, s10, s25, $0xb8;
	[tilespmem:$0x1FEC0] =	vst v63  }
0x34: {  	_ =	swait.ge [sflag:s0], $0x100  }
0x35: {  	[sflag:s0] =	ssyncset.done $0x0  }
0x36: {  	s14 =	simm.s32 $0x6600;
	[sflag:s0] =	ssyncadd.s32 $0xFFFFFF00  }
0x37: {  	[tilespmem:s14], [sflag:$0xA] =	stream.indirect.gather [hbm4b:s4+s25], $0x80, s11, s25, $0xb8;
	[tilespmem:$0x1FEC0] =	vst v63  }
0x38: {  	_ =	swait.ge [sflag:s26], $0x100  }
0x39: {  	s5 =	rddreg [dreg:$0xc]  }
0x3a: {  	s15 =	simm.s32 $0x8600;
	[sflag:s26] =	ssyncset.done $0x0;
	s10 =	rddreg [dreg:$0xd]  }
0x3b: {  	[sflag:s26] =	ssyncadd.s32 $0xFFFFFF00;
	s9 =	sshrl.u32 @p0 s5, $0x3;
	s5 =	simm.s32 @p0 $0x1FD3  }
0x3c: {  	[tilespmem:s15], [sflag:$0xB] =	stream.indirect.gather [hbm4b:s4+s25], $0x80, s12, s25, $0xb8;
	[tilespmem:$0x1FEC0] =	vst v63  }
0x3d: {  	[spmem:s9], [sflag:s5] =	dma.local @p0 [hbm:s10], $0x2100  }
0x3e: {  	s5 =	simm.s32 @p0 $0x13  }
0x3f: {  	_ =	swait.ge @p0 [sflag:s5], $0x2100  }
0x40: {  	s16 =	simm.s32 $0x5;
	s10 =	stileid.u32;
	[sflag:s5] =	ssyncset.done @p0 $0x0  }
0x41: {  	s10 =	sshll.u32 @!p0 s10, $0x6;
	[sflag:s5] =	ssyncadd.s32 @p0 $0xFFFFDF00;
	s5 =	rddreg [dreg:$0xa]  }
0x42: {  	s10 =	sor.u32 @!p0 $0x1C13, s10;
	s11 =	sshrl.u32 @!p0 s5, $0x3;
	s5 =	rddreg [dreg:$0xb]  }
0x43: {  	[spmem:s11], [sflag:s10] =	dma.local @!p0 [hbm:s5], $0x2780  }
0x44: {  	s5 =	sand.u32 $0xFF, s16  }
0x45: {  	s5 =	smul.u32 $0xAB, s5;
	_ =	sdelay $0x1  }
0x46: {  	s17 =	smul.u32 $0xAB, s3;
	s5 =	sshrl.u32 s5, $0xA  }
0x47: {  	p1 =	por $0x0, $0x0;
	s12 =	simm.s32 @!p0 $0x13;
	s5 =	smul.u32 $0x6, s5  }
0x48: {  	p2 =	por @!p1 $0x1, $0x1;
	_ =	swait.ge @!p0 [sflag:s12], $0x2780  }
0x49: {  	s13 =	sshrl.u32 s17, $0xA;
	[sflag:s12] =	ssyncset.done @!p0 $0x0;
	s5 =	ssub.s32 $0x5, s5  }
0x4a: {  	s13 =	sand.u32 $0x3F, s13;
	[sflag:s12] =	ssyncadd.s32 @!p0 $0xFFFFD880;
	s5 =	sand.u32 $0xFF, s5  }
0x4b: {  	s13 =	smul.u32 $0x6, s13;
	[bflag:$0x0] =	sbarrier.arrive $0xFFFF;
	s15 =	sadd.s32 @!p1 $0x1, s5  }
0x4c: {  	p2 =	por p2, p1;
	s18 =	simm.s32 @!p1 $0x40;
	_ =	swait.ge @!p1 [sflag:s15], $0x100  }
0x4d: {  	s14 =	simm.s32 $0x2;
	s13 =	ssub.s32 $0x0, s13;
	[sflag:s15] =	ssyncset.done @!p1 $0x0  }
0x4e: {  	s12 =	simm.s32 $0x1;
	s17 =	sadd.s32 @!p2 $0xD, s5;
	[sflag:s15] =	ssyncadd.s32 @!p1 $0xFFFFFF00  }
0x4f: {  	s16 =	sshll.u32 @!p1 s5, $0xD;
	s19 =	sshll.u32 @!p1 s5, $0x8;
	_ =	swait.ge @!p2 [sflag:s17], $0x2000  }
0x50: {  	s5 =	sadd.s32 @!p1 $0x7, s5;
	s15 =	sand.u32 $0xFF, s13;
	[sflag:s17] =	ssyncset.done @!p2 $0x0  }
0x51: {  	s16 =	sor.u32 @!p1 $0x600, s16;
	s21 =	sadd.s32 $0xD, s15;
	[sflag:s17] =	ssyncadd.s32 @!p2 $0xFFFFE000  }
0x52: {  	[tilespmem:s16], [sflag:s5] =	stream.indirect.gather @!p1 [hbm4b:s4+s18], $0x80, s19, s18, $0xb8;
	[tilespmem:$0x1FEC0] =	vst v63  }
0x53: {  	s20 =	sshll.u32 s15, $0x8;
	s17 =	simm.s32 $0x0;
	s16 =	sadd.s32 $0x7, s15  }
0x54: {  	s18 =	sshll.u32 s15, $0xD;
	s19 =	simm.s32 $0x6;
	s5 =	sor.u32 $0x80, s20  }
0x55: {  	_ =	swait.ge [sflag:s16], $0x2000;
	s24 =	sand.u32 $0xFF, s19;
	s13 =	sor.u32 $0x600, s18  }
0x56: {  	[sflag:s16] =	ssyncset.done $0x0;
	s22 =	smul.u32 $0xAB, s24;
	s18 =	rddreg [dreg:$0x11]  }
.LBB2_2:
0x57: {  	[sflag:s16] =	ssyncadd.s32 $0xFFFFE000;
	s24 =	smov.u32 s14;
	s14 =	sadd.s32 $0x1, s14  }
0x58: {  	p2 =	sgt.u32 s17, $0x96;
	p1 =	sne.s32 s14, $0x9D;
	s16 =	sshrl.u32 s22, $0xA  }
0x59: {  	[spmem:s1] =	stream.indirect.scatter.add.f32 [tilespmem:s13], [sflag:s21], $0x80, s5, s25, $0xb8;
	[tilespmem:$0x1FEC0] =	vst v63  }
0x5a: {  	s5 =	smul.u32 $0x6, s16;
	s13 =	sadd.s32 @!p2 $0x1, s15;
	s15 =	simm.s32 @!p2 $0x0  }
0x5b: {  	[tilespmem:s20], [sflag:s13] =	stream.linear.gather @!p2 [hbm4b:s18+s15], $0x100, $0x38;
	[tilespmem:$0x1FEC0] =	vst v63  }
0x5c: {  	s13 =	smul.u32 $0xAB, s12;
	s5 =	ssub.s32 s19, s5;
	p2 =	sgt.u32 s12, $0x97  }
0x5d: {  	s18 =	sadd.s32 $0x20, s18;
	s5 =	sand.u32 $0xFF, s5;
	p3 =	seq.s32 @!p2 s12, $0x0  }
0x5e: {  	s13 =	sshrl.u32 s13, $0xA;
	s15 =	sadd.s32 @!p2 $0x1, s5;
	p3 =	por p3, p2  }
0x5f: {  	s16 =	sshll.u32 @!p2 s5, $0xD;
	s13 =	sand.u32 $0x3F, s13;
	_ =	swait.ge @!p2 [sflag:s15], $0x100  }
0x60: {  	s19 =	sor.u32 @!p2 $0x600, s16;
	s13 =	smul.u32 $0x6, s13;
	[sflag:s15] =	ssyncset.done @!p2 $0x0  }
0x61: {  	s20 =	simm.s32 @!p2 $0x40;
	s16 =	sadd.s32 @!p3 $0xD, s5;
	[sflag:s15] =	ssyncadd.s32 @!p2 $0xFFFFFF00  }
0x62: {  	s21 =	sshll.u32 @!p2 s5, $0x8;
	s13 =	ssub.s32 s12, s13;
	_ =	swait.ge @!p3 [sflag:s16], $0x2000  }
0x63: {  	s5 =	sadd.s32 @!p2 $0x7, s5;
	s15 =	sand.u32 $0xFF, s13;
	[sflag:s16] =	ssyncset.done @!p3 $0x0  }
0x64: {  	s17 =	smov.u32 s12;
	[sflag:s16] =	ssyncadd.s32 @!p3 $0xFFFFE000;
	s16 =	sadd.s32 $0x7, s15  }
.Ltmp0:
0x65: {  	s12 =	smov.u32 s24;
	s13 =	sshll.u32 s15, $0xD;
	(pc) =	sbr.rel @p1 .LBB2_2-.Ltmp0, $4  }
0x66: {  	[tilespmem:s19], [sflag:s5] =	stream.indirect.gather @!p2 [hbm4b:s4+s20], $0x80, s21, s20, $0xb8;
	[tilespmem:$0x1FEC0] =	vst v63  }
0x67: {  	s19 =	sadd.s32 $0x5, s12;
	s21 =	sadd.s32 $0xD, s15;
	_ =	swait.ge [sflag:s16], $0x2000  }
0x68: {  	s20 =	sshll.u32 s15, $0x8;
	s5 =	sand.u32 $0xFF, s19;
	[sflag:s16] =	ssyncset.done $0x0  }
0x69: {  	s13 =	sor.u32 $0x600, s13;
	s22 =	smul.u32 $0xAB, s5;
	s5 =	sor.u32 $0x80, s20  }
0x6a: {  	[sflag:s16] =	ssyncadd.s32 $0xFFFFE000  }
0x6b: {  	[spmem:s1] =	stream.indirect.scatter.add.f32 [tilespmem:s13], [sflag:s21], $0x80, s5, s25, $0xb8;
	[tilespmem:$0x1FEC0] =	vst v63  }
0x6c: {  	p1 =	sgt.u32 s17, $0x96;
	s17 =	smul.u32 $0xAB, s12;
	s16 =	sshrl.u32 s22, $0xA  }
0x6d: {  	s13 =	sadd.s32 @!p1 $0x1, s15;
	s14 =	simm.s32 @!p1 $0x0;
	s5 =	smul.u32 $0x6, s16  }
0x6e: {  	[tilespmem:s20], [sflag:s13] =	stream.linear.gather @!p1 [hbm4b:s18+s14], $0x100, $0x38;
	[tilespmem:$0x1FEC0] =	vst v63  }
0x6f: {  	s5 =	ssub.s32 s19, s5  }
0x70: {  	p1 =	sgt.u32 s12, $0x97;
	s13 =	sshrl.u32 s17, $0xA;
	s5 =	sand.u32 $0xFF, s5  }
0x71: {  	s13 =	sand.u32 $0x3F, s13;
	s14 =	sadd.s32 @!p1 $0x1, s5  }
0x72: {  	p2 =	seq.s32 @!p1 s12, $0x0;
	s13 =	smul.u32 $0x6, s13;
	_ =	swait.ge @!p1 [sflag:s14], $0x100  }
0x73: {  	s16 =	simm.s32 @!p1 $0x40;
	p2 =	por p2, p1;
	[sflag:s14] =	ssyncset.done @!p1 $0x0  }
0x74: {  	s13 =	ssub.s32 s12, s13;
	[sflag:s14] =	ssyncadd.s32 @!p1 $0xFFFFFF00;
	s14 =	sadd.s32 @!p2 $0xD, s5  }
0x75: {  	s15 =	sshll.u32 @!p1 s5, $0xD;
	s13 =	sand.u32 $0xFF, s13;
	_ =	swait.ge @!p2 [sflag:s14], $0x2000  }
0x76: {  	s15 =	sor.u32 @!p1 $0x600, s15;
	s19 =	sadd.s32 $0x7, s13;
	[sflag:s14] =	ssyncset.done @!p2 $0x0  }
0x77: {  	[sflag:s14] =	ssyncadd.s32 @!p2 $0xFFFFE000;
	s14 =	sshll.u32 @!p1 s5, $0x8;
	s5 =	sadd.s32 @!p1 $0x7, s5  }
0x78: {  	[tilespmem:s15], [sflag:s5] =	stream.indirect.gather @!p1 [hbm4b:s4+s16], $0x80, s14, s16, $0xb8;
	[tilespmem:$0x1FEC0] =	vst v63  }
0x79: {  	s20 =	sshll.u32 s13, $0xD;
	s21 =	sadd.s32 $0xD, s13;
	_ =	swait.ge [sflag:s19], $0x2000  }
0x7a: {  	s16 =	sshll.u32 s13, $0x8;
	s14 =	sor.u32 $0x600, s20;
	[sflag:s19] =	ssyncset.done $0x0  }
0x7b: {  	p1 =	sgt.u32 s12, $0x96;
	s22 =	sor.u32 $0x80, s16;
	[sflag:s19] =	ssyncadd.s32 $0xFFFFE000  }
0x7c: {  	[spmem:s1] =	stream.indirect.scatter.add.f32 [tilespmem:s14], [sflag:s21], $0x80, s22, s25, $0xb8;
	[tilespmem:$0x1FEC0] =	vst v63  }
0x7d: {  	s5 =	sadd.s32 $0x20, s18;
	s12 =	sadd.s32 @!p1 $0x1, s13;
	s13 =	simm.s32 @!p1 $0x0  }
0x7e: {  	[tilespmem:s16], [sflag:s12] =	stream.linear.gather @!p1 [hbm4b:s5+s13], $0x100, $0x38;
	[tilespmem:$0x1FEC0] =	vst v63  }
0x7f: {  	_ =	swait.ge [sflag:s31], $0x2000  }
0x80: {  	[sflag:s31] =	ssyncset.done $0x0  }
0x81: {  	[sflag:s31] =	ssyncadd.s32 $0xFFFFE000  }
0x82: {  	_ =	swait.ge [sflag:s2], $0x2000  }
0x83: {  	[sflag:s2] =	ssyncset.done $0x0  }
0x84: {  	[sflag:s2] =	ssyncadd.s32 $0xFFFFE000  }
0x85: {  	_ =	swait.ge [sflag:s23], $0x2000  }
0x86: {  	[sflag:s23] =	ssyncset.done $0x0  }
0x87: {  	[sflag:s23] =	ssyncadd.s32 $0xFFFFE000  }
0x88: {  	_ =	swait.ge [sflag:s29], $0x2000  }
0x89: {  	[sflag:s29] =	ssyncset.done $0x0  }
0x8a: {  	[sflag:s29] =	ssyncadd.s32 $0xFFFFE000  }
0x8b: {  	_ =	swait.ge [sflag:s6], $0x2000  }
0x8c: {  	[sflag:s6] =	ssyncset.done $0x0  }
0x8d: {  	[sflag:s6] =	ssyncadd.s32 $0xFFFFE000  }
0x8e: {  	_ =	swait.ge [sflag:s7], $0x2000  }
0x8f: {  	[sflag:s7] =	ssyncset.done $0x0  }
0x90: {  	[sflag:s7] =	ssyncadd.s32 $0xFFFFE000  }
0x91: {  	[bflag:$0x0] =	sbarrier.arrive $0xFFFF  }
0x92: {  	s5 =	simm.s32 @p0 $0x1FD3;
	s12 =	rddreg [dreg:$0xf]  }
0x93: {  	[hbm:s12], [sflag:s5] =	dma.local @p0 [spmem:s9], $0x2100  }
0x94: {  	s5 =	simm.s32 @p0 $0x13  }
0x95: {  	_ =	swait.ge @p0 [sflag:s5], $0x2100  }
0x96: {  	[sflag:s5] =	ssyncset.done @p0 $0x0  }
0x97: {  	[sflag:s5] =	ssyncadd.s32 @p0 $0xFFFFDF00;
	s5 =	rddreg [dreg:$0xe]  }
0x98: {  	[hbm:s5], [sflag:s10] =	dma.local @!p0 [spmem:s11], $0x2780  }
0x99: {  	s5 =	simm.s32 @!p0 $0x13  }
0x9a: {  	_ =	swait.ge @!p0 [sflag:s5], $0x2780  }
0x9b: {  	s8 =	sadd.s32 $0x1, s8;
	s24 =	rddreg [dreg:$0x10]  }
0x9c: {  	p1 =	sne.s32 s8, s24  }
.Ltmp1:
0x9d: {  	_ = 	snop;
	(pc) =	sbr.rel @p1 .LBB2_1-.Ltmp1, $3  }
0x9e: {  	_ =	sdelay $0x1  }
0x9f: {  	[sflag:s5] =	ssyncset.done @!p0 $0x0  }
0xa0: {  	[sflag:s5] =	ssyncadd.s32 @!p0 $0xFFFFD880  }
0xa1: {  	_ =	sfence.sel $0x180000  }
0xa2: {  	[bflag:$0x0] =	sbarrier.arrive $0xFFFF  }
0xa3: {  	_ =	strace $0x90000050  }
0xa4: {  	s0 =	stileid.u32;
	[bflag:$0x2] =	sbarrier.arrive $0xFFFF  }
0xa5: {  	p0 =	sne.s32 s0, $0x0;
	s0 =	rddreg [dreg:$0x3]  }
0xa6: {  	s0 =	sadd.s32 @!p0 $0x100000, s0  }
0xa7: {  	[sflag:s0] =	ssyncadd.tile.s32 @!p0 $0x1;
	_ =	shalt  }
.Lfunc_end2:
_tile_overlayer_lowered:
.L_overlay_start_2:
0xa8: {  	(tag) =	ssettag $0x2  }
0xa9: {  	s0 =	rddreg [dreg:$0x0];
	s2 =	stileid.u32  }
0xaa: {  	s1 =	rddreg [dreg:$0x1];
	p0 =	sne.s32 s2, $0x0  }
0xab: {  	s3 =	rddreg [dreg:$0x2];
	[bflag:$0x3] =	sbarrier.arrive $0xFFFF;
	s2 =	simm.s32 @!p0 $0x1C13  }
0xac: {  	[timem:s3], [sflag:s2] =	dma.local @!p0 [hbm:s0], s1  }
0xad: {  	s0 =	simm.s32 @!p0 $0x13  }
0xae: {  	_ =	swait.ge @!p0 [sflag:s0], s1  }
0xaf: {  	s1 =	ssub.s32 @!p0 $0x0, s1;
	[sflag:s0] =	ssyncset.done @!p0 $0x0  }
0xb0: {  	[sflag:s0] =	ssyncadd.s32 @!p0 s1  }
0xb1: {  	[bflag:$0x3] =	sbarrier.arrive $0xFFFF  }
0xb2: {  	_ =	shalt  }

</sc_bundles>
